<compile_context>
chip_gen: v7x
topology: tpu7x:2x2x1
jax: 0.10.2.dev20260603
libtpu: 0.0.44.dev20260713+nightly
codegen_flags: <defaults>
</compile_context>

<pallas_src>
import functools

import jax
import jax.numpy as jnp
from jax import lax
from jax.experimental import pallas as pl
from jax.experimental.pallas import tpu as pltpu
from jax.experimental.pallas import tpu_sc as plsc

N = 10000
E = 320000
D = 128
H = 4
DH = D // H

TAB_W = D + 16
HGT_W = 2 * D + 16

NC = 2
NS = 16
NW = NC * NS
EPW = E // NW
C_GAT = 40
C_HGT = 40

BN = 2000
NBLK = N // BN


def _lrelu(x):
    return jnp.where(x >= 0, x, 0.2 * x)



def _gat_scores(xw, a_s, a_d):
    ssl, sdl = [], []
    for h in range(H):
        blk = xw[:, h * DH:(h + 1) * DH]
        ssl.append(jnp.sum(blk * a_s[h:h + 1, :], axis=1, keepdims=True))
        sdl.append(jnp.sum(blk * a_d[h:h + 1, :], axis=1, keepdims=True))
    return jnp.concatenate(ssl, axis=1), jnp.concatenate(sdl, axis=1)


def _accum_max_rows(m_ref, i, vals0, vals1, finalize):
    col = lax.broadcasted_iota(jnp.int32, (8, 16), 1)
    row = lax.broadcasted_iota(jnp.int32, (8, 16), 0)
    cur = jnp.zeros((8, 16), jnp.float32)
    for h in range(H):
        cur = jnp.where(jnp.logical_and(row == 0, col == h), vals0[h], cur)
        cur = jnp.where(jnp.logical_and(row == 1, col == h), vals1[h], cur)

    @pl.when(i == 0)
    def _():
        m_ref[...] = cur

    @pl.when(i > 0)
    def _():
        m_ref[...] = jnp.maximum(m_ref[...], cur)

    @pl.when(i == NBLK - 1)
    def _():
        mm = m_ref[...]
        z = finalize(mm[0:1, :], mm[1:2, :])
        m_ref[...] = jnp.where(row == 2, jnp.broadcast_to(z, (8, 16)), mm)


def _gat_pre(xw, a_s, a_d, m_ref, i, tab_ref, sdst_ref):
    ss, sd = _gat_scores(xw, a_s, a_d)
    tab_ref[...] = jnp.concatenate(
        [xw, ss, jnp.zeros((BN, TAB_W - D - H), jnp.float32)], axis=1)
    sdst_ref[...] = jnp.concatenate(
        [sd, jnp.zeros((BN, 16 - H), jnp.float32)], axis=1)
    _accum_max_rows(
        m_ref, i,
        [jnp.max(ss[:, h]) for h in range(H)],
        [jnp.max(sd[:, h]) for h in range(H)],
        lambda r0, r1: _lrelu(r0 + r1))


def _gat_post(acc, tab, sdstv, mrow2, x, b):
    xw = tab[:, 0:D]
    ss = tab[:, D:D + H]
    sd = sdstv[:, 0:H]
    exs = jnp.exp(_lrelu(ss + sd) - mrow2)
    den4 = acc[0, :, D:D + H] + acc[1, :, D:D + H] + exs
    num = acc[0, :, 0:D] + acc[1, :, 0:D]
    outs = []
    for h in range(H):
        hs = slice(h * DH, (h + 1) * DH)
        outs.append((num[:, hs] + exs[:, h:h + 1] * xw[:, hs])
                    / (den4[:, h:h + 1] + 1e-16))
    out = jnp.concatenate(outs, axis=1) + b
    return _lrelu(x + out)



def _k_pre1(x_ref, w_ref, as_ref, ad_ref, tab_ref, sdst_ref, m_ref):
    i = pl.program_id(0)
    xw = jnp.dot(x_ref[...], w_ref[...], preferred_element_type=jnp.float32)
    _gat_pre(xw, as_ref[...], ad_ref[...], m_ref, i, tab_ref, sdst_ref)


def _k_mid(x_ref, acc_ref, tab1_ref, sdst1_ref, m1_ref, b1_ref,
           w2_ref, as2_ref, ad2_ref,
           x1_ref, tab2_ref, sdst2_ref, m2_ref):
    i = pl.program_id(0)
    x1 = _gat_post(acc_ref[...], tab1_ref[...], sdst1_ref[...],
                   m1_ref[2:3, 0:H], x_ref[...], b1_ref[...])
    x1_ref[...] = x1
    xw2 = jnp.dot(x1, w2_ref[...], preferred_element_type=jnp.float32)
    _gat_pre(xw2, as2_ref[...], ad2_ref[...], m2_ref, i, tab2_ref, sdst2_ref)


def _k_hgtpre(x1_ref, acc_ref, tab2_ref, sdst2_ref, m2_ref, b2_ref,
              wk_ref, bk_ref, wq_ref, bq_ref, wv_ref, bv_ref,
              ar_ref, mr_ref, ps_ref,
              x2_ref, tab3_ref, qtab_ref, m3_ref):
    i = pl.program_id(0)
    x2 = _gat_post(acc_ref[...], tab2_ref[...], sdst2_ref[...],
                   m2_ref[2:3, 0:H], x1_ref[...], b2_ref[...])
    x2_ref[...] = x2
    q = jnp.dot(x2, wq_ref[...], preferred_element_type=jnp.float32) + bq_ref[...]
    k = jnp.dot(x2, wk_ref[...], preferred_element_type=jnp.float32) + bk_ref[...]
    v = jnp.dot(x2, wv_ref[...], preferred_element_type=jnp.float32) + bv_ref[...]
    krs, vrs, q2m, k2m = [], [], [], []
    for h in range(H):
        hs = slice(h * DH, (h + 1) * DH)
        kr = jnp.dot(k[:, hs], ar_ref[h], preferred_element_type=jnp.float32)
        kr = kr * ps_ref[0, h]
        vr = jnp.dot(v[:, hs], mr_ref[h], preferred_element_type=jnp.float32)
        krs.append(kr)
        vrs.append(vr)
        q2m.append(jnp.max(jnp.sum(q[:, hs] * q[:, hs], axis=1)))
        k2m.append(jnp.max(jnp.sum(kr * kr, axis=1)))
    qtab_ref[...] = q
    tab3_ref[...] = jnp.concatenate(
        vrs + krs + [jnp.zeros((BN, HGT_W - 2 * D), jnp.float32)], axis=1)
    _accum_max_rows(m3_ref, i, q2m, k2m,
                    lambda r0, r1: jnp.sqrt(r0) * jnp.sqrt(r1))


def _k_post(x2_ref, acc_ref, wo_ref, bo_ref, sk_ref,
            emb_ref, wp_ref, bp_ref,
            zb_ref, wf1_ref, bf1_ref, wf2_ref, bf2_ref, out_ref):
    acc = acc_ref[...]
    x2 = x2_ref[...]
    den4 = acc[0, :, D:D + H] + acc[1, :, D:D + H]
    num = acc[0, :, 0:D] + acc[1, :, 0:D]
    aggs = []
    for h in range(H):
        hs = slice(h * DH, (h + 1) * DH)
        aggs.append(num[:, hs] / (den4[:, h:h + 1] + 1e-16))
    agg = jnp.concatenate(aggs, axis=1)
    o = jnp.dot(jax.nn.gelu(agg), wo_ref[...],
                preferred_element_type=jnp.float32) + bo_ref[...]
    s = sk_ref[0, 0]
    x3 = _lrelu(x2 + (s * o + (1.0 - s) * x2))
    x3 = x3 + jnp.dot(emb_ref[...], wp_ref[...],
                      preferred_element_type=jnp.float32) + bp_ref[...]
    f1 = jax.nn.gelu(jnp.dot(zb_ref[...], wf1_ref[...],
                             preferred_element_type=jnp.float32) + bf1_ref[...])
    film = jnp.dot(f1, wf2_ref[...],
                   preferred_element_type=jnp.float32) + bf2_ref[...]
    out_ref[...] = film[0:1, 0:D] * x3 + film[0:1, D:2 * D]


def _row_spec(w):
    return pl.BlockSpec((BN, w), lambda i: (i, 0))


def _const_spec(shape):
    nd = len(shape)
    return pl.BlockSpec(shape, lambda i, _n=nd: (0,) * _n)



def _make_edge_pass(hgt):
    tabw = HGT_W if hgt else TAB_W
    dw = D if hgt else 16
    C = C_HGT if hgt else C_GAT
    NCH = EPW // C
    RPT = (N // NS) // 8 * 8
    RPT_LAST = N - RPT * (NS - 1)
    K = 10 if hgt else 50
    G = NCH // K
    mesh = plsc.VectorSubcoreMesh(core_axis_name="c", subcore_axis_name="s")
    scratch = [
        pltpu.VMEM((K, C), jnp.int32),
        pltpu.VMEM((K, C), jnp.int32),
        pltpu.VMEM((C, tabw), jnp.float32),
        pltpu.VMEM((C, tabw), jnp.float32),
        pltpu.VMEM((C, dw), jnp.float32),
        pltpu.VMEM((C, dw), jnp.float32),
        pltpu.VMEM((C, TAB_W), jnp.float32),
        pltpu.VMEM((8, 16) if hgt else (C, TAB_W), jnp.float32),
        pltpu.VMEM((8, 16), jnp.float32),
        pltpu.VMEM_SHARED((N, TAB_W), jnp.float32),
        pltpu.SemaphoreType.DMA,
        pltpu.SemaphoreType.DMA,
        pltpu.SemaphoreType.DMA,
        pltpu.SemaphoreType.DMA,
        pltpu.SemaphoreType.DMA,
        pltpu.SemaphoreType.DMA,
    ]

    @functools.partial(
        pl.kernel,
        out_type=jax.ShapeDtypeStruct((NC, N, TAB_W), jnp.float32),
        mesh=mesh,
        scratch_types=scratch,
        compiler_params=pltpu.CompilerParams(
            use_tc_tiling_on_sc=False, needs_layout_passes=False),
    )
    def edge_pass(tab_hbm, dtab_hbm, m_hbm, ei_hbm, zeros_hbm, out_hbm,
                  isv, idv, rw0, rw1, dr0, dr1,
                  ob0, ob1, m_v, acc_sh, sr0, sr1, sd0, sd1, ss0, ss1):
        cid = lax.axis_index("c")
        sid = lax.axis_index("s")
        wid = sid * NC + cid
        bufs = ((rw0, dr0, ob0, sr0, sd0, ss0),
                (rw1, dr1, ob0 if hgt else ob1, sr1, sd1, ss1))

        pltpu.sync_copy(m_hbm, m_v)
        base = sid * RPT

        @pl.when(sid < NS - 1)
        def _():
            pltpu.sync_copy(zeros_hbm.at[pl.ds(base, RPT)],
                            acc_sh.at[pl.ds(base, RPT)])

        @pl.when(sid == NS - 1)
        def _():
            pltpu.sync_copy(zeros_hbm.at[pl.ds((NS - 1) * RPT, RPT_LAST)],
                            acc_sh.at[pl.ds((NS - 1) * RPT, RPT_LAST)])

        plsc.subcore_barrier()

        lane = lax.iota(jnp.int32, 16)
        _gdims = lax.GatherDimensionNumbers(
            offset_dims=(), collapsed_slice_dims=(0,), start_index_map=(0,))

        def lperm(v, idx):
            return lax.gather(v, idx[:, None], _gdims, (1,),
                              mode=lax.GatherScatterMode.PROMISE_IN_BOUNDS)

        perm_idx = [(lane + s) & 15 for s in (8, 4, 2, 1)]

        def issue_gather(k, rows, drows, sr, sd2):
            pltpu.async_copy(tab_hbm.at[isv.at[k]], rows, sr)
            pltpu.async_copy(dtab_hbm.at[idv.at[k]], drows, sd2)

        def compute_chunk(rows_v, drows_v, outb):
            mv = m_v[2, :]

            @pl.loop(0, C)
            def _edge(e):
                eb = jnp.full((16,), e, jnp.int32)
                if not hgt:
                    z = rows_v[e, pl.ds(D, 16)] + drows_v[e, pl.ds(0, 16)]
                    exv = jnp.exp(_lrelu(z) - mv)
                else:
                    sv = jnp.zeros((16,), jnp.float32)
                    for h in range(H):
                        p = (rows_v[e, pl.ds(D + h * DH, 16)]
                             * drows_v[e, pl.ds(h * DH, 16)]
                             + rows_v[e, pl.ds(D + h * DH + 16, 16)]
                             * drows_v[e, pl.ds(h * DH + 16, 16)])
                        for pi in perm_idx:
                            p = p + lperm(p, pi)
                        sv = jnp.where(lane == h, p, sv)
                    exv = jnp.exp(sv - mv)
                outb[e, pl.ds(D, 16)] = exv
                for h in range(H):
                    exh = plsc.load_gather(
                        outb, [eb, jnp.full((16,), D + h, jnp.int32)])
                    for t in (0, 16):
                        sl = pl.ds(h * DH + t, 16)
                        outb[e, sl] = rows_v[e, sl] * exh

        def drain_scatter(outb, k, ss):
            pltpu.make_async_copy(outb, acc_sh.at[idv.at[k]], ss).wait()

        def chunk_body(k, rows, drows, outb, sr, sd2, ss):
            pltpu.make_async_copy(tab_hbm.at[isv.at[k]], rows, sr).wait()
            pltpu.make_async_copy(dtab_hbm.at[idv.at[k]], drows, sd2).wait()
            if hgt:
                compute_chunk(rows, drows, outb)
                pltpu.sync_copy(outb, acc_sh.at[idv.at[k]], add=True)
            else:
                @pl.when(k >= 2)
                def _():
                    drain_scatter(outb, k, ss)

                compute_chunk(rows, drows, outb)
                pltpu.async_copy(outb, acc_sh.at[idv.at[k]], ss, add=True)

            @pl.when(k + 2 < K)
            def _():
                issue_gather(k + 2, rows, drows, sr, sd2)

        @pl.loop(0, G)
        def _group(g):
            if not hgt:
                @pl.when(g > 0)
                def _():
                    drain_scatter(bufs[0][2], 0, bufs[0][5])
                    drain_scatter(bufs[1][2], 0, bufs[1][5])

            pltpu.sync_copy(ei_hbm.at[0, wid, g], isv)
            pltpu.sync_copy(ei_hbm.at[1, wid, g], idv)
            issue_gather(0, *bufs[0][:2], *bufs[0][3:5])
            issue_gather(1, *bufs[1][:2], *bufs[1][3:5])

            @pl.loop(0, K, step=2)
            def _chunk(k):
                chunk_body(k, *bufs[0])
                chunk_body(k + 1, *bufs[1])

        if not hgt:
            drain_scatter(bufs[0][2], 0, bufs[0][5])
            drain_scatter(bufs[1][2], 0, bufs[1][5])

        plsc.subcore_barrier()

        @pl.when(sid < NS - 1)
        def _():
            pltpu.sync_copy(acc_sh.at[pl.ds(base, RPT)],
                            out_hbm.at[cid, pl.ds(base, RPT)])

        @pl.when(sid == NS - 1)
        def _():
            pltpu.sync_copy(acc_sh.at[pl.ds((NS - 1) * RPT, RPT_LAST)],
                            out_hbm.at[cid, pl.ds((NS - 1) * RPT, RPT_LAST)])

    return edge_pass



def kernel(x_cell, edge_index_dict, z_h, x_cell_embedded, W1, a_src1, a_dst1, b1, W2, a_src2, a_dst2, b2, Wk, bk, Wq, bq, Wv, bv, a_rel, m_rel, p_rel, Wo, bo, skip, Wproj, bproj, Wf1, bf1, Wf2, bf2):
    ei_gat = edge_index_dict.reshape(2, NW, (EPW // C_GAT) // 50, 50, C_GAT)
    ei_hgt = edge_index_dict.reshape(2, NW, (EPW // C_HGT) // 10, 10, C_HGT)
    zeros_tab = jnp.zeros((N, TAB_W), jnp.float32)

    tab1, sdst1, m1 = pl.pallas_call(
        _k_pre1,
        grid=(NBLK,),
        in_specs=[_row_spec(D), _const_spec((D, D)),
                  _const_spec((H, DH)), _const_spec((H, DH))],
        out_specs=[_row_spec(TAB_W), _row_spec(16), _const_spec((8, 16))],
        out_shape=[jax.ShapeDtypeStruct((N, TAB_W), jnp.float32),
                   jax.ShapeDtypeStruct((N, 16), jnp.float32),
                   jax.ShapeDtypeStruct((8, 16), jnp.float32)],
    )(x_cell, W1, a_src1, a_dst1)

    gat_pass = _make_edge_pass(hgt=False)
    acc1 = gat_pass(tab1, sdst1, m1, ei_gat, zeros_tab)

    x1, tab2, sdst2, m2 = pl.pallas_call(
        _k_mid,
        grid=(NBLK,),
        in_specs=[_row_spec(D), pl.BlockSpec((NC, BN, TAB_W), lambda i: (0, i, 0)),
                  _row_spec(TAB_W), _row_spec(16), _const_spec((8, 16)),
                  _const_spec((1, D)), _const_spec((D, D)),
                  _const_spec((H, DH)), _const_spec((H, DH))],
        out_specs=[_row_spec(D), _row_spec(TAB_W), _row_spec(16),
                   _const_spec((8, 16))],
        out_shape=[jax.ShapeDtypeStruct((N, D), jnp.float32),
                   jax.ShapeDtypeStruct((N, TAB_W), jnp.float32),
                   jax.ShapeDtypeStruct((N, 16), jnp.float32),
                   jax.ShapeDtypeStruct((8, 16), jnp.float32)],
    )(x_cell, acc1, tab1, sdst1, m1, b1.reshape(1, D), W2, a_src2, a_dst2)

    acc2 = gat_pass(tab2, sdst2, m2, ei_gat, zeros_tab)

    ps = (p_rel / jnp.sqrt(jnp.float32(DH))).reshape(1, H)
    x2, tab3, qtab, m3 = pl.pallas_call(
        _k_hgtpre,
        grid=(NBLK,),
        in_specs=[_row_spec(D), pl.BlockSpec((NC, BN, TAB_W), lambda i: (0, i, 0)),
                  _row_spec(TAB_W), _row_spec(16), _const_spec((8, 16)),
                  _const_spec((1, D)),
                  _const_spec((D, D)), _const_spec((1, D)),
                  _const_spec((D, D)), _const_spec((1, D)),
                  _const_spec((D, D)), _const_spec((1, D)),
                  _const_spec((H, DH, DH)), _const_spec((H, DH, DH)),
                  _const_spec((1, H))],
        out_specs=[_row_spec(D), _row_spec(HGT_W), _row_spec(D),
                   _const_spec((8, 16))],
        out_shape=[jax.ShapeDtypeStruct((N, D), jnp.float32),
                   jax.ShapeDtypeStruct((N, HGT_W), jnp.float32),
                   jax.ShapeDtypeStruct((N, D), jnp.float32),
                   jax.ShapeDtypeStruct((8, 16), jnp.float32)],
    )(x1, acc2, tab2, sdst2, m2, b2.reshape(1, D),
      Wk, bk.reshape(1, D), Wq, bq.reshape(1, D), Wv, bv.reshape(1, D),
      a_rel, m_rel, ps)

    hgt_pass = _make_edge_pass(hgt=True)
    acc3 = hgt_pass(tab3, qtab, m3, ei_hgt, zeros_tab)

    zb = jnp.broadcast_to(z_h.reshape(1, D), (8, D))
    out = pl.pallas_call(
        _k_post,
        grid=(NBLK,),
        in_specs=[_row_spec(D), pl.BlockSpec((NC, BN, TAB_W), lambda i: (0, i, 0)),
                  _const_spec((D, D)), _const_spec((1, D)), _const_spec((1, 1)),
                  _row_spec(D), _const_spec((D, D)), _const_spec((1, D)),
                  _const_spec((8, D)), _const_spec((D, 2 * D)),
                  _const_spec((1, 2 * D)), _const_spec((2 * D, 2 * D)),
                  _const_spec((1, 2 * D))],
        out_specs=_row_spec(D),
        out_shape=jax.ShapeDtypeStruct((N, D), jnp.float32),
    )(x2, acc3, Wo, bo.reshape(1, D), jax.nn.sigmoid(skip).reshape(1, 1),
      x_cell_embedded, Wproj, bproj.reshape(1, D),
      zb, Wf1, bf1.reshape(1, 2 * D), Wf2, bf2.reshape(1, 2 * D))
    return out

# --- scband reference (transcript-rebuilt; emitter-appended) ---
"""Pipeline reference for scband-lblock-54391465837133 (READ-ONLY COPY).

The authoritative reference and input builder live on the scoring server;
editing this copy changes nothing except your own understanding.
"""

import jax, jax.numpy as jnp
import numpy as np

N = 10000
E = 320000
D = 128
H = 4
DH = D // H


def setup_inputs(seed: int = 0):
    key = jax.random.key(seed)
    ks = jax.random.split(key, 40)
    def nrm(i, shape, s=0.05):
        return jax.random.normal(ks[i], shape, dtype=jnp.float32) * s
    inp = {}
    inp["x_cell"] = jax.random.normal(ks[0], (N, D), dtype=jnp.float32)
    inp["edge_index_dict"] = jax.random.randint(ks[1], (2, E), 0, N, dtype=jnp.int32)
    inp["z_h"] = jax.random.normal(ks[2], (D,), dtype=jnp.float32)
    inp["x_cell_embedded"] = jax.random.normal(ks[3], (N, D), dtype=jnp.float32)
    inp["W1"] = nrm(4, (D, D)); inp["a_src1"] = nrm(5, (H, DH)); inp["a_dst1"] = nrm(6, (H, DH)); inp["b1"] = jnp.zeros((D,), jnp.float32)
    inp["W2"] = nrm(7, (D, D)); inp["a_src2"] = nrm(8, (H, DH)); inp["a_dst2"] = nrm(9, (H, DH)); inp["b2"] = jnp.zeros((D,), jnp.float32)
    inp["Wk"] = nrm(10, (D, D)); inp["bk"] = jnp.zeros((D,), jnp.float32)
    inp["Wq"] = nrm(11, (D, D)); inp["bq"] = jnp.zeros((D,), jnp.float32)
    inp["Wv"] = nrm(12, (D, D)); inp["bv"] = jnp.zeros((D,), jnp.float32)
    inp["a_rel"] = nrm(13, (H, DH, DH), 0.1); inp["m_rel"] = nrm(14, (H, DH, DH), 0.1)
    inp["p_rel"] = jnp.ones((H,), jnp.float32)
    inp["Wo"] = nrm(15, (D, D)); inp["bo"] = jnp.zeros((D,), jnp.float32)
    inp["skip"] = jnp.ones((), jnp.float32)
    inp["Wproj"] = nrm(16, (D, D)); inp["bproj"] = jnp.zeros((D,), jnp.float32)
    inp["Wf1"] = nrm(17, (D, 2 * D)); inp["bf1"] = jnp.zeros((2 * D,), jnp.float32)
    inp["Wf2"] = nrm(18, (2 * D, 2 * D)); inp["bf2"] = jnp.zeros((2 * D,), jnp.float32)
    return inp


def _seg_softmax(e, dst, n):
    emax = jax.ops.segment_max(e, dst, num_segments=n)
    emax = jnp.where(jnp.isfinite(emax), emax, 0.0)
    ex = jnp.exp(e - emax[dst])
    denom = jax.ops.segment_sum(ex, dst, num_segments=n)
    return ex / (denom[dst] + 1e-16)


def _gat(x, src, dst, W, a_s, a_d, b):
    xw = (x @ W).reshape(N, H, DH)
    e = jax.nn.leaky_relu(jnp.sum(xw * a_s, -1)[src] + jnp.sum(xw * a_d, -1)[dst], 0.2)
    alpha = _seg_softmax(e, dst, N)
    out = jax.ops.segment_sum(xw[src] * alpha[:, :, None], dst, num_segments=N)
    return out.reshape(N, D) + b


def _hgt(x, src, dst, Wk, bk, Wq, bq, Wv, bv, a_rel, m_rel, p_rel, Wo, bo, skip):
    k = (x @ Wk + bk).reshape(N, H, DH)
    q = (x @ Wq + bq).reshape(N, H, DH)
    v = (x @ Wv + bv).reshape(N, H, DH)
    kr = jnp.einsum('nhd,hde->nhe', k, a_rel)
    vr = jnp.einsum('nhd,hde->nhe', v, m_rel)
    score = jnp.sum(q[dst] * kr[src], -1) * p_rel / jnp.sqrt(float(DH))
    alpha = _seg_softmax(score, dst, N)
    agg = jax.ops.segment_sum(vr[src] * alpha[:, :, None], dst, num_segments=N).reshape(N, D)
    o = jax.nn.gelu(agg) @ Wo + bo
    s = jax.nn.sigmoid(skip)
    return s * o + (1.0 - s) * x


def _forward(x_cell, z_h, x_cell_embedded, W1, a_src1, a_dst1, b1, W2, a_src2, a_dst2, b2, Wk, bk, Wq, bq, Wv, bv, a_rel, m_rel, p_rel, Wo, bo, skip, Wproj, bproj, Wf1, bf1, Wf2, bf2, edge_index):
    loop = jnp.arange(N, dtype=edge_index.dtype)
    src = jnp.concatenate([edge_index[0], loop])
    dst = jnp.concatenate([edge_index[1], loop])
    x1 = jax.nn.leaky_relu(x_cell + _gat(x_cell, src, dst, W1, a_src1, a_dst1, b1), 0.2)
    x2 = jax.nn.leaky_relu(x1 + _gat(x1, src, dst, W2, a_src2, a_dst2, b2), 0.2)
    x3 = _hgt(x2, edge_index[0], edge_index[1], Wk, bk, Wq, bq, Wv, bv, a_rel, m_rel, p_rel, Wo, bo, skip)
    x3 = jax.nn.leaky_relu(x2 + x3, 0.2)
    x3 = x3 + x_cell_embedded @ Wproj + bproj
    film = jax.nn.gelu(z_h @ Wf1 + bf1) @ Wf2 + bf2
    gamma, beta = jnp.split(film, 2, axis=-1)
    return gamma * x3 + beta


def reference(x_cell, edge_index_dict, z_h, x_cell_embedded, W1, a_src1, a_dst1, b1, W2, a_src2, a_dst2, b2, Wk, bk, Wq, bq, Wv, bv, a_rel, m_rel, p_rel, Wo, bo, skip, Wproj, bproj, Wf1, bf1, Wf2, bf2):
    return _forward(x_cell, z_h, x_cell_embedded, W1, a_src1, a_dst1, b1, W2, a_src2, a_dst2, b2, Wk, bk, Wq, bq, Wv, bv, a_rel, m_rel, p_rel, Wo, bo, skip, Wproj, bproj, Wf1, bf1, Wf2, bf2, edge_index_dict)

if __name__ == "__main__":
    import jax
    _d = setup_inputs()
    print(jax.jit(kernel)(*tuple(_d.values())))

</pallas_src>

<mosaic_0001>
#map = affine_map<(d0, d1) -> (0, 0)>
#map1 = affine_map<(d0, d1) -> (0, 0, 0, 0, 0)>
#map2 = affine_map<(d0, d1) -> (0, 0, 0)>
module attributes {stable_mosaic.version = 14 : i64} {
  func.func @edge_pass(%arg0: i32, %arg1: i32, %arg2: memref<10000x272xf32, #tpu.memory_space<hbm>>, %arg3: memref<10000x128xf32, #tpu.memory_space<hbm>>, %arg4: memref<8x16xf32, #tpu.memory_space<hbm>>, %arg5: memref<2x32x25x10x40xi32, #tpu.memory_space<hbm>>, %arg6: memref<10000x144xf32, #tpu.memory_space<hbm>>, %arg7: memref<2x10000x144xf32, #tpu.memory_space<hbm>>, %arg8: memref<10x40xi32, #tpu.memory_space<vmem>>, %arg9: memref<10x40xi32, #tpu.memory_space<vmem>>, %arg10: memref<40x272xf32, #tpu.memory_space<vmem>>, %arg11: memref<40x272xf32, #tpu.memory_space<vmem>>, %arg12: memref<40x128xf32, #tpu.memory_space<vmem>>, %arg13: memref<40x128xf32, #tpu.memory_space<vmem>>, %arg14: memref<40x144xf32, #tpu.memory_space<vmem>>, %arg15: memref<8x16xf32, #tpu.memory_space<vmem>>, %arg16: memref<8x16xf32, #tpu.memory_space<vmem>>, %arg17: memref<10000x144xf32, #tpu.memory_space<vmem_shared>>, %arg18: memref<!tpu.dma_semaphore, #tpu.memory_space<semaphore_mem>>, %arg19: memref<!tpu.dma_semaphore, #tpu.memory_space<semaphore_mem>>, %arg20: memref<!tpu.dma_semaphore, #tpu.memory_space<semaphore_mem>>, %arg21: memref<!tpu.dma_semaphore, #tpu.memory_space<semaphore_mem>>, %arg22: memref<!tpu.dma_semaphore, #tpu.memory_space<semaphore_mem>>, %arg23: memref<!tpu.dma_semaphore, #tpu.memory_space<semaphore_mem>>) attributes {dimension_semantics = [#tpu.dimension_semantics<core_parallel>, #tpu.dimension_semantics<subcore_parallel>], iteration_bounds = array<i64: 2, 16>, scalar_prefetch = 0 : i64, scratch_operands = 16 : i64, tpu.core_type = #tpu.core_type<sc_vector_subcore>, window_params = [{transform_indices = #map}, {transform_indices = #map}, {transform_indices = #map}, {transform_indices = #map1}, {transform_indices = #map}, {transform_indices = #map2}]} {
    %mul3A = arith.constant 2 : i32
    %mul3A_0 = arith.muli %arg1, %mul3A : i32
    %add3A = arith.addi %mul3A_0, %arg0 : i32
    "tpu.region"() ({
      %run_scoped3A = tpu.sem_alloc : memref<!tpu.dma_semaphore, #tpu.memory_space<semaphore_mem>>
      tpu.enqueue_dma source(%arg4 : memref<8x16xf32, #tpu.memory_space<hbm>>) target(%arg16 : memref<8x16xf32, #tpu.memory_space<vmem>>) target_semaphore(%run_scoped3A : memref<!tpu.dma_semaphore, #tpu.memory_space<semaphore_mem>>)
      tpu.wait_dma2 semaphore(%run_scoped3A : memref<!tpu.dma_semaphore, #tpu.memory_space<semaphore_mem>>) src(%arg4 : memref<8x16xf32, #tpu.memory_space<hbm>>) dst(%arg16 : memref<8x16xf32, #tpu.memory_space<vmem>>)
      tpu.yield
    }) : () -> ()
    %mul3A_1 = arith.constant 624 : i32
    %mul3A_2 = arith.muli %arg1, %mul3A_1 : i32
    %lt3A = arith.constant 15 : i32
    %lt3A_3 = arith.cmpi slt, %arg1, %lt3A : i32
    %convert_element_type3A = arith.extui %lt3A_3 : i1 to i32
    %cond3A = arith.constant 0 : i32
    %cond3A_4 = arith.cmpi ne, %convert_element_type3A, %cond3A : i32
    scf.if %cond3A_4 {
      "tpu.region"() ({
        %run_scoped3A = tpu.sem_alloc : memref<!tpu.dma_semaphore, #tpu.memory_space<semaphore_mem>>
        %dma_start3A = arith.constant 0 : i32
        %dma_start3A_47 = tpu.memref_slice %arg17[%mul3A_2, %dma_start3A] : memref<10000x144xf32, #tpu.memory_space<vmem_shared>> -> memref<624x144xf32, #tpu.memory_space<vmem_shared>>
        %dma_start3A_48 = arith.constant 0 : i32
        %dma_start3A_49 = tpu.memref_slice %arg6[%mul3A_2, %dma_start3A_48] : memref<10000x144xf32, #tpu.memory_space<hbm>> -> memref<624x144xf32, #tpu.memory_space<hbm>>
        tpu.enqueue_dma source(%dma_start3A_49 : memref<624x144xf32, #tpu.memory_space<hbm>>) target(%dma_start3A_47 : memref<624x144xf32, #tpu.memory_space<vmem_shared>>) target_semaphore(%run_scoped3A : memref<!tpu.dma_semaphore, #tpu.memory_space<semaphore_mem>>)
        %dma_wait3A = arith.constant 0 : i32
        %dma_wait3A_50 = tpu.memref_slice %arg17[%mul3A_2, %dma_wait3A] : memref<10000x144xf32, #tpu.memory_space<vmem_shared>> -> memref<624x144xf32, #tpu.memory_space<vmem_shared>>
        %dma_wait3A_51 = arith.constant 0 : i32
        %dma_wait3A_52 = tpu.memref_slice %arg6[%mul3A_2, %dma_wait3A_51] : memref<10000x144xf32, #tpu.memory_space<hbm>> -> memref<624x144xf32, #tpu.memory_space<hbm>>
        tpu.wait_dma2 semaphore(%run_scoped3A : memref<!tpu.dma_semaphore, #tpu.memory_space<semaphore_mem>>) src(%dma_wait3A_52 : memref<624x144xf32, #tpu.memory_space<hbm>>) dst(%dma_wait3A_50 : memref<624x144xf32, #tpu.memory_space<vmem_shared>>)
        tpu.yield
      }) : () -> ()
    } else {
    }
    %eq3A = arith.constant 15 : i32
    %eq3A_5 = arith.cmpi eq, %arg1, %eq3A : i32
    %convert_element_type3A_6 = arith.extui %eq3A_5 : i1 to i32
    %cond3A_7 = arith.constant 0 : i32
    %cond3A_8 = arith.cmpi ne, %convert_element_type3A_6, %cond3A_7 : i32
    scf.if %cond3A_8 {
      "tpu.region"() ({
        %run_scoped3A = tpu.sem_alloc : memref<!tpu.dma_semaphore, #tpu.memory_space<semaphore_mem>>
        %dma_start3A = arith.constant 9360 : i32
        %dma_start3A_47 = arith.constant 0 : i32
        %dma_start3A_48 = tpu.memref_slice %arg17[%dma_start3A, %dma_start3A_47] : memref<10000x144xf32, #tpu.memory_space<vmem_shared>> -> memref<640x144xf32, #tpu.memory_space<vmem_shared>>
        %dma_start3A_49 = arith.constant 9360 : i32
        %dma_start3A_50 = arith.constant 0 : i32
        %dma_start3A_51 = tpu.memref_slice %arg6[%dma_start3A_49, %dma_start3A_50] : memref<10000x144xf32, #tpu.memory_space<hbm>> -> memref<640x144xf32, #tpu.memory_space<hbm>>
        tpu.enqueue_dma source(%dma_start3A_51 : memref<640x144xf32, #tpu.memory_space<hbm>>) target(%dma_start3A_48 : memref<640x144xf32, #tpu.memory_space<vmem_shared>>) target_semaphore(%run_scoped3A : memref<!tpu.dma_semaphore, #tpu.memory_space<semaphore_mem>>)
        %dma_wait3A = arith.constant 9360 : i32
        %dma_wait3A_52 = arith.constant 0 : i32
        %dma_wait3A_53 = tpu.memref_slice %arg17[%dma_wait3A, %dma_wait3A_52] : memref<10000x144xf32, #tpu.memory_space<vmem_shared>> -> memref<640x144xf32, #tpu.memory_space<vmem_shared>>
        %dma_wait3A_54 = arith.constant 9360 : i32
        %dma_wait3A_55 = arith.constant 0 : i32
        %dma_wait3A_56 = tpu.memref_slice %arg6[%dma_wait3A_54, %dma_wait3A_55] : memref<10000x144xf32, #tpu.memory_space<hbm>> -> memref<640x144xf32, #tpu.memory_space<hbm>>
        tpu.wait_dma2 semaphore(%run_scoped3A : memref<!tpu.dma_semaphore, #tpu.memory_space<semaphore_mem>>) src(%dma_wait3A_56 : memref<640x144xf32, #tpu.memory_space<hbm>>) dst(%dma_wait3A_53 : memref<640x144xf32, #tpu.memory_space<vmem_shared>>)
        tpu.yield
      }) : () -> ()
    } else {
    }
    %barrier3A = arith.constant 0 : index
    tpu.barrier barrier_id(%barrier3A)
    %iota3A = tpu.iota {dimensions = array<i32: 0>} : vector<16xi32>
    %add3A_9 = arith.constant 8 : i32
    %add3A_10 = vector.broadcast %add3A_9 : i32 to vector<16xi32>
    %add3A_11 = arith.addi %iota3A, %add3A_10 : vector<16xi32>
    %and3A = arith.constant 15 : i32
    %and3A_12 = vector.broadcast %and3A : i32 to vector<16xi32>
    %and3A_13 = arith.andi %add3A_11, %and3A_12 : vector<16xi32>
    %add3A_14 = arith.constant 4 : i32
    %add3A_15 = vector.broadcast %add3A_14 : i32 to vector<16xi32>
    %add3A_16 = arith.addi %iota3A, %add3A_15 : vector<16xi32>
    %and3A_17 = arith.constant 15 : i32
    %and3A_18 = vector.broadcast %and3A_17 : i32 to vector<16xi32>
    %and3A_19 = arith.andi %add3A_16, %and3A_18 : vector<16xi32>
    %add3A_20 = arith.constant 2 : i32
    %add3A_21 = vector.broadcast %add3A_20 : i32 to vector<16xi32>
    %add3A_22 = arith.addi %iota3A, %add3A_21 : vector<16xi32>
    %and3A_23 = arith.constant 15 : i32
    %and3A_24 = vector.broadcast %and3A_23 : i32 to vector<16xi32>
    %and3A_25 = arith.andi %add3A_22, %and3A_24 : vector<16xi32>
    %add3A_26 = arith.constant 1 : i32
    %add3A_27 = vector.broadcast %add3A_26 : i32 to vector<16xi32>
    %add3A_28 = arith.addi %iota3A, %add3A_27 : vector<16xi32>
    %and3A_29 = arith.constant 15 : i32
    %and3A_30 = vector.broadcast %and3A_29 : i32 to vector<16xi32>
    %and3A_31 = arith.andi %add3A_28, %and3A_30 : vector<16xi32>
    %scan3A = arith.constant 0 : i32
    %scan3A_32 = arith.constant 25 : i32
    %scan3A_33 = arith.addi %scan3A, %scan3A_32 : i32
    %scan3A_34 = arith.constant 1 : i32
    scf.for %scan3A_47 = %scan3A to %scan3A_33 step %scan3A_34  : i32 {
      %mul3A_48 = arith.constant 1 : i32
      %mul3A_49 = arith.muli %scan3A_47, %mul3A_48 : i32
      %add3A_50 = arith.constant 0 : i32
      %add3A_51 = arith.addi %add3A_50, %mul3A_49 : i32
      %run_scoped3A = arith.constant 0 : i32
      "tpu.region"() ({
        %run_scoped3A_85 = tpu.sem_alloc : memref<!tpu.dma_semaphore, #tpu.memory_space<semaphore_mem>>
        %dma_start3A_86 = arith.constant 0 : i32
        %dma_start3A_87 = arith.constant 0 : i32
        %dma_start3A_88 = tpu.memref_slice %arg5[%run_scoped3A, %add3A, %add3A_51, %dma_start3A_86, %dma_start3A_87] : memref<2x32x25x10x40xi32, #tpu.memory_space<hbm>> -> memref<1x1x1x10x40xi32, #tpu.memory_space<hbm>>
        %dma_start3A_89 = tpu.memref_squeeze %dma_start3A_88 : memref<1x1x1x10x40xi32, #tpu.memory_space<hbm>> -> memref<10x40xi32, #tpu.memory_space<hbm>>
        %dma_start3A_90 = arith.constant 0 : i32
        %dma_start3A_91 = arith.constant 0 : i32
        %dma_start3A_92 = tpu.memref_slice %arg5[%run_scoped3A, %add3A, %add3A_51, %dma_start3A_90, %dma_start3A_91] : memref<2x32x25x10x40xi32, #tpu.memory_space<hbm>> -> memref<1x1x1x10x40xi32, #tpu.memory_space<hbm>>
        %dma_start3A_93 = tpu.memref_squeeze %dma_start3A_92 : memref<1x1x1x10x40xi32, #tpu.memory_space<hbm>> -> memref<10x40xi32, #tpu.memory_space<hbm>>
        tpu.enqueue_dma source(%dma_start3A_93 : memref<10x40xi32, #tpu.memory_space<hbm>>) target(%arg8 : memref<10x40xi32, #tpu.memory_space<vmem>>) target_semaphore(%run_scoped3A_85 : memref<!tpu.dma_semaphore, #tpu.memory_space<semaphore_mem>>)
        %dma_wait3A = arith.constant 0 : i32
        %dma_wait3A_94 = arith.constant 0 : i32
        %dma_wait3A_95 = tpu.memref_slice %arg5[%run_scoped3A, %add3A, %add3A_51, %dma_wait3A, %dma_wait3A_94] : memref<2x32x25x10x40xi32, #tpu.memory_space<hbm>> -> memref<1x1x1x10x40xi32, #tpu.memory_space<hbm>>
        %dma_wait3A_96 = tpu.memref_squeeze %dma_wait3A_95 : memref<1x1x1x10x40xi32, #tpu.memory_space<hbm>> -> memref<10x40xi32, #tpu.memory_space<hbm>>
        %dma_wait3A_97 = arith.constant 0 : i32
        %dma_wait3A_98 = arith.constant 0 : i32
        %dma_wait3A_99 = tpu.memref_slice %arg5[%run_scoped3A, %add3A, %add3A_51, %dma_wait3A_97, %dma_wait3A_98] : memref<2x32x25x10x40xi32, #tpu.memory_space<hbm>> -> memref<1x1x1x10x40xi32, #tpu.memory_space<hbm>>
        %dma_wait3A_100 = tpu.memref_squeeze %dma_wait3A_99 : memref<1x1x1x10x40xi32, #tpu.memory_space<hbm>> -> memref<10x40xi32, #tpu.memory_space<hbm>>
        tpu.wait_dma2 semaphore(%run_scoped3A_85 : memref<!tpu.dma_semaphore, #tpu.memory_space<semaphore_mem>>) src(%dma_wait3A_100 : memref<10x40xi32, #tpu.memory_space<hbm>>) dst(%arg8 : memref<10x40xi32, #tpu.memory_space<vmem>>)
        tpu.yield
      }) : () -> ()
      %run_scoped3A_52 = arith.constant 1 : i32
      "tpu.region"() ({
        %run_scoped3A_85 = tpu.sem_alloc : memref<!tpu.dma_semaphore, #tpu.memory_space<semaphore_mem>>
        %dma_start3A_86 = arith.constant 0 : i32
        %dma_start3A_87 = arith.constant 0 : i32
        %dma_start3A_88 = tpu.memref_slice %arg5[%run_scoped3A_52, %add3A, %add3A_51, %dma_start3A_86, %dma_start3A_87] : memref<2x32x25x10x40xi32, #tpu.memory_space<hbm>> -> memref<1x1x1x10x40xi32, #tpu.memory_space<hbm>>
        %dma_start3A_89 = tpu.memref_squeeze %dma_start3A_88 : memref<1x1x1x10x40xi32, #tpu.memory_space<hbm>> -> memref<10x40xi32, #tpu.memory_space<hbm>>
        %dma_start3A_90 = arith.constant 0 : i32
        %dma_start3A_91 = arith.constant 0 : i32
        %dma_start3A_92 = tpu.memref_slice %arg5[%run_scoped3A_52, %add3A, %add3A_51, %dma_start3A_90, %dma_start3A_91] : memref<2x32x25x10x40xi32, #tpu.memory_space<hbm>> -> memref<1x1x1x10x40xi32, #tpu.memory_space<hbm>>
        %dma_start3A_93 = tpu.memref_squeeze %dma_start3A_92 : memref<1x1x1x10x40xi32, #tpu.memory_space<hbm>> -> memref<10x40xi32, #tpu.memory_space<hbm>>
        tpu.enqueue_dma source(%dma_start3A_93 : memref<10x40xi32, #tpu.memory_space<hbm>>) target(%arg9 : memref<10x40xi32, #tpu.memory_space<vmem>>) target_semaphore(%run_scoped3A_85 : memref<!tpu.dma_semaphore, #tpu.memory_space<semaphore_mem>>)
        %dma_wait3A = arith.constant 0 : i32
        %dma_wait3A_94 = arith.constant 0 : i32
        %dma_wait3A_95 = tpu.memref_slice %arg5[%run_scoped3A_52, %add3A, %add3A_51, %dma_wait3A, %dma_wait3A_94] : memref<2x32x25x10x40xi32, #tpu.memory_space<hbm>> -> memref<1x1x1x10x40xi32, #tpu.memory_space<hbm>>
        %dma_wait3A_96 = tpu.memref_squeeze %dma_wait3A_95 : memref<1x1x1x10x40xi32, #tpu.memory_space<hbm>> -> memref<10x40xi32, #tpu.memory_space<hbm>>
        %dma_wait3A_97 = arith.constant 0 : i32
        %dma_wait3A_98 = arith.constant 0 : i32
        %dma_wait3A_99 = tpu.memref_slice %arg5[%run_scoped3A_52, %add3A, %add3A_51, %dma_wait3A_97, %dma_wait3A_98] : memref<2x32x25x10x40xi32, #tpu.memory_space<hbm>> -> memref<1x1x1x10x40xi32, #tpu.memory_space<hbm>>
        %dma_wait3A_100 = tpu.memref_squeeze %dma_wait3A_99 : memref<1x1x1x10x40xi32, #tpu.memory_space<hbm>> -> memref<10x40xi32, #tpu.memory_space<hbm>>
        tpu.wait_dma2 semaphore(%run_scoped3A_85 : memref<!tpu.dma_semaphore, #tpu.memory_space<semaphore_mem>>) src(%dma_wait3A_100 : memref<10x40xi32, #tpu.memory_space<hbm>>) dst(%arg9 : memref<10x40xi32, #tpu.memory_space<vmem>>)
        tpu.yield
      }) : () -> ()
      %dma_start3A = arith.constant 0 : i32
      %dma_start3A_53 = arith.constant 0 : i32
      %dma_start3A_54 = tpu.memref_slice %arg8[%dma_start3A, %dma_start3A_53] : memref<10x40xi32, #tpu.memory_space<vmem>> -> memref<1x40xi32, #tpu.memory_space<vmem>>
      %dma_start3A_55 = tpu.memref_squeeze %dma_start3A_54 : memref<1x40xi32, #tpu.memory_space<vmem>> -> memref<40xi32, #tpu.memory_space<vmem>>
      %dma_start3A_56 = arith.constant 0 : i32
      %dma_start3A_57 = arith.constant 0 : i32
      %dma_start3A_58 = tpu.memref_slice %arg2[%dma_start3A_56, %dma_start3A_57] : memref<10000x272xf32, #tpu.memory_space<hbm>> -> memref<10000x272xf32, #tpu.memory_space<hbm>>
      tpu.enqueue_indirect_dma source(%dma_start3A_58 : memref<10000x272xf32, #tpu.memory_space<hbm>>) target(%arg10 : memref<40x272xf32, #tpu.memory_space<vmem>>) offsets(%dma_start3A_55 : memref<40xi32, #tpu.memory_space<vmem>>) semaphore(%arg18 : memref<!tpu.dma_semaphore, #tpu.memory_space<semaphore_mem>>)
      %dma_start3A_59 = arith.constant 0 : i32
      %dma_start3A_60 = arith.constant 0 : i32
      %dma_start3A_61 = tpu.memref_slice %arg9[%dma_start3A_59, %dma_start3A_60] : memref<10x40xi32, #tpu.memory_space<vmem>> -> memref<1x40xi32, #tpu.memory_space<vmem>>
      %dma_start3A_62 = tpu.memref_squeeze %dma_start3A_61 : memref<1x40xi32, #tpu.memory_space<vmem>> -> memref<40xi32, #tpu.memory_space<vmem>>
      %dma_start3A_63 = arith.constant 0 : i32
      %dma_start3A_64 = arith.constant 0 : i32
      %dma_start3A_65 = tpu.memref_slice %arg3[%dma_start3A_63, %dma_start3A_64] : memref<10000x128xf32, #tpu.memory_space<hbm>> -> memref<10000x128xf32, #tpu.memory_space<hbm>>
      tpu.enqueue_indirect_dma source(%dma_start3A_65 : memref<10000x128xf32, #tpu.memory_space<hbm>>) target(%arg12 : memref<40x128xf32, #tpu.memory_space<vmem>>) offsets(%dma_start3A_62 : memref<40xi32, #tpu.memory_space<vmem>>) semaphore(%arg20 : memref<!tpu.dma_semaphore, #tpu.memory_space<semaphore_mem>>)
      %dma_start3A_66 = arith.constant 1 : i32
      %dma_start3A_67 = arith.constant 0 : i32
      %dma_start3A_68 = tpu.memref_slice %arg8[%dma_start3A_66, %dma_start3A_67] : memref<10x40xi32, #tpu.memory_space<vmem>> -> memref<1x40xi32, #tpu.memory_space<vmem>>
      %dma_start3A_69 = tpu.memref_squeeze %dma_start3A_68 : memref<1x40xi32, #tpu.memory_space<vmem>> -> memref<40xi32, #tpu.memory_space<vmem>>
      %dma_start3A_70 = arith.constant 0 : i32
      %dma_start3A_71 = arith.constant 0 : i32
      %dma_start3A_72 = tpu.memref_slice %arg2[%dma_start3A_70, %dma_start3A_71] : memref<10000x272xf32, #tpu.memory_space<hbm>> -> memref<10000x272xf32, #tpu.memory_space<hbm>>
      tpu.enqueue_indirect_dma source(%dma_start3A_72 : memref<10000x272xf32, #tpu.memory_space<hbm>>) target(%arg11 : memref<40x272xf32, #tpu.memory_space<vmem>>) offsets(%dma_start3A_69 : memref<40xi32, #tpu.memory_space<vmem>>) semaphore(%arg19 : memref<!tpu.dma_semaphore, #tpu.memory_space<semaphore_mem>>)
      %dma_start3A_73 = arith.constant 1 : i32
      %dma_start3A_74 = arith.constant 0 : i32
      %dma_start3A_75 = tpu.memref_slice %arg9[%dma_start3A_73, %dma_start3A_74] : memref<10x40xi32, #tpu.memory_space<vmem>> -> memref<1x40xi32, #tpu.memory_space<vmem>>
      %dma_start3A_76 = tpu.memref_squeeze %dma_start3A_75 : memref<1x40xi32, #tpu.memory_space<vmem>> -> memref<40xi32, #tpu.memory_space<vmem>>
      %dma_start3A_77 = arith.constant 0 : i32
      %dma_start3A_78 = arith.constant 0 : i32
      %dma_start3A_79 = tpu.memref_slice %arg3[%dma_start3A_77, %dma_start3A_78] : memref<10000x128xf32, #tpu.memory_space<hbm>> -> memref<10000x128xf32, #tpu.memory_space<hbm>>
      tpu.enqueue_indirect_dma source(%dma_start3A_79 : memref<10000x128xf32, #tpu.memory_space<hbm>>) target(%arg13 : memref<40x128xf32, #tpu.memory_space<vmem>>) offsets(%dma_start3A_76 : memref<40xi32, #tpu.memory_space<vmem>>) semaphore(%arg21 : memref<!tpu.dma_semaphore, #tpu.memory_space<semaphore_mem>>)
      %scan3A_80 = arith.constant 0 : i32
      %scan3A_81 = arith.constant 5 : i32
      %scan3A_82 = arith.addi %scan3A_80, %scan3A_81 : i32
      %scan3A_83 = arith.constant 1 : i32
      scf.for %scan3A_85 = %scan3A_80 to %scan3A_82 step %scan3A_83  : i32 {
        %mul3A_86 = arith.constant 2 : i32
        %mul3A_87 = arith.muli %scan3A_85, %mul3A_86 : i32
        %add3A_88 = arith.constant 0 : i32
        %add3A_89 = arith.addi %add3A_88, %mul3A_87 : i32
        %dma_wait3A = arith.constant 0 : i32
        %dma_wait3A_90 = tpu.memref_slice %arg8[%add3A_89, %dma_wait3A] : memref<10x40xi32, #tpu.memory_space<vmem>> -> memref<1x40xi32, #tpu.memory_space<vmem>>
        %dma_wait3A_91 = tpu.memref_squeeze %dma_wait3A_90 : memref<1x40xi32, #tpu.memory_space<vmem>> -> memref<40xi32, #tpu.memory_space<vmem>>
        %dma_wait3A_92 = arith.constant 0 : i32
        %dma_wait3A_93 = arith.constant 0 : i32
        %dma_wait3A_94 = tpu.memref_slice %arg2[%dma_wait3A_92, %dma_wait3A_93] : memref<10000x272xf32, #tpu.memory_space<hbm>> -> memref<10000x272xf32, #tpu.memory_space<hbm>>
        tpu.wait_indirect_dma semaphore(%arg18 : memref<!tpu.dma_semaphore, #tpu.memory_space<semaphore_mem>>) src(%dma_wait3A_94 : memref<10000x272xf32, #tpu.memory_space<hbm>>) dst(%arg10 : memref<40x272xf32, #tpu.memory_space<vmem>>)
        %dma_wait3A_95 = arith.constant 0 : i32
        %dma_wait3A_96 = tpu.memref_slice %arg9[%add3A_89, %dma_wait3A_95] : memref<10x40xi32, #tpu.memory_space<vmem>> -> memref<1x40xi32, #tpu.memory_space<vmem>>
        %dma_wait3A_97 = tpu.memref_squeeze %dma_wait3A_96 : memref<1x40xi32, #tpu.memory_space<vmem>> -> memref<40xi32, #tpu.memory_space<vmem>>
        %dma_wait3A_98 = arith.constant 0 : i32
        %dma_wait3A_99 = arith.constant 0 : i32
        %dma_wait3A_100 = tpu.memref_slice %arg3[%dma_wait3A_98, %dma_wait3A_99] : memref<10000x128xf32, #tpu.memory_space<hbm>> -> memref<10000x128xf32, #tpu.memory_space<hbm>>
        tpu.wait_indirect_dma semaphore(%arg20 : memref<!tpu.dma_semaphore, #tpu.memory_space<semaphore_mem>>) src(%dma_wait3A_100 : memref<10000x128xf32, #tpu.memory_space<hbm>>) dst(%arg12 : memref<40x128xf32, #tpu.memory_space<vmem>>)
        %get3A = arith.constant 2 : i32
        %get3A_101 = arith.index_cast %get3A : i32 to index
        %get3A_102 = arith.constant 0 : index
        %get3A_103 = tpu.vector_load %arg16[%get3A_101, %get3A_102] {strides = array<i32>} : memref<8x16xf32, #tpu.memory_space<vmem>>, vector<16xf32>,
        %scan3A_104 = arith.constant 0 : i32
        %scan3A_105 = arith.constant 40 : i32
        %scan3A_106 = arith.addi %scan3A_104, %scan3A_105 : i32
        %scan3A_107 = arith.constant 1 : i32
        scf.for %scan3A_146 = %scan3A_104 to %scan3A_106 step %scan3A_107  : i32 {
          %mul3A_147 = arith.constant 1 : i32
          %mul3A_148 = arith.muli %scan3A_146, %mul3A_147 : i32
          %add3A_149 = arith.constant 0 : i32
          %add3A_150 = arith.addi %add3A_149, %mul3A_148 : i32
          %broadcast_in_dim3A = vector.broadcast %add3A_150 : i32 to vector<16xi32>
          %broadcast_in_dim3A_151 = arith.constant 0.000000e+00 : f32
          %broadcast_in_dim3A_152 = vector.broadcast %broadcast_in_dim3A_151 : f32 to vector<16xf32>
          %get3A_153 = arith.index_cast %add3A_150 : i32 to index
          %get3A_154 = arith.constant 128 : index
          %get3A_155 = tpu.vector_load %arg10[%get3A_153, %get3A_154] {strides = array<i32>} : memref<40x272xf32, #tpu.memory_space<vmem>>, vector<16xf32>,
          %get3A_156 = arith.index_cast %add3A_150 : i32 to index
          %get3A_157 = arith.constant 0 : index
          %get3A_158 = tpu.vector_load %arg12[%get3A_156, %get3A_157] {strides = array<i32>} : memref<40x128xf32, #tpu.memory_space<vmem>>, vector<16xf32>,
          %mul3A_159 = arith.mulf %get3A_155, %get3A_158 : vector<16xf32>
          %get3A_160 = arith.index_cast %add3A_150 : i32 to index
          %get3A_161 = arith.constant 144 : index
          %get3A_162 = tpu.vector_load %arg10[%get3A_160, %get3A_161] {strides = array<i32>} : memref<40x272xf32, #tpu.memory_space<vmem>>, vector<16xf32>,
          %get3A_163 = arith.index_cast %add3A_150 : i32 to index
          %get3A_164 = arith.constant 16 : index
          %get3A_165 = tpu.vector_load %arg12[%get3A_163, %get3A_164] {strides = array<i32>} : memref<40x128xf32, #tpu.memory_space<vmem>>, vector<16xf32>,
          %mul3A_166 = arith.mulf %get3A_162, %get3A_165 : vector<16xf32>
          %add3A_167 = arith.addf %mul3A_159, %mul3A_166 : vector<16xf32>
          %broadcast_in_dim3A_168 = vector.shape_cast %and3A_13 : vector<16xi32> to vector<16x1xi32>
          %gather3A = vector.shape_cast %broadcast_in_dim3A_168 : vector<16x1xi32> to vector<16xi32>
          %gather3A_169 = tpu.dynamic_gather %add3A_167[%gather3A] in [0] : vector<16xf32>, vector<16xi32> -> vector<16xf32>
          %add3A_170 = arith.addf %add3A_167, %gather3A_169 : vector<16xf32>
          %broadcast_in_dim3A_171 = vector.shape_cast %and3A_19 : vector<16xi32> to vector<16x1xi32>
          %gather3A_172 = vector.shape_cast %broadcast_in_dim3A_171 : vector<16x1xi32> to vector<16xi32>
          %gather3A_173 = tpu.dynamic_gather %add3A_170[%gather3A_172] in [0] : vector<16xf32>, vector<16xi32> -> vector<16xf32>
          %add3A_174 = arith.addf %add3A_170, %gather3A_173 : vector<16xf32>
          %broadcast_in_dim3A_175 = vector.shape_cast %and3A_25 : vector<16xi32> to vector<16x1xi32>
          %gather3A_176 = vector.shape_cast %broadcast_in_dim3A_175 : vector<16x1xi32> to vector<16xi32>
          %gather3A_177 = tpu.dynamic_gather %add3A_174[%gather3A_176] in [0] : vector<16xf32>, vector<16xi32> -> vector<16xf32>
          %add3A_178 = arith.addf %add3A_174, %gather3A_177 : vector<16xf32>
          %broadcast_in_dim3A_179 = vector.shape_cast %and3A_31 : vector<16xi32> to vector<16x1xi32>
          %gather3A_180 = vector.shape_cast %broadcast_in_dim3A_179 : vector<16x1xi32> to vector<16xi32>
          %gather3A_181 = tpu.dynamic_gather %add3A_178[%gather3A_180] in [0] : vector<16xf32>, vector<16xi32> -> vector<16xf32>
          %add3A_182 = arith.addf %add3A_178, %gather3A_181 : vector<16xf32>
          %eq3A_183 = arith.constant 0 : i32
          %eq3A_184 = vector.broadcast %eq3A_183 : i32 to vector<16xi32>
          %eq3A_185 = arith.cmpi eq, %iota3A, %eq3A_184 : vector<16xi32>
          %select_n3A = arith.select %eq3A_185, %add3A_182, %broadcast_in_dim3A_152 : vector<16xi1>, vector<16xf32>
          %get3A_186 = arith.index_cast %add3A_150 : i32 to index
          %get3A_187 = arith.constant 160 : index
          %get3A_188 = tpu.vector_load %arg10[%get3A_186, %get3A_187] {strides = array<i32>} : memref<40x272xf32, #tpu.memory_space<vmem>>, vector<16xf32>,
          %get3A_189 = arith.index_cast %add3A_150 : i32 to index
          %get3A_190 = arith.constant 32 : index
          %get3A_191 = tpu.vector_load %arg12[%get3A_189, %get3A_190] {strides = array<i32>} : memref<40x128xf32, #tpu.memory_space<vmem>>, vector<16xf32>,
          %mul3A_192 = arith.mulf %get3A_188, %get3A_191 : vector<16xf32>
          %get3A_193 = arith.index_cast %add3A_150 : i32 to index
          %get3A_194 = arith.constant 176 : index
          %get3A_195 = tpu.vector_load %arg10[%get3A_193, %get3A_194] {strides = array<i32>} : memref<40x272xf32, #tpu.memory_space<vmem>>, vector<16xf32>,
          %get3A_196 = arith.index_cast %add3A_150 : i32 to index
          %get3A_197 = arith.constant 48 : index
          %get3A_198 = tpu.vector_load %arg12[%get3A_196, %get3A_197] {strides = array<i32>} : memref<40x128xf32, #tpu.memory_space<vmem>>, vector<16xf32>,
          %mul3A_199 = arith.mulf %get3A_195, %get3A_198 : vector<16xf32>
          %add3A_200 = arith.addf %mul3A_192, %mul3A_199 : vector<16xf32>
          %broadcast_in_dim3A_201 = vector.shape_cast %and3A_13 : vector<16xi32> to vector<16x1xi32>
          %gather3A_202 = vector.shape_cast %broadcast_in_dim3A_201 : vector<16x1xi32> to vector<16xi32>
          %gather3A_203 = tpu.dynamic_gather %add3A_200[%gather3A_202] in [0] : vector<16xf32>, vector<16xi32> -> vector<16xf32>
          %add3A_204 = arith.addf %add3A_200, %gather3A_203 : vector<16xf32>
          %broadcast_in_dim3A_205 = vector.shape_cast %and3A_19 : vector<16xi32> to vector<16x1xi32>
          %gather3A_206 = vector.shape_cast %broadcast_in_dim3A_205 : vector<16x1xi32> to vector<16xi32>
          %gather3A_207 = tpu.dynamic_gather %add3A_204[%gather3A_206] in [0] : vector<16xf32>, vector<16xi32> -> vector<16xf32>
          %add3A_208 = arith.addf %add3A_204, %gather3A_207 : vector<16xf32>
          %broadcast_in_dim3A_209 = vector.shape_cast %and3A_25 : vector<16xi32> to vector<16x1xi32>
          %gather3A_210 = vector.shape_cast %broadcast_in_dim3A_209 : vector<16x1xi32> to vector<16xi32>
          %gather3A_211 = tpu.dynamic_gather %add3A_208[%gather3A_210] in [0] : vector<16xf32>, vector<16xi32> -> vector<16xf32>
          %add3A_212 = arith.addf %add3A_208, %gather3A_211 : vector<16xf32>
          %broadcast_in_dim3A_213 = vector.shape_cast %and3A_31 : vector<16xi32> to vector<16x1xi32>
          %gather3A_214 = vector.shape_cast %broadcast_in_dim3A_213 : vector<16x1xi32> to vector<16xi32>
          %gather3A_215 = tpu.dynamic_gather %add3A_212[%gather3A_214] in [0] : vector<16xf32>, vector<16xi32> -> vector<16xf32>
          %add3A_216 = arith.addf %add3A_212, %gather3A_215 : vector<16xf32>
          %eq3A_217 = arith.constant 1 : i32
          %eq3A_218 = vector.broadcast %eq3A_217 : i32 to vector<16xi32>
          %eq3A_219 = arith.cmpi eq, %iota3A, %eq3A_218 : vector<16xi32>
          %select_n3A_220 = arith.select %eq3A_219, %add3A_216, %select_n3A : vector<16xi1>, vector<16xf32>
          %get3A_221 = arith.index_cast %add3A_150 : i32 to index
          %get3A_222 = arith.constant 192 : index
          %get3A_223 = tpu.vector_load %arg10[%get3A_221, %get3A_222] {strides = array<i32>} : memref<40x272xf32, #tpu.memory_space<vmem>>, vector<16xf32>,
          %get3A_224 = arith.index_cast %add3A_150 : i32 to index
          %get3A_225 = arith.constant 64 : index
          %get3A_226 = tpu.vector_load %arg12[%get3A_224, %get3A_225] {strides = array<i32>} : memref<40x128xf32, #tpu.memory_space<vmem>>, vector<16xf32>,
          %mul3A_227 = arith.mulf %get3A_223, %get3A_226 : vector<16xf32>
          %get3A_228 = arith.index_cast %add3A_150 : i32 to index
          %get3A_229 = arith.constant 208 : index
          %get3A_230 = tpu.vector_load %arg10[%get3A_228, %get3A_229] {strides = array<i32>} : memref<40x272xf32, #tpu.memory_space<vmem>>, vector<16xf32>,
          %get3A_231 = arith.index_cast %add3A_150 : i32 to index
          %get3A_232 = arith.constant 80 : index
          %get3A_233 = tpu.vector_load %arg12[%get3A_231, %get3A_232] {strides = array<i32>} : memref<40x128xf32, #tpu.memory_space<vmem>>, vector<16xf32>,
          %mul3A_234 = arith.mulf %get3A_230, %get3A_233 : vector<16xf32>
          %add3A_235 = arith.addf %mul3A_227, %mul3A_234 : vector<16xf32>
          %broadcast_in_dim3A_236 = vector.shape_cast %and3A_13 : vector<16xi32> to vector<16x1xi32>
          %gather3A_237 = vector.shape_cast %broadcast_in_dim3A_236 : vector<16x1xi32> to vector<16xi32>
          %gather3A_238 = tpu.dynamic_gather %add3A_235[%gather3A_237] in [0] : vector<16xf32>, vector<16xi32> -> vector<16xf32>
          %add3A_239 = arith.addf %add3A_235, %gather3A_238 : vector<16xf32>
          %broadcast_in_dim3A_240 = vector.shape_cast %and3A_19 : vector<16xi32> to vector<16x1xi32>
          %gather3A_241 = vector.shape_cast %broadcast_in_dim3A_240 : vector<16x1xi32> to vector<16xi32>
          %gather3A_242 = tpu.dynamic_gather %add3A_239[%gather3A_241] in [0] : vector<16xf32>, vector<16xi32> -> vector<16xf32>
          %add3A_243 = arith.addf %add3A_239, %gather3A_242 : vector<16xf32>
          %broadcast_in_dim3A_244 = vector.shape_cast %and3A_25 : vector<16xi32> to vector<16x1xi32>
          %gather3A_245 = vector.shape_cast %broadcast_in_dim3A_244 : vector<16x1xi32> to vector<16xi32>
          %gather3A_246 = tpu.dynamic_gather %add3A_243[%gather3A_245] in [0] : vector<16xf32>, vector<16xi32> -> vector<16xf32>
          %add3A_247 = arith.addf %add3A_243, %gather3A_246 : vector<16xf32>
          %broadcast_in_dim3A_248 = vector.shape_cast %and3A_31 : vector<16xi32> to vector<16x1xi32>
          %gather3A_249 = vector.shape_cast %broadcast_in_dim3A_248 : vector<16x1xi32> to vector<16xi32>
          %gather3A_250 = tpu.dynamic_gather %add3A_247[%gather3A_249] in [0] : vector<16xf32>, vector<16xi32> -> vector<16xf32>
          %add3A_251 = arith.addf %add3A_247, %gather3A_250 : vector<16xf32>
          %eq3A_252 = arith.constant 2 : i32
          %eq3A_253 = vector.broadcast %eq3A_252 : i32 to vector<16xi32>
          %eq3A_254 = arith.cmpi eq, %iota3A, %eq3A_253 : vector<16xi32>
          %select_n3A_255 = arith.select %eq3A_254, %add3A_251, %select_n3A_220 : vector<16xi1>, vector<16xf32>
          %get3A_256 = arith.index_cast %add3A_150 : i32 to index
          %get3A_257 = arith.constant 224 : index
          %get3A_258 = tpu.vector_load %arg10[%get3A_256, %get3A_257] {strides = array<i32>} : memref<40x272xf32, #tpu.memory_space<vmem>>, vector<16xf32>,
          %get3A_259 = arith.index_cast %add3A_150 : i32 to index
          %get3A_260 = arith.constant 96 : index
          %get3A_261 = tpu.vector_load %arg12[%get3A_259, %get3A_260] {strides = array<i32>} : memref<40x128xf32, #tpu.memory_space<vmem>>, vector<16xf32>,
          %mul3A_262 = arith.mulf %get3A_258, %get3A_261 : vector<16xf32>
          %get3A_263 = arith.index_cast %add3A_150 : i32 to index
          %get3A_264 = arith.constant 240 : index
          %get3A_265 = tpu.vector_load %arg10[%get3A_263, %get3A_264] {strides = array<i32>} : memref<40x272xf32, #tpu.memory_space<vmem>>, vector<16xf32>,
          %get3A_266 = arith.index_cast %add3A_150 : i32 to index
          %get3A_267 = arith.constant 112 : index
          %get3A_268 = tpu.vector_load %arg12[%get3A_266, %get3A_267] {strides = array<i32>} : memref<40x128xf32, #tpu.memory_space<vmem>>, vector<16xf32>,
          %mul3A_269 = arith.mulf %get3A_265, %get3A_268 : vector<16xf32>
          %add3A_270 = arith.addf %mul3A_262, %mul3A_269 : vector<16xf32>
          %broadcast_in_dim3A_271 = vector.shape_cast %and3A_13 : vector<16xi32> to vector<16x1xi32>
          %gather3A_272 = vector.shape_cast %broadcast_in_dim3A_271 : vector<16x1xi32> to vector<16xi32>
          %gather3A_273 = tpu.dynamic_gather %add3A_270[%gather3A_272] in [0] : vector<16xf32>, vector<16xi32> -> vector<16xf32>
          %add3A_274 = arith.addf %add3A_270, %gather3A_273 : vector<16xf32>
          %broadcast_in_dim3A_275 = vector.shape_cast %and3A_19 : vector<16xi32> to vector<16x1xi32>
          %gather3A_276 = vector.shape_cast %broadcast_in_dim3A_275 : vector<16x1xi32> to vector<16xi32>
          %gather3A_277 = tpu.dynamic_gather %add3A_274[%gather3A_276] in [0] : vector<16xf32>, vector<16xi32> -> vector<16xf32>
          %add3A_278 = arith.addf %add3A_274, %gather3A_277 : vector<16xf32>
          %broadcast_in_dim3A_279 = vector.shape_cast %and3A_25 : vector<16xi32> to vector<16x1xi32>
          %gather3A_280 = vector.shape_cast %broadcast_in_dim3A_279 : vector<16x1xi32> to vector<16xi32>
          %gather3A_281 = tpu.dynamic_gather %add3A_278[%gather3A_280] in [0] : vector<16xf32>, vector<16xi32> -> vector<16xf32>
          %add3A_282 = arith.addf %add3A_278, %gather3A_281 : vector<16xf32>
          %broadcast_in_dim3A_283 = vector.shape_cast %and3A_31 : vector<16xi32> to vector<16x1xi32>
          %gather3A_284 = vector.shape_cast %broadcast_in_dim3A_283 : vector<16x1xi32> to vector<16xi32>
          %gather3A_285 = tpu.dynamic_gather %add3A_282[%gather3A_284] in [0] : vector<16xf32>, vector<16xi32> -> vector<16xf32>
          %add3A_286 = arith.addf %add3A_282, %gather3A_285 : vector<16xf32>
          %eq3A_287 = arith.constant 3 : i32
          %eq3A_288 = vector.broadcast %eq3A_287 : i32 to vector<16xi32>
          %eq3A_289 = arith.cmpi eq, %iota3A, %eq3A_288 : vector<16xi32>
          %select_n3A_290 = arith.select %eq3A_289, %add3A_286, %select_n3A_255 : vector<16xi1>, vector<16xf32>
          %sub3A = arith.subf %select_n3A_290, %get3A_103 : vector<16xf32>
          %exp3A = math.exp %sub3A : vector<16xf32>
          %swap3A = arith.index_cast %add3A_150 : i32 to index
          %swap3A_291 = arith.constant 128 : index
          %swap3A_292 = tpu.vector_load %arg14[%swap3A, %swap3A_291] {strides = array<i32>} : memref<40x144xf32, #tpu.memory_space<vmem>>, vector<16xf32>,
          tpu.vector_store %arg14[%swap3A, %swap3A_291], %exp3A {strides = array<i32>} : memref<40x144xf32, #tpu.memory_space<vmem>>, vector<16xf32>,
          %broadcast_in_dim3A_293 = arith.constant 128 : i32
          %broadcast_in_dim3A_294 = vector.broadcast %broadcast_in_dim3A_293 : i32 to vector<16xi32>
          %gather3A_295 = tpu.vector_load_idx %arg14[%broadcast_in_dim3A, %broadcast_in_dim3A_294] : memref<40x144xf32, #tpu.memory_space<vmem>>[vector<16xi32>, vector<16xi32>], vector<16xf32>,
          %get3A_296 = arith.index_cast %add3A_150 : i32 to index
          %get3A_297 = arith.constant 0 : index
          %get3A_298 = tpu.vector_load %arg10[%get3A_296, %get3A_297] {strides = array<i32>} : memref<40x272xf32, #tpu.memory_space<vmem>>, vector<16xf32>,
          %mul3A_299 = arith.mulf %get3A_298, %gather3A_295 : vector<16xf32>
          %swap3A_300 = arith.index_cast %add3A_150 : i32 to index
          %swap3A_301 = arith.constant 0 : index
          %swap3A_302 = tpu.vector_load %arg14[%swap3A_300, %swap3A_301] {strides = array<i32>} : memref<40x144xf32, #tpu.memory_space<vmem>>, vector<16xf32>,
          tpu.vector_store %arg14[%swap3A_300, %swap3A_301], %mul3A_299 {strides = array<i32>} : memref<40x144xf32, #tpu.memory_space<vmem>>, vector<16xf32>,
          %get3A_303 = arith.index_cast %add3A_150 : i32 to index
          %get3A_304 = arith.constant 16 : index
          %get3A_305 = tpu.vector_load %arg10[%get3A_303, %get3A_304] {strides = array<i32>} : memref<40x272xf32, #tpu.memory_space<vmem>>, vector<16xf32>,
          %mul3A_306 = arith.mulf %get3A_305, %gather3A_295 : vector<16xf32>
          %swap3A_307 = arith.index_cast %add3A_150 : i32 to index
          %swap3A_308 = arith.constant 16 : index
          %swap3A_309 = tpu.vector_load %arg14[%swap3A_307, %swap3A_308] {strides = array<i32>} : memref<40x144xf32, #tpu.memory_space<vmem>>, vector<16xf32>,
          tpu.vector_store %arg14[%swap3A_307, %swap3A_308], %mul3A_306 {strides = array<i32>} : memref<40x144xf32, #tpu.memory_space<vmem>>, vector<16xf32>,
          %broadcast_in_dim3A_310 = arith.constant 129 : i32
          %broadcast_in_dim3A_311 = vector.broadcast %broadcast_in_dim3A_310 : i32 to vector<16xi32>
          %gather3A_312 = tpu.vector_load_idx %arg14[%broadcast_in_dim3A, %broadcast_in_dim3A_311] : memref<40x144xf32, #tpu.memory_space<vmem>>[vector<16xi32>, vector<16xi32>], vector<16xf32>,
          %get3A_313 = arith.index_cast %add3A_150 : i32 to index
          %get3A_314 = arith.constant 32 : index
          %get3A_315 = tpu.vector_load %arg10[%get3A_313, %get3A_314] {strides = array<i32>} : memref<40x272xf32, #tpu.memory_space<vmem>>, vector<16xf32>,
          %mul3A_316 = arith.mulf %get3A_315, %gather3A_312 : vector<16xf32>
          %swap3A_317 = arith.index_cast %add3A_150 : i32 to index
          %swap3A_318 = arith.constant 32 : index
          %swap3A_319 = tpu.vector_load %arg14[%swap3A_317, %swap3A_318] {strides = array<i32>} : memref<40x144xf32, #tpu.memory_space<vmem>>, vector<16xf32>,
          tpu.vector_store %arg14[%swap3A_317, %swap3A_318], %mul3A_316 {strides = array<i32>} : memref<40x144xf32, #tpu.memory_space<vmem>>, vector<16xf32>,
          %get3A_320 = arith.index_cast %add3A_150 : i32 to index
          %get3A_321 = arith.constant 48 : index
          %get3A_322 = tpu.vector_load %arg10[%get3A_320, %get3A_321] {strides = array<i32>} : memref<40x272xf32, #tpu.memory_space<vmem>>, vector<16xf32>,
          %mul3A_323 = arith.mulf %get3A_322, %gather3A_312 : vector<16xf32>
          %swap3A_324 = arith.index_cast %add3A_150 : i32 to index
          %swap3A_325 = arith.constant 48 : index
          %swap3A_326 = tpu.vector_load %arg14[%swap3A_324, %swap3A_325] {strides = array<i32>} : memref<40x144xf32, #tpu.memory_space<vmem>>, vector<16xf32>,
          tpu.vector_store %arg14[%swap3A_324, %swap3A_325], %mul3A_323 {strides = array<i32>} : memref<40x144xf32, #tpu.memory_space<vmem>>, vector<16xf32>,
          %broadcast_in_dim3A_327 = arith.constant 130 : i32
          %broadcast_in_dim3A_328 = vector.broadcast %broadcast_in_dim3A_327 : i32 to vector<16xi32>
          %gather3A_329 = tpu.vector_load_idx %arg14[%broadcast_in_dim3A, %broadcast_in_dim3A_328] : memref<40x144xf32, #tpu.memory_space<vmem>>[vector<16xi32>, vector<16xi32>], vector<16xf32>,
          %get3A_330 = arith.index_cast %add3A_150 : i32 to index
          %get3A_331 = arith.constant 64 : index
          %get3A_332 = tpu.vector_load %arg10[%get3A_330, %get3A_331] {strides = array<i32>} : memref<40x272xf32, #tpu.memory_space<vmem>>, vector<16xf32>,
          %mul3A_333 = arith.mulf %get3A_332, %gather3A_329 : vector<16xf32>
          %swap3A_334 = arith.index_cast %add3A_150 : i32 to index
          %swap3A_335 = arith.constant 64 : index
          %swap3A_336 = tpu.vector_load %arg14[%swap3A_334, %swap3A_335] {strides = array<i32>} : memref<40x144xf32, #tpu.memory_space<vmem>>, vector<16xf32>,
          tpu.vector_store %arg14[%swap3A_334, %swap3A_335], %mul3A_333 {strides = array<i32>} : memref<40x144xf32, #tpu.memory_space<vmem>>, vector<16xf32>,
          %get3A_337 = arith.index_cast %add3A_150 : i32 to index
          %get3A_338 = arith.constant 80 : index
          %get3A_339 = tpu.vector_load %arg10[%get3A_337, %get3A_338] {strides = array<i32>} : memref<40x272xf32, #tpu.memory_space<vmem>>, vector<16xf32>,
          %mul3A_340 = arith.mulf %get3A_339, %gather3A_329 : vector<16xf32>
          %swap3A_341 = arith.index_cast %add3A_150 : i32 to index
          %swap3A_342 = arith.constant 80 : index
          %swap3A_343 = tpu.vector_load %arg14[%swap3A_341, %swap3A_342] {strides = array<i32>} : memref<40x144xf32, #tpu.memory_space<vmem>>, vector<16xf32>,
          tpu.vector_store %arg14[%swap3A_341, %swap3A_342], %mul3A_340 {strides = array<i32>} : memref<40x144xf32, #tpu.memory_space<vmem>>, vector<16xf32>,
          %broadcast_in_dim3A_344 = arith.constant 131 : i32
          %broadcast_in_dim3A_345 = vector.broadcast %broadcast_in_dim3A_344 : i32 to vector<16xi32>
          %gather3A_346 = tpu.vector_load_idx %arg14[%broadcast_in_dim3A, %broadcast_in_dim3A_345] : memref<40x144xf32, #tpu.memory_space<vmem>>[vector<16xi32>, vector<16xi32>], vector<16xf32>,
          %get3A_347 = arith.index_cast %add3A_150 : i32 to index
          %get3A_348 = arith.constant 96 : index
          %get3A_349 = tpu.vector_load %arg10[%get3A_347, %get3A_348] {strides = array<i32>} : memref<40x272xf32, #tpu.memory_space<vmem>>, vector<16xf32>,
          %mul3A_350 = arith.mulf %get3A_349, %gather3A_346 : vector<16xf32>
          %swap3A_351 = arith.index_cast %add3A_150 : i32 to index
          %swap3A_352 = arith.constant 96 : index
          %swap3A_353 = tpu.vector_load %arg14[%swap3A_351, %swap3A_352] {strides = array<i32>} : memref<40x144xf32, #tpu.memory_space<vmem>>, vector<16xf32>,
          tpu.vector_store %arg14[%swap3A_351, %swap3A_352], %mul3A_350 {strides = array<i32>} : memref<40x144xf32, #tpu.memory_space<vmem>>, vector<16xf32>,
          %get3A_354 = arith.index_cast %add3A_150 : i32 to index
          %get3A_355 = arith.constant 112 : index
          %get3A_356 = tpu.vector_load %arg10[%get3A_354, %get3A_355] {strides = array<i32>} : memref<40x272xf32, #tpu.memory_space<vmem>>, vector<16xf32>,
          %mul3A_357 = arith.mulf %get3A_356, %gather3A_346 : vector<16xf32>
          %swap3A_358 = arith.index_cast %add3A_150 : i32 to index
          %swap3A_359 = arith.constant 112 : index
          %swap3A_360 = tpu.vector_load %arg14[%swap3A_358, %swap3A_359] {strides = array<i32>} : memref<40x144xf32, #tpu.memory_space<vmem>>, vector<16xf32>,
          tpu.vector_store %arg14[%swap3A_358, %swap3A_359], %mul3A_357 {strides = array<i32>} : memref<40x144xf32, #tpu.memory_space<vmem>>, vector<16xf32>,
        }
        %scan3A_108 = arith.constant 40 : i32
        "tpu.region"() ({
          %run_scoped3A_146 = tpu.sem_alloc : memref<!tpu.dma_semaphore, #tpu.memory_space<semaphore_mem>>
          %dma_start3A_147 = arith.constant 0 : i32
          %dma_start3A_148 = tpu.memref_slice %arg9[%add3A_89, %dma_start3A_147] : memref<10x40xi32, #tpu.memory_space<vmem>> -> memref<1x40xi32, #tpu.memory_space<vmem>>
          %dma_start3A_149 = tpu.memref_squeeze %dma_start3A_148 : memref<1x40xi32, #tpu.memory_space<vmem>> -> memref<40xi32, #tpu.memory_space<vmem>>
          %dma_start3A_150 = arith.constant 0 : i32
          %dma_start3A_151 = arith.constant 0 : i32
          %dma_start3A_152 = tpu.memref_slice %arg17[%dma_start3A_150, %dma_start3A_151] : memref<10000x144xf32, #tpu.memory_space<vmem_shared>> -> memref<10000x144xf32, #tpu.memory_space<vmem_shared>>
          tpu.enqueue_indirect_dma source(%arg14 : memref<40x144xf32, #tpu.memory_space<vmem>>) target(%dma_start3A_152 : memref<10000x144xf32, #tpu.memory_space<vmem_shared>>) offsets(%dma_start3A_149 : memref<40xi32, #tpu.memory_space<vmem>>) semaphore(%run_scoped3A_146 : memref<!tpu.dma_semaphore, #tpu.memory_space<semaphore_mem>>) {add = true}
          %dma_wait3A_153 = arith.constant 0 : i32
          %dma_wait3A_154 = tpu.memref_slice %arg9[%add3A_89, %dma_wait3A_153] : memref<10x40xi32, #tpu.memory_space<vmem>> -> memref<1x40xi32, #tpu.memory_space<vmem>>
          %dma_wait3A_155 = tpu.memref_squeeze %dma_wait3A_154 : memref<1x40xi32, #tpu.memory_space<vmem>> -> memref<40xi32, #tpu.memory_space<vmem>>
          %dma_wait3A_156 = arith.constant 0 : i32
          %dma_wait3A_157 = arith.constant 0 : i32
          %dma_wait3A_158 = tpu.memref_slice %arg17[%dma_wait3A_156, %dma_wait3A_157] : memref<10000x144xf32, #tpu.memory_space<vmem_shared>> -> memref<10000x144xf32, #tpu.memory_space<vmem_shared>>
          tpu.wait_indirect_dma semaphore(%run_scoped3A_146 : memref<!tpu.dma_semaphore, #tpu.memory_space<semaphore_mem>>) src(%arg14 : memref<40x144xf32, #tpu.memory_space<vmem>>) dst(%dma_wait3A_158 : memref<10000x144xf32, #tpu.memory_space<vmem_shared>>)
          tpu.yield
        }) : () -> ()
        %add3A_109 = arith.constant 2 : i32
        %add3A_110 = arith.addi %add3A_89, %add3A_109 : i32
        %lt3A_111 = arith.constant 10 : i32
        %lt3A_112 = arith.cmpi slt, %add3A_110, %lt3A_111 : i32
        %convert_element_type3A_113 = arith.extui %lt3A_112 : i1 to i32
        %cond3A_114 = arith.constant 0 : i32
        %cond3A_115 = arith.cmpi ne, %convert_element_type3A_113, %cond3A_114 : i32
        scf.if %cond3A_115 {
          %add3A_146 = arith.constant 2 : i32
          %add3A_147 = arith.addi %add3A_89, %add3A_146 : i32
          %dma_start3A_148 = arith.constant 0 : i32
          %dma_start3A_149 = tpu.memref_slice %arg8[%add3A_147, %dma_start3A_148] : memref<10x40xi32, #tpu.memory_space<vmem>> -> memref<1x40xi32, #tpu.memory_space<vmem>>
          %dma_start3A_150 = tpu.memref_squeeze %dma_start3A_149 : memref<1x40xi32, #tpu.memory_space<vmem>> -> memref<40xi32, #tpu.memory_space<vmem>>
          %dma_start3A_151 = arith.constant 0 : i32
          %dma_start3A_152 = arith.constant 0 : i32
          %dma_start3A_153 = tpu.memref_slice %arg2[%dma_start3A_151, %dma_start3A_152] : memref<10000x272xf32, #tpu.memory_space<hbm>> -> memref<10000x272xf32, #tpu.memory_space<hbm>>
          tpu.enqueue_indirect_dma source(%dma_start3A_153 : memref<10000x272xf32, #tpu.memory_space<hbm>>) target(%arg10 : memref<40x272xf32, #tpu.memory_space<vmem>>) offsets(%dma_start3A_150 : memref<40xi32, #tpu.memory_space<vmem>>) semaphore(%arg18 : memref<!tpu.dma_semaphore, #tpu.memory_space<semaphore_mem>>)
          %dma_start3A_154 = arith.constant 0 : i32
          %dma_start3A_155 = tpu.memref_slice %arg9[%add3A_147, %dma_start3A_154] : memref<10x40xi32, #tpu.memory_space<vmem>> -> memref<1x40xi32, #tpu.memory_space<vmem>>
          %dma_start3A_156 = tpu.memref_squeeze %dma_start3A_155 : memref<1x40xi32, #tpu.memory_space<vmem>> -> memref<40xi32, #tpu.memory_space<vmem>>
          %dma_start3A_157 = arith.constant 0 : i32
          %dma_start3A_158 = arith.constant 0 : i32
          %dma_start3A_159 = tpu.memref_slice %arg3[%dma_start3A_157, %dma_start3A_158] : memref<10000x128xf32, #tpu.memory_space<hbm>> -> memref<10000x128xf32, #tpu.memory_space<hbm>>
          tpu.enqueue_indirect_dma source(%dma_start3A_159 : memref<10000x128xf32, #tpu.memory_space<hbm>>) target(%arg12 : memref<40x128xf32, #tpu.memory_space<vmem>>) offsets(%dma_start3A_156 : memref<40xi32, #tpu.memory_space<vmem>>) semaphore(%arg20 : memref<!tpu.dma_semaphore, #tpu.memory_space<semaphore_mem>>)
        } else {
        }
        %add3A_116 = arith.constant 1 : i32
        %add3A_117 = arith.addi %add3A_89, %add3A_116 : i32
        %dma_wait3A_118 = arith.constant 0 : i32
        %dma_wait3A_119 = tpu.memref_slice %arg8[%add3A_117, %dma_wait3A_118] : memref<10x40xi32, #tpu.memory_space<vmem>> -> memref<1x40xi32, #tpu.memory_space<vmem>>
        %dma_wait3A_120 = tpu.memref_squeeze %dma_wait3A_119 : memref<1x40xi32, #tpu.memory_space<vmem>> -> memref<40xi32, #tpu.memory_space<vmem>>
        %dma_wait3A_121 = arith.constant 0 : i32
        %dma_wait3A_122 = arith.constant 0 : i32
        %dma_wait3A_123 = tpu.memref_slice %arg2[%dma_wait3A_121, %dma_wait3A_122] : memref<10000x272xf32, #tpu.memory_space<hbm>> -> memref<10000x272xf32, #tpu.memory_space<hbm>>
        tpu.wait_indirect_dma semaphore(%arg19 : memref<!tpu.dma_semaphore, #tpu.memory_space<semaphore_mem>>) src(%dma_wait3A_123 : memref<10000x272xf32, #tpu.memory_space<hbm>>) dst(%arg11 : memref<40x272xf32, #tpu.memory_space<vmem>>)
        %dma_wait3A_124 = arith.constant 0 : i32
        %dma_wait3A_125 = tpu.memref_slice %arg9[%add3A_117, %dma_wait3A_124] : memref<10x40xi32, #tpu.memory_space<vmem>> -> memref<1x40xi32, #tpu.memory_space<vmem>>
        %dma_wait3A_126 = tpu.memref_squeeze %dma_wait3A_125 : memref<1x40xi32, #tpu.memory_space<vmem>> -> memref<40xi32, #tpu.memory_space<vmem>>
        %dma_wait3A_127 = arith.constant 0 : i32
        %dma_wait3A_128 = arith.constant 0 : i32
        %dma_wait3A_129 = tpu.memref_slice %arg3[%dma_wait3A_127, %dma_wait3A_128] : memref<10000x128xf32, #tpu.memory_space<hbm>> -> memref<10000x128xf32, #tpu.memory_space<hbm>>
        tpu.wait_indirect_dma semaphore(%arg21 : memref<!tpu.dma_semaphore, #tpu.memory_space<semaphore_mem>>) src(%dma_wait3A_129 : memref<10000x128xf32, #tpu.memory_space<hbm>>) dst(%arg13 : memref<40x128xf32, #tpu.memory_space<vmem>>)
        %get3A_130 = arith.constant 2 : i32
        %get3A_131 = arith.index_cast %get3A_130 : i32 to index
        %get3A_132 = arith.constant 0 : index
        %get3A_133 = tpu.vector_load %arg16[%get3A_131, %get3A_132] {strides = array<i32>} : memref<8x16xf32, #tpu.memory_space<vmem>>, vector<16xf32>,
        %scan3A_134 = arith.constant 0 : i32
        %scan3A_135 = arith.constant 40 : i32
        %scan3A_136 = arith.addi %scan3A_134, %scan3A_135 : i32
        %scan3A_137 = arith.constant 1 : i32
        scf.for %scan3A_146 = %scan3A_134 to %scan3A_136 step %scan3A_137  : i32 {
          %mul3A_147 = arith.constant 1 : i32
          %mul3A_148 = arith.muli %scan3A_146, %mul3A_147 : i32
          %add3A_149 = arith.constant 0 : i32
          %add3A_150 = arith.addi %add3A_149, %mul3A_148 : i32
          %broadcast_in_dim3A = vector.broadcast %add3A_150 : i32 to vector<16xi32>
          %broadcast_in_dim3A_151 = arith.constant 0.000000e+00 : f32
          %broadcast_in_dim3A_152 = vector.broadcast %broadcast_in_dim3A_151 : f32 to vector<16xf32>
          %get3A_153 = arith.index_cast %add3A_150 : i32 to index
          %get3A_154 = arith.constant 128 : index
          %get3A_155 = tpu.vector_load %arg11[%get3A_153, %get3A_154] {strides = array<i32>} : memref<40x272xf32, #tpu.memory_space<vmem>>, vector<16xf32>,
          %get3A_156 = arith.index_cast %add3A_150 : i32 to index
          %get3A_157 = arith.constant 0 : index
          %get3A_158 = tpu.vector_load %arg13[%get3A_156, %get3A_157] {strides = array<i32>} : memref<40x128xf32, #tpu.memory_space<vmem>>, vector<16xf32>,
          %mul3A_159 = arith.mulf %get3A_155, %get3A_158 : vector<16xf32>
          %get3A_160 = arith.index_cast %add3A_150 : i32 to index
          %get3A_161 = arith.constant 144 : index
          %get3A_162 = tpu.vector_load %arg11[%get3A_160, %get3A_161] {strides = array<i32>} : memref<40x272xf32, #tpu.memory_space<vmem>>, vector<16xf32>,
          %get3A_163 = arith.index_cast %add3A_150 : i32 to index
          %get3A_164 = arith.constant 16 : index
          %get3A_165 = tpu.vector_load %arg13[%get3A_163, %get3A_164] {strides = array<i32>} : memref<40x128xf32, #tpu.memory_space<vmem>>, vector<16xf32>,
          %mul3A_166 = arith.mulf %get3A_162, %get3A_165 : vector<16xf32>
          %add3A_167 = arith.addf %mul3A_159, %mul3A_166 : vector<16xf32>
          %broadcast_in_dim3A_168 = vector.shape_cast %and3A_13 : vector<16xi32> to vector<16x1xi32>
          %gather3A = vector.shape_cast %broadcast_in_dim3A_168 : vector<16x1xi32> to vector<16xi32>
          %gather3A_169 = tpu.dynamic_gather %add3A_167[%gather3A] in [0] : vector<16xf32>, vector<16xi32> -> vector<16xf32>
          %add3A_170 = arith.addf %add3A_167, %gather3A_169 : vector<16xf32>
          %broadcast_in_dim3A_171 = vector.shape_cast %and3A_19 : vector<16xi32> to vector<16x1xi32>
          %gather3A_172 = vector.shape_cast %broadcast_in_dim3A_171 : vector<16x1xi32> to vector<16xi32>
          %gather3A_173 = tpu.dynamic_gather %add3A_170[%gather3A_172] in [0] : vector<16xf32>, vector<16xi32> -> vector<16xf32>
          %add3A_174 = arith.addf %add3A_170, %gather3A_173 : vector<16xf32>
          %broadcast_in_dim3A_175 = vector.shape_cast %and3A_25 : vector<16xi32> to vector<16x1xi32>
          %gather3A_176 = vector.shape_cast %broadcast_in_dim3A_175 : vector<16x1xi32> to vector<16xi32>
          %gather3A_177 = tpu.dynamic_gather %add3A_174[%gather3A_176] in [0] : vector<16xf32>, vector<16xi32> -> vector<16xf32>
          %add3A_178 = arith.addf %add3A_174, %gather3A_177 : vector<16xf32>
          %broadcast_in_dim3A_179 = vector.shape_cast %and3A_31 : vector<16xi32> to vector<16x1xi32>
          %gather3A_180 = vector.shape_cast %broadcast_in_dim3A_179 : vector<16x1xi32> to vector<16xi32>
          %gather3A_181 = tpu.dynamic_gather %add3A_178[%gather3A_180] in [0] : vector<16xf32>, vector<16xi32> -> vector<16xf32>
          %add3A_182 = arith.addf %add3A_178, %gather3A_181 : vector<16xf32>
          %eq3A_183 = arith.constant 0 : i32
          %eq3A_184 = vector.broadcast %eq3A_183 : i32 to vector<16xi32>
          %eq3A_185 = arith.cmpi eq, %iota3A, %eq3A_184 : vector<16xi32>
          %select_n3A = arith.select %eq3A_185, %add3A_182, %broadcast_in_dim3A_152 : vector<16xi1>, vector<16xf32>
          %get3A_186 = arith.index_cast %add3A_150 : i32 to index
          %get3A_187 = arith.constant 160 : index
          %get3A_188 = tpu.vector_load %arg11[%get3A_186, %get3A_187] {strides = array<i32>} : memref<40x272xf32, #tpu.memory_space<vmem>>, vector<16xf32>,
          %get3A_189 = arith.index_cast %add3A_150 : i32 to index
          %get3A_190 = arith.constant 32 : index
          %get3A_191 = tpu.vector_load %arg13[%get3A_189, %get3A_190] {strides = array<i32>} : memref<40x128xf32, #tpu.memory_space<vmem>>, vector<16xf32>,
          %mul3A_192 = arith.mulf %get3A_188, %get3A_191 : vector<16xf32>
          %get3A_193 = arith.index_cast %add3A_150 : i32 to index
          %get3A_194 = arith.constant 176 : index
          %get3A_195 = tpu.vector_load %arg11[%get3A_193, %get3A_194] {strides = array<i32>} : memref<40x272xf32, #tpu.memory_space<vmem>>, vector<16xf32>,
          %get3A_196 = arith.index_cast %add3A_150 : i32 to index
          %get3A_197 = arith.constant 48 : index
          %get3A_198 = tpu.vector_load %arg13[%get3A_196, %get3A_197] {strides = array<i32>} : memref<40x128xf32, #tpu.memory_space<vmem>>, vector<16xf32>,
          %mul3A_199 = arith.mulf %get3A_195, %get3A_198 : vector<16xf32>
          %add3A_200 = arith.addf %mul3A_192, %mul3A_199 : vector<16xf32>
          %broadcast_in_dim3A_201 = vector.shape_cast %and3A_13 : vector<16xi32> to vector<16x1xi32>
          %gather3A_202 = vector.shape_cast %broadcast_in_dim3A_201 : vector<16x1xi32> to vector<16xi32>
          %gather3A_203 = tpu.dynamic_gather %add3A_200[%gather3A_202] in [0] : vector<16xf32>, vector<16xi32> -> vector<16xf32>
          %add3A_204 = arith.addf %add3A_200, %gather3A_203 : vector<16xf32>
          %broadcast_in_dim3A_205 = vector.shape_cast %and3A_19 : vector<16xi32> to vector<16x1xi32>
          %gather3A_206 = vector.shape_cast %broadcast_in_dim3A_205 : vector<16x1xi32> to vector<16xi32>
          %gather3A_207 = tpu.dynamic_gather %add3A_204[%gather3A_206] in [0] : vector<16xf32>, vector<16xi32> -> vector<16xf32>
          %add3A_208 = arith.addf %add3A_204, %gather3A_207 : vector<16xf32>
          %broadcast_in_dim3A_209 = vector.shape_cast %and3A_25 : vector<16xi32> to vector<16x1xi32>
          %gather3A_210 = vector.shape_cast %broadcast_in_dim3A_209 : vector<16x1xi32> to vector<16xi32>
          %gather3A_211 = tpu.dynamic_gather %add3A_208[%gather3A_210] in [0] : vector<16xf32>, vector<16xi32> -> vector<16xf32>
          %add3A_212 = arith.addf %add3A_208, %gather3A_211 : vector<16xf32>
          %broadcast_in_dim3A_213 = vector.shape_cast %and3A_31 : vector<16xi32> to vector<16x1xi32>
          %gather3A_214 = vector.shape_cast %broadcast_in_dim3A_213 : vector<16x1xi32> to vector<16xi32>
          %gather3A_215 = tpu.dynamic_gather %add3A_212[%gather3A_214] in [0] : vector<16xf32>, vector<16xi32> -> vector<16xf32>
          %add3A_216 = arith.addf %add3A_212, %gather3A_215 : vector<16xf32>
          %eq3A_217 = arith.constant 1 : i32
          %eq3A_218 = vector.broadcast %eq3A_217 : i32 to vector<16xi32>
          %eq3A_219 = arith.cmpi eq, %iota3A, %eq3A_218 : vector<16xi32>
          %select_n3A_220 = arith.select %eq3A_219, %add3A_216, %select_n3A : vector<16xi1>, vector<16xf32>
          %get3A_221 = arith.index_cast %add3A_150 : i32 to index
          %get3A_222 = arith.constant 192 : index
          %get3A_223 = tpu.vector_load %arg11[%get3A_221, %get3A_222] {strides = array<i32>} : memref<40x272xf32, #tpu.memory_space<vmem>>, vector<16xf32>,
          %get3A_224 = arith.index_cast %add3A_150 : i32 to index
          %get3A_225 = arith.constant 64 : index
          %get3A_226 = tpu.vector_load %arg13[%get3A_224, %get3A_225] {strides = array<i32>} : memref<40x128xf32, #tpu.memory_space<vmem>>, vector<16xf32>,
          %mul3A_227 = arith.mulf %get3A_223, %get3A_226 : vector<16xf32>
          %get3A_228 = arith.index_cast %add3A_150 : i32 to index
          %get3A_229 = arith.constant 208 : index
          %get3A_230 = tpu.vector_load %arg11[%get3A_228, %get3A_229] {strides = array<i32>} : memref<40x272xf32, #tpu.memory_space<vmem>>, vector<16xf32>,
          %get3A_231 = arith.index_cast %add3A_150 : i32 to index
          %get3A_232 = arith.constant 80 : index
          %get3A_233 = tpu.vector_load %arg13[%get3A_231, %get3A_232] {strides = array<i32>} : memref<40x128xf32, #tpu.memory_space<vmem>>, vector<16xf32>,
          %mul3A_234 = arith.mulf %get3A_230, %get3A_233 : vector<16xf32>
          %add3A_235 = arith.addf %mul3A_227, %mul3A_234 : vector<16xf32>
          %broadcast_in_dim3A_236 = vector.shape_cast %and3A_13 : vector<16xi32> to vector<16x1xi32>
          %gather3A_237 = vector.shape_cast %broadcast_in_dim3A_236 : vector<16x1xi32> to vector<16xi32>
          %gather3A_238 = tpu.dynamic_gather %add3A_235[%gather3A_237] in [0] : vector<16xf32>, vector<16xi32> -> vector<16xf32>
          %add3A_239 = arith.addf %add3A_235, %gather3A_238 : vector<16xf32>
          %broadcast_in_dim3A_240 = vector.shape_cast %and3A_19 : vector<16xi32> to vector<16x1xi32>
          %gather3A_241 = vector.shape_cast %broadcast_in_dim3A_240 : vector<16x1xi32> to vector<16xi32>
          %gather3A_242 = tpu.dynamic_gather %add3A_239[%gather3A_241] in [0] : vector<16xf32>, vector<16xi32> -> vector<16xf32>
          %add3A_243 = arith.addf %add3A_239, %gather3A_242 : vector<16xf32>
          %broadcast_in_dim3A_244 = vector.shape_cast %and3A_25 : vector<16xi32> to vector<16x1xi32>
          %gather3A_245 = vector.shape_cast %broadcast_in_dim3A_244 : vector<16x1xi32> to vector<16xi32>
          %gather3A_246 = tpu.dynamic_gather %add3A_243[%gather3A_245] in [0] : vector<16xf32>, vector<16xi32> -> vector<16xf32>
          %add3A_247 = arith.addf %add3A_243, %gather3A_246 : vector<16xf32>
          %broadcast_in_dim3A_248 = vector.shape_cast %and3A_31 : vector<16xi32> to vector<16x1xi32>
          %gather3A_249 = vector.shape_cast %broadcast_in_dim3A_248 : vector<16x1xi32> to vector<16xi32>
          %gather3A_250 = tpu.dynamic_gather %add3A_247[%gather3A_249] in [0] : vector<16xf32>, vector<16xi32> -> vector<16xf32>
          %add3A_251 = arith.addf %add3A_247, %gather3A_250 : vector<16xf32>
          %eq3A_252 = arith.constant 2 : i32
          %eq3A_253 = vector.broadcast %eq3A_252 : i32 to vector<16xi32>
          %eq3A_254 = arith.cmpi eq, %iota3A, %eq3A_253 : vector<16xi32>
          %select_n3A_255 = arith.select %eq3A_254, %add3A_251, %select_n3A_220 : vector<16xi1>, vector<16xf32>
          %get3A_256 = arith.index_cast %add3A_150 : i32 to index
          %get3A_257 = arith.constant 224 : index
          %get3A_258 = tpu.vector_load %arg11[%get3A_256, %get3A_257] {strides = array<i32>} : memref<40x272xf32, #tpu.memory_space<vmem>>, vector<16xf32>,
          %get3A_259 = arith.index_cast %add3A_150 : i32 to index
          %get3A_260 = arith.constant 96 : index
          %get3A_261 = tpu.vector_load %arg13[%get3A_259, %get3A_260] {strides = array<i32>} : memref<40x128xf32, #tpu.memory_space<vmem>>, vector<16xf32>,
          %mul3A_262 = arith.mulf %get3A_258, %get3A_261 : vector<16xf32>
          %get3A_263 = arith.index_cast %add3A_150 : i32 to index
          %get3A_264 = arith.constant 240 : index
          %get3A_265 = tpu.vector_load %arg11[%get3A_263, %get3A_264] {strides = array<i32>} : memref<40x272xf32, #tpu.memory_space<vmem>>, vector<16xf32>,
          %get3A_266 = arith.index_cast %add3A_150 : i32 to index
          %get3A_267 = arith.constant 112 : index
          %get3A_268 = tpu.vector_load %arg13[%get3A_266, %get3A_267] {strides = array<i32>} : memref<40x128xf32, #tpu.memory_space<vmem>>, vector<16xf32>,
          %mul3A_269 = arith.mulf %get3A_265, %get3A_268 : vector<16xf32>
          %add3A_270 = arith.addf %mul3A_262, %mul3A_269 : vector<16xf32>
          %broadcast_in_dim3A_271 = vector.shape_cast %and3A_13 : vector<16xi32> to vector<16x1xi32>
          %gather3A_272 = vector.shape_cast %broadcast_in_dim3A_271 : vector<16x1xi32> to vector<16xi32>
          %gather3A_273 = tpu.dynamic_gather %add3A_270[%gather3A_272] in [0] : vector<16xf32>, vector<16xi32> -> vector<16xf32>
          %add3A_274 = arith.addf %add3A_270, %gather3A_273 : vector<16xf32>
          %broadcast_in_dim3A_275 = vector.shape_cast %and3A_19 : vector<16xi32> to vector<16x1xi32>
          %gather3A_276 = vector.shape_cast %broadcast_in_dim3A_275 : vector<16x1xi32> to vector<16xi32>
          %gather3A_277 = tpu.dynamic_gather %add3A_274[%gather3A_276] in [0] : vector<16xf32>, vector<16xi32> -> vector<16xf32>
          %add3A_278 = arith.addf %add3A_274, %gather3A_277 : vector<16xf32>
          %broadcast_in_dim3A_279 = vector.shape_cast %and3A_25 : vector<16xi32> to vector<16x1xi32>
          %gather3A_280 = vector.shape_cast %broadcast_in_dim3A_279 : vector<16x1xi32> to vector<16xi32>
          %gather3A_281 = tpu.dynamic_gather %add3A_278[%gather3A_280] in [0] : vector<16xf32>, vector<16xi32> -> vector<16xf32>
          %add3A_282 = arith.addf %add3A_278, %gather3A_281 : vector<16xf32>
          %broadcast_in_dim3A_283 = vector.shape_cast %and3A_31 : vector<16xi32> to vector<16x1xi32>
          %gather3A_284 = vector.shape_cast %broadcast_in_dim3A_283 : vector<16x1xi32> to vector<16xi32>
          %gather3A_285 = tpu.dynamic_gather %add3A_282[%gather3A_284] in [0] : vector<16xf32>, vector<16xi32> -> vector<16xf32>
          %add3A_286 = arith.addf %add3A_282, %gather3A_285 : vector<16xf32>
          %eq3A_287 = arith.constant 3 : i32
          %eq3A_288 = vector.broadcast %eq3A_287 : i32 to vector<16xi32>
          %eq3A_289 = arith.cmpi eq, %iota3A, %eq3A_288 : vector<16xi32>
          %select_n3A_290 = arith.select %eq3A_289, %add3A_286, %select_n3A_255 : vector<16xi1>, vector<16xf32>
          %sub3A = arith.subf %select_n3A_290, %get3A_133 : vector<16xf32>
          %exp3A = math.exp %sub3A : vector<16xf32>
          %swap3A = arith.index_cast %add3A_150 : i32 to index
          %swap3A_291 = arith.constant 128 : index
          %swap3A_292 = tpu.vector_load %arg14[%swap3A, %swap3A_291] {strides = array<i32>} : memref<40x144xf32, #tpu.memory_space<vmem>>, vector<16xf32>,
          tpu.vector_store %arg14[%swap3A, %swap3A_291], %exp3A {strides = array<i32>} : memref<40x144xf32, #tpu.memory_space<vmem>>, vector<16xf32>,
          %broadcast_in_dim3A_293 = arith.constant 128 : i32
          %broadcast_in_dim3A_294 = vector.broadcast %broadcast_in_dim3A_293 : i32 to vector<16xi32>
          %gather3A_295 = tpu.vector_load_idx %arg14[%broadcast_in_dim3A, %broadcast_in_dim3A_294] : memref<40x144xf32, #tpu.memory_space<vmem>>[vector<16xi32>, vector<16xi32>], vector<16xf32>,
          %get3A_296 = arith.index_cast %add3A_150 : i32 to index
          %get3A_297 = arith.constant 0 : index
          %get3A_298 = tpu.vector_load %arg11[%get3A_296, %get3A_297] {strides = array<i32>} : memref<40x272xf32, #tpu.memory_space<vmem>>, vector<16xf32>,
          %mul3A_299 = arith.mulf %get3A_298, %gather3A_295 : vector<16xf32>
          %swap3A_300 = arith.index_cast %add3A_150 : i32 to index
          %swap3A_301 = arith.constant 0 : index
          %swap3A_302 = tpu.vector_load %arg14[%swap3A_300, %swap3A_301] {strides = array<i32>} : memref<40x144xf32, #tpu.memory_space<vmem>>, vector<16xf32>,
          tpu.vector_store %arg14[%swap3A_300, %swap3A_301], %mul3A_299 {strides = array<i32>} : memref<40x144xf32, #tpu.memory_space<vmem>>, vector<16xf32>,
          %get3A_303 = arith.index_cast %add3A_150 : i32 to index
          %get3A_304 = arith.constant 16 : index
          %get3A_305 = tpu.vector_load %arg11[%get3A_303, %get3A_304] {strides = array<i32>} : memref<40x272xf32, #tpu.memory_space<vmem>>, vector<16xf32>,
          %mul3A_306 = arith.mulf %get3A_305, %gather3A_295 : vector<16xf32>
          %swap3A_307 = arith.index_cast %add3A_150 : i32 to index
          %swap3A_308 = arith.constant 16 : index
          %swap3A_309 = tpu.vector_load %arg14[%swap3A_307, %swap3A_308] {strides = array<i32>} : memref<40x144xf32, #tpu.memory_space<vmem>>, vector<16xf32>,
          tpu.vector_store %arg14[%swap3A_307, %swap3A_308], %mul3A_306 {strides = array<i32>} : memref<40x144xf32, #tpu.memory_space<vmem>>, vector<16xf32>,
          %broadcast_in_dim3A_310 = arith.constant 129 : i32
          %broadcast_in_dim3A_311 = vector.broadcast %broadcast_in_dim3A_310 : i32 to vector<16xi32>
          %gather3A_312 = tpu.vector_load_idx %arg14[%broadcast_in_dim3A, %broadcast_in_dim3A_311] : memref<40x144xf32, #tpu.memory_space<vmem>>[vector<16xi32>, vector<16xi32>], vector<16xf32>,
          %get3A_313 = arith.index_cast %add3A_150 : i32 to index
          %get3A_314 = arith.constant 32 : index
          %get3A_315 = tpu.vector_load %arg11[%get3A_313, %get3A_314] {strides = array<i32>} : memref<40x272xf32, #tpu.memory_space<vmem>>, vector<16xf32>,
          %mul3A_316 = arith.mulf %get3A_315, %gather3A_312 : vector<16xf32>
          %swap3A_317 = arith.index_cast %add3A_150 : i32 to index
          %swap3A_318 = arith.constant 32 : index
          %swap3A_319 = tpu.vector_load %arg14[%swap3A_317, %swap3A_318] {strides = array<i32>} : memref<40x144xf32, #tpu.memory_space<vmem>>, vector<16xf32>,
          tpu.vector_store %arg14[%swap3A_317, %swap3A_318], %mul3A_316 {strides = array<i32>} : memref<40x144xf32, #tpu.memory_space<vmem>>, vector<16xf32>,
          %get3A_320 = arith.index_cast %add3A_150 : i32 to index
          %get3A_321 = arith.constant 48 : index
          %get3A_322 = tpu.vector_load %arg11[%get3A_320, %get3A_321] {strides = array<i32>} : memref<40x272xf32, #tpu.memory_space<vmem>>, vector<16xf32>,
          %mul3A_323 = arith.mulf %get3A_322, %gather3A_312 : vector<16xf32>
          %swap3A_324 = arith.index_cast %add3A_150 : i32 to index
          %swap3A_325 = arith.constant 48 : index
          %swap3A_326 = tpu.vector_load %arg14[%swap3A_324, %swap3A_325] {strides = array<i32>} : memref<40x144xf32, #tpu.memory_space<vmem>>, vector<16xf32>,
          tpu.vector_store %arg14[%swap3A_324, %swap3A_325], %mul3A_323 {strides = array<i32>} : memref<40x144xf32, #tpu.memory_space<vmem>>, vector<16xf32>,
          %broadcast_in_dim3A_327 = arith.constant 130 : i32
          %broadcast_in_dim3A_328 = vector.broadcast %broadcast_in_dim3A_327 : i32 to vector<16xi32>
          %gather3A_329 = tpu.vector_load_idx %arg14[%broadcast_in_dim3A, %broadcast_in_dim3A_328] : memref<40x144xf32, #tpu.memory_space<vmem>>[vector<16xi32>, vector<16xi32>], vector<16xf32>,
          %get3A_330 = arith.index_cast %add3A_150 : i32 to index
          %get3A_331 = arith.constant 64 : index
          %get3A_332 = tpu.vector_load %arg11[%get3A_330, %get3A_331] {strides = array<i32>} : memref<40x272xf32, #tpu.memory_space<vmem>>, vector<16xf32>,
          %mul3A_333 = arith.mulf %get3A_332, %gather3A_329 : vector<16xf32>
          %swap3A_334 = arith.index_cast %add3A_150 : i32 to index
          %swap3A_335 = arith.constant 64 : index
          %swap3A_336 = tpu.vector_load %arg14[%swap3A_334, %swap3A_335] {strides = array<i32>} : memref<40x144xf32, #tpu.memory_space<vmem>>, vector<16xf32>,
          tpu.vector_store %arg14[%swap3A_334, %swap3A_335], %mul3A_333 {strides = array<i32>} : memref<40x144xf32, #tpu.memory_space<vmem>>, vector<16xf32>,
          %get3A_337 = arith.index_cast %add3A_150 : i32 to index
          %get3A_338 = arith.constant 80 : index
          %get3A_339 = tpu.vector_load %arg11[%get3A_337, %get3A_338] {strides = array<i32>} : memref<40x272xf32, #tpu.memory_space<vmem>>, vector<16xf32>,
          %mul3A_340 = arith.mulf %get3A_339, %gather3A_329 : vector<16xf32>
          %swap3A_341 = arith.index_cast %add3A_150 : i32 to index
          %swap3A_342 = arith.constant 80 : index
          %swap3A_343 = tpu.vector_load %arg14[%swap3A_341, %swap3A_342] {strides = array<i32>} : memref<40x144xf32, #tpu.memory_space<vmem>>, vector<16xf32>,
          tpu.vector_store %arg14[%swap3A_341, %swap3A_342], %mul3A_340 {strides = array<i32>} : memref<40x144xf32, #tpu.memory_space<vmem>>, vector<16xf32>,
          %broadcast_in_dim3A_344 = arith.constant 131 : i32
          %broadcast_in_dim3A_345 = vector.broadcast %broadcast_in_dim3A_344 : i32 to vector<16xi32>
          %gather3A_346 = tpu.vector_load_idx %arg14[%broadcast_in_dim3A, %broadcast_in_dim3A_345] : memref<40x144xf32, #tpu.memory_space<vmem>>[vector<16xi32>, vector<16xi32>], vector<16xf32>,
          %get3A_347 = arith.index_cast %add3A_150 : i32 to index
          %get3A_348 = arith.constant 96 : index
          %get3A_349 = tpu.vector_load %arg11[%get3A_347, %get3A_348] {strides = array<i32>} : memref<40x272xf32, #tpu.memory_space<vmem>>, vector<16xf32>,
          %mul3A_350 = arith.mulf %get3A_349, %gather3A_346 : vector<16xf32>
          %swap3A_351 = arith.index_cast %add3A_150 : i32 to index
          %swap3A_352 = arith.constant 96 : index
          %swap3A_353 = tpu.vector_load %arg14[%swap3A_351, %swap3A_352] {strides = array<i32>} : memref<40x144xf32, #tpu.memory_space<vmem>>, vector<16xf32>,
          tpu.vector_store %arg14[%swap3A_351, %swap3A_352], %mul3A_350 {strides = array<i32>} : memref<40x144xf32, #tpu.memory_space<vmem>>, vector<16xf32>,
          %get3A_354 = arith.index_cast %add3A_150 : i32 to index
          %get3A_355 = arith.constant 112 : index
          %get3A_356 = tpu.vector_load %arg11[%get3A_354, %get3A_355] {strides = array<i32>} : memref<40x272xf32, #tpu.memory_space<vmem>>, vector<16xf32>,
          %mul3A_357 = arith.mulf %get3A_356, %gather3A_346 : vector<16xf32>
          %swap3A_358 = arith.index_cast %add3A_150 : i32 to index
          %swap3A_359 = arith.constant 112 : index
          %swap3A_360 = tpu.vector_load %arg14[%swap3A_358, %swap3A_359] {strides = array<i32>} : memref<40x144xf32, #tpu.memory_space<vmem>>, vector<16xf32>,
          tpu.vector_store %arg14[%swap3A_358, %swap3A_359], %mul3A_357 {strides = array<i32>} : memref<40x144xf32, #tpu.memory_space<vmem>>, vector<16xf32>,
        }
        %scan3A_138 = arith.constant 40 : i32
        "tpu.region"() ({
          %run_scoped3A_146 = tpu.sem_alloc : memref<!tpu.dma_semaphore, #tpu.memory_space<semaphore_mem>>
          %dma_start3A_147 = arith.constant 0 : i32
          %dma_start3A_148 = tpu.memref_slice %arg9[%add3A_117, %dma_start3A_147] : memref<10x40xi32, #tpu.memory_space<vmem>> -> memref<1x40xi32, #tpu.memory_space<vmem>>
          %dma_start3A_149 = tpu.memref_squeeze %dma_start3A_148 : memref<1x40xi32, #tpu.memory_space<vmem>> -> memref<40xi32, #tpu.memory_space<vmem>>
          %dma_start3A_150 = arith.constant 0 : i32
          %dma_start3A_151 = arith.constant 0 : i32
          %dma_start3A_152 = tpu.memref_slice %arg17[%dma_start3A_150, %dma_start3A_151] : memref<10000x144xf32, #tpu.memory_space<vmem_shared>> -> memref<10000x144xf32, #tpu.memory_space<vmem_shared>>
          tpu.enqueue_indirect_dma source(%arg14 : memref<40x144xf32, #tpu.memory_space<vmem>>) target(%dma_start3A_152 : memref<10000x144xf32, #tpu.memory_space<vmem_shared>>) offsets(%dma_start3A_149 : memref<40xi32, #tpu.memory_space<vmem>>) semaphore(%run_scoped3A_146 : memref<!tpu.dma_semaphore, #tpu.memory_space<semaphore_mem>>) {add = true}
          %dma_wait3A_153 = arith.constant 0 : i32
          %dma_wait3A_154 = tpu.memref_slice %arg9[%add3A_117, %dma_wait3A_153] : memref<10x40xi32, #tpu.memory_space<vmem>> -> memref<1x40xi32, #tpu.memory_space<vmem>>
          %dma_wait3A_155 = tpu.memref_squeeze %dma_wait3A_154 : memref<1x40xi32, #tpu.memory_space<vmem>> -> memref<40xi32, #tpu.memory_space<vmem>>
          %dma_wait3A_156 = arith.constant 0 : i32
          %dma_wait3A_157 = arith.constant 0 : i32
          %dma_wait3A_158 = tpu.memref_slice %arg17[%dma_wait3A_156, %dma_wait3A_157] : memref<10000x144xf32, #tpu.memory_space<vmem_shared>> -> memref<10000x144xf32, #tpu.memory_space<vmem_shared>>
          tpu.wait_indirect_dma semaphore(%run_scoped3A_146 : memref<!tpu.dma_semaphore, #tpu.memory_space<semaphore_mem>>) src(%arg14 : memref<40x144xf32, #tpu.memory_space<vmem>>) dst(%dma_wait3A_158 : memref<10000x144xf32, #tpu.memory_space<vmem_shared>>)
          tpu.yield
        }) : () -> ()
        %add3A_139 = arith.constant 2 : i32
        %add3A_140 = arith.addi %add3A_117, %add3A_139 : i32
        %lt3A_141 = arith.constant 10 : i32
        %lt3A_142 = arith.cmpi slt, %add3A_140, %lt3A_141 : i32
        %convert_element_type3A_143 = arith.extui %lt3A_142 : i1 to i32
        %cond3A_144 = arith.constant 0 : i32
        %cond3A_145 = arith.cmpi ne, %convert_element_type3A_143, %cond3A_144 : i32
        scf.if %cond3A_145 {
          %add3A_146 = arith.constant 2 : i32
          %add3A_147 = arith.addi %add3A_117, %add3A_146 : i32
          %dma_start3A_148 = arith.constant 0 : i32
          %dma_start3A_149 = tpu.memref_slice %arg8[%add3A_147, %dma_start3A_148] : memref<10x40xi32, #tpu.memory_space<vmem>> -> memref<1x40xi32, #tpu.memory_space<vmem>>
          %dma_start3A_150 = tpu.memref_squeeze %dma_start3A_149 : memref<1x40xi32, #tpu.memory_space<vmem>> -> memref<40xi32, #tpu.memory_space<vmem>>
          %dma_start3A_151 = arith.constant 0 : i32
          %dma_start3A_152 = arith.constant 0 : i32
          %dma_start3A_153 = tpu.memref_slice %arg2[%dma_start3A_151, %dma_start3A_152] : memref<10000x272xf32, #tpu.memory_space<hbm>> -> memref<10000x272xf32, #tpu.memory_space<hbm>>
          tpu.enqueue_indirect_dma source(%dma_start3A_153 : memref<10000x272xf32, #tpu.memory_space<hbm>>) target(%arg11 : memref<40x272xf32, #tpu.memory_space<vmem>>) offsets(%dma_start3A_150 : memref<40xi32, #tpu.memory_space<vmem>>) semaphore(%arg19 : memref<!tpu.dma_semaphore, #tpu.memory_space<semaphore_mem>>)
          %dma_start3A_154 = arith.constant 0 : i32
          %dma_start3A_155 = tpu.memref_slice %arg9[%add3A_147, %dma_start3A_154] : memref<10x40xi32, #tpu.memory_space<vmem>> -> memref<1x40xi32, #tpu.memory_space<vmem>>
          %dma_start3A_156 = tpu.memref_squeeze %dma_start3A_155 : memref<1x40xi32, #tpu.memory_space<vmem>> -> memref<40xi32, #tpu.memory_space<vmem>>
          %dma_start3A_157 = arith.constant 0 : i32
          %dma_start3A_158 = arith.constant 0 : i32
          %dma_start3A_159 = tpu.memref_slice %arg3[%dma_start3A_157, %dma_start3A_158] : memref<10000x128xf32, #tpu.memory_space<hbm>> -> memref<10000x128xf32, #tpu.memory_space<hbm>>
          tpu.enqueue_indirect_dma source(%dma_start3A_159 : memref<10000x128xf32, #tpu.memory_space<hbm>>) target(%arg13 : memref<40x128xf32, #tpu.memory_space<vmem>>) offsets(%dma_start3A_156 : memref<40xi32, #tpu.memory_space<vmem>>) semaphore(%arg21 : memref<!tpu.dma_semaphore, #tpu.memory_space<semaphore_mem>>)
        } else {
        }
      }
      %scan3A_84 = arith.constant 5 : i32
    }
    %scan3A_35 = arith.constant 25 : i32
    %barrier3A_36 = arith.constant 0 : index
    tpu.barrier barrier_id(%barrier3A_36)
    %lt3A_37 = arith.constant 15 : i32
    %lt3A_38 = arith.cmpi slt, %arg1, %lt3A_37 : i32
    %convert_element_type3A_39 = arith.extui %lt3A_38 : i1 to i32
    %cond3A_40 = arith.constant 0 : i32
    %cond3A_41 = arith.cmpi ne, %convert_element_type3A_39, %cond3A_40 : i32
    scf.if %cond3A_41 {
      "tpu.region"() ({
        %run_scoped3A = tpu.sem_alloc : memref<!tpu.dma_semaphore, #tpu.memory_space<semaphore_mem>>
        %dma_start3A = arith.constant 0 : i32
        %dma_start3A_47 = tpu.memref_slice %arg7[%arg0, %mul3A_2, %dma_start3A] : memref<2x10000x144xf32, #tpu.memory_space<hbm>> -> memref<1x624x144xf32, #tpu.memory_space<hbm>>
        %dma_start3A_48 = tpu.memref_squeeze %dma_start3A_47 : memref<1x624x144xf32, #tpu.memory_space<hbm>> -> memref<624x144xf32, #tpu.memory_space<hbm>>
        %dma_start3A_49 = arith.constant 0 : i32
        %dma_start3A_50 = tpu.memref_slice %arg17[%mul3A_2, %dma_start3A_49] : memref<10000x144xf32, #tpu.memory_space<vmem_shared>> -> memref<624x144xf32, #tpu.memory_space<vmem_shared>>
        tpu.enqueue_dma source(%dma_start3A_50 : memref<624x144xf32, #tpu.memory_space<vmem_shared>>) target(%dma_start3A_48 : memref<624x144xf32, #tpu.memory_space<hbm>>) target_semaphore(%run_scoped3A : memref<!tpu.dma_semaphore, #tpu.memory_space<semaphore_mem>>)
        %dma_wait3A = arith.constant 0 : i32
        %dma_wait3A_51 = tpu.memref_slice %arg7[%arg0, %mul3A_2, %dma_wait3A] : memref<2x10000x144xf32, #tpu.memory_space<hbm>> -> memref<1x624x144xf32, #tpu.memory_space<hbm>>
        %dma_wait3A_52 = tpu.memref_squeeze %dma_wait3A_51 : memref<1x624x144xf32, #tpu.memory_space<hbm>> -> memref<624x144xf32, #tpu.memory_space<hbm>>
        %dma_wait3A_53 = arith.constant 0 : i32
        %dma_wait3A_54 = tpu.memref_slice %arg17[%mul3A_2, %dma_wait3A_53] : memref<10000x144xf32, #tpu.memory_space<vmem_shared>> -> memref<624x144xf32, #tpu.memory_space<vmem_shared>>
        tpu.wait_dma2 semaphore(%run_scoped3A : memref<!tpu.dma_semaphore, #tpu.memory_space<semaphore_mem>>) src(%dma_wait3A_54 : memref<624x144xf32, #tpu.memory_space<vmem_shared>>) dst(%dma_wait3A_52 : memref<624x144xf32, #tpu.memory_space<hbm>>)
        tpu.yield
      }) : () -> ()
    } else {
    }
    %eq3A_42 = arith.constant 15 : i32
    %eq3A_43 = arith.cmpi eq, %arg1, %eq3A_42 : i32
    %convert_element_type3A_44 = arith.extui %eq3A_43 : i1 to i32
    %cond3A_45 = arith.constant 0 : i32
    %cond3A_46 = arith.cmpi ne, %convert_element_type3A_44, %cond3A_45 : i32
    scf.if %cond3A_46 {
      "tpu.region"() ({
        %run_scoped3A = tpu.sem_alloc : memref<!tpu.dma_semaphore, #tpu.memory_space<semaphore_mem>>
        %dma_start3A = arith.constant 9360 : i32
        %dma_start3A_47 = arith.constant 0 : i32
        %dma_start3A_48 = tpu.memref_slice %arg7[%arg0, %dma_start3A, %dma_start3A_47] : memref<2x10000x144xf32, #tpu.memory_space<hbm>> -> memref<1x640x144xf32, #tpu.memory_space<hbm>>
        %dma_start3A_49 = tpu.memref_squeeze %dma_start3A_48 : memref<1x640x144xf32, #tpu.memory_space<hbm>> -> memref<640x144xf32, #tpu.memory_space<hbm>>
        %dma_start3A_50 = arith.constant 9360 : i32
        %dma_start3A_51 = arith.constant 0 : i32
        %dma_start3A_52 = tpu.memref_slice %arg17[%dma_start3A_50, %dma_start3A_51] : memref<10000x144xf32, #tpu.memory_space<vmem_shared>> -> memref<640x144xf32, #tpu.memory_space<vmem_shared>>
        tpu.enqueue_dma source(%dma_start3A_52 : memref<640x144xf32, #tpu.memory_space<vmem_shared>>) target(%dma_start3A_49 : memref<640x144xf32, #tpu.memory_space<hbm>>) target_semaphore(%run_scoped3A : memref<!tpu.dma_semaphore, #tpu.memory_space<semaphore_mem>>)
        %dma_wait3A = arith.constant 9360 : i32
        %dma_wait3A_53 = arith.constant 0 : i32
        %dma_wait3A_54 = tpu.memref_slice %arg7[%arg0, %dma_wait3A, %dma_wait3A_53] : memref<2x10000x144xf32, #tpu.memory_space<hbm>> -> memref<1x640x144xf32, #tpu.memory_space<hbm>>
        %dma_wait3A_55 = tpu.memref_squeeze %dma_wait3A_54 : memref<1x640x144xf32, #tpu.memory_space<hbm>> -> memref<640x144xf32, #tpu.memory_space<hbm>>
        %dma_wait3A_56 = arith.constant 9360 : i32
        %dma_wait3A_57 = arith.constant 0 : i32
        %dma_wait3A_58 = tpu.memref_slice %arg17[%dma_wait3A_56, %dma_wait3A_57] : memref<10000x144xf32, #tpu.memory_space<vmem_shared>> -> memref<640x144xf32, #tpu.memory_space<vmem_shared>>
        tpu.wait_dma2 semaphore(%run_scoped3A : memref<!tpu.dma_semaphore, #tpu.memory_space<semaphore_mem>>) src(%dma_wait3A_58 : memref<640x144xf32, #tpu.memory_space<vmem_shared>>) dst(%dma_wait3A_55 : memref<640x144xf32, #tpu.memory_space<hbm>>)
        tpu.yield
      }) : () -> ()
    } else {
    }
    return
  }
}

#map = affine_map<(d0, d1) -> (0, 0)>
#map1 = affine_map<(d0, d1) -> (0, 0, 0, 0, 0)>
#map2 = affine_map<(d0, d1) -> (0, 0, 0)>
module attributes {stable_mosaic.version = 14 : i64} {
  func.func @edge_pass(%arg0: i32, %arg1: i32, %arg2: memref<10000x144xf32, #tpu.memory_space<hbm>>, %arg3: memref<10000x16xf32, #tpu.memory_space<hbm>>, %arg4: memref<8x16xf32, #tpu.memory_space<hbm>>, %arg5: memref<2x32x5x50x40xi32, #tpu.memory_space<hbm>>, %arg6: memref<10000x144xf32, #tpu.memory_space<hbm>>, %arg7: memref<2x10000x144xf32, #tpu.memory_space<hbm>>, %arg8: memref<50x40xi32, #tpu.memory_space<vmem>>, %arg9: memref<50x40xi32, #tpu.memory_space<vmem>>, %arg10: memref<40x144xf32, #tpu.memory_space<vmem>>, %arg11: memref<40x144xf32, #tpu.memory_space<vmem>>, %arg12: memref<40x16xf32, #tpu.memory_space<vmem>>, %arg13: memref<40x16xf32, #tpu.memory_space<vmem>>, %arg14: memref<40x144xf32, #tpu.memory_space<vmem>>, %arg15: memref<40x144xf32, #tpu.memory_space<vmem>>, %arg16: memref<8x16xf32, #tpu.memory_space<vmem>>, %arg17: memref<10000x144xf32, #tpu.memory_space<vmem_shared>>, %arg18: memref<!tpu.dma_semaphore, #tpu.memory_space<semaphore_mem>>, %arg19: memref<!tpu.dma_semaphore, #tpu.memory_space<semaphore_mem>>, %arg20: memref<!tpu.dma_semaphore, #tpu.memory_space<semaphore_mem>>, %arg21: memref<!tpu.dma_semaphore, #tpu.memory_space<semaphore_mem>>, %arg22: memref<!tpu.dma_semaphore, #tpu.memory_space<semaphore_mem>>, %arg23: memref<!tpu.dma_semaphore, #tpu.memory_space<semaphore_mem>>) attributes {dimension_semantics = [#tpu.dimension_semantics<core_parallel>, #tpu.dimension_semantics<subcore_parallel>], iteration_bounds = array<i64: 2, 16>, scalar_prefetch = 0 : i64, scratch_operands = 16 : i64, tpu.core_type = #tpu.core_type<sc_vector_subcore>, window_params = [{transform_indices = #map}, {transform_indices = #map}, {transform_indices = #map}, {transform_indices = #map1}, {transform_indices = #map}, {transform_indices = #map2}]} {
    %mul3A = arith.constant 2 : i32
    %mul3A_0 = arith.muli %arg1, %mul3A : i32
    %add3A = arith.addi %mul3A_0, %arg0 : i32
    "tpu.region"() ({
      %run_scoped3A = tpu.sem_alloc : memref<!tpu.dma_semaphore, #tpu.memory_space<semaphore_mem>>
      tpu.enqueue_dma source(%arg4 : memref<8x16xf32, #tpu.memory_space<hbm>>) target(%arg16 : memref<8x16xf32, #tpu.memory_space<vmem>>) target_semaphore(%run_scoped3A : memref<!tpu.dma_semaphore, #tpu.memory_space<semaphore_mem>>)
      tpu.wait_dma2 semaphore(%run_scoped3A : memref<!tpu.dma_semaphore, #tpu.memory_space<semaphore_mem>>) src(%arg4 : memref<8x16xf32, #tpu.memory_space<hbm>>) dst(%arg16 : memref<8x16xf32, #tpu.memory_space<vmem>>)
      tpu.yield
    }) : () -> ()
    %mul3A_1 = arith.constant 624 : i32
    %mul3A_2 = arith.muli %arg1, %mul3A_1 : i32
    %lt3A = arith.constant 15 : i32
    %lt3A_3 = arith.cmpi slt, %arg1, %lt3A : i32
    %convert_element_type3A = arith.extui %lt3A_3 : i1 to i32
    %cond3A = arith.constant 0 : i32
    %cond3A_4 = arith.cmpi ne, %convert_element_type3A, %cond3A : i32
    scf.if %cond3A_4 {
      "tpu.region"() ({
        %run_scoped3A = tpu.sem_alloc : memref<!tpu.dma_semaphore, #tpu.memory_space<semaphore_mem>>
        %dma_start3A = arith.constant 0 : i32
        %dma_start3A_60 = tpu.memref_slice %arg17[%mul3A_2, %dma_start3A] : memref<10000x144xf32, #tpu.memory_space<vmem_shared>> -> memref<624x144xf32, #tpu.memory_space<vmem_shared>>
        %dma_start3A_61 = arith.constant 0 : i32
        %dma_start3A_62 = tpu.memref_slice %arg6[%mul3A_2, %dma_start3A_61] : memref<10000x144xf32, #tpu.memory_space<hbm>> -> memref<624x144xf32, #tpu.memory_space<hbm>>
        tpu.enqueue_dma source(%dma_start3A_62 : memref<624x144xf32, #tpu.memory_space<hbm>>) target(%dma_start3A_60 : memref<624x144xf32, #tpu.memory_space<vmem_shared>>) target_semaphore(%run_scoped3A : memref<!tpu.dma_semaphore, #tpu.memory_space<semaphore_mem>>)
        %dma_wait3A_63 = arith.constant 0 : i32
        %dma_wait3A_64 = tpu.memref_slice %arg17[%mul3A_2, %dma_wait3A_63] : memref<10000x144xf32, #tpu.memory_space<vmem_shared>> -> memref<624x144xf32, #tpu.memory_space<vmem_shared>>
        %dma_wait3A_65 = arith.constant 0 : i32
        %dma_wait3A_66 = tpu.memref_slice %arg6[%mul3A_2, %dma_wait3A_65] : memref<10000x144xf32, #tpu.memory_space<hbm>> -> memref<624x144xf32, #tpu.memory_space<hbm>>
        tpu.wait_dma2 semaphore(%run_scoped3A : memref<!tpu.dma_semaphore, #tpu.memory_space<semaphore_mem>>) src(%dma_wait3A_66 : memref<624x144xf32, #tpu.memory_space<hbm>>) dst(%dma_wait3A_64 : memref<624x144xf32, #tpu.memory_space<vmem_shared>>)
        tpu.yield
      }) : () -> ()
    } else {
    }
    %eq3A = arith.constant 15 : i32
    %eq3A_5 = arith.cmpi eq, %arg1, %eq3A : i32
    %convert_element_type3A_6 = arith.extui %eq3A_5 : i1 to i32
    %cond3A_7 = arith.constant 0 : i32
    %cond3A_8 = arith.cmpi ne, %convert_element_type3A_6, %cond3A_7 : i32
    scf.if %cond3A_8 {
      "tpu.region"() ({
        %run_scoped3A = tpu.sem_alloc : memref<!tpu.dma_semaphore, #tpu.memory_space<semaphore_mem>>
        %dma_start3A = arith.constant 9360 : i32
        %dma_start3A_60 = arith.constant 0 : i32
        %dma_start3A_61 = tpu.memref_slice %arg17[%dma_start3A, %dma_start3A_60] : memref<10000x144xf32, #tpu.memory_space<vmem_shared>> -> memref<640x144xf32, #tpu.memory_space<vmem_shared>>
        %dma_start3A_62 = arith.constant 9360 : i32
        %dma_start3A_63 = arith.constant 0 : i32
        %dma_start3A_64 = tpu.memref_slice %arg6[%dma_start3A_62, %dma_start3A_63] : memref<10000x144xf32, #tpu.memory_space<hbm>> -> memref<640x144xf32, #tpu.memory_space<hbm>>
        tpu.enqueue_dma source(%dma_start3A_64 : memref<640x144xf32, #tpu.memory_space<hbm>>) target(%dma_start3A_61 : memref<640x144xf32, #tpu.memory_space<vmem_shared>>) target_semaphore(%run_scoped3A : memref<!tpu.dma_semaphore, #tpu.memory_space<semaphore_mem>>)
        %dma_wait3A_65 = arith.constant 9360 : i32
        %dma_wait3A_66 = arith.constant 0 : i32
        %dma_wait3A_67 = tpu.memref_slice %arg17[%dma_wait3A_65, %dma_wait3A_66] : memref<10000x144xf32, #tpu.memory_space<vmem_shared>> -> memref<640x144xf32, #tpu.memory_space<vmem_shared>>
        %dma_wait3A_68 = arith.constant 9360 : i32
        %dma_wait3A_69 = arith.constant 0 : i32
        %dma_wait3A_70 = tpu.memref_slice %arg6[%dma_wait3A_68, %dma_wait3A_69] : memref<10000x144xf32, #tpu.memory_space<hbm>> -> memref<640x144xf32, #tpu.memory_space<hbm>>
        tpu.wait_dma2 semaphore(%run_scoped3A : memref<!tpu.dma_semaphore, #tpu.memory_space<semaphore_mem>>) src(%dma_wait3A_70 : memref<640x144xf32, #tpu.memory_space<hbm>>) dst(%dma_wait3A_67 : memref<640x144xf32, #tpu.memory_space<vmem_shared>>)
        tpu.yield
      }) : () -> ()
    } else {
    }
    %barrier3A = arith.constant 0 : index
    tpu.barrier barrier_id(%barrier3A)
    %iota3A = tpu.iota {dimensions = array<i32: 0>} : vector<16xi32>
    %add3A_9 = arith.constant 8 : i32
    %add3A_10 = vector.broadcast %add3A_9 : i32 to vector<16xi32>
    %add3A_11 = arith.addi %iota3A, %add3A_10 : vector<16xi32>
    %and3A = arith.constant 15 : i32
    %and3A_12 = vector.broadcast %and3A : i32 to vector<16xi32>
    %and3A_13 = arith.andi %add3A_11, %and3A_12 : vector<16xi32>
    %add3A_14 = arith.constant 4 : i32
    %add3A_15 = vector.broadcast %add3A_14 : i32 to vector<16xi32>
    %add3A_16 = arith.addi %iota3A, %add3A_15 : vector<16xi32>
    %and3A_17 = arith.constant 15 : i32
    %and3A_18 = vector.broadcast %and3A_17 : i32 to vector<16xi32>
    %and3A_19 = arith.andi %add3A_16, %and3A_18 : vector<16xi32>
    %add3A_20 = arith.constant 2 : i32
    %add3A_21 = vector.broadcast %add3A_20 : i32 to vector<16xi32>
    %add3A_22 = arith.addi %iota3A, %add3A_21 : vector<16xi32>
    %and3A_23 = arith.constant 15 : i32
    %and3A_24 = vector.broadcast %and3A_23 : i32 to vector<16xi32>
    %and3A_25 = arith.andi %add3A_22, %and3A_24 : vector<16xi32>
    %add3A_26 = arith.constant 1 : i32
    %add3A_27 = vector.broadcast %add3A_26 : i32 to vector<16xi32>
    %add3A_28 = arith.addi %iota3A, %add3A_27 : vector<16xi32>
    %and3A_29 = arith.constant 15 : i32
    %and3A_30 = vector.broadcast %and3A_29 : i32 to vector<16xi32>
    %and3A_31 = arith.andi %add3A_28, %and3A_30 : vector<16xi32>
    %scan3A = arith.constant 0 : i32
    %scan3A_32 = arith.constant 5 : i32
    %scan3A_33 = arith.addi %scan3A, %scan3A_32 : i32
    %scan3A_34 = arith.constant 1 : i32
    scf.for %scan3A_60 = %scan3A to %scan3A_33 step %scan3A_34  : i32 {
      %mul3A_61 = arith.constant 1 : i32
      %mul3A_62 = arith.muli %scan3A_60, %mul3A_61 : i32
      %add3A_63 = arith.constant 0 : i32
      %add3A_64 = arith.addi %add3A_63, %mul3A_62 : i32
      %gt3A = arith.constant 0 : i32
      %gt3A_65 = arith.cmpi sgt, %add3A_64, %gt3A : i32
      %convert_element_type3A_66 = arith.extui %gt3A_65 : i1 to i32
      %cond3A_67 = arith.constant 0 : i32
      %cond3A_68 = arith.cmpi ne, %convert_element_type3A_66, %cond3A_67 : i32
      scf.if %cond3A_68 {
        %dma_wait3A_102 = arith.constant 0 : i32
        %dma_wait3A_103 = arith.constant 0 : i32
        %dma_wait3A_104 = tpu.memref_slice %arg9[%dma_wait3A_102, %dma_wait3A_103] : memref<50x40xi32, #tpu.memory_space<vmem>> -> memref<1x40xi32, #tpu.memory_space<vmem>>
        %dma_wait3A_105 = tpu.memref_squeeze %dma_wait3A_104 : memref<1x40xi32, #tpu.memory_space<vmem>> -> memref<40xi32, #tpu.memory_space<vmem>>
        %dma_wait3A_106 = arith.constant 0 : i32
        %dma_wait3A_107 = arith.constant 0 : i32
        %dma_wait3A_108 = tpu.memref_slice %arg17[%dma_wait3A_106, %dma_wait3A_107] : memref<10000x144xf32, #tpu.memory_space<vmem_shared>> -> memref<10000x144xf32, #tpu.memory_space<vmem_shared>>
        tpu.wait_indirect_dma semaphore(%arg22 : memref<!tpu.dma_semaphore, #tpu.memory_space<semaphore_mem>>) src(%arg14 : memref<40x144xf32, #tpu.memory_space<vmem>>) dst(%dma_wait3A_108 : memref<10000x144xf32, #tpu.memory_space<vmem_shared>>)
        %dma_wait3A_109 = arith.constant 0 : i32
        %dma_wait3A_110 = arith.constant 0 : i32
        %dma_wait3A_111 = tpu.memref_slice %arg9[%dma_wait3A_109, %dma_wait3A_110] : memref<50x40xi32, #tpu.memory_space<vmem>> -> memref<1x40xi32, #tpu.memory_space<vmem>>
        %dma_wait3A_112 = tpu.memref_squeeze %dma_wait3A_111 : memref<1x40xi32, #tpu.memory_space<vmem>> -> memref<40xi32, #tpu.memory_space<vmem>>
        %dma_wait3A_113 = arith.constant 0 : i32
        %dma_wait3A_114 = arith.constant 0 : i32
        %dma_wait3A_115 = tpu.memref_slice %arg17[%dma_wait3A_113, %dma_wait3A_114] : memref<10000x144xf32, #tpu.memory_space<vmem_shared>> -> memref<10000x144xf32, #tpu.memory_space<vmem_shared>>
        tpu.wait_indirect_dma semaphore(%arg23 : memref<!tpu.dma_semaphore, #tpu.memory_space<semaphore_mem>>) src(%arg15 : memref<40x144xf32, #tpu.memory_space<vmem>>) dst(%dma_wait3A_115 : memref<10000x144xf32, #tpu.memory_space<vmem_shared>>)
      } else {
      }
      %run_scoped3A = arith.constant 0 : i32
      "tpu.region"() ({
        %run_scoped3A_102 = tpu.sem_alloc : memref<!tpu.dma_semaphore, #tpu.memory_space<semaphore_mem>>
        %dma_start3A_103 = arith.constant 0 : i32
        %dma_start3A_104 = arith.constant 0 : i32
        %dma_start3A_105 = tpu.memref_slice %arg5[%run_scoped3A, %add3A, %add3A_64, %dma_start3A_103, %dma_start3A_104] : memref<2x32x5x50x40xi32, #tpu.memory_space<hbm>> -> memref<1x1x1x50x40xi32, #tpu.memory_space<hbm>>
        %dma_start3A_106 = tpu.memref_squeeze %dma_start3A_105 : memref<1x1x1x50x40xi32, #tpu.memory_space<hbm>> -> memref<50x40xi32, #tpu.memory_space<hbm>>
        %dma_start3A_107 = arith.constant 0 : i32
        %dma_start3A_108 = arith.constant 0 : i32
        %dma_start3A_109 = tpu.memref_slice %arg5[%run_scoped3A, %add3A, %add3A_64, %dma_start3A_107, %dma_start3A_108] : memref<2x32x5x50x40xi32, #tpu.memory_space<hbm>> -> memref<1x1x1x50x40xi32, #tpu.memory_space<hbm>>
        %dma_start3A_110 = tpu.memref_squeeze %dma_start3A_109 : memref<1x1x1x50x40xi32, #tpu.memory_space<hbm>> -> memref<50x40xi32, #tpu.memory_space<hbm>>
        tpu.enqueue_dma source(%dma_start3A_110 : memref<50x40xi32, #tpu.memory_space<hbm>>) target(%arg8 : memref<50x40xi32, #tpu.memory_space<vmem>>) target_semaphore(%run_scoped3A_102 : memref<!tpu.dma_semaphore, #tpu.memory_space<semaphore_mem>>)
        %dma_wait3A_111 = arith.constant 0 : i32
        %dma_wait3A_112 = arith.constant 0 : i32
        %dma_wait3A_113 = tpu.memref_slice %arg5[%run_scoped3A, %add3A, %add3A_64, %dma_wait3A_111, %dma_wait3A_112] : memref<2x32x5x50x40xi32, #tpu.memory_space<hbm>> -> memref<1x1x1x50x40xi32, #tpu.memory_space<hbm>>
        %dma_wait3A_114 = tpu.memref_squeeze %dma_wait3A_113 : memref<1x1x1x50x40xi32, #tpu.memory_space<hbm>> -> memref<50x40xi32, #tpu.memory_space<hbm>>
        %dma_wait3A_115 = arith.constant 0 : i32
        %dma_wait3A_116 = arith.constant 0 : i32
        %dma_wait3A_117 = tpu.memref_slice %arg5[%run_scoped3A, %add3A, %add3A_64, %dma_wait3A_115, %dma_wait3A_116] : memref<2x32x5x50x40xi32, #tpu.memory_space<hbm>> -> memref<1x1x1x50x40xi32, #tpu.memory_space<hbm>>
        %dma_wait3A_118 = tpu.memref_squeeze %dma_wait3A_117 : memref<1x1x1x50x40xi32, #tpu.memory_space<hbm>> -> memref<50x40xi32, #tpu.memory_space<hbm>>
        tpu.wait_dma2 semaphore(%run_scoped3A_102 : memref<!tpu.dma_semaphore, #tpu.memory_space<semaphore_mem>>) src(%dma_wait3A_118 : memref<50x40xi32, #tpu.memory_space<hbm>>) dst(%arg8 : memref<50x40xi32, #tpu.memory_space<vmem>>)
        tpu.yield
      }) : () -> ()
      %run_scoped3A_69 = arith.constant 1 : i32
      "tpu.region"() ({
        %run_scoped3A_102 = tpu.sem_alloc : memref<!tpu.dma_semaphore, #tpu.memory_space<semaphore_mem>>
        %dma_start3A_103 = arith.constant 0 : i32
        %dma_start3A_104 = arith.constant 0 : i32
        %dma_start3A_105 = tpu.memref_slice %arg5[%run_scoped3A_69, %add3A, %add3A_64, %dma_start3A_103, %dma_start3A_104] : memref<2x32x5x50x40xi32, #tpu.memory_space<hbm>> -> memref<1x1x1x50x40xi32, #tpu.memory_space<hbm>>
        %dma_start3A_106 = tpu.memref_squeeze %dma_start3A_105 : memref<1x1x1x50x40xi32, #tpu.memory_space<hbm>> -> memref<50x40xi32, #tpu.memory_space<hbm>>
        %dma_start3A_107 = arith.constant 0 : i32
        %dma_start3A_108 = arith.constant 0 : i32
        %dma_start3A_109 = tpu.memref_slice %arg5[%run_scoped3A_69, %add3A, %add3A_64, %dma_start3A_107, %dma_start3A_108] : memref<2x32x5x50x40xi32, #tpu.memory_space<hbm>> -> memref<1x1x1x50x40xi32, #tpu.memory_space<hbm>>
        %dma_start3A_110 = tpu.memref_squeeze %dma_start3A_109 : memref<1x1x1x50x40xi32, #tpu.memory_space<hbm>> -> memref<50x40xi32, #tpu.memory_space<hbm>>
        tpu.enqueue_dma source(%dma_start3A_110 : memref<50x40xi32, #tpu.memory_space<hbm>>) target(%arg9 : memref<50x40xi32, #tpu.memory_space<vmem>>) target_semaphore(%run_scoped3A_102 : memref<!tpu.dma_semaphore, #tpu.memory_space<semaphore_mem>>)
        %dma_wait3A_111 = arith.constant 0 : i32
        %dma_wait3A_112 = arith.constant 0 : i32
        %dma_wait3A_113 = tpu.memref_slice %arg5[%run_scoped3A_69, %add3A, %add3A_64, %dma_wait3A_111, %dma_wait3A_112] : memref<2x32x5x50x40xi32, #tpu.memory_space<hbm>> -> memref<1x1x1x50x40xi32, #tpu.memory_space<hbm>>
        %dma_wait3A_114 = tpu.memref_squeeze %dma_wait3A_113 : memref<1x1x1x50x40xi32, #tpu.memory_space<hbm>> -> memref<50x40xi32, #tpu.memory_space<hbm>>
        %dma_wait3A_115 = arith.constant 0 : i32
        %dma_wait3A_116 = arith.constant 0 : i32
        %dma_wait3A_117 = tpu.memref_slice %arg5[%run_scoped3A_69, %add3A, %add3A_64, %dma_wait3A_115, %dma_wait3A_116] : memref<2x32x5x50x40xi32, #tpu.memory_space<hbm>> -> memref<1x1x1x50x40xi32, #tpu.memory_space<hbm>>
        %dma_wait3A_118 = tpu.memref_squeeze %dma_wait3A_117 : memref<1x1x1x50x40xi32, #tpu.memory_space<hbm>> -> memref<50x40xi32, #tpu.memory_space<hbm>>
        tpu.wait_dma2 semaphore(%run_scoped3A_102 : memref<!tpu.dma_semaphore, #tpu.memory_space<semaphore_mem>>) src(%dma_wait3A_118 : memref<50x40xi32, #tpu.memory_space<hbm>>) dst(%arg9 : memref<50x40xi32, #tpu.memory_space<vmem>>)
        tpu.yield
      }) : () -> ()
      %dma_start3A = arith.constant 0 : i32
      %dma_start3A_70 = arith.constant 0 : i32
      %dma_start3A_71 = tpu.memref_slice %arg8[%dma_start3A, %dma_start3A_70] : memref<50x40xi32, #tpu.memory_space<vmem>> -> memref<1x40xi32, #tpu.memory_space<vmem>>
      %dma_start3A_72 = tpu.memref_squeeze %dma_start3A_71 : memref<1x40xi32, #tpu.memory_space<vmem>> -> memref<40xi32, #tpu.memory_space<vmem>>
      %dma_start3A_73 = arith.constant 0 : i32
      %dma_start3A_74 = arith.constant 0 : i32
      %dma_start3A_75 = tpu.memref_slice %arg2[%dma_start3A_73, %dma_start3A_74] : memref<10000x144xf32, #tpu.memory_space<hbm>> -> memref<10000x144xf32, #tpu.memory_space<hbm>>
      tpu.enqueue_indirect_dma source(%dma_start3A_75 : memref<10000x144xf32, #tpu.memory_space<hbm>>) target(%arg10 : memref<40x144xf32, #tpu.memory_space<vmem>>) offsets(%dma_start3A_72 : memref<40xi32, #tpu.memory_space<vmem>>) semaphore(%arg18 : memref<!tpu.dma_semaphore, #tpu.memory_space<semaphore_mem>>)
      %dma_start3A_76 = arith.constant 0 : i32
      %dma_start3A_77 = arith.constant 0 : i32
      %dma_start3A_78 = tpu.memref_slice %arg9[%dma_start3A_76, %dma_start3A_77] : memref<50x40xi32, #tpu.memory_space<vmem>> -> memref<1x40xi32, #tpu.memory_space<vmem>>
      %dma_start3A_79 = tpu.memref_squeeze %dma_start3A_78 : memref<1x40xi32, #tpu.memory_space<vmem>> -> memref<40xi32, #tpu.memory_space<vmem>>
      %dma_start3A_80 = arith.constant 0 : i32
      %dma_start3A_81 = arith.constant 0 : i32
      %dma_start3A_82 = tpu.memref_slice %arg3[%dma_start3A_80, %dma_start3A_81] : memref<10000x16xf32, #tpu.memory_space<hbm>> -> memref<10000x16xf32, #tpu.memory_space<hbm>>
      tpu.enqueue_indirect_dma source(%dma_start3A_82 : memref<10000x16xf32, #tpu.memory_space<hbm>>) target(%arg12 : memref<40x16xf32, #tpu.memory_space<vmem>>) offsets(%dma_start3A_79 : memref<40xi32, #tpu.memory_space<vmem>>) semaphore(%arg20 : memref<!tpu.dma_semaphore, #tpu.memory_space<semaphore_mem>>)
      %dma_start3A_83 = arith.constant 1 : i32
      %dma_start3A_84 = arith.constant 0 : i32
      %dma_start3A_85 = tpu.memref_slice %arg8[%dma_start3A_83, %dma_start3A_84] : memref<50x40xi32, #tpu.memory_space<vmem>> -> memref<1x40xi32, #tpu.memory_space<vmem>>
      %dma_start3A_86 = tpu.memref_squeeze %dma_start3A_85 : memref<1x40xi32, #tpu.memory_space<vmem>> -> memref<40xi32, #tpu.memory_space<vmem>>
      %dma_start3A_87 = arith.constant 0 : i32
      %dma_start3A_88 = arith.constant 0 : i32
      %dma_start3A_89 = tpu.memref_slice %arg2[%dma_start3A_87, %dma_start3A_88] : memref<10000x144xf32, #tpu.memory_space<hbm>> -> memref<10000x144xf32, #tpu.memory_space<hbm>>
      tpu.enqueue_indirect_dma source(%dma_start3A_89 : memref<10000x144xf32, #tpu.memory_space<hbm>>) target(%arg11 : memref<40x144xf32, #tpu.memory_space<vmem>>) offsets(%dma_start3A_86 : memref<40xi32, #tpu.memory_space<vmem>>) semaphore(%arg19 : memref<!tpu.dma_semaphore, #tpu.memory_space<semaphore_mem>>)
      %dma_start3A_90 = arith.constant 1 : i32
      %dma_start3A_91 = arith.constant 0 : i32
      %dma_start3A_92 = tpu.memref_slice %arg9[%dma_start3A_90, %dma_start3A_91] : memref<50x40xi32, #tpu.memory_space<vmem>> -> memref<1x40xi32, #tpu.memory_space<vmem>>
      %dma_start3A_93 = tpu.memref_squeeze %dma_start3A_92 : memref<1x40xi32, #tpu.memory_space<vmem>> -> memref<40xi32, #tpu.memory_space<vmem>>
      %dma_start3A_94 = arith.constant 0 : i32
      %dma_start3A_95 = arith.constant 0 : i32
      %dma_start3A_96 = tpu.memref_slice %arg3[%dma_start3A_94, %dma_start3A_95] : memref<10000x16xf32, #tpu.memory_space<hbm>> -> memref<10000x16xf32, #tpu.memory_space<hbm>>
      tpu.enqueue_indirect_dma source(%dma_start3A_96 : memref<10000x16xf32, #tpu.memory_space<hbm>>) target(%arg13 : memref<40x16xf32, #tpu.memory_space<vmem>>) offsets(%dma_start3A_93 : memref<40xi32, #tpu.memory_space<vmem>>) semaphore(%arg21 : memref<!tpu.dma_semaphore, #tpu.memory_space<semaphore_mem>>)
      %scan3A_97 = arith.constant 0 : i32
      %scan3A_98 = arith.constant 25 : i32
      %scan3A_99 = arith.addi %scan3A_97, %scan3A_98 : i32
      %scan3A_100 = arith.constant 1 : i32
      scf.for %scan3A_102 = %scan3A_97 to %scan3A_99 step %scan3A_100  : i32 {
        %mul3A_103 = arith.constant 2 : i32
        %mul3A_104 = arith.muli %scan3A_102, %mul3A_103 : i32
        %add3A_105 = arith.constant 0 : i32
        %add3A_106 = arith.addi %add3A_105, %mul3A_104 : i32
        %dma_wait3A_107 = arith.constant 0 : i32
        %dma_wait3A_108 = tpu.memref_slice %arg8[%add3A_106, %dma_wait3A_107] : memref<50x40xi32, #tpu.memory_space<vmem>> -> memref<1x40xi32, #tpu.memory_space<vmem>>
        %dma_wait3A_109 = tpu.memref_squeeze %dma_wait3A_108 : memref<1x40xi32, #tpu.memory_space<vmem>> -> memref<40xi32, #tpu.memory_space<vmem>>
        %dma_wait3A_110 = arith.constant 0 : i32
        %dma_wait3A_111 = arith.constant 0 : i32
        %dma_wait3A_112 = tpu.memref_slice %arg2[%dma_wait3A_110, %dma_wait3A_111] : memref<10000x144xf32, #tpu.memory_space<hbm>> -> memref<10000x144xf32, #tpu.memory_space<hbm>>
        tpu.wait_indirect_dma semaphore(%arg18 : memref<!tpu.dma_semaphore, #tpu.memory_space<semaphore_mem>>) src(%dma_wait3A_112 : memref<10000x144xf32, #tpu.memory_space<hbm>>) dst(%arg10 : memref<40x144xf32, #tpu.memory_space<vmem>>)
        %dma_wait3A_113 = arith.constant 0 : i32
        %dma_wait3A_114 = tpu.memref_slice %arg9[%add3A_106, %dma_wait3A_113] : memref<50x40xi32, #tpu.memory_space<vmem>> -> memref<1x40xi32, #tpu.memory_space<vmem>>
        %dma_wait3A_115 = tpu.memref_squeeze %dma_wait3A_114 : memref<1x40xi32, #tpu.memory_space<vmem>> -> memref<40xi32, #tpu.memory_space<vmem>>
        %dma_wait3A_116 = arith.constant 0 : i32
        %dma_wait3A_117 = arith.constant 0 : i32
        %dma_wait3A_118 = tpu.memref_slice %arg3[%dma_wait3A_116, %dma_wait3A_117] : memref<10000x16xf32, #tpu.memory_space<hbm>> -> memref<10000x16xf32, #tpu.memory_space<hbm>>
        tpu.wait_indirect_dma semaphore(%arg20 : memref<!tpu.dma_semaphore, #tpu.memory_space<semaphore_mem>>) src(%dma_wait3A_118 : memref<10000x16xf32, #tpu.memory_space<hbm>>) dst(%arg12 : memref<40x16xf32, #tpu.memory_space<vmem>>)
        %ge3A = arith.constant 2 : i32
        %ge3A_119 = arith.cmpi sge, %add3A_106, %ge3A : i32
        %convert_element_type3A_120 = arith.extui %ge3A_119 : i1 to i32
        %cond3A_121 = arith.constant 0 : i32
        %cond3A_122 = arith.cmpi ne, %convert_element_type3A_120, %cond3A_121 : i32
        scf.if %cond3A_122 {
          %dma_wait3A_185 = arith.constant 0 : i32
          %dma_wait3A_186 = tpu.memref_slice %arg9[%add3A_106, %dma_wait3A_185] : memref<50x40xi32, #tpu.memory_space<vmem>> -> memref<1x40xi32, #tpu.memory_space<vmem>>
          %dma_wait3A_187 = tpu.memref_squeeze %dma_wait3A_186 : memref<1x40xi32, #tpu.memory_space<vmem>> -> memref<40xi32, #tpu.memory_space<vmem>>
          %dma_wait3A_188 = arith.constant 0 : i32
          %dma_wait3A_189 = arith.constant 0 : i32
          %dma_wait3A_190 = tpu.memref_slice %arg17[%dma_wait3A_188, %dma_wait3A_189] : memref<10000x144xf32, #tpu.memory_space<vmem_shared>> -> memref<10000x144xf32, #tpu.memory_space<vmem_shared>>
          tpu.wait_indirect_dma semaphore(%arg22 : memref<!tpu.dma_semaphore, #tpu.memory_space<semaphore_mem>>) src(%arg14 : memref<40x144xf32, #tpu.memory_space<vmem>>) dst(%dma_wait3A_190 : memref<10000x144xf32, #tpu.memory_space<vmem_shared>>)
        } else {
        }
        %get3A = arith.constant 2 : i32
        %get3A_123 = arith.index_cast %get3A : i32 to index
        %get3A_124 = arith.constant 0 : index
        %get3A_125 = tpu.vector_load %arg16[%get3A_123, %get3A_124] {strides = array<i32>} : memref<8x16xf32, #tpu.memory_space<vmem>>, vector<16xf32>,
        %scan3A_126 = arith.constant 0 : i32
        %scan3A_127 = arith.constant 40 : i32
        %scan3A_128 = arith.addi %scan3A_126, %scan3A_127 : i32
        %scan3A_129 = arith.constant 1 : i32
        scf.for %scan3A_185 = %scan3A_126 to %scan3A_128 step %scan3A_129  : i32 {
          %mul3A_186 = arith.constant 1 : i32
          %mul3A_187 = arith.muli %scan3A_185, %mul3A_186 : i32
          %add3A_188 = arith.constant 0 : i32
          %add3A_189 = arith.addi %add3A_188, %mul3A_187 : i32
          %broadcast_in_dim3A = vector.broadcast %add3A_189 : i32 to vector<16xi32>
          %get3A_190 = arith.index_cast %add3A_189 : i32 to index
          %get3A_191 = arith.constant 128 : index
          %get3A_192 = tpu.vector_load %arg10[%get3A_190, %get3A_191] {strides = array<i32>} : memref<40x144xf32, #tpu.memory_space<vmem>>, vector<16xf32>,
          %get3A_193 = arith.index_cast %add3A_189 : i32 to index
          %get3A_194 = arith.constant 0 : index
          %get3A_195 = tpu.vector_load %arg12[%get3A_193, %get3A_194] {strides = array<i32>} : memref<40x16xf32, #tpu.memory_space<vmem>>, vector<16xf32>,
          %add3A_196 = arith.addf %get3A_192, %get3A_195 : vector<16xf32>
          %ge3A_197 = arith.constant 0.000000e+00 : f32
          %ge3A_198 = vector.broadcast %ge3A_197 : f32 to vector<16xf32>
          %ge3A_199 = arith.cmpf oge, %add3A_196, %ge3A_198 : vector<16xf32>
          %mul3A_200 = arith.constant 2.000000e-01 : f32
          %mul3A_201 = vector.broadcast %mul3A_200 : f32 to vector<16xf32>
          %mul3A_202 = arith.mulf %mul3A_201, %add3A_196 : vector<16xf32>
          %select_n3A = arith.select %ge3A_199, %add3A_196, %mul3A_202 : vector<16xi1>, vector<16xf32>
          %sub3A = arith.subf %select_n3A, %get3A_125 : vector<16xf32>
          %exp3A = math.exp %sub3A : vector<16xf32>
          %swap3A = arith.index_cast %add3A_189 : i32 to index
          %swap3A_203 = arith.constant 128 : index
          %swap3A_204 = tpu.vector_load %arg14[%swap3A, %swap3A_203] {strides = array<i32>} : memref<40x144xf32, #tpu.memory_space<vmem>>, vector<16xf32>,
          tpu.vector_store %arg14[%swap3A, %swap3A_203], %exp3A {strides = array<i32>} : memref<40x144xf32, #tpu.memory_space<vmem>>, vector<16xf32>,
          %broadcast_in_dim3A_205 = arith.constant 128 : i32
          %broadcast_in_dim3A_206 = vector.broadcast %broadcast_in_dim3A_205 : i32 to vector<16xi32>
          %gather3A = tpu.vector_load_idx %arg14[%broadcast_in_dim3A, %broadcast_in_dim3A_206] : memref<40x144xf32, #tpu.memory_space<vmem>>[vector<16xi32>, vector<16xi32>], vector<16xf32>,
          %get3A_207 = arith.index_cast %add3A_189 : i32 to index
          %get3A_208 = arith.constant 0 : index
          %get3A_209 = tpu.vector_load %arg10[%get3A_207, %get3A_208] {strides = array<i32>} : memref<40x144xf32, #tpu.memory_space<vmem>>, vector<16xf32>,
          %mul3A_210 = arith.mulf %get3A_209, %gather3A : vector<16xf32>
          %swap3A_211 = arith.index_cast %add3A_189 : i32 to index
          %swap3A_212 = arith.constant 0 : index
          %swap3A_213 = tpu.vector_load %arg14[%swap3A_211, %swap3A_212] {strides = array<i32>} : memref<40x144xf32, #tpu.memory_space<vmem>>, vector<16xf32>,
          tpu.vector_store %arg14[%swap3A_211, %swap3A_212], %mul3A_210 {strides = array<i32>} : memref<40x144xf32, #tpu.memory_space<vmem>>, vector<16xf32>,
          %get3A_214 = arith.index_cast %add3A_189 : i32 to index
          %get3A_215 = arith.constant 16 : index
          %get3A_216 = tpu.vector_load %arg10[%get3A_214, %get3A_215] {strides = array<i32>} : memref<40x144xf32, #tpu.memory_space<vmem>>, vector<16xf32>,
          %mul3A_217 = arith.mulf %get3A_216, %gather3A : vector<16xf32>
          %swap3A_218 = arith.index_cast %add3A_189 : i32 to index
          %swap3A_219 = arith.constant 16 : index
          %swap3A_220 = tpu.vector_load %arg14[%swap3A_218, %swap3A_219] {strides = array<i32>} : memref<40x144xf32, #tpu.memory_space<vmem>>, vector<16xf32>,
          tpu.vector_store %arg14[%swap3A_218, %swap3A_219], %mul3A_217 {strides = array<i32>} : memref<40x144xf32, #tpu.memory_space<vmem>>, vector<16xf32>,
          %broadcast_in_dim3A_221 = arith.constant 129 : i32
          %broadcast_in_dim3A_222 = vector.broadcast %broadcast_in_dim3A_221 : i32 to vector<16xi32>
          %gather3A_223 = tpu.vector_load_idx %arg14[%broadcast_in_dim3A, %broadcast_in_dim3A_222] : memref<40x144xf32, #tpu.memory_space<vmem>>[vector<16xi32>, vector<16xi32>], vector<16xf32>,
          %get3A_224 = arith.index_cast %add3A_189 : i32 to index
          %get3A_225 = arith.constant 32 : index
          %get3A_226 = tpu.vector_load %arg10[%get3A_224, %get3A_225] {strides = array<i32>} : memref<40x144xf32, #tpu.memory_space<vmem>>, vector<16xf32>,
          %mul3A_227 = arith.mulf %get3A_226, %gather3A_223 : vector<16xf32>
          %swap3A_228 = arith.index_cast %add3A_189 : i32 to index
          %swap3A_229 = arith.constant 32 : index
          %swap3A_230 = tpu.vector_load %arg14[%swap3A_228, %swap3A_229] {strides = array<i32>} : memref<40x144xf32, #tpu.memory_space<vmem>>, vector<16xf32>,
          tpu.vector_store %arg14[%swap3A_228, %swap3A_229], %mul3A_227 {strides = array<i32>} : memref<40x144xf32, #tpu.memory_space<vmem>>, vector<16xf32>,
          %get3A_231 = arith.index_cast %add3A_189 : i32 to index
          %get3A_232 = arith.constant 48 : index
          %get3A_233 = tpu.vector_load %arg10[%get3A_231, %get3A_232] {strides = array<i32>} : memref<40x144xf32, #tpu.memory_space<vmem>>, vector<16xf32>,
          %mul3A_234 = arith.mulf %get3A_233, %gather3A_223 : vector<16xf32>
          %swap3A_235 = arith.index_cast %add3A_189 : i32 to index
          %swap3A_236 = arith.constant 48 : index
          %swap3A_237 = tpu.vector_load %arg14[%swap3A_235, %swap3A_236] {strides = array<i32>} : memref<40x144xf32, #tpu.memory_space<vmem>>, vector<16xf32>,
          tpu.vector_store %arg14[%swap3A_235, %swap3A_236], %mul3A_234 {strides = array<i32>} : memref<40x144xf32, #tpu.memory_space<vmem>>, vector<16xf32>,
          %broadcast_in_dim3A_238 = arith.constant 130 : i32
          %broadcast_in_dim3A_239 = vector.broadcast %broadcast_in_dim3A_238 : i32 to vector<16xi32>
          %gather3A_240 = tpu.vector_load_idx %arg14[%broadcast_in_dim3A, %broadcast_in_dim3A_239] : memref<40x144xf32, #tpu.memory_space<vmem>>[vector<16xi32>, vector<16xi32>], vector<16xf32>,
          %get3A_241 = arith.index_cast %add3A_189 : i32 to index
          %get3A_242 = arith.constant 64 : index
          %get3A_243 = tpu.vector_load %arg10[%get3A_241, %get3A_242] {strides = array<i32>} : memref<40x144xf32, #tpu.memory_space<vmem>>, vector<16xf32>,
          %mul3A_244 = arith.mulf %get3A_243, %gather3A_240 : vector<16xf32>
          %swap3A_245 = arith.index_cast %add3A_189 : i32 to index
          %swap3A_246 = arith.constant 64 : index
          %swap3A_247 = tpu.vector_load %arg14[%swap3A_245, %swap3A_246] {strides = array<i32>} : memref<40x144xf32, #tpu.memory_space<vmem>>, vector<16xf32>,
          tpu.vector_store %arg14[%swap3A_245, %swap3A_246], %mul3A_244 {strides = array<i32>} : memref<40x144xf32, #tpu.memory_space<vmem>>, vector<16xf32>,
          %get3A_248 = arith.index_cast %add3A_189 : i32 to index
          %get3A_249 = arith.constant 80 : index
          %get3A_250 = tpu.vector_load %arg10[%get3A_248, %get3A_249] {strides = array<i32>} : memref<40x144xf32, #tpu.memory_space<vmem>>, vector<16xf32>,
          %mul3A_251 = arith.mulf %get3A_250, %gather3A_240 : vector<16xf32>
          %swap3A_252 = arith.index_cast %add3A_189 : i32 to index
          %swap3A_253 = arith.constant 80 : index
          %swap3A_254 = tpu.vector_load %arg14[%swap3A_252, %swap3A_253] {strides = array<i32>} : memref<40x144xf32, #tpu.memory_space<vmem>>, vector<16xf32>,
          tpu.vector_store %arg14[%swap3A_252, %swap3A_253], %mul3A_251 {strides = array<i32>} : memref<40x144xf32, #tpu.memory_space<vmem>>, vector<16xf32>,
          %broadcast_in_dim3A_255 = arith.constant 131 : i32
          %broadcast_in_dim3A_256 = vector.broadcast %broadcast_in_dim3A_255 : i32 to vector<16xi32>
          %gather3A_257 = tpu.vector_load_idx %arg14[%broadcast_in_dim3A, %broadcast_in_dim3A_256] : memref<40x144xf32, #tpu.memory_space<vmem>>[vector<16xi32>, vector<16xi32>], vector<16xf32>,
          %get3A_258 = arith.index_cast %add3A_189 : i32 to index
          %get3A_259 = arith.constant 96 : index
          %get3A_260 = tpu.vector_load %arg10[%get3A_258, %get3A_259] {strides = array<i32>} : memref<40x144xf32, #tpu.memory_space<vmem>>, vector<16xf32>,
          %mul3A_261 = arith.mulf %get3A_260, %gather3A_257 : vector<16xf32>
          %swap3A_262 = arith.index_cast %add3A_189 : i32 to index
          %swap3A_263 = arith.constant 96 : index
          %swap3A_264 = tpu.vector_load %arg14[%swap3A_262, %swap3A_263] {strides = array<i32>} : memref<40x144xf32, #tpu.memory_space<vmem>>, vector<16xf32>,
          tpu.vector_store %arg14[%swap3A_262, %swap3A_263], %mul3A_261 {strides = array<i32>} : memref<40x144xf32, #tpu.memory_space<vmem>>, vector<16xf32>,
          %get3A_265 = arith.index_cast %add3A_189 : i32 to index
          %get3A_266 = arith.constant 112 : index
          %get3A_267 = tpu.vector_load %arg10[%get3A_265, %get3A_266] {strides = array<i32>} : memref<40x144xf32, #tpu.memory_space<vmem>>, vector<16xf32>,
          %mul3A_268 = arith.mulf %get3A_267, %gather3A_257 : vector<16xf32>
          %swap3A_269 = arith.index_cast %add3A_189 : i32 to index
          %swap3A_270 = arith.constant 112 : index
          %swap3A_271 = tpu.vector_load %arg14[%swap3A_269, %swap3A_270] {strides = array<i32>} : memref<40x144xf32, #tpu.memory_space<vmem>>, vector<16xf32>,
          tpu.vector_store %arg14[%swap3A_269, %swap3A_270], %mul3A_268 {strides = array<i32>} : memref<40x144xf32, #tpu.memory_space<vmem>>, vector<16xf32>,
        }
        %scan3A_130 = arith.constant 40 : i32
        %dma_start3A_131 = arith.constant 0 : i32
        %dma_start3A_132 = tpu.memref_slice %arg9[%add3A_106, %dma_start3A_131] : memref<50x40xi32, #tpu.memory_space<vmem>> -> memref<1x40xi32, #tpu.memory_space<vmem>>
        %dma_start3A_133 = tpu.memref_squeeze %dma_start3A_132 : memref<1x40xi32, #tpu.memory_space<vmem>> -> memref<40xi32, #tpu.memory_space<vmem>>
        %dma_start3A_134 = arith.constant 0 : i32
        %dma_start3A_135 = arith.constant 0 : i32
        %dma_start3A_136 = tpu.memref_slice %arg17[%dma_start3A_134, %dma_start3A_135] : memref<10000x144xf32, #tpu.memory_space<vmem_shared>> -> memref<10000x144xf32, #tpu.memory_space<vmem_shared>>
        tpu.enqueue_indirect_dma source(%arg14 : memref<40x144xf32, #tpu.memory_space<vmem>>) target(%dma_start3A_136 : memref<10000x144xf32, #tpu.memory_space<vmem_shared>>) offsets(%dma_start3A_133 : memref<40xi32, #tpu.memory_space<vmem>>) semaphore(%arg22 : memref<!tpu.dma_semaphore, #tpu.memory_space<semaphore_mem>>) {add = true}
        %add3A_137 = arith.constant 2 : i32
        %add3A_138 = arith.addi %add3A_106, %add3A_137 : i32
        %lt3A_139 = arith.constant 50 : i32
        %lt3A_140 = arith.cmpi slt, %add3A_138, %lt3A_139 : i32
        %convert_element_type3A_141 = arith.extui %lt3A_140 : i1 to i32
        %cond3A_142 = arith.constant 0 : i32
        %cond3A_143 = arith.cmpi ne, %convert_element_type3A_141, %cond3A_142 : i32
        scf.if %cond3A_143 {
          %add3A_185 = arith.constant 2 : i32
          %add3A_186 = arith.addi %add3A_106, %add3A_185 : i32
          %dma_start3A_187 = arith.constant 0 : i32
          %dma_start3A_188 = tpu.memref_slice %arg8[%add3A_186, %dma_start3A_187] : memref<50x40xi32, #tpu.memory_space<vmem>> -> memref<1x40xi32, #tpu.memory_space<vmem>>
          %dma_start3A_189 = tpu.memref_squeeze %dma_start3A_188 : memref<1x40xi32, #tpu.memory_space<vmem>> -> memref<40xi32, #tpu.memory_space<vmem>>
          %dma_start3A_190 = arith.constant 0 : i32
          %dma_start3A_191 = arith.constant 0 : i32
          %dma_start3A_192 = tpu.memref_slice %arg2[%dma_start3A_190, %dma_start3A_191] : memref<10000x144xf32, #tpu.memory_space<hbm>> -> memref<10000x144xf32, #tpu.memory_space<hbm>>
          tpu.enqueue_indirect_dma source(%dma_start3A_192 : memref<10000x144xf32, #tpu.memory_space<hbm>>) target(%arg10 : memref<40x144xf32, #tpu.memory_space<vmem>>) offsets(%dma_start3A_189 : memref<40xi32, #tpu.memory_space<vmem>>) semaphore(%arg18 : memref<!tpu.dma_semaphore, #tpu.memory_space<semaphore_mem>>)
          %dma_start3A_193 = arith.constant 0 : i32
          %dma_start3A_194 = tpu.memref_slice %arg9[%add3A_186, %dma_start3A_193] : memref<50x40xi32, #tpu.memory_space<vmem>> -> memref<1x40xi32, #tpu.memory_space<vmem>>
          %dma_start3A_195 = tpu.memref_squeeze %dma_start3A_194 : memref<1x40xi32, #tpu.memory_space<vmem>> -> memref<40xi32, #tpu.memory_space<vmem>>
          %dma_start3A_196 = arith.constant 0 : i32
          %dma_start3A_197 = arith.constant 0 : i32
          %dma_start3A_198 = tpu.memref_slice %arg3[%dma_start3A_196, %dma_start3A_197] : memref<10000x16xf32, #tpu.memory_space<hbm>> -> memref<10000x16xf32, #tpu.memory_space<hbm>>
          tpu.enqueue_indirect_dma source(%dma_start3A_198 : memref<10000x16xf32, #tpu.memory_space<hbm>>) target(%arg12 : memref<40x16xf32, #tpu.memory_space<vmem>>) offsets(%dma_start3A_195 : memref<40xi32, #tpu.memory_space<vmem>>) semaphore(%arg20 : memref<!tpu.dma_semaphore, #tpu.memory_space<semaphore_mem>>)
        } else {
        }
        %add3A_144 = arith.constant 1 : i32
        %add3A_145 = arith.addi %add3A_106, %add3A_144 : i32
        %dma_wait3A_146 = arith.constant 0 : i32
        %dma_wait3A_147 = tpu.memref_slice %arg8[%add3A_145, %dma_wait3A_146] : memref<50x40xi32, #tpu.memory_space<vmem>> -> memref<1x40xi32, #tpu.memory_space<vmem>>
        %dma_wait3A_148 = tpu.memref_squeeze %dma_wait3A_147 : memref<1x40xi32, #tpu.memory_space<vmem>> -> memref<40xi32, #tpu.memory_space<vmem>>
        %dma_wait3A_149 = arith.constant 0 : i32
        %dma_wait3A_150 = arith.constant 0 : i32
        %dma_wait3A_151 = tpu.memref_slice %arg2[%dma_wait3A_149, %dma_wait3A_150] : memref<10000x144xf32, #tpu.memory_space<hbm>> -> memref<10000x144xf32, #tpu.memory_space<hbm>>
        tpu.wait_indirect_dma semaphore(%arg19 : memref<!tpu.dma_semaphore, #tpu.memory_space<semaphore_mem>>) src(%dma_wait3A_151 : memref<10000x144xf32, #tpu.memory_space<hbm>>) dst(%arg11 : memref<40x144xf32, #tpu.memory_space<vmem>>)
        %dma_wait3A_152 = arith.constant 0 : i32
        %dma_wait3A_153 = tpu.memref_slice %arg9[%add3A_145, %dma_wait3A_152] : memref<50x40xi32, #tpu.memory_space<vmem>> -> memref<1x40xi32, #tpu.memory_space<vmem>>
        %dma_wait3A_154 = tpu.memref_squeeze %dma_wait3A_153 : memref<1x40xi32, #tpu.memory_space<vmem>> -> memref<40xi32, #tpu.memory_space<vmem>>
        %dma_wait3A_155 = arith.constant 0 : i32
        %dma_wait3A_156 = arith.constant 0 : i32
        %dma_wait3A_157 = tpu.memref_slice %arg3[%dma_wait3A_155, %dma_wait3A_156] : memref<10000x16xf32, #tpu.memory_space<hbm>> -> memref<10000x16xf32, #tpu.memory_space<hbm>>
        tpu.wait_indirect_dma semaphore(%arg21 : memref<!tpu.dma_semaphore, #tpu.memory_space<semaphore_mem>>) src(%dma_wait3A_157 : memref<10000x16xf32, #tpu.memory_space<hbm>>) dst(%arg13 : memref<40x16xf32, #tpu.memory_space<vmem>>)
        %ge3A_158 = arith.constant 2 : i32
        %ge3A_159 = arith.cmpi sge, %add3A_145, %ge3A_158 : i32
        %convert_element_type3A_160 = arith.extui %ge3A_159 : i1 to i32
        %cond3A_161 = arith.constant 0 : i32
        %cond3A_162 = arith.cmpi ne, %convert_element_type3A_160, %cond3A_161 : i32
        scf.if %cond3A_162 {
          %dma_wait3A_185 = arith.constant 0 : i32
          %dma_wait3A_186 = tpu.memref_slice %arg9[%add3A_145, %dma_wait3A_185] : memref<50x40xi32, #tpu.memory_space<vmem>> -> memref<1x40xi32, #tpu.memory_space<vmem>>
          %dma_wait3A_187 = tpu.memref_squeeze %dma_wait3A_186 : memref<1x40xi32, #tpu.memory_space<vmem>> -> memref<40xi32, #tpu.memory_space<vmem>>
          %dma_wait3A_188 = arith.constant 0 : i32
          %dma_wait3A_189 = arith.constant 0 : i32
          %dma_wait3A_190 = tpu.memref_slice %arg17[%dma_wait3A_188, %dma_wait3A_189] : memref<10000x144xf32, #tpu.memory_space<vmem_shared>> -> memref<10000x144xf32, #tpu.memory_space<vmem_shared>>
          tpu.wait_indirect_dma semaphore(%arg23 : memref<!tpu.dma_semaphore, #tpu.memory_space<semaphore_mem>>) src(%arg15 : memref<40x144xf32, #tpu.memory_space<vmem>>) dst(%dma_wait3A_190 : memref<10000x144xf32, #tpu.memory_space<vmem_shared>>)
        } else {
        }
        %get3A_163 = arith.constant 2 : i32
        %get3A_164 = arith.index_cast %get3A_163 : i32 to index
        %get3A_165 = arith.constant 0 : index
        %get3A_166 = tpu.vector_load %arg16[%get3A_164, %get3A_165] {strides = array<i32>} : memref<8x16xf32, #tpu.memory_space<vmem>>, vector<16xf32>,
        %scan3A_167 = arith.constant 0 : i32
        %scan3A_168 = arith.constant 40 : i32
        %scan3A_169 = arith.addi %scan3A_167, %scan3A_168 : i32
        %scan3A_170 = arith.constant 1 : i32
        scf.for %scan3A_185 = %scan3A_167 to %scan3A_169 step %scan3A_170  : i32 {
          %mul3A_186 = arith.constant 1 : i32
          %mul3A_187 = arith.muli %scan3A_185, %mul3A_186 : i32
          %add3A_188 = arith.constant 0 : i32
          %add3A_189 = arith.addi %add3A_188, %mul3A_187 : i32
          %broadcast_in_dim3A = vector.broadcast %add3A_189 : i32 to vector<16xi32>
          %get3A_190 = arith.index_cast %add3A_189 : i32 to index
          %get3A_191 = arith.constant 128 : index
          %get3A_192 = tpu.vector_load %arg11[%get3A_190, %get3A_191] {strides = array<i32>} : memref<40x144xf32, #tpu.memory_space<vmem>>, vector<16xf32>,
          %get3A_193 = arith.index_cast %add3A_189 : i32 to index
          %get3A_194 = arith.constant 0 : index
          %get3A_195 = tpu.vector_load %arg13[%get3A_193, %get3A_194] {strides = array<i32>} : memref<40x16xf32, #tpu.memory_space<vmem>>, vector<16xf32>,
          %add3A_196 = arith.addf %get3A_192, %get3A_195 : vector<16xf32>
          %ge3A_197 = arith.constant 0.000000e+00 : f32
          %ge3A_198 = vector.broadcast %ge3A_197 : f32 to vector<16xf32>
          %ge3A_199 = arith.cmpf oge, %add3A_196, %ge3A_198 : vector<16xf32>
          %mul3A_200 = arith.constant 2.000000e-01 : f32
          %mul3A_201 = vector.broadcast %mul3A_200 : f32 to vector<16xf32>
          %mul3A_202 = arith.mulf %mul3A_201, %add3A_196 : vector<16xf32>
          %select_n3A = arith.select %ge3A_199, %add3A_196, %mul3A_202 : vector<16xi1>, vector<16xf32>
          %sub3A = arith.subf %select_n3A, %get3A_166 : vector<16xf32>
          %exp3A = math.exp %sub3A : vector<16xf32>
          %swap3A = arith.index_cast %add3A_189 : i32 to index
          %swap3A_203 = arith.constant 128 : index
          %swap3A_204 = tpu.vector_load %arg15[%swap3A, %swap3A_203] {strides = array<i32>} : memref<40x144xf32, #tpu.memory_space<vmem>>, vector<16xf32>,
          tpu.vector_store %arg15[%swap3A, %swap3A_203], %exp3A {strides = array<i32>} : memref<40x144xf32, #tpu.memory_space<vmem>>, vector<16xf32>,
          %broadcast_in_dim3A_205 = arith.constant 128 : i32
          %broadcast_in_dim3A_206 = vector.broadcast %broadcast_in_dim3A_205 : i32 to vector<16xi32>
          %gather3A = tpu.vector_load_idx %arg15[%broadcast_in_dim3A, %broadcast_in_dim3A_206] : memref<40x144xf32, #tpu.memory_space<vmem>>[vector<16xi32>, vector<16xi32>], vector<16xf32>,
          %get3A_207 = arith.index_cast %add3A_189 : i32 to index
          %get3A_208 = arith.constant 0 : index
          %get3A_209 = tpu.vector_load %arg11[%get3A_207, %get3A_208] {strides = array<i32>} : memref<40x144xf32, #tpu.memory_space<vmem>>, vector<16xf32>,
          %mul3A_210 = arith.mulf %get3A_209, %gather3A : vector<16xf32>
          %swap3A_211 = arith.index_cast %add3A_189 : i32 to index
          %swap3A_212 = arith.constant 0 : index
          %swap3A_213 = tpu.vector_load %arg15[%swap3A_211, %swap3A_212] {strides = array<i32>} : memref<40x144xf32, #tpu.memory_space<vmem>>, vector<16xf32>,
          tpu.vector_store %arg15[%swap3A_211, %swap3A_212], %mul3A_210 {strides = array<i32>} : memref<40x144xf32, #tpu.memory_space<vmem>>, vector<16xf32>,
          %get3A_214 = arith.index_cast %add3A_189 : i32 to index
          %get3A_215 = arith.constant 16 : index
          %get3A_216 = tpu.vector_load %arg11[%get3A_214, %get3A_215] {strides = array<i32>} : memref<40x144xf32, #tpu.memory_space<vmem>>, vector<16xf32>,
          %mul3A_217 = arith.mulf %get3A_216, %gather3A : vector<16xf32>
          %swap3A_218 = arith.index_cast %add3A_189 : i32 to index
          %swap3A_219 = arith.constant 16 : index
          %swap3A_220 = tpu.vector_load %arg15[%swap3A_218, %swap3A_219] {strides = array<i32>} : memref<40x144xf32, #tpu.memory_space<vmem>>, vector<16xf32>,
          tpu.vector_store %arg15[%swap3A_218, %swap3A_219], %mul3A_217 {strides = array<i32>} : memref<40x144xf32, #tpu.memory_space<vmem>>, vector<16xf32>,
          %broadcast_in_dim3A_221 = arith.constant 129 : i32
          %broadcast_in_dim3A_222 = vector.broadcast %broadcast_in_dim3A_221 : i32 to vector<16xi32>
          %gather3A_223 = tpu.vector_load_idx %arg15[%broadcast_in_dim3A, %broadcast_in_dim3A_222] : memref<40x144xf32, #tpu.memory_space<vmem>>[vector<16xi32>, vector<16xi32>], vector<16xf32>,
          %get3A_224 = arith.index_cast %add3A_189 : i32 to index
          %get3A_225 = arith.constant 32 : index
          %get3A_226 = tpu.vector_load %arg11[%get3A_224, %get3A_225] {strides = array<i32>} : memref<40x144xf32, #tpu.memory_space<vmem>>, vector<16xf32>,
          %mul3A_227 = arith.mulf %get3A_226, %gather3A_223 : vector<16xf32>
          %swap3A_228 = arith.index_cast %add3A_189 : i32 to index
          %swap3A_229 = arith.constant 32 : index
          %swap3A_230 = tpu.vector_load %arg15[%swap3A_228, %swap3A_229] {strides = array<i32>} : memref<40x144xf32, #tpu.memory_space<vmem>>, vector<16xf32>,
          tpu.vector_store %arg15[%swap3A_228, %swap3A_229], %mul3A_227 {strides = array<i32>} : memref<40x144xf32, #tpu.memory_space<vmem>>, vector<16xf32>,
          %get3A_231 = arith.index_cast %add3A_189 : i32 to index
          %get3A_232 = arith.constant 48 : index
          %get3A_233 = tpu.vector_load %arg11[%get3A_231, %get3A_232] {strides = array<i32>} : memref<40x144xf32, #tpu.memory_space<vmem>>, vector<16xf32>,
          %mul3A_234 = arith.mulf %get3A_233, %gather3A_223 : vector<16xf32>
          %swap3A_235 = arith.index_cast %add3A_189 : i32 to index
          %swap3A_236 = arith.constant 48 : index
          %swap3A_237 = tpu.vector_load %arg15[%swap3A_235, %swap3A_236] {strides = array<i32>} : memref<40x144xf32, #tpu.memory_space<vmem>>, vector<16xf32>,
          tpu.vector_store %arg15[%swap3A_235, %swap3A_236], %mul3A_234 {strides = array<i32>} : memref<40x144xf32, #tpu.memory_space<vmem>>, vector<16xf32>,
          %broadcast_in_dim3A_238 = arith.constant 130 : i32
          %broadcast_in_dim3A_239 = vector.broadcast %broadcast_in_dim3A_238 : i32 to vector<16xi32>
          %gather3A_240 = tpu.vector_load_idx %arg15[%broadcast_in_dim3A, %broadcast_in_dim3A_239] : memref<40x144xf32, #tpu.memory_space<vmem>>[vector<16xi32>, vector<16xi32>], vector<16xf32>,
          %get3A_241 = arith.index_cast %add3A_189 : i32 to index
          %get3A_242 = arith.constant 64 : index
          %get3A_243 = tpu.vector_load %arg11[%get3A_241, %get3A_242] {strides = array<i32>} : memref<40x144xf32, #tpu.memory_space<vmem>>, vector<16xf32>,
          %mul3A_244 = arith.mulf %get3A_243, %gather3A_240 : vector<16xf32>
          %swap3A_245 = arith.index_cast %add3A_189 : i32 to index
          %swap3A_246 = arith.constant 64 : index
          %swap3A_247 = tpu.vector_load %arg15[%swap3A_245, %swap3A_246] {strides = array<i32>} : memref<40x144xf32, #tpu.memory_space<vmem>>, vector<16xf32>,
          tpu.vector_store %arg15[%swap3A_245, %swap3A_246], %mul3A_244 {strides = array<i32>} : memref<40x144xf32, #tpu.memory_space<vmem>>, vector<16xf32>,
          %get3A_248 = arith.index_cast %add3A_189 : i32 to index
          %get3A_249 = arith.constant 80 : index
          %get3A_250 = tpu.vector_load %arg11[%get3A_248, %get3A_249] {strides = array<i32>} : memref<40x144xf32, #tpu.memory_space<vmem>>, vector<16xf32>,
          %mul3A_251 = arith.mulf %get3A_250, %gather3A_240 : vector<16xf32>
          %swap3A_252 = arith.index_cast %add3A_189 : i32 to index
          %swap3A_253 = arith.constant 80 : index
          %swap3A_254 = tpu.vector_load %arg15[%swap3A_252, %swap3A_253] {strides = array<i32>} : memref<40x144xf32, #tpu.memory_space<vmem>>, vector<16xf32>,
          tpu.vector_store %arg15[%swap3A_252, %swap3A_253], %mul3A_251 {strides = array<i32>} : memref<40x144xf32, #tpu.memory_space<vmem>>, vector<16xf32>,
          %broadcast_in_dim3A_255 = arith.constant 131 : i32
          %broadcast_in_dim3A_256 = vector.broadcast %broadcast_in_dim3A_255 : i32 to vector<16xi32>
          %gather3A_257 = tpu.vector_load_idx %arg15[%broadcast_in_dim3A, %broadcast_in_dim3A_256] : memref<40x144xf32, #tpu.memory_space<vmem>>[vector<16xi32>, vector<16xi32>], vector<16xf32>,
          %get3A_258 = arith.index_cast %add3A_189 : i32 to index
          %get3A_259 = arith.constant 96 : index
          %get3A_260 = tpu.vector_load %arg11[%get3A_258, %get3A_259] {strides = array<i32>} : memref<40x144xf32, #tpu.memory_space<vmem>>, vector<16xf32>,
          %mul3A_261 = arith.mulf %get3A_260, %gather3A_257 : vector<16xf32>
          %swap3A_262 = arith.index_cast %add3A_189 : i32 to index
          %swap3A_263 = arith.constant 96 : index
          %swap3A_264 = tpu.vector_load %arg15[%swap3A_262, %swap3A_263] {strides = array<i32>} : memref<40x144xf32, #tpu.memory_space<vmem>>, vector<16xf32>,
          tpu.vector_store %arg15[%swap3A_262, %swap3A_263], %mul3A_261 {strides = array<i32>} : memref<40x144xf32, #tpu.memory_space<vmem>>, vector<16xf32>,
          %get3A_265 = arith.index_cast %add3A_189 : i32 to index
          %get3A_266 = arith.constant 112 : index
          %get3A_267 = tpu.vector_load %arg11[%get3A_265, %get3A_266] {strides = array<i32>} : memref<40x144xf32, #tpu.memory_space<vmem>>, vector<16xf32>,
          %mul3A_268 = arith.mulf %get3A_267, %gather3A_257 : vector<16xf32>
          %swap3A_269 = arith.index_cast %add3A_189 : i32 to index
          %swap3A_270 = arith.constant 112 : index
          %swap3A_271 = tpu.vector_load %arg15[%swap3A_269, %swap3A_270] {strides = array<i32>} : memref<40x144xf32, #tpu.memory_space<vmem>>, vector<16xf32>,
          tpu.vector_store %arg15[%swap3A_269, %swap3A_270], %mul3A_268 {strides = array<i32>} : memref<40x144xf32, #tpu.memory_space<vmem>>, vector<16xf32>,
        }
        %scan3A_171 = arith.constant 40 : i32
        %dma_start3A_172 = arith.constant 0 : i32
        %dma_start3A_173 = tpu.memref_slice %arg9[%add3A_145, %dma_start3A_172] : memref<50x40xi32, #tpu.memory_space<vmem>> -> memref<1x40xi32, #tpu.memory_space<vmem>>
        %dma_start3A_174 = tpu.memref_squeeze %dma_start3A_173 : memref<1x40xi32, #tpu.memory_space<vmem>> -> memref<40xi32, #tpu.memory_space<vmem>>
        %dma_start3A_175 = arith.constant 0 : i32
        %dma_start3A_176 = arith.constant 0 : i32
        %dma_start3A_177 = tpu.memref_slice %arg17[%dma_start3A_175, %dma_start3A_176] : memref<10000x144xf32, #tpu.memory_space<vmem_shared>> -> memref<10000x144xf32, #tpu.memory_space<vmem_shared>>
        tpu.enqueue_indirect_dma source(%arg15 : memref<40x144xf32, #tpu.memory_space<vmem>>) target(%dma_start3A_177 : memref<10000x144xf32, #tpu.memory_space<vmem_shared>>) offsets(%dma_start3A_174 : memref<40xi32, #tpu.memory_space<vmem>>) semaphore(%arg23 : memref<!tpu.dma_semaphore, #tpu.memory_space<semaphore_mem>>) {add = true}
        %add3A_178 = arith.constant 2 : i32
        %add3A_179 = arith.addi %add3A_145, %add3A_178 : i32
        %lt3A_180 = arith.constant 50 : i32
        %lt3A_181 = arith.cmpi slt, %add3A_179, %lt3A_180 : i32
        %convert_element_type3A_182 = arith.extui %lt3A_181 : i1 to i32
        %cond3A_183 = arith.constant 0 : i32
        %cond3A_184 = arith.cmpi ne, %convert_element_type3A_182, %cond3A_183 : i32
        scf.if %cond3A_184 {
          %add3A_185 = arith.constant 2 : i32
          %add3A_186 = arith.addi %add3A_145, %add3A_185 : i32
          %dma_start3A_187 = arith.constant 0 : i32
          %dma_start3A_188 = tpu.memref_slice %arg8[%add3A_186, %dma_start3A_187] : memref<50x40xi32, #tpu.memory_space<vmem>> -> memref<1x40xi32, #tpu.memory_space<vmem>>
          %dma_start3A_189 = tpu.memref_squeeze %dma_start3A_188 : memref<1x40xi32, #tpu.memory_space<vmem>> -> memref<40xi32, #tpu.memory_space<vmem>>
          %dma_start3A_190 = arith.constant 0 : i32
          %dma_start3A_191 = arith.constant 0 : i32
          %dma_start3A_192 = tpu.memref_slice %arg2[%dma_start3A_190, %dma_start3A_191] : memref<10000x144xf32, #tpu.memory_space<hbm>> -> memref<10000x144xf32, #tpu.memory_space<hbm>>
          tpu.enqueue_indirect_dma source(%dma_start3A_192 : memref<10000x144xf32, #tpu.memory_space<hbm>>) target(%arg11 : memref<40x144xf32, #tpu.memory_space<vmem>>) offsets(%dma_start3A_189 : memref<40xi32, #tpu.memory_space<vmem>>) semaphore(%arg19 : memref<!tpu.dma_semaphore, #tpu.memory_space<semaphore_mem>>)
          %dma_start3A_193 = arith.constant 0 : i32
          %dma_start3A_194 = tpu.memref_slice %arg9[%add3A_186, %dma_start3A_193] : memref<50x40xi32, #tpu.memory_space<vmem>> -> memref<1x40xi32, #tpu.memory_space<vmem>>
          %dma_start3A_195 = tpu.memref_squeeze %dma_start3A_194 : memref<1x40xi32, #tpu.memory_space<vmem>> -> memref<40xi32, #tpu.memory_space<vmem>>
          %dma_start3A_196 = arith.constant 0 : i32
          %dma_start3A_197 = arith.constant 0 : i32
          %dma_start3A_198 = tpu.memref_slice %arg3[%dma_start3A_196, %dma_start3A_197] : memref<10000x16xf32, #tpu.memory_space<hbm>> -> memref<10000x16xf32, #tpu.memory_space<hbm>>
          tpu.enqueue_indirect_dma source(%dma_start3A_198 : memref<10000x16xf32, #tpu.memory_space<hbm>>) target(%arg13 : memref<40x16xf32, #tpu.memory_space<vmem>>) offsets(%dma_start3A_195 : memref<40xi32, #tpu.memory_space<vmem>>) semaphore(%arg21 : memref<!tpu.dma_semaphore, #tpu.memory_space<semaphore_mem>>)
        } else {
        }
      }
      %scan3A_101 = arith.constant 25 : i32
    }
    %scan3A_35 = arith.constant 5 : i32
    %dma_wait3A = arith.constant 0 : i32
    %dma_wait3A_36 = arith.constant 0 : i32
    %dma_wait3A_37 = tpu.memref_slice %arg9[%dma_wait3A, %dma_wait3A_36] : memref<50x40xi32, #tpu.memory_space<vmem>> -> memref<1x40xi32, #tpu.memory_space<vmem>>
    %dma_wait3A_38 = tpu.memref_squeeze %dma_wait3A_37 : memref<1x40xi32, #tpu.memory_space<vmem>> -> memref<40xi32, #tpu.memory_space<vmem>>
    %dma_wait3A_39 = arith.constant 0 : i32
    %dma_wait3A_40 = arith.constant 0 : i32
    %dma_wait3A_41 = tpu.memref_slice %arg17[%dma_wait3A_39, %dma_wait3A_40] : memref<10000x144xf32, #tpu.memory_space<vmem_shared>> -> memref<10000x144xf32, #tpu.memory_space<vmem_shared>>
    tpu.wait_indirect_dma semaphore(%arg22 : memref<!tpu.dma_semaphore, #tpu.memory_space<semaphore_mem>>) src(%arg14 : memref<40x144xf32, #tpu.memory_space<vmem>>) dst(%dma_wait3A_41 : memref<10000x144xf32, #tpu.memory_space<vmem_shared>>)
    %dma_wait3A_42 = arith.constant 0 : i32
    %dma_wait3A_43 = arith.constant 0 : i32
    %dma_wait3A_44 = tpu.memref_slice %arg9[%dma_wait3A_42, %dma_wait3A_43] : memref<50x40xi32, #tpu.memory_space<vmem>> -> memref<1x40xi32, #tpu.memory_space<vmem>>
    %dma_wait3A_45 = tpu.memref_squeeze %dma_wait3A_44 : memref<1x40xi32, #tpu.memory_space<vmem>> -> memref<40xi32, #tpu.memory_space<vmem>>
    %dma_wait3A_46 = arith.constant 0 : i32
    %dma_wait3A_47 = arith.constant 0 : i32
    %dma_wait3A_48 = tpu.memref_slice %arg17[%dma_wait3A_46, %dma_wait3A_47] : memref<10000x144xf32, #tpu.memory_space<vmem_shared>> -> memref<10000x144xf32, #tpu.memory_space<vmem_shared>>
    tpu.wait_indirect_dma semaphore(%arg23 : memref<!tpu.dma_semaphore, #tpu.memory_space<semaphore_mem>>) src(%arg15 : memref<40x144xf32, #tpu.memory_space<vmem>>) dst(%dma_wait3A_48 : memref<10000x144xf32, #tpu.memory_space<vmem_shared>>)
    %barrier3A_49 = arith.constant 0 : index
    tpu.barrier barrier_id(%barrier3A_49)
    %lt3A_50 = arith.constant 15 : i32
    %lt3A_51 = arith.cmpi slt, %arg1, %lt3A_50 : i32
    %convert_element_type3A_52 = arith.extui %lt3A_51 : i1 to i32
    %cond3A_53 = arith.constant 0 : i32
    %cond3A_54 = arith.cmpi ne, %convert_element_type3A_52, %cond3A_53 : i32
    scf.if %cond3A_54 {
      "tpu.region"() ({
        %run_scoped3A = tpu.sem_alloc : memref<!tpu.dma_semaphore, #tpu.memory_space<semaphore_mem>>
        %dma_start3A = arith.constant 0 : i32
        %dma_start3A_60 = tpu.memref_slice %arg7[%arg0, %mul3A_2, %dma_start3A] : memref<2x10000x144xf32, #tpu.memory_space<hbm>> -> memref<1x624x144xf32, #tpu.memory_space<hbm>>
        %dma_start3A_61 = tpu.memref_squeeze %dma_start3A_60 : memref<1x624x144xf32, #tpu.memory_space<hbm>> -> memref<624x144xf32, #tpu.memory_space<hbm>>
        %dma_start3A_62 = arith.constant 0 : i32
        %dma_start3A_63 = tpu.memref_slice %arg17[%mul3A_2, %dma_start3A_62] : memref<10000x144xf32, #tpu.memory_space<vmem_shared>> -> memref<624x144xf32, #tpu.memory_space<vmem_shared>>
        tpu.enqueue_dma source(%dma_start3A_63 : memref<624x144xf32, #tpu.memory_space<vmem_shared>>) target(%dma_start3A_61 : memref<624x144xf32, #tpu.memory_space<hbm>>) target_semaphore(%run_scoped3A : memref<!tpu.dma_semaphore, #tpu.memory_space<semaphore_mem>>)
        %dma_wait3A_64 = arith.constant 0 : i32
        %dma_wait3A_65 = tpu.memref_slice %arg7[%arg0, %mul3A_2, %dma_wait3A_64] : memref<2x10000x144xf32, #tpu.memory_space<hbm>> -> memref<1x624x144xf32, #tpu.memory_space<hbm>>
        %dma_wait3A_66 = tpu.memref_squeeze %dma_wait3A_65 : memref<1x624x144xf32, #tpu.memory_space<hbm>> -> memref<624x144xf32, #tpu.memory_space<hbm>>
        %dma_wait3A_67 = arith.constant 0 : i32
        %dma_wait3A_68 = tpu.memref_slice %arg17[%mul3A_2, %dma_wait3A_67] : memref<10000x144xf32, #tpu.memory_space<vmem_shared>> -> memref<624x144xf32, #tpu.memory_space<vmem_shared>>
        tpu.wait_dma2 semaphore(%run_scoped3A : memref<!tpu.dma_semaphore, #tpu.memory_space<semaphore_mem>>) src(%dma_wait3A_68 : memref<624x144xf32, #tpu.memory_space<vmem_shared>>) dst(%dma_wait3A_66 : memref<624x144xf32, #tpu.memory_space<hbm>>)
        tpu.yield
      }) : () -> ()
    } else {
    }
    %eq3A_55 = arith.constant 15 : i32
    %eq3A_56 = arith.cmpi eq, %arg1, %eq3A_55 : i32
    %convert_element_type3A_57 = arith.extui %eq3A_56 : i1 to i32
    %cond3A_58 = arith.constant 0 : i32
    %cond3A_59 = arith.cmpi ne, %convert_element_type3A_57, %cond3A_58 : i32
    scf.if %cond3A_59 {
      "tpu.region"() ({
        %run_scoped3A = tpu.sem_alloc : memref<!tpu.dma_semaphore, #tpu.memory_space<semaphore_mem>>
        %dma_start3A = arith.constant 9360 : i32
        %dma_start3A_60 = arith.constant 0 : i32
        %dma_start3A_61 = tpu.memref_slice %arg7[%arg0, %dma_start3A, %dma_start3A_60] : memref<2x10000x144xf32, #tpu.memory_space<hbm>> -> memref<1x640x144xf32, #tpu.memory_space<hbm>>
        %dma_start3A_62 = tpu.memref_squeeze %dma_start3A_61 : memref<1x640x144xf32, #tpu.memory_space<hbm>> -> memref<640x144xf32, #tpu.memory_space<hbm>>
        %dma_start3A_63 = arith.constant 9360 : i32
        %dma_start3A_64 = arith.constant 0 : i32
        %dma_start3A_65 = tpu.memref_slice %arg17[%dma_start3A_63, %dma_start3A_64] : memref<10000x144xf32, #tpu.memory_space<vmem_shared>> -> memref<640x144xf32, #tpu.memory_space<vmem_shared>>
        tpu.enqueue_dma source(%dma_start3A_65 : memref<640x144xf32, #tpu.memory_space<vmem_shared>>) target(%dma_start3A_62 : memref<640x144xf32, #tpu.memory_space<hbm>>) target_semaphore(%run_scoped3A : memref<!tpu.dma_semaphore, #tpu.memory_space<semaphore_mem>>)
        %dma_wait3A_66 = arith.constant 9360 : i32
        %dma_wait3A_67 = arith.constant 0 : i32
        %dma_wait3A_68 = tpu.memref_slice %arg7[%arg0, %dma_wait3A_66, %dma_wait3A_67] : memref<2x10000x144xf32, #tpu.memory_space<hbm>> -> memref<1x640x144xf32, #tpu.memory_space<hbm>>
        %dma_wait3A_69 = tpu.memref_squeeze %dma_wait3A_68 : memref<1x640x144xf32, #tpu.memory_space<hbm>> -> memref<640x144xf32, #tpu.memory_space<hbm>>
        %dma_wait3A_70 = arith.constant 9360 : i32
        %dma_wait3A_71 = arith.constant 0 : i32
        %dma_wait3A_72 = tpu.memref_slice %arg17[%dma_wait3A_70, %dma_wait3A_71] : memref<10000x144xf32, #tpu.memory_space<vmem_shared>> -> memref<640x144xf32, #tpu.memory_space<vmem_shared>>
        tpu.wait_dma2 semaphore(%run_scoped3A : memref<!tpu.dma_semaphore, #tpu.memory_space<semaphore_mem>>) src(%dma_wait3A_72 : memref<640x144xf32, #tpu.memory_space<vmem_shared>>) dst(%dma_wait3A_69 : memref<640x144xf32, #tpu.memory_space<hbm>>)
        tpu.yield
      }) : () -> ()
    } else {
    }
    return
  }
}

#map = affine_map<(d0, d1) -> (0, 0)>
#map1 = affine_map<(d0, d1) -> (0, 0, 0, 0, 0)>
#map2 = affine_map<(d0, d1) -> (0, 0, 0)>
module attributes {stable_mosaic.version = 14 : i64} {
  func.func @edge_pass(%arg0: i32, %arg1: i32, %arg2: memref<10000x144xf32, #tpu.memory_space<hbm>>, %arg3: memref<10000x16xf32, #tpu.memory_space<hbm>>, %arg4: memref<8x16xf32, #tpu.memory_space<hbm>>, %arg5: memref<2x32x5x50x40xi32, #tpu.memory_space<hbm>>, %arg6: memref<10000x144xf32, #tpu.memory_space<hbm>>, %arg7: memref<2x10000x144xf32, #tpu.memory_space<hbm>>, %arg8: memref<50x40xi32, #tpu.memory_space<vmem>>, %arg9: memref<50x40xi32, #tpu.memory_space<vmem>>, %arg10: memref<40x144xf32, #tpu.memory_space<vmem>>, %arg11: memref<40x144xf32, #tpu.memory_space<vmem>>, %arg12: memref<40x16xf32, #tpu.memory_space<vmem>>, %arg13: memref<40x16xf32, #tpu.memory_space<vmem>>, %arg14: memref<40x144xf32, #tpu.memory_space<vmem>>, %arg15: memref<40x144xf32, #tpu.memory_space<vmem>>, %arg16: memref<8x16xf32, #tpu.memory_space<vmem>>, %arg17: memref<10000x144xf32, #tpu.memory_space<vmem_shared>>, %arg18: memref<!tpu.dma_semaphore, #tpu.memory_space<semaphore_mem>>, %arg19: memref<!tpu.dma_semaphore, #tpu.memory_space<semaphore_mem>>, %arg20: memref<!tpu.dma_semaphore, #tpu.memory_space<semaphore_mem>>, %arg21: memref<!tpu.dma_semaphore, #tpu.memory_space<semaphore_mem>>, %arg22: memref<!tpu.dma_semaphore, #tpu.memory_space<semaphore_mem>>, %arg23: memref<!tpu.dma_semaphore, #tpu.memory_space<semaphore_mem>>) attributes {dimension_semantics = [#tpu.dimension_semantics<core_parallel>, #tpu.dimension_semantics<subcore_parallel>], iteration_bounds = array<i64: 2, 16>, scalar_prefetch = 0 : i64, scratch_operands = 16 : i64, tpu.core_type = #tpu.core_type<sc_vector_subcore>, window_params = [{transform_indices = #map}, {transform_indices = #map}, {transform_indices = #map}, {transform_indices = #map1}, {transform_indices = #map}, {transform_indices = #map2}]} {
    %mul3A = arith.constant 2 : i32
    %mul3A_0 = arith.muli %arg1, %mul3A : i32
    %add3A = arith.addi %mul3A_0, %arg0 : i32
    "tpu.region"() ({
      %run_scoped3A = tpu.sem_alloc : memref<!tpu.dma_semaphore, #tpu.memory_space<semaphore_mem>>
      tpu.enqueue_dma source(%arg4 : memref<8x16xf32, #tpu.memory_space<hbm>>) target(%arg16 : memref<8x16xf32, #tpu.memory_space<vmem>>) target_semaphore(%run_scoped3A : memref<!tpu.dma_semaphore, #tpu.memory_space<semaphore_mem>>)
      tpu.wait_dma2 semaphore(%run_scoped3A : memref<!tpu.dma_semaphore, #tpu.memory_space<semaphore_mem>>) src(%arg4 : memref<8x16xf32, #tpu.memory_space<hbm>>) dst(%arg16 : memref<8x16xf32, #tpu.memory_space<vmem>>)
      tpu.yield
    }) : () -> ()
    %mul3A_1 = arith.constant 624 : i32
    %mul3A_2 = arith.muli %arg1, %mul3A_1 : i32
    %lt3A = arith.constant 15 : i32
    %lt3A_3 = arith.cmpi slt, %arg1, %lt3A : i32
    %convert_element_type3A = arith.extui %lt3A_3 : i1 to i32
    %cond3A = arith.constant 0 : i32
    %cond3A_4 = arith.cmpi ne, %convert_element_type3A, %cond3A : i32
    scf.if %cond3A_4 {
      "tpu.region"() ({
        %run_scoped3A = tpu.sem_alloc : memref<!tpu.dma_semaphore, #tpu.memory_space<semaphore_mem>>
        %dma_start3A = arith.constant 0 : i32
        %dma_start3A_60 = tpu.memref_slice %arg17[%mul3A_2, %dma_start3A] : memref<10000x144xf32, #tpu.memory_space<vmem_shared>> -> memref<624x144xf32, #tpu.memory_space<vmem_shared>>
        %dma_start3A_61 = arith.constant 0 : i32
        %dma_start3A_62 = tpu.memref_slice %arg6[%mul3A_2, %dma_start3A_61] : memref<10000x144xf32, #tpu.memory_space<hbm>> -> memref<624x144xf32, #tpu.memory_space<hbm>>
        tpu.enqueue_dma source(%dma_start3A_62 : memref<624x144xf32, #tpu.memory_space<hbm>>) target(%dma_start3A_60 : memref<624x144xf32, #tpu.memory_space<vmem_shared>>) target_semaphore(%run_scoped3A : memref<!tpu.dma_semaphore, #tpu.memory_space<semaphore_mem>>)
        %dma_wait3A_63 = arith.constant 0 : i32
        %dma_wait3A_64 = tpu.memref_slice %arg17[%mul3A_2, %dma_wait3A_63] : memref<10000x144xf32, #tpu.memory_space<vmem_shared>> -> memref<624x144xf32, #tpu.memory_space<vmem_shared>>
        %dma_wait3A_65 = arith.constant 0 : i32
        %dma_wait3A_66 = tpu.memref_slice %arg6[%mul3A_2, %dma_wait3A_65] : memref<10000x144xf32, #tpu.memory_space<hbm>> -> memref<624x144xf32, #tpu.memory_space<hbm>>
        tpu.wait_dma2 semaphore(%run_scoped3A : memref<!tpu.dma_semaphore, #tpu.memory_space<semaphore_mem>>) src(%dma_wait3A_66 : memref<624x144xf32, #tpu.memory_space<hbm>>) dst(%dma_wait3A_64 : memref<624x144xf32, #tpu.memory_space<vmem_shared>>)
        tpu.yield
      }) : () -> ()
    } else {
    }
    %eq3A = arith.constant 15 : i32
    %eq3A_5 = arith.cmpi eq, %arg1, %eq3A : i32
    %convert_element_type3A_6 = arith.extui %eq3A_5 : i1 to i32
    %cond3A_7 = arith.constant 0 : i32
    %cond3A_8 = arith.cmpi ne, %convert_element_type3A_6, %cond3A_7 : i32
    scf.if %cond3A_8 {
      "tpu.region"() ({
        %run_scoped3A = tpu.sem_alloc : memref<!tpu.dma_semaphore, #tpu.memory_space<semaphore_mem>>
        %dma_start3A = arith.constant 9360 : i32
        %dma_start3A_60 = arith.constant 0 : i32
        %dma_start3A_61 = tpu.memref_slice %arg17[%dma_start3A, %dma_start3A_60] : memref<10000x144xf32, #tpu.memory_space<vmem_shared>> -> memref<640x144xf32, #tpu.memory_space<vmem_shared>>
        %dma_start3A_62 = arith.constant 9360 : i32
        %dma_start3A_63 = arith.constant 0 : i32
        %dma_start3A_64 = tpu.memref_slice %arg6[%dma_start3A_62, %dma_start3A_63] : memref<10000x144xf32, #tpu.memory_space<hbm>> -> memref<640x144xf32, #tpu.memory_space<hbm>>
        tpu.enqueue_dma source(%dma_start3A_64 : memref<640x144xf32, #tpu.memory_space<hbm>>) target(%dma_start3A_61 : memref<640x144xf32, #tpu.memory_space<vmem_shared>>) target_semaphore(%run_scoped3A : memref<!tpu.dma_semaphore, #tpu.memory_space<semaphore_mem>>)
        %dma_wait3A_65 = arith.constant 9360 : i32
        %dma_wait3A_66 = arith.constant 0 : i32
        %dma_wait3A_67 = tpu.memref_slice %arg17[%dma_wait3A_65, %dma_wait3A_66] : memref<10000x144xf32, #tpu.memory_space<vmem_shared>> -> memref<640x144xf32, #tpu.memory_space<vmem_shared>>
        %dma_wait3A_68 = arith.constant 9360 : i32
        %dma_wait3A_69 = arith.constant 0 : i32
        %dma_wait3A_70 = tpu.memref_slice %arg6[%dma_wait3A_68, %dma_wait3A_69] : memref<10000x144xf32, #tpu.memory_space<hbm>> -> memref<640x144xf32, #tpu.memory_space<hbm>>
        tpu.wait_dma2 semaphore(%run_scoped3A : memref<!tpu.dma_semaphore, #tpu.memory_space<semaphore_mem>>) src(%dma_wait3A_70 : memref<640x144xf32, #tpu.memory_space<hbm>>) dst(%dma_wait3A_67 : memref<640x144xf32, #tpu.memory_space<vmem_shared>>)
        tpu.yield
      }) : () -> ()
    } else {
    }
    %barrier3A = arith.constant 0 : index
    tpu.barrier barrier_id(%barrier3A)
    %iota3A = tpu.iota {dimensions = array<i32: 0>} : vector<16xi32>
    %add3A_9 = arith.constant 8 : i32
    %add3A_10 = vector.broadcast %add3A_9 : i32 to vector<16xi32>
    %add3A_11 = arith.addi %iota3A, %add3A_10 : vector<16xi32>
    %and3A = arith.constant 15 : i32
    %and3A_12 = vector.broadcast %and3A : i32 to vector<16xi32>
    %and3A_13 = arith.andi %add3A_11, %and3A_12 : vector<16xi32>
    %add3A_14 = arith.constant 4 : i32
    %add3A_15 = vector.broadcast %add3A_14 : i32 to vector<16xi32>
    %add3A_16 = arith.addi %iota3A, %add3A_15 : vector<16xi32>
    %and3A_17 = arith.constant 15 : i32
    %and3A_18 = vector.broadcast %and3A_17 : i32 to vector<16xi32>
    %and3A_19 = arith.andi %add3A_16, %and3A_18 : vector<16xi32>
    %add3A_20 = arith.constant 2 : i32
    %add3A_21 = vector.broadcast %add3A_20 : i32 to vector<16xi32>
    %add3A_22 = arith.addi %iota3A, %add3A_21 : vector<16xi32>
    %and3A_23 = arith.constant 15 : i32
    %and3A_24 = vector.broadcast %and3A_23 : i32 to vector<16xi32>
    %and3A_25 = arith.andi %add3A_22, %and3A_24 : vector<16xi32>
    %add3A_26 = arith.constant 1 : i32
    %add3A_27 = vector.broadcast %add3A_26 : i32 to vector<16xi32>
    %add3A_28 = arith.addi %iota3A, %add3A_27 : vector<16xi32>
    %and3A_29 = arith.constant 15 : i32
    %and3A_30 = vector.broadcast %and3A_29 : i32 to vector<16xi32>
    %and3A_31 = arith.andi %add3A_28, %and3A_30 : vector<16xi32>
    %scan3A = arith.constant 0 : i32
    %scan3A_32 = arith.constant 5 : i32
    %scan3A_33 = arith.addi %scan3A, %scan3A_32 : i32
    %scan3A_34 = arith.constant 1 : i32
    scf.for %scan3A_60 = %scan3A to %scan3A_33 step %scan3A_34  : i32 {
      %mul3A_61 = arith.constant 1 : i32
      %mul3A_62 = arith.muli %scan3A_60, %mul3A_61 : i32
      %add3A_63 = arith.constant 0 : i32
      %add3A_64 = arith.addi %add3A_63, %mul3A_62 : i32
      %gt3A = arith.constant 0 : i32
      %gt3A_65 = arith.cmpi sgt, %add3A_64, %gt3A : i32
      %convert_element_type3A_66 = arith.extui %gt3A_65 : i1 to i32
      %cond3A_67 = arith.constant 0 : i32
      %cond3A_68 = arith.cmpi ne, %convert_element_type3A_66, %cond3A_67 : i32
      scf.if %cond3A_68 {
        %dma_wait3A_102 = arith.constant 0 : i32
        %dma_wait3A_103 = arith.constant 0 : i32
        %dma_wait3A_104 = tpu.memref_slice %arg9[%dma_wait3A_102, %dma_wait3A_103] : memref<50x40xi32, #tpu.memory_space<vmem>> -> memref<1x40xi32, #tpu.memory_space<vmem>>
        %dma_wait3A_105 = tpu.memref_squeeze %dma_wait3A_104 : memref<1x40xi32, #tpu.memory_space<vmem>> -> memref<40xi32, #tpu.memory_space<vmem>>
        %dma_wait3A_106 = arith.constant 0 : i32
        %dma_wait3A_107 = arith.constant 0 : i32
        %dma_wait3A_108 = tpu.memref_slice %arg17[%dma_wait3A_106, %dma_wait3A_107] : memref<10000x144xf32, #tpu.memory_space<vmem_shared>> -> memref<10000x144xf32, #tpu.memory_space<vmem_shared>>
        tpu.wait_indirect_dma semaphore(%arg22 : memref<!tpu.dma_semaphore, #tpu.memory_space<semaphore_mem>>) src(%arg14 : memref<40x144xf32, #tpu.memory_space<vmem>>) dst(%dma_wait3A_108 : memref<10000x144xf32, #tpu.memory_space<vmem_shared>>)
        %dma_wait3A_109 = arith.constant 0 : i32
        %dma_wait3A_110 = arith.constant 0 : i32
        %dma_wait3A_111 = tpu.memref_slice %arg9[%dma_wait3A_109, %dma_wait3A_110] : memref<50x40xi32, #tpu.memory_space<vmem>> -> memref<1x40xi32, #tpu.memory_space<vmem>>
        %dma_wait3A_112 = tpu.memref_squeeze %dma_wait3A_111 : memref<1x40xi32, #tpu.memory_space<vmem>> -> memref<40xi32, #tpu.memory_space<vmem>>
        %dma_wait3A_113 = arith.constant 0 : i32
        %dma_wait3A_114 = arith.constant 0 : i32
        %dma_wait3A_115 = tpu.memref_slice %arg17[%dma_wait3A_113, %dma_wait3A_114] : memref<10000x144xf32, #tpu.memory_space<vmem_shared>> -> memref<10000x144xf32, #tpu.memory_space<vmem_shared>>
        tpu.wait_indirect_dma semaphore(%arg23 : memref<!tpu.dma_semaphore, #tpu.memory_space<semaphore_mem>>) src(%arg15 : memref<40x144xf32, #tpu.memory_space<vmem>>) dst(%dma_wait3A_115 : memref<10000x144xf32, #tpu.memory_space<vmem_shared>>)
      } else {
      }
      %run_scoped3A = arith.constant 0 : i32
      "tpu.region"() ({
        %run_scoped3A_102 = tpu.sem_alloc : memref<!tpu.dma_semaphore, #tpu.memory_space<semaphore_mem>>
        %dma_start3A_103 = arith.constant 0 : i32
        %dma_start3A_104 = arith.constant 0 : i32
        %dma_start3A_105 = tpu.memref_slice %arg5[%run_scoped3A, %add3A, %add3A_64, %dma_start3A_103, %dma_start3A_104] : memref<2x32x5x50x40xi32, #tpu.memory_space<hbm>> -> memref<1x1x1x50x40xi32, #tpu.memory_space<hbm>>
        %dma_start3A_106 = tpu.memref_squeeze %dma_start3A_105 : memref<1x1x1x50x40xi32, #tpu.memory_space<hbm>> -> memref<50x40xi32, #tpu.memory_space<hbm>>
        %dma_start3A_107 = arith.constant 0 : i32
        %dma_start3A_108 = arith.constant 0 : i32
        %dma_start3A_109 = tpu.memref_slice %arg5[%run_scoped3A, %add3A, %add3A_64, %dma_start3A_107, %dma_start3A_108] : memref<2x32x5x50x40xi32, #tpu.memory_space<hbm>> -> memref<1x1x1x50x40xi32, #tpu.memory_space<hbm>>
        %dma_start3A_110 = tpu.memref_squeeze %dma_start3A_109 : memref<1x1x1x50x40xi32, #tpu.memory_space<hbm>> -> memref<50x40xi32, #tpu.memory_space<hbm>>
        tpu.enqueue_dma source(%dma_start3A_110 : memref<50x40xi32, #tpu.memory_space<hbm>>) target(%arg8 : memref<50x40xi32, #tpu.memory_space<vmem>>) target_semaphore(%run_scoped3A_102 : memref<!tpu.dma_semaphore, #tpu.memory_space<semaphore_mem>>)
        %dma_wait3A_111 = arith.constant 0 : i32
        %dma_wait3A_112 = arith.constant 0 : i32
        %dma_wait3A_113 = tpu.memref_slice %arg5[%run_scoped3A, %add3A, %add3A_64, %dma_wait3A_111, %dma_wait3A_112] : memref<2x32x5x50x40xi32, #tpu.memory_space<hbm>> -> memref<1x1x1x50x40xi32, #tpu.memory_space<hbm>>
        %dma_wait3A_114 = tpu.memref_squeeze %dma_wait3A_113 : memref<1x1x1x50x40xi32, #tpu.memory_space<hbm>> -> memref<50x40xi32, #tpu.memory_space<hbm>>
        %dma_wait3A_115 = arith.constant 0 : i32
        %dma_wait3A_116 = arith.constant 0 : i32
        %dma_wait3A_117 = tpu.memref_slice %arg5[%run_scoped3A, %add3A, %add3A_64, %dma_wait3A_115, %dma_wait3A_116] : memref<2x32x5x50x40xi32, #tpu.memory_space<hbm>> -> memref<1x1x1x50x40xi32, #tpu.memory_space<hbm>>
        %dma_wait3A_118 = tpu.memref_squeeze %dma_wait3A_117 : memref<1x1x1x50x40xi32, #tpu.memory_space<hbm>> -> memref<50x40xi32, #tpu.memory_space<hbm>>
        tpu.wait_dma2 semaphore(%run_scoped3A_102 : memref<!tpu.dma_semaphore, #tpu.memory_space<semaphore_mem>>) src(%dma_wait3A_118 : memref<50x40xi32, #tpu.memory_space<hbm>>) dst(%arg8 : memref<50x40xi32, #tpu.memory_space<vmem>>)
        tpu.yield
      }) : () -> ()
      %run_scoped3A_69 = arith.constant 1 : i32
      "tpu.region"() ({
        %run_scoped3A_102 = tpu.sem_alloc : memref<!tpu.dma_semaphore, #tpu.memory_space<semaphore_mem>>
        %dma_start3A_103 = arith.constant 0 : i32
        %dma_start3A_104 = arith.constant 0 : i32
        %dma_start3A_105 = tpu.memref_slice %arg5[%run_scoped3A_69, %add3A, %add3A_64, %dma_start3A_103, %dma_start3A_104] : memref<2x32x5x50x40xi32, #tpu.memory_space<hbm>> -> memref<1x1x1x50x40xi32, #tpu.memory_space<hbm>>
        %dma_start3A_106 = tpu.memref_squeeze %dma_start3A_105 : memref<1x1x1x50x40xi32, #tpu.memory_space<hbm>> -> memref<50x40xi32, #tpu.memory_space<hbm>>
        %dma_start3A_107 = arith.constant 0 : i32
        %dma_start3A_108 = arith.constant 0 : i32
        %dma_start3A_109 = tpu.memref_slice %arg5[%run_scoped3A_69, %add3A, %add3A_64, %dma_start3A_107, %dma_start3A_108] : memref<2x32x5x50x40xi32, #tpu.memory_space<hbm>> -> memref<1x1x1x50x40xi32, #tpu.memory_space<hbm>>
        %dma_start3A_110 = tpu.memref_squeeze %dma_start3A_109 : memref<1x1x1x50x40xi32, #tpu.memory_space<hbm>> -> memref<50x40xi32, #tpu.memory_space<hbm>>
        tpu.enqueue_dma source(%dma_start3A_110 : memref<50x40xi32, #tpu.memory_space<hbm>>) target(%arg9 : memref<50x40xi32, #tpu.memory_space<vmem>>) target_semaphore(%run_scoped3A_102 : memref<!tpu.dma_semaphore, #tpu.memory_space<semaphore_mem>>)
        %dma_wait3A_111 = arith.constant 0 : i32
        %dma_wait3A_112 = arith.constant 0 : i32
        %dma_wait3A_113 = tpu.memref_slice %arg5[%run_scoped3A_69, %add3A, %add3A_64, %dma_wait3A_111, %dma_wait3A_112] : memref<2x32x5x50x40xi32, #tpu.memory_space<hbm>> -> memref<1x1x1x50x40xi32, #tpu.memory_space<hbm>>
        %dma_wait3A_114 = tpu.memref_squeeze %dma_wait3A_113 : memref<1x1x1x50x40xi32, #tpu.memory_space<hbm>> -> memref<50x40xi32, #tpu.memory_space<hbm>>
        %dma_wait3A_115 = arith.constant 0 : i32
        %dma_wait3A_116 = arith.constant 0 : i32
        %dma_wait3A_117 = tpu.memref_slice %arg5[%run_scoped3A_69, %add3A, %add3A_64, %dma_wait3A_115, %dma_wait3A_116] : memref<2x32x5x50x40xi32, #tpu.memory_space<hbm>> -> memref<1x1x1x50x40xi32, #tpu.memory_space<hbm>>
        %dma_wait3A_118 = tpu.memref_squeeze %dma_wait3A_117 : memref<1x1x1x50x40xi32, #tpu.memory_space<hbm>> -> memref<50x40xi32, #tpu.memory_space<hbm>>
        tpu.wait_dma2 semaphore(%run_scoped3A_102 : memref<!tpu.dma_semaphore, #tpu.memory_space<semaphore_mem>>) src(%dma_wait3A_118 : memref<50x40xi32, #tpu.memory_space<hbm>>) dst(%arg9 : memref<50x40xi32, #tpu.memory_space<vmem>>)
        tpu.yield
      }) : () -> ()
      %dma_start3A = arith.constant 0 : i32
      %dma_start3A_70 = arith.constant 0 : i32
      %dma_start3A_71 = tpu.memref_slice %arg8[%dma_start3A, %dma_start3A_70] : memref<50x40xi32, #tpu.memory_space<vmem>> -> memref<1x40xi32, #tpu.memory_space<vmem>>
      %dma_start3A_72 = tpu.memref_squeeze %dma_start3A_71 : memref<1x40xi32, #tpu.memory_space<vmem>> -> memref<40xi32, #tpu.memory_space<vmem>>
      %dma_start3A_73 = arith.constant 0 : i32
      %dma_start3A_74 = arith.constant 0 : i32
      %dma_start3A_75 = tpu.memref_slice %arg2[%dma_start3A_73, %dma_start3A_74] : memref<10000x144xf32, #tpu.memory_space<hbm>> -> memref<10000x144xf32, #tpu.memory_space<hbm>>
      tpu.enqueue_indirect_dma source(%dma_start3A_75 : memref<10000x144xf32, #tpu.memory_space<hbm>>) target(%arg10 : memref<40x144xf32, #tpu.memory_space<vmem>>) offsets(%dma_start3A_72 : memref<40xi32, #tpu.memory_space<vmem>>) semaphore(%arg18 : memref<!tpu.dma_semaphore, #tpu.memory_space<semaphore_mem>>)
      %dma_start3A_76 = arith.constant 0 : i32
      %dma_start3A_77 = arith.constant 0 : i32
      %dma_start3A_78 = tpu.memref_slice %arg9[%dma_start3A_76, %dma_start3A_77] : memref<50x40xi32, #tpu.memory_space<vmem>> -> memref<1x40xi32, #tpu.memory_space<vmem>>
      %dma_start3A_79 = tpu.memref_squeeze %dma_start3A_78 : memref<1x40xi32, #tpu.memory_space<vmem>> -> memref<40xi32, #tpu.memory_space<vmem>>
      %dma_start3A_80 = arith.constant 0 : i32
      %dma_start3A_81 = arith.constant 0 : i32
      %dma_start3A_82 = tpu.memref_slice %arg3[%dma_start3A_80, %dma_start3A_81] : memref<10000x16xf32, #tpu.memory_space<hbm>> -> memref<10000x16xf32, #tpu.memory_space<hbm>>
      tpu.enqueue_indirect_dma source(%dma_start3A_82 : memref<10000x16xf32, #tpu.memory_space<hbm>>) target(%arg12 : memref<40x16xf32, #tpu.memory_space<vmem>>) offsets(%dma_start3A_79 : memref<40xi32, #tpu.memory_space<vmem>>) semaphore(%arg20 : memref<!tpu.dma_semaphore, #tpu.memory_space<semaphore_mem>>)
      %dma_start3A_83 = arith.constant 1 : i32
      %dma_start3A_84 = arith.constant 0 : i32
      %dma_start3A_85 = tpu.memref_slice %arg8[%dma_start3A_83, %dma_start3A_84] : memref<50x40xi32, #tpu.memory_space<vmem>> -> memref<1x40xi32, #tpu.memory_space<vmem>>
      %dma_start3A_86 = tpu.memref_squeeze %dma_start3A_85 : memref<1x40xi32, #tpu.memory_space<vmem>> -> memref<40xi32, #tpu.memory_space<vmem>>
      %dma_start3A_87 = arith.constant 0 : i32
      %dma_start3A_88 = arith.constant 0 : i32
      %dma_start3A_89 = tpu.memref_slice %arg2[%dma_start3A_87, %dma_start3A_88] : memref<10000x144xf32, #tpu.memory_space<hbm>> -> memref<10000x144xf32, #tpu.memory_space<hbm>>
      tpu.enqueue_indirect_dma source(%dma_start3A_89 : memref<10000x144xf32, #tpu.memory_space<hbm>>) target(%arg11 : memref<40x144xf32, #tpu.memory_space<vmem>>) offsets(%dma_start3A_86 : memref<40xi32, #tpu.memory_space<vmem>>) semaphore(%arg19 : memref<!tpu.dma_semaphore, #tpu.memory_space<semaphore_mem>>)
      %dma_start3A_90 = arith.constant 1 : i32
      %dma_start3A_91 = arith.constant 0 : i32
      %dma_start3A_92 = tpu.memref_slice %arg9[%dma_start3A_90, %dma_start3A_91] : memref<50x40xi32, #tpu.memory_space<vmem>> -> memref<1x40xi32, #tpu.memory_space<vmem>>
      %dma_start3A_93 = tpu.memref_squeeze %dma_start3A_92 : memref<1x40xi32, #tpu.memory_space<vmem>> -> memref<40xi32, #tpu.memory_space<vmem>>
      %dma_start3A_94 = arith.constant 0 : i32
      %dma_start3A_95 = arith.constant 0 : i32
      %dma_start3A_96 = tpu.memref_slice %arg3[%dma_start3A_94, %dma_start3A_95] : memref<10000x16xf32, #tpu.memory_space<hbm>> -> memref<10000x16xf32, #tpu.memory_space<hbm>>
      tpu.enqueue_indirect_dma source(%dma_start3A_96 : memref<10000x16xf32, #tpu.memory_space<hbm>>) target(%arg13 : memref<40x16xf32, #tpu.memory_space<vmem>>) offsets(%dma_start3A_93 : memref<40xi32, #tpu.memory_space<vmem>>) semaphore(%arg21 : memref<!tpu.dma_semaphore, #tpu.memory_space<semaphore_mem>>)
      %scan3A_97 = arith.constant 0 : i32
      %scan3A_98 = arith.constant 25 : i32
      %scan3A_99 = arith.addi %scan3A_97, %scan3A_98 : i32
      %scan3A_100 = arith.constant 1 : i32
      scf.for %scan3A_102 = %scan3A_97 to %scan3A_99 step %scan3A_100  : i32 {
        %mul3A_103 = arith.constant 2 : i32
        %mul3A_104 = arith.muli %scan3A_102, %mul3A_103 : i32
        %add3A_105 = arith.constant 0 : i32
        %add3A_106 = arith.addi %add3A_105, %mul3A_104 : i32
        %dma_wait3A_107 = arith.constant 0 : i32
        %dma_wait3A_108 = tpu.memref_slice %arg8[%add3A_106, %dma_wait3A_107] : memref<50x40xi32, #tpu.memory_space<vmem>> -> memref<1x40xi32, #tpu.memory_space<vmem>>
        %dma_wait3A_109 = tpu.memref_squeeze %dma_wait3A_108 : memref<1x40xi32, #tpu.memory_space<vmem>> -> memref<40xi32, #tpu.memory_space<vmem>>
        %dma_wait3A_110 = arith.constant 0 : i32
        %dma_wait3A_111 = arith.constant 0 : i32
        %dma_wait3A_112 = tpu.memref_slice %arg2[%dma_wait3A_110, %dma_wait3A_111] : memref<10000x144xf32, #tpu.memory_space<hbm>> -> memref<10000x144xf32, #tpu.memory_space<hbm>>
        tpu.wait_indirect_dma semaphore(%arg18 : memref<!tpu.dma_semaphore, #tpu.memory_space<semaphore_mem>>) src(%dma_wait3A_112 : memref<10000x144xf32, #tpu.memory_space<hbm>>) dst(%arg10 : memref<40x144xf32, #tpu.memory_space<vmem>>)
        %dma_wait3A_113 = arith.constant 0 : i32
        %dma_wait3A_114 = tpu.memref_slice %arg9[%add3A_106, %dma_wait3A_113] : memref<50x40xi32, #tpu.memory_space<vmem>> -> memref<1x40xi32, #tpu.memory_space<vmem>>
        %dma_wait3A_115 = tpu.memref_squeeze %dma_wait3A_114 : memref<1x40xi32, #tpu.memory_space<vmem>> -> memref<40xi32, #tpu.memory_space<vmem>>
        %dma_wait3A_116 = arith.constant 0 : i32
        %dma_wait3A_117 = arith.constant 0 : i32
        %dma_wait3A_118 = tpu.memref_slice %arg3[%dma_wait3A_116, %dma_wait3A_117] : memref<10000x16xf32, #tpu.memory_space<hbm>> -> memref<10000x16xf32, #tpu.memory_space<hbm>>
        tpu.wait_indirect_dma semaphore(%arg20 : memref<!tpu.dma_semaphore, #tpu.memory_space<semaphore_mem>>) src(%dma_wait3A_118 : memref<10000x16xf32, #tpu.memory_space<hbm>>) dst(%arg12 : memref<40x16xf32, #tpu.memory_space<vmem>>)
        %ge3A = arith.constant 2 : i32
        %ge3A_119 = arith.cmpi sge, %add3A_106, %ge3A : i32
        %convert_element_type3A_120 = arith.extui %ge3A_119 : i1 to i32
        %cond3A_121 = arith.constant 0 : i32
        %cond3A_122 = arith.cmpi ne, %convert_element_type3A_120, %cond3A_121 : i32
        scf.if %cond3A_122 {
          %dma_wait3A_185 = arith.constant 0 : i32
          %dma_wait3A_186 = tpu.memref_slice %arg9[%add3A_106, %dma_wait3A_185] : memref<50x40xi32, #tpu.memory_space<vmem>> -> memref<1x40xi32, #tpu.memory_space<vmem>>
          %dma_wait3A_187 = tpu.memref_squeeze %dma_wait3A_186 : memref<1x40xi32, #tpu.memory_space<vmem>> -> memref<40xi32, #tpu.memory_space<vmem>>
          %dma_wait3A_188 = arith.constant 0 : i32
          %dma_wait3A_189 = arith.constant 0 : i32
          %dma_wait3A_190 = tpu.memref_slice %arg17[%dma_wait3A_188, %dma_wait3A_189] : memref<10000x144xf32, #tpu.memory_space<vmem_shared>> -> memref<10000x144xf32, #tpu.memory_space<vmem_shared>>
          tpu.wait_indirect_dma semaphore(%arg22 : memref<!tpu.dma_semaphore, #tpu.memory_space<semaphore_mem>>) src(%arg14 : memref<40x144xf32, #tpu.memory_space<vmem>>) dst(%dma_wait3A_190 : memref<10000x144xf32, #tpu.memory_space<vmem_shared>>)
        } else {
        }
        %get3A = arith.constant 2 : i32
        %get3A_123 = arith.index_cast %get3A : i32 to index
        %get3A_124 = arith.constant 0 : index
        %get3A_125 = tpu.vector_load %arg16[%get3A_123, %get3A_124] {strides = array<i32>} : memref<8x16xf32, #tpu.memory_space<vmem>>, vector<16xf32>,
        %scan3A_126 = arith.constant 0 : i32
        %scan3A_127 = arith.constant 40 : i32
        %scan3A_128 = arith.addi %scan3A_126, %scan3A_127 : i32
        %scan3A_129 = arith.constant 1 : i32
        scf.for %scan3A_185 = %scan3A_126 to %scan3A_128 step %scan3A_129  : i32 {
          %mul3A_186 = arith.constant 1 : i32
          %mul3A_187 = arith.muli %scan3A_185, %mul3A_186 : i32
          %add3A_188 = arith.constant 0 : i32
          %add3A_189 = arith.addi %add3A_188, %mul3A_187 : i32
          %broadcast_in_dim3A = vector.broadcast %add3A_189 : i32 to vector<16xi32>
          %get3A_190 = arith.index_cast %add3A_189 : i32 to index
          %get3A_191 = arith.constant 128 : index
          %get3A_192 = tpu.vector_load %arg10[%get3A_190, %get3A_191] {strides = array<i32>} : memref<40x144xf32, #tpu.memory_space<vmem>>, vector<16xf32>,
          %get3A_193 = arith.index_cast %add3A_189 : i32 to index
          %get3A_194 = arith.constant 0 : index
          %get3A_195 = tpu.vector_load %arg12[%get3A_193, %get3A_194] {strides = array<i32>} : memref<40x16xf32, #tpu.memory_space<vmem>>, vector<16xf32>,
          %add3A_196 = arith.addf %get3A_192, %get3A_195 : vector<16xf32>
          %ge3A_197 = arith.constant 0.000000e+00 : f32
          %ge3A_198 = vector.broadcast %ge3A_197 : f32 to vector<16xf32>
          %ge3A_199 = arith.cmpf oge, %add3A_196, %ge3A_198 : vector<16xf32>
          %mul3A_200 = arith.constant 2.000000e-01 : f32
          %mul3A_201 = vector.broadcast %mul3A_200 : f32 to vector<16xf32>
          %mul3A_202 = arith.mulf %mul3A_201, %add3A_196 : vector<16xf32>
          %select_n3A = arith.select %ge3A_199, %add3A_196, %mul3A_202 : vector<16xi1>, vector<16xf32>
          %sub3A = arith.subf %select_n3A, %get3A_125 : vector<16xf32>
          %exp3A = math.exp %sub3A : vector<16xf32>
          %swap3A = arith.index_cast %add3A_189 : i32 to index
          %swap3A_203 = arith.constant 128 : index
          %swap3A_204 = tpu.vector_load %arg14[%swap3A, %swap3A_203] {strides = array<i32>} : memref<40x144xf32, #tpu.memory_space<vmem>>, vector<16xf32>,
          tpu.vector_store %arg14[%swap3A, %swap3A_203], %exp3A {strides = array<i32>} : memref<40x144xf32, #tpu.memory_space<vmem>>, vector<16xf32>,
          %broadcast_in_dim3A_205 = arith.constant 128 : i32
          %broadcast_in_dim3A_206 = vector.broadcast %broadcast_in_dim3A_205 : i32 to vector<16xi32>
          %gather3A = tpu.vector_load_idx %arg14[%broadcast_in_dim3A, %broadcast_in_dim3A_206] : memref<40x144xf32, #tpu.memory_space<vmem>>[vector<16xi32>, vector<16xi32>], vector<16xf32>,
          %get3A_207 = arith.index_cast %add3A_189 : i32 to index
          %get3A_208 = arith.constant 0 : index
          %get3A_209 = tpu.vector_load %arg10[%get3A_207, %get3A_208] {strides = array<i32>} : memref<40x144xf32, #tpu.memory_space<vmem>>, vector<16xf32>,
          %mul3A_210 = arith.mulf %get3A_209, %gather3A : vector<16xf32>
          %swap3A_211 = arith.index_cast %add3A_189 : i32 to index
          %swap3A_212 = arith.constant 0 : index
          %swap3A_213 = tpu.vector_load %arg14[%swap3A_211, %swap3A_212] {strides = array<i32>} : memref<40x144xf32, #tpu.memory_space<vmem>>, vector<16xf32>,
          tpu.vector_store %arg14[%swap3A_211, %swap3A_212], %mul3A_210 {strides = array<i32>} : memref<40x144xf32, #tpu.memory_space<vmem>>, vector<16xf32>,
          %get3A_214 = arith.index_cast %add3A_189 : i32 to index
          %get3A_215 = arith.constant 16 : index
          %get3A_216 = tpu.vector_load %arg10[%get3A_214, %get3A_215] {strides = array<i32>} : memref<40x144xf32, #tpu.memory_space<vmem>>, vector<16xf32>,
          %mul3A_217 = arith.mulf %get3A_216, %gather3A : vector<16xf32>
          %swap3A_218 = arith.index_cast %add3A_189 : i32 to index
          %swap3A_219 = arith.constant 16 : index
          %swap3A_220 = tpu.vector_load %arg14[%swap3A_218, %swap3A_219] {strides = array<i32>} : memref<40x144xf32, #tpu.memory_space<vmem>>, vector<16xf32>,
          tpu.vector_store %arg14[%swap3A_218, %swap3A_219], %mul3A_217 {strides = array<i32>} : memref<40x144xf32, #tpu.memory_space<vmem>>, vector<16xf32>,
          %broadcast_in_dim3A_221 = arith.constant 129 : i32
          %broadcast_in_dim3A_222 = vector.broadcast %broadcast_in_dim3A_221 : i32 to vector<16xi32>
          %gather3A_223 = tpu.vector_load_idx %arg14[%broadcast_in_dim3A, %broadcast_in_dim3A_222] : memref<40x144xf32, #tpu.memory_space<vmem>>[vector<16xi32>, vector<16xi32>], vector<16xf32>,
          %get3A_224 = arith.index_cast %add3A_189 : i32 to index
          %get3A_225 = arith.constant 32 : index
          %get3A_226 = tpu.vector_load %arg10[%get3A_224, %get3A_225] {strides = array<i32>} : memref<40x144xf32, #tpu.memory_space<vmem>>, vector<16xf32>,
          %mul3A_227 = arith.mulf %get3A_226, %gather3A_223 : vector<16xf32>
          %swap3A_228 = arith.index_cast %add3A_189 : i32 to index
          %swap3A_229 = arith.constant 32 : index
          %swap3A_230 = tpu.vector_load %arg14[%swap3A_228, %swap3A_229] {strides = array<i32>} : memref<40x144xf32, #tpu.memory_space<vmem>>, vector<16xf32>,
          tpu.vector_store %arg14[%swap3A_228, %swap3A_229], %mul3A_227 {strides = array<i32>} : memref<40x144xf32, #tpu.memory_space<vmem>>, vector<16xf32>,
          %get3A_231 = arith.index_cast %add3A_189 : i32 to index
          %get3A_232 = arith.constant 48 : index
          %get3A_233 = tpu.vector_load %arg10[%get3A_231, %get3A_232] {strides = array<i32>} : memref<40x144xf32, #tpu.memory_space<vmem>>, vector<16xf32>,
          %mul3A_234 = arith.mulf %get3A_233, %gather3A_223 : vector<16xf32>
          %swap3A_235 = arith.index_cast %add3A_189 : i32 to index
          %swap3A_236 = arith.constant 48 : index
          %swap3A_237 = tpu.vector_load %arg14[%swap3A_235, %swap3A_236] {strides = array<i32>} : memref<40x144xf32, #tpu.memory_space<vmem>>, vector<16xf32>,
          tpu.vector_store %arg14[%swap3A_235, %swap3A_236], %mul3A_234 {strides = array<i32>} : memref<40x144xf32, #tpu.memory_space<vmem>>, vector<16xf32>,
          %broadcast_in_dim3A_238 = arith.constant 130 : i32
          %broadcast_in_dim3A_239 = vector.broadcast %broadcast_in_dim3A_238 : i32 to vector<16xi32>
          %gather3A_240 = tpu.vector_load_idx %arg14[%broadcast_in_dim3A, %broadcast_in_dim3A_239] : memref<40x144xf32, #tpu.memory_space<vmem>>[vector<16xi32>, vector<16xi32>], vector<16xf32>,
          %get3A_241 = arith.index_cast %add3A_189 : i32 to index
          %get3A_242 = arith.constant 64 : index
          %get3A_243 = tpu.vector_load %arg10[%get3A_241, %get3A_242] {strides = array<i32>} : memref<40x144xf32, #tpu.memory_space<vmem>>, vector<16xf32>,
          %mul3A_244 = arith.mulf %get3A_243, %gather3A_240 : vector<16xf32>
          %swap3A_245 = arith.index_cast %add3A_189 : i32 to index
          %swap3A_246 = arith.constant 64 : index
          %swap3A_247 = tpu.vector_load %arg14[%swap3A_245, %swap3A_246] {strides = array<i32>} : memref<40x144xf32, #tpu.memory_space<vmem>>, vector<16xf32>,
          tpu.vector_store %arg14[%swap3A_245, %swap3A_246], %mul3A_244 {strides = array<i32>} : memref<40x144xf32, #tpu.memory_space<vmem>>, vector<16xf32>,
          %get3A_248 = arith.index_cast %add3A_189 : i32 to index
          %get3A_249 = arith.constant 80 : index
          %get3A_250 = tpu.vector_load %arg10[%get3A_248, %get3A_249] {strides = array<i32>} : memref<40x144xf32, #tpu.memory_space<vmem>>, vector<16xf32>,
          %mul3A_251 = arith.mulf %get3A_250, %gather3A_240 : vector<16xf32>
          %swap3A_252 = arith.index_cast %add3A_189 : i32 to index
          %swap3A_253 = arith.constant 80 : index
          %swap3A_254 = tpu.vector_load %arg14[%swap3A_252, %swap3A_253] {strides = array<i32>} : memref<40x144xf32, #tpu.memory_space<vmem>>, vector<16xf32>,
          tpu.vector_store %arg14[%swap3A_252, %swap3A_253], %mul3A_251 {strides = array<i32>} : memref<40x144xf32, #tpu.memory_space<vmem>>, vector<16xf32>,
          %broadcast_in_dim3A_255 = arith.constant 131 : i32
          %broadcast_in_dim3A_256 = vector.broadcast %broadcast_in_dim3A_255 : i32 to vector<16xi32>
          %gather3A_257 = tpu.vector_load_idx %arg14[%broadcast_in_dim3A, %broadcast_in_dim3A_256] : memref<40x144xf32, #tpu.memory_space<vmem>>[vector<16xi32>, vector<16xi32>], vector<16xf32>,
          %get3A_258 = arith.index_cast %add3A_189 : i32 to index
          %get3A_259 = arith.constant 96 : index
          %get3A_260 = tpu.vector_load %arg10[%get3A_258, %get3A_259] {strides = array<i32>} : memref<40x144xf32, #tpu.memory_space<vmem>>, vector<16xf32>,
          %mul3A_261 = arith.mulf %get3A_260, %gather3A_257 : vector<16xf32>
          %swap3A_262 = arith.index_cast %add3A_189 : i32 to index
          %swap3A_263 = arith.constant 96 : index
          %swap3A_264 = tpu.vector_load %arg14[%swap3A_262, %swap3A_263] {strides = array<i32>} : memref<40x144xf32, #tpu.memory_space<vmem>>, vector<16xf32>,
          tpu.vector_store %arg14[%swap3A_262, %swap3A_263], %mul3A_261 {strides = array<i32>} : memref<40x144xf32, #tpu.memory_space<vmem>>, vector<16xf32>,
          %get3A_265 = arith.index_cast %add3A_189 : i32 to index
          %get3A_266 = arith.constant 112 : index
          %get3A_267 = tpu.vector_load %arg10[%get3A_265, %get3A_266] {strides = array<i32>} : memref<40x144xf32, #tpu.memory_space<vmem>>, vector<16xf32>,
          %mul3A_268 = arith.mulf %get3A_267, %gather3A_257 : vector<16xf32>
          %swap3A_269 = arith.index_cast %add3A_189 : i32 to index
          %swap3A_270 = arith.constant 112 : index
          %swap3A_271 = tpu.vector_load %arg14[%swap3A_269, %swap3A_270] {strides = array<i32>} : memref<40x144xf32, #tpu.memory_space<vmem>>, vector<16xf32>,
          tpu.vector_store %arg14[%swap3A_269, %swap3A_270], %mul3A_268 {strides = array<i32>} : memref<40x144xf32, #tpu.memory_space<vmem>>, vector<16xf32>,
        }
        %scan3A_130 = arith.constant 40 : i32
        %dma_start3A_131 = arith.constant 0 : i32
        %dma_start3A_132 = tpu.memref_slice %arg9[%add3A_106, %dma_start3A_131] : memref<50x40xi32, #tpu.memory_space<vmem>> -> memref<1x40xi32, #tpu.memory_space<vmem>>
        %dma_start3A_133 = tpu.memref_squeeze %dma_start3A_132 : memref<1x40xi32, #tpu.memory_space<vmem>> -> memref<40xi32, #tpu.memory_space<vmem>>
        %dma_start3A_134 = arith.constant 0 : i32
        %dma_start3A_135 = arith.constant 0 : i32
        %dma_start3A_136 = tpu.memref_slice %arg17[%dma_start3A_134, %dma_start3A_135] : memref<10000x144xf32, #tpu.memory_space<vmem_shared>> -> memref<10000x144xf32, #tpu.memory_space<vmem_shared>>
        tpu.enqueue_indirect_dma source(%arg14 : memref<40x144xf32, #tpu.memory_space<vmem>>) target(%dma_start3A_136 : memref<10000x144xf32, #tpu.memory_space<vmem_shared>>) offsets(%dma_start3A_133 : memref<40xi32, #tpu.memory_space<vmem>>) semaphore(%arg22 : memref<!tpu.dma_semaphore, #tpu.memory_space<semaphore_mem>>) {add = true}
        %add3A_137 = arith.constant 2 : i32
        %add3A_138 = arith.addi %add3A_106, %add3A_137 : i32
        %lt3A_139 = arith.constant 50 : i32
        %lt3A_140 = arith.cmpi slt, %add3A_138, %lt3A_139 : i32
        %convert_element_type3A_141 = arith.extui %lt3A_140 : i1 to i32
        %cond3A_142 = arith.constant 0 : i32
        %cond3A_143 = arith.cmpi ne, %convert_element_type3A_141, %cond3A_142 : i32
        scf.if %cond3A_143 {
          %add3A_185 = arith.constant 2 : i32
          %add3A_186 = arith.addi %add3A_106, %add3A_185 : i32
          %dma_start3A_187 = arith.constant 0 : i32
          %dma_start3A_188 = tpu.memref_slice %arg8[%add3A_186, %dma_start3A_187] : memref<50x40xi32, #tpu.memory_space<vmem>> -> memref<1x40xi32, #tpu.memory_space<vmem>>
          %dma_start3A_189 = tpu.memref_squeeze %dma_start3A_188 : memref<1x40xi32, #tpu.memory_space<vmem>> -> memref<40xi32, #tpu.memory_space<vmem>>
          %dma_start3A_190 = arith.constant 0 : i32
          %dma_start3A_191 = arith.constant 0 : i32
          %dma_start3A_192 = tpu.memref_slice %arg2[%dma_start3A_190, %dma_start3A_191] : memref<10000x144xf32, #tpu.memory_space<hbm>> -> memref<10000x144xf32, #tpu.memory_space<hbm>>
          tpu.enqueue_indirect_dma source(%dma_start3A_192 : memref<10000x144xf32, #tpu.memory_space<hbm>>) target(%arg10 : memref<40x144xf32, #tpu.memory_space<vmem>>) offsets(%dma_start3A_189 : memref<40xi32, #tpu.memory_space<vmem>>) semaphore(%arg18 : memref<!tpu.dma_semaphore, #tpu.memory_space<semaphore_mem>>)
          %dma_start3A_193 = arith.constant 0 : i32
          %dma_start3A_194 = tpu.memref_slice %arg9[%add3A_186, %dma_start3A_193] : memref<50x40xi32, #tpu.memory_space<vmem>> -> memref<1x40xi32, #tpu.memory_space<vmem>>
          %dma_start3A_195 = tpu.memref_squeeze %dma_start3A_194 : memref<1x40xi32, #tpu.memory_space<vmem>> -> memref<40xi32, #tpu.memory_space<vmem>>
          %dma_start3A_196 = arith.constant 0 : i32
          %dma_start3A_197 = arith.constant 0 : i32
          %dma_start3A_198 = tpu.memref_slice %arg3[%dma_start3A_196, %dma_start3A_197] : memref<10000x16xf32, #tpu.memory_space<hbm>> -> memref<10000x16xf32, #tpu.memory_space<hbm>>
          tpu.enqueue_indirect_dma source(%dma_start3A_198 : memref<10000x16xf32, #tpu.memory_space<hbm>>) target(%arg12 : memref<40x16xf32, #tpu.memory_space<vmem>>) offsets(%dma_start3A_195 : memref<40xi32, #tpu.memory_space<vmem>>) semaphore(%arg20 : memref<!tpu.dma_semaphore, #tpu.memory_space<semaphore_mem>>)
        } else {
        }
        %add3A_144 = arith.constant 1 : i32
        %add3A_145 = arith.addi %add3A_106, %add3A_144 : i32
        %dma_wait3A_146 = arith.constant 0 : i32
        %dma_wait3A_147 = tpu.memref_slice %arg8[%add3A_145, %dma_wait3A_146] : memref<50x40xi32, #tpu.memory_space<vmem>> -> memref<1x40xi32, #tpu.memory_space<vmem>>
        %dma_wait3A_148 = tpu.memref_squeeze %dma_wait3A_147 : memref<1x40xi32, #tpu.memory_space<vmem>> -> memref<40xi32, #tpu.memory_space<vmem>>
        %dma_wait3A_149 = arith.constant 0 : i32
        %dma_wait3A_150 = arith.constant 0 : i32
        %dma_wait3A_151 = tpu.memref_slice %arg2[%dma_wait3A_149, %dma_wait3A_150] : memref<10000x144xf32, #tpu.memory_space<hbm>> -> memref<10000x144xf32, #tpu.memory_space<hbm>>
        tpu.wait_indirect_dma semaphore(%arg19 : memref<!tpu.dma_semaphore, #tpu.memory_space<semaphore_mem>>) src(%dma_wait3A_151 : memref<10000x144xf32, #tpu.memory_space<hbm>>) dst(%arg11 : memref<40x144xf32, #tpu.memory_space<vmem>>)
        %dma_wait3A_152 = arith.constant 0 : i32
        %dma_wait3A_153 = tpu.memref_slice %arg9[%add3A_145, %dma_wait3A_152] : memref<50x40xi32, #tpu.memory_space<vmem>> -> memref<1x40xi32, #tpu.memory_space<vmem>>
        %dma_wait3A_154 = tpu.memref_squeeze %dma_wait3A_153 : memref<1x40xi32, #tpu.memory_space<vmem>> -> memref<40xi32, #tpu.memory_space<vmem>>
        %dma_wait3A_155 = arith.constant 0 : i32
        %dma_wait3A_156 = arith.constant 0 : i32
        %dma_wait3A_157 = tpu.memref_slice %arg3[%dma_wait3A_155, %dma_wait3A_156] : memref<10000x16xf32, #tpu.memory_space<hbm>> -> memref<10000x16xf32, #tpu.memory_space<hbm>>
        tpu.wait_indirect_dma semaphore(%arg21 : memref<!tpu.dma_semaphore, #tpu.memory_space<semaphore_mem>>) src(%dma_wait3A_157 : memref<10000x16xf32, #tpu.memory_space<hbm>>) dst(%arg13 : memref<40x16xf32, #tpu.memory_space<vmem>>)
        %ge3A_158 = arith.constant 2 : i32
        %ge3A_159 = arith.cmpi sge, %add3A_145, %ge3A_158 : i32
        %convert_element_type3A_160 = arith.extui %ge3A_159 : i1 to i32
        %cond3A_161 = arith.constant 0 : i32
        %cond3A_162 = arith.cmpi ne, %convert_element_type3A_160, %cond3A_161 : i32
        scf.if %cond3A_162 {
          %dma_wait3A_185 = arith.constant 0 : i32
          %dma_wait3A_186 = tpu.memref_slice %arg9[%add3A_145, %dma_wait3A_185] : memref<50x40xi32, #tpu.memory_space<vmem>> -> memref<1x40xi32, #tpu.memory_space<vmem>>
          %dma_wait3A_187 = tpu.memref_squeeze %dma_wait3A_186 : memref<1x40xi32, #tpu.memory_space<vmem>> -> memref<40xi32, #tpu.memory_space<vmem>>
          %dma_wait3A_188 = arith.constant 0 : i32
          %dma_wait3A_189 = arith.constant 0 : i32
          %dma_wait3A_190 = tpu.memref_slice %arg17[%dma_wait3A_188, %dma_wait3A_189] : memref<10000x144xf32, #tpu.memory_space<vmem_shared>> -> memref<10000x144xf32, #tpu.memory_space<vmem_shared>>
          tpu.wait_indirect_dma semaphore(%arg23 : memref<!tpu.dma_semaphore, #tpu.memory_space<semaphore_mem>>) src(%arg15 : memref<40x144xf32, #tpu.memory_space<vmem>>) dst(%dma_wait3A_190 : memref<10000x144xf32, #tpu.memory_space<vmem_shared>>)
        } else {
        }
        %get3A_163 = arith.constant 2 : i32
        %get3A_164 = arith.index_cast %get3A_163 : i32 to index
        %get3A_165 = arith.constant 0 : index
        %get3A_166 = tpu.vector_load %arg16[%get3A_164, %get3A_165] {strides = array<i32>} : memref<8x16xf32, #tpu.memory_space<vmem>>, vector<16xf32>,
        %scan3A_167 = arith.constant 0 : i32
        %scan3A_168 = arith.constant 40 : i32
        %scan3A_169 = arith.addi %scan3A_167, %scan3A_168 : i32
        %scan3A_170 = arith.constant 1 : i32
        scf.for %scan3A_185 = %scan3A_167 to %scan3A_169 step %scan3A_170  : i32 {
          %mul3A_186 = arith.constant 1 : i32
          %mul3A_187 = arith.muli %scan3A_185, %mul3A_186 : i32
          %add3A_188 = arith.constant 0 : i32
          %add3A_189 = arith.addi %add3A_188, %mul3A_187 : i32
          %broadcast_in_dim3A = vector.broadcast %add3A_189 : i32 to vector<16xi32>
          %get3A_190 = arith.index_cast %add3A_189 : i32 to index
          %get3A_191 = arith.constant 128 : index
          %get3A_192 = tpu.vector_load %arg11[%get3A_190, %get3A_191] {strides = array<i32>} : memref<40x144xf32, #tpu.memory_space<vmem>>, vector<16xf32>,
          %get3A_193 = arith.index_cast %add3A_189 : i32 to index
          %get3A_194 = arith.constant 0 : index
          %get3A_195 = tpu.vector_load %arg13[%get3A_193, %get3A_194] {strides = array<i32>} : memref<40x16xf32, #tpu.memory_space<vmem>>, vector<16xf32>,
          %add3A_196 = arith.addf %get3A_192, %get3A_195 : vector<16xf32>
          %ge3A_197 = arith.constant 0.000000e+00 : f32
          %ge3A_198 = vector.broadcast %ge3A_197 : f32 to vector<16xf32>
          %ge3A_199 = arith.cmpf oge, %add3A_196, %ge3A_198 : vector<16xf32>
          %mul3A_200 = arith.constant 2.000000e-01 : f32
          %mul3A_201 = vector.broadcast %mul3A_200 : f32 to vector<16xf32>
          %mul3A_202 = arith.mulf %mul3A_201, %add3A_196 : vector<16xf32>
          %select_n3A = arith.select %ge3A_199, %add3A_196, %mul3A_202 : vector<16xi1>, vector<16xf32>
          %sub3A = arith.subf %select_n3A, %get3A_166 : vector<16xf32>
          %exp3A = math.exp %sub3A : vector<16xf32>
          %swap3A = arith.index_cast %add3A_189 : i32 to index
          %swap3A_203 = arith.constant 128 : index
          %swap3A_204 = tpu.vector_load %arg15[%swap3A, %swap3A_203] {strides = array<i32>} : memref<40x144xf32, #tpu.memory_space<vmem>>, vector<16xf32>,
          tpu.vector_store %arg15[%swap3A, %swap3A_203], %exp3A {strides = array<i32>} : memref<40x144xf32, #tpu.memory_space<vmem>>, vector<16xf32>,
          %broadcast_in_dim3A_205 = arith.constant 128 : i32
          %broadcast_in_dim3A_206 = vector.broadcast %broadcast_in_dim3A_205 : i32 to vector<16xi32>
          %gather3A = tpu.vector_load_idx %arg15[%broadcast_in_dim3A, %broadcast_in_dim3A_206] : memref<40x144xf32, #tpu.memory_space<vmem>>[vector<16xi32>, vector<16xi32>], vector<16xf32>,
          %get3A_207 = arith.index_cast %add3A_189 : i32 to index
          %get3A_208 = arith.constant 0 : index
          %get3A_209 = tpu.vector_load %arg11[%get3A_207, %get3A_208] {strides = array<i32>} : memref<40x144xf32, #tpu.memory_space<vmem>>, vector<16xf32>,
          %mul3A_210 = arith.mulf %get3A_209, %gather3A : vector<16xf32>
          %swap3A_211 = arith.index_cast %add3A_189 : i32 to index
          %swap3A_212 = arith.constant 0 : index
          %swap3A_213 = tpu.vector_load %arg15[%swap3A_211, %swap3A_212] {strides = array<i32>} : memref<40x144xf32, #tpu.memory_space<vmem>>, vector<16xf32>,
          tpu.vector_store %arg15[%swap3A_211, %swap3A_212], %mul3A_210 {strides = array<i32>} : memref<40x144xf32, #tpu.memory_space<vmem>>, vector<16xf32>,
          %get3A_214 = arith.index_cast %add3A_189 : i32 to index
          %get3A_215 = arith.constant 16 : index
          %get3A_216 = tpu.vector_load %arg11[%get3A_214, %get3A_215] {strides = array<i32>} : memref<40x144xf32, #tpu.memory_space<vmem>>, vector<16xf32>,
          %mul3A_217 = arith.mulf %get3A_216, %gather3A : vector<16xf32>
          %swap3A_218 = arith.index_cast %add3A_189 : i32 to index
          %swap3A_219 = arith.constant 16 : index
          %swap3A_220 = tpu.vector_load %arg15[%swap3A_218, %swap3A_219] {strides = array<i32>} : memref<40x144xf32, #tpu.memory_space<vmem>>, vector<16xf32>,
          tpu.vector_store %arg15[%swap3A_218, %swap3A_219], %mul3A_217 {strides = array<i32>} : memref<40x144xf32, #tpu.memory_space<vmem>>, vector<16xf32>,
          %broadcast_in_dim3A_221 = arith.constant 129 : i32
          %broadcast_in_dim3A_222 = vector.broadcast %broadcast_in_dim3A_221 : i32 to vector<16xi32>
          %gather3A_223 = tpu.vector_load_idx %arg15[%broadcast_in_dim3A, %broadcast_in_dim3A_222] : memref<40x144xf32, #tpu.memory_space<vmem>>[vector<16xi32>, vector<16xi32>], vector<16xf32>,
          %get3A_224 = arith.index_cast %add3A_189 : i32 to index
          %get3A_225 = arith.constant 32 : index
          %get3A_226 = tpu.vector_load %arg11[%get3A_224, %get3A_225] {strides = array<i32>} : memref<40x144xf32, #tpu.memory_space<vmem>>, vector<16xf32>,
          %mul3A_227 = arith.mulf %get3A_226, %gather3A_223 : vector<16xf32>
          %swap3A_228 = arith.index_cast %add3A_189 : i32 to index
          %swap3A_229 = arith.constant 32 : index
          %swap3A_230 = tpu.vector_load %arg15[%swap3A_228, %swap3A_229] {strides = array<i32>} : memref<40x144xf32, #tpu.memory_space<vmem>>, vector<16xf32>,
          tpu.vector_store %arg15[%swap3A_228, %swap3A_229], %mul3A_227 {strides = array<i32>} : memref<40x144xf32, #tpu.memory_space<vmem>>, vector<16xf32>,
          %get3A_231 = arith.index_cast %add3A_189 : i32 to index
          %get3A_232 = arith.constant 48 : index
          %get3A_233 = tpu.vector_load %arg11[%get3A_231, %get3A_232] {strides = array<i32>} : memref<40x144xf32, #tpu.memory_space<vmem>>, vector<16xf32>,
          %mul3A_234 = arith.mulf %get3A_233, %gather3A_223 : vector<16xf32>
          %swap3A_235 = arith.index_cast %add3A_189 : i32 to index
          %swap3A_236 = arith.constant 48 : index
          %swap3A_237 = tpu.vector_load %arg15[%swap3A_235, %swap3A_236] {strides = array<i32>} : memref<40x144xf32, #tpu.memory_space<vmem>>, vector<16xf32>,
          tpu.vector_store %arg15[%swap3A_235, %swap3A_236], %mul3A_234 {strides = array<i32>} : memref<40x144xf32, #tpu.memory_space<vmem>>, vector<16xf32>,
          %broadcast_in_dim3A_238 = arith.constant 130 : i32
          %broadcast_in_dim3A_239 = vector.broadcast %broadcast_in_dim3A_238 : i32 to vector<16xi32>
          %gather3A_240 = tpu.vector_load_idx %arg15[%broadcast_in_dim3A, %broadcast_in_dim3A_239] : memref<40x144xf32, #tpu.memory_space<vmem>>[vector<16xi32>, vector<16xi32>], vector<16xf32>,
          %get3A_241 = arith.index_cast %add3A_189 : i32 to index
          %get3A_242 = arith.constant 64 : index
          %get3A_243 = tpu.vector_load %arg11[%get3A_241, %get3A_242] {strides = array<i32>} : memref<40x144xf32, #tpu.memory_space<vmem>>, vector<16xf32>,
          %mul3A_244 = arith.mulf %get3A_243, %gather3A_240 : vector<16xf32>
          %swap3A_245 = arith.index_cast %add3A_189 : i32 to index
          %swap3A_246 = arith.constant 64 : index
          %swap3A_247 = tpu.vector_load %arg15[%swap3A_245, %swap3A_246] {strides = array<i32>} : memref<40x144xf32, #tpu.memory_space<vmem>>, vector<16xf32>,
          tpu.vector_store %arg15[%swap3A_245, %swap3A_246], %mul3A_244 {strides = array<i32>} : memref<40x144xf32, #tpu.memory_space<vmem>>, vector<16xf32>,
          %get3A_248 = arith.index_cast %add3A_189 : i32 to index
          %get3A_249 = arith.constant 80 : index
          %get3A_250 = tpu.vector_load %arg11[%get3A_248, %get3A_249] {strides = array<i32>} : memref<40x144xf32, #tpu.memory_space<vmem>>, vector<16xf32>,
          %mul3A_251 = arith.mulf %get3A_250, %gather3A_240 : vector<16xf32>
          %swap3A_252 = arith.index_cast %add3A_189 : i32 to index
          %swap3A_253 = arith.constant 80 : index
          %swap3A_254 = tpu.vector_load %arg15[%swap3A_252, %swap3A_253] {strides = array<i32>} : memref<40x144xf32, #tpu.memory_space<vmem>>, vector<16xf32>,
          tpu.vector_store %arg15[%swap3A_252, %swap3A_253], %mul3A_251 {strides = array<i32>} : memref<40x144xf32, #tpu.memory_space<vmem>>, vector<16xf32>,
          %broadcast_in_dim3A_255 = arith.constant 131 : i32
          %broadcast_in_dim3A_256 = vector.broadcast %broadcast_in_dim3A_255 : i32 to vector<16xi32>
          %gather3A_257 = tpu.vector_load_idx %arg15[%broadcast_in_dim3A, %broadcast_in_dim3A_256] : memref<40x144xf32, #tpu.memory_space<vmem>>[vector<16xi32>, vector<16xi32>], vector<16xf32>,
          %get3A_258 = arith.index_cast %add3A_189 : i32 to index
          %get3A_259 = arith.constant 96 : index
          %get3A_260 = tpu.vector_load %arg11[%get3A_258, %get3A_259] {strides = array<i32>} : memref<40x144xf32, #tpu.memory_space<vmem>>, vector<16xf32>,
          %mul3A_261 = arith.mulf %get3A_260, %gather3A_257 : vector<16xf32>
          %swap3A_262 = arith.index_cast %add3A_189 : i32 to index
          %swap3A_263 = arith.constant 96 : index
          %swap3A_264 = tpu.vector_load %arg15[%swap3A_262, %swap3A_263] {strides = array<i32>} : memref<40x144xf32, #tpu.memory_space<vmem>>, vector<16xf32>,
          tpu.vector_store %arg15[%swap3A_262, %swap3A_263], %mul3A_261 {strides = array<i32>} : memref<40x144xf32, #tpu.memory_space<vmem>>, vector<16xf32>,
          %get3A_265 = arith.index_cast %add3A_189 : i32 to index
          %get3A_266 = arith.constant 112 : index
          %get3A_267 = tpu.vector_load %arg11[%get3A_265, %get3A_266] {strides = array<i32>} : memref<40x144xf32, #tpu.memory_space<vmem>>, vector<16xf32>,
          %mul3A_268 = arith.mulf %get3A_267, %gather3A_257 : vector<16xf32>
          %swap3A_269 = arith.index_cast %add3A_189 : i32 to index
          %swap3A_270 = arith.constant 112 : index
          %swap3A_271 = tpu.vector_load %arg15[%swap3A_269, %swap3A_270] {strides = array<i32>} : memref<40x144xf32, #tpu.memory_space<vmem>>, vector<16xf32>,
          tpu.vector_store %arg15[%swap3A_269, %swap3A_270], %mul3A_268 {strides = array<i32>} : memref<40x144xf32, #tpu.memory_space<vmem>>, vector<16xf32>,
        }
        %scan3A_171 = arith.constant 40 : i32
        %dma_start3A_172 = arith.constant 0 : i32
        %dma_start3A_173 = tpu.memref_slice %arg9[%add3A_145, %dma_start3A_172] : memref<50x40xi32, #tpu.memory_space<vmem>> -> memref<1x40xi32, #tpu.memory_space<vmem>>
        %dma_start3A_174 = tpu.memref_squeeze %dma_start3A_173 : memref<1x40xi32, #tpu.memory_space<vmem>> -> memref<40xi32, #tpu.memory_space<vmem>>
        %dma_start3A_175 = arith.constant 0 : i32
        %dma_start3A_176 = arith.constant 0 : i32
        %dma_start3A_177 = tpu.memref_slice %arg17[%dma_start3A_175, %dma_start3A_176] : memref<10000x144xf32, #tpu.memory_space<vmem_shared>> -> memref<10000x144xf32, #tpu.memory_space<vmem_shared>>
        tpu.enqueue_indirect_dma source(%arg15 : memref<40x144xf32, #tpu.memory_space<vmem>>) target(%dma_start3A_177 : memref<10000x144xf32, #tpu.memory_space<vmem_shared>>) offsets(%dma_start3A_174 : memref<40xi32, #tpu.memory_space<vmem>>) semaphore(%arg23 : memref<!tpu.dma_semaphore, #tpu.memory_space<semaphore_mem>>) {add = true}
        %add3A_178 = arith.constant 2 : i32
        %add3A_179 = arith.addi %add3A_145, %add3A_178 : i32
        %lt3A_180 = arith.constant 50 : i32
        %lt3A_181 = arith.cmpi slt, %add3A_179, %lt3A_180 : i32
        %convert_element_type3A_182 = arith.extui %lt3A_181 : i1 to i32
        %cond3A_183 = arith.constant 0 : i32
        %cond3A_184 = arith.cmpi ne, %convert_element_type3A_182, %cond3A_183 : i32
        scf.if %cond3A_184 {
          %add3A_185 = arith.constant 2 : i32
          %add3A_186 = arith.addi %add3A_145, %add3A_185 : i32
          %dma_start3A_187 = arith.constant 0 : i32
          %dma_start3A_188 = tpu.memref_slice %arg8[%add3A_186, %dma_start3A_187] : memref<50x40xi32, #tpu.memory_space<vmem>> -> memref<1x40xi32, #tpu.memory_space<vmem>>
          %dma_start3A_189 = tpu.memref_squeeze %dma_start3A_188 : memref<1x40xi32, #tpu.memory_space<vmem>> -> memref<40xi32, #tpu.memory_space<vmem>>
          %dma_start3A_190 = arith.constant 0 : i32
          %dma_start3A_191 = arith.constant 0 : i32
          %dma_start3A_192 = tpu.memref_slice %arg2[%dma_start3A_190, %dma_start3A_191] : memref<10000x144xf32, #tpu.memory_space<hbm>> -> memref<10000x144xf32, #tpu.memory_space<hbm>>
          tpu.enqueue_indirect_dma source(%dma_start3A_192 : memref<10000x144xf32, #tpu.memory_space<hbm>>) target(%arg11 : memref<40x144xf32, #tpu.memory_space<vmem>>) offsets(%dma_start3A_189 : memref<40xi32, #tpu.memory_space<vmem>>) semaphore(%arg19 : memref<!tpu.dma_semaphore, #tpu.memory_space<semaphore_mem>>)
          %dma_start3A_193 = arith.constant 0 : i32
          %dma_start3A_194 = tpu.memref_slice %arg9[%add3A_186, %dma_start3A_193] : memref<50x40xi32, #tpu.memory_space<vmem>> -> memref<1x40xi32, #tpu.memory_space<vmem>>
          %dma_start3A_195 = tpu.memref_squeeze %dma_start3A_194 : memref<1x40xi32, #tpu.memory_space<vmem>> -> memref<40xi32, #tpu.memory_space<vmem>>
          %dma_start3A_196 = arith.constant 0 : i32
          %dma_start3A_197 = arith.constant 0 : i32
          %dma_start3A_198 = tpu.memref_slice %arg3[%dma_start3A_196, %dma_start3A_197] : memref<10000x16xf32, #tpu.memory_space<hbm>> -> memref<10000x16xf32, #tpu.memory_space<hbm>>
          tpu.enqueue_indirect_dma source(%dma_start3A_198 : memref<10000x16xf32, #tpu.memory_space<hbm>>) target(%arg13 : memref<40x16xf32, #tpu.memory_space<vmem>>) offsets(%dma_start3A_195 : memref<40xi32, #tpu.memory_space<vmem>>) semaphore(%arg21 : memref<!tpu.dma_semaphore, #tpu.memory_space<semaphore_mem>>)
        } else {
        }
      }
      %scan3A_101 = arith.constant 25 : i32
    }
    %scan3A_35 = arith.constant 5 : i32
    %dma_wait3A = arith.constant 0 : i32
    %dma_wait3A_36 = arith.constant 0 : i32
    %dma_wait3A_37 = tpu.memref_slice %arg9[%dma_wait3A, %dma_wait3A_36] : memref<50x40xi32, #tpu.memory_space<vmem>> -> memref<1x40xi32, #tpu.memory_space<vmem>>
    %dma_wait3A_38 = tpu.memref_squeeze %dma_wait3A_37 : memref<1x40xi32, #tpu.memory_space<vmem>> -> memref<40xi32, #tpu.memory_space<vmem>>
    %dma_wait3A_39 = arith.constant 0 : i32
    %dma_wait3A_40 = arith.constant 0 : i32
    %dma_wait3A_41 = tpu.memref_slice %arg17[%dma_wait3A_39, %dma_wait3A_40] : memref<10000x144xf32, #tpu.memory_space<vmem_shared>> -> memref<10000x144xf32, #tpu.memory_space<vmem_shared>>
    tpu.wait_indirect_dma semaphore(%arg22 : memref<!tpu.dma_semaphore, #tpu.memory_space<semaphore_mem>>) src(%arg14 : memref<40x144xf32, #tpu.memory_space<vmem>>) dst(%dma_wait3A_41 : memref<10000x144xf32, #tpu.memory_space<vmem_shared>>)
    %dma_wait3A_42 = arith.constant 0 : i32
    %dma_wait3A_43 = arith.constant 0 : i32
    %dma_wait3A_44 = tpu.memref_slice %arg9[%dma_wait3A_42, %dma_wait3A_43] : memref<50x40xi32, #tpu.memory_space<vmem>> -> memref<1x40xi32, #tpu.memory_space<vmem>>
    %dma_wait3A_45 = tpu.memref_squeeze %dma_wait3A_44 : memref<1x40xi32, #tpu.memory_space<vmem>> -> memref<40xi32, #tpu.memory_space<vmem>>
    %dma_wait3A_46 = arith.constant 0 : i32
    %dma_wait3A_47 = arith.constant 0 : i32
    %dma_wait3A_48 = tpu.memref_slice %arg17[%dma_wait3A_46, %dma_wait3A_47] : memref<10000x144xf32, #tpu.memory_space<vmem_shared>> -> memref<10000x144xf32, #tpu.memory_space<vmem_shared>>
    tpu.wait_indirect_dma semaphore(%arg23 : memref<!tpu.dma_semaphore, #tpu.memory_space<semaphore_mem>>) src(%arg15 : memref<40x144xf32, #tpu.memory_space<vmem>>) dst(%dma_wait3A_48 : memref<10000x144xf32, #tpu.memory_space<vmem_shared>>)
    %barrier3A_49 = arith.constant 0 : index
    tpu.barrier barrier_id(%barrier3A_49)
    %lt3A_50 = arith.constant 15 : i32
    %lt3A_51 = arith.cmpi slt, %arg1, %lt3A_50 : i32
    %convert_element_type3A_52 = arith.extui %lt3A_51 : i1 to i32
    %cond3A_53 = arith.constant 0 : i32
    %cond3A_54 = arith.cmpi ne, %convert_element_type3A_52, %cond3A_53 : i32
    scf.if %cond3A_54 {
      "tpu.region"() ({
        %run_scoped3A = tpu.sem_alloc : memref<!tpu.dma_semaphore, #tpu.memory_space<semaphore_mem>>
        %dma_start3A = arith.constant 0 : i32
        %dma_start3A_60 = tpu.memref_slice %arg7[%arg0, %mul3A_2, %dma_start3A] : memref<2x10000x144xf32, #tpu.memory_space<hbm>> -> memref<1x624x144xf32, #tpu.memory_space<hbm>>
        %dma_start3A_61 = tpu.memref_squeeze %dma_start3A_60 : memref<1x624x144xf32, #tpu.memory_space<hbm>> -> memref<624x144xf32, #tpu.memory_space<hbm>>
        %dma_start3A_62 = arith.constant 0 : i32
        %dma_start3A_63 = tpu.memref_slice %arg17[%mul3A_2, %dma_start3A_62] : memref<10000x144xf32, #tpu.memory_space<vmem_shared>> -> memref<624x144xf32, #tpu.memory_space<vmem_shared>>
        tpu.enqueue_dma source(%dma_start3A_63 : memref<624x144xf32, #tpu.memory_space<vmem_shared>>) target(%dma_start3A_61 : memref<624x144xf32, #tpu.memory_space<hbm>>) target_semaphore(%run_scoped3A : memref<!tpu.dma_semaphore, #tpu.memory_space<semaphore_mem>>)
        %dma_wait3A_64 = arith.constant 0 : i32
        %dma_wait3A_65 = tpu.memref_slice %arg7[%arg0, %mul3A_2, %dma_wait3A_64] : memref<2x10000x144xf32, #tpu.memory_space<hbm>> -> memref<1x624x144xf32, #tpu.memory_space<hbm>>
        %dma_wait3A_66 = tpu.memref_squeeze %dma_wait3A_65 : memref<1x624x144xf32, #tpu.memory_space<hbm>> -> memref<624x144xf32, #tpu.memory_space<hbm>>
        %dma_wait3A_67 = arith.constant 0 : i32
        %dma_wait3A_68 = tpu.memref_slice %arg17[%mul3A_2, %dma_wait3A_67] : memref<10000x144xf32, #tpu.memory_space<vmem_shared>> -> memref<624x144xf32, #tpu.memory_space<vmem_shared>>
        tpu.wait_dma2 semaphore(%run_scoped3A : memref<!tpu.dma_semaphore, #tpu.memory_space<semaphore_mem>>) src(%dma_wait3A_68 : memref<624x144xf32, #tpu.memory_space<vmem_shared>>) dst(%dma_wait3A_66 : memref<624x144xf32, #tpu.memory_space<hbm>>)
        tpu.yield
      }) : () -> ()
    } else {
    }
    %eq3A_55 = arith.constant 15 : i32
    %eq3A_56 = arith.cmpi eq, %arg1, %eq3A_55 : i32
    %convert_element_type3A_57 = arith.extui %eq3A_56 : i1 to i32
    %cond3A_58 = arith.constant 0 : i32
    %cond3A_59 = arith.cmpi ne, %convert_element_type3A_57, %cond3A_58 : i32
    scf.if %cond3A_59 {
      "tpu.region"() ({
        %run_scoped3A = tpu.sem_alloc : memref<!tpu.dma_semaphore, #tpu.memory_space<semaphore_mem>>
        %dma_start3A = arith.constant 9360 : i32
        %dma_start3A_60 = arith.constant 0 : i32
        %dma_start3A_61 = tpu.memref_slice %arg7[%arg0, %dma_start3A, %dma_start3A_60] : memref<2x10000x144xf32, #tpu.memory_space<hbm>> -> memref<1x640x144xf32, #tpu.memory_space<hbm>>
        %dma_start3A_62 = tpu.memref_squeeze %dma_start3A_61 : memref<1x640x144xf32, #tpu.memory_space<hbm>> -> memref<640x144xf32, #tpu.memory_space<hbm>>
        %dma_start3A_63 = arith.constant 9360 : i32
        %dma_start3A_64 = arith.constant 0 : i32
        %dma_start3A_65 = tpu.memref_slice %arg17[%dma_start3A_63, %dma_start3A_64] : memref<10000x144xf32, #tpu.memory_space<vmem_shared>> -> memref<640x144xf32, #tpu.memory_space<vmem_shared>>
        tpu.enqueue_dma source(%dma_start3A_65 : memref<640x144xf32, #tpu.memory_space<vmem_shared>>) target(%dma_start3A_62 : memref<640x144xf32, #tpu.memory_space<hbm>>) target_semaphore(%run_scoped3A : memref<!tpu.dma_semaphore, #tpu.memory_space<semaphore_mem>>)
        %dma_wait3A_66 = arith.constant 9360 : i32
        %dma_wait3A_67 = arith.constant 0 : i32
        %dma_wait3A_68 = tpu.memref_slice %arg7[%arg0, %dma_wait3A_66, %dma_wait3A_67] : memref<2x10000x144xf32, #tpu.memory_space<hbm>> -> memref<1x640x144xf32, #tpu.memory_space<hbm>>
        %dma_wait3A_69 = tpu.memref_squeeze %dma_wait3A_68 : memref<1x640x144xf32, #tpu.memory_space<hbm>> -> memref<640x144xf32, #tpu.memory_space<hbm>>
        %dma_wait3A_70 = arith.constant 9360 : i32
        %dma_wait3A_71 = arith.constant 0 : i32
        %dma_wait3A_72 = tpu.memref_slice %arg17[%dma_wait3A_70, %dma_wait3A_71] : memref<10000x144xf32, #tpu.memory_space<vmem_shared>> -> memref<640x144xf32, #tpu.memory_space<vmem_shared>>
        tpu.wait_dma2 semaphore(%run_scoped3A : memref<!tpu.dma_semaphore, #tpu.memory_space<semaphore_mem>>) src(%dma_wait3A_72 : memref<640x144xf32, #tpu.memory_space<vmem_shared>>) dst(%dma_wait3A_69 : memref<640x144xf32, #tpu.memory_space<hbm>>)
        tpu.yield
      }) : () -> ()
    } else {
    }
    return
  }
}

module attributes {stable_mosaic.version = 14 : i64} {
  func.func @_k_pre1(%arg0: i32, %arg1: memref<2000x128xf32, #tpu.memory_space<vmem>>, %arg2: memref<128x128xf32, #tpu.memory_space<vmem>>, %arg3: memref<4x32xf32, #tpu.memory_space<vmem>>, %arg4: memref<4x32xf32, #tpu.memory_space<vmem>>, %arg5: memref<2000x144xf32, #tpu.memory_space<vmem>>, %arg6: memref<2000x16xf32, #tpu.memory_space<vmem>>, %arg7: memref<8x16xf32, #tpu.memory_space<vmem>>) attributes {dimension_semantics = [#tpu.dimension_semantics<arbitrary>], iteration_bounds = array<i64: 5>, scalar_prefetch = 0 : i64, scratch_operands = 0 : i64, tpu.core_type = #tpu.core_type<tc>, window_params = [{transform_indices = @transform_0, window_bounds = array<i64: 2000, 128>}, {pipeline_mode = #tpu.pipeline_mode<synchronous>, transform_indices = @transform_1, window_bounds = array<i64: 128, 128>}, {pipeline_mode = #tpu.pipeline_mode<synchronous>, transform_indices = @transform_2, window_bounds = array<i64: 4, 32>}, {pipeline_mode = #tpu.pipeline_mode<synchronous>, transform_indices = @transform_3, window_bounds = array<i64: 4, 32>}, {transform_indices = @transform_4, window_bounds = array<i64: 2000, 144>}, {transform_indices = @transform_5, window_bounds = array<i64: 2000, 16>}, {pipeline_mode = #tpu.pipeline_mode<synchronous>, transform_indices = @transform_6, window_bounds = array<i64: 8, 16>}]} {
    %get3A = arith.constant 0 : index
    %get3A_0 = arith.constant 0 : index
    %get3A_1 = vector.load %arg1[%get3A, %get3A_0] : memref<2000x128xf32, #tpu.memory_space<vmem>>, vector<2000x128xf32>
    %get3A_2 = arith.constant 0 : index
    %get3A_3 = arith.constant 0 : index
    %get3A_4 = vector.load %arg2[%get3A_2, %get3A_3] : memref<128x128xf32, #tpu.memory_space<vmem>>, vector<128x128xf32>
    %dot_general3A = arith.constant dense<0.000000e+00> : vector<2000x128xf32>
    %dot_general3A_5 = tpu.matmul %get3A_1, %get3A_4, %dot_general3A {dimension_numbers = #tpu.dot_dimension_numbers<[1], [0], [0], [1], [0, 0, 1, 1], [], []>, transpose_lhs_hint = false} : vector<2000x128xf32>, vector<128x128xf32>, vector<2000x128xf32> -> vector<2000x128xf32>
    %get3A_6 = arith.constant 0 : index
    %get3A_7 = arith.constant 0 : index
    %get3A_8 = vector.load %arg3[%get3A_6, %get3A_7] : memref<4x32xf32, #tpu.memory_space<vmem>>, vector<4x32xf32>
    %get3A_9 = arith.constant 0 : index
    %get3A_10 = arith.constant 0 : index
    %get3A_11 = vector.load %arg4[%get3A_9, %get3A_10] : memref<4x32xf32, #tpu.memory_space<vmem>>, vector<4x32xf32>
    %slice3A = vector.extract_strided_slice %dot_general3A_5 {offsets = [0, 0], sizes = [2000, 32], strides = [1, 1]} : vector<2000x128xf32> to vector<2000x32xf32>
    %slice3A_12 = vector.extract_strided_slice %get3A_8 {offsets = [0, 0], sizes = [1, 32], strides = [1, 1]} : vector<4x32xf32> to vector<1x32xf32>
    %mul3A = vector.broadcast %slice3A_12 : vector<1x32xf32> to vector<2000x32xf32>
    %mul3A_13 = arith.mulf %slice3A, %mul3A : vector<2000x32xf32>
    %reduce_sum3A = arith.constant dense<0.000000e+00> : vector<2000xf32>
    %reduce_sum3A_14 = vector.multi_reduction <add>, %mul3A_13, %reduce_sum3A [1] : vector<2000x32xf32> to vector<2000xf32>
    %broadcast_in_dim3A = vector.shape_cast %reduce_sum3A_14 : vector<2000xf32> to vector<2000x1xf32>
    %slice3A_15 = vector.extract_strided_slice %get3A_11 {offsets = [0, 0], sizes = [1, 32], strides = [1, 1]} : vector<4x32xf32> to vector<1x32xf32>
    %mul3A_16 = vector.broadcast %slice3A_15 : vector<1x32xf32> to vector<2000x32xf32>
    %mul3A_17 = arith.mulf %slice3A, %mul3A_16 : vector<2000x32xf32>
    %reduce_sum3A_18 = arith.constant dense<0.000000e+00> : vector<2000xf32>
    %reduce_sum3A_19 = vector.multi_reduction <add>, %mul3A_17, %reduce_sum3A_18 [1] : vector<2000x32xf32> to vector<2000xf32>
    %broadcast_in_dim3A_20 = vector.shape_cast %reduce_sum3A_19 : vector<2000xf32> to vector<2000x1xf32>
    %slice3A_21 = vector.extract_strided_slice %dot_general3A_5 {offsets = [0, 32], sizes = [2000, 32], strides = [1, 1]} : vector<2000x128xf32> to vector<2000x32xf32>
    %slice3A_22 = vector.extract_strided_slice %get3A_8 {offsets = [1, 0], sizes = [1, 32], strides = [1, 1]} : vector<4x32xf32> to vector<1x32xf32>
    %mul3A_23 = vector.broadcast %slice3A_22 : vector<1x32xf32> to vector<2000x32xf32>
    %mul3A_24 = arith.mulf %slice3A_21, %mul3A_23 : vector<2000x32xf32>
    %reduce_sum3A_25 = arith.constant dense<0.000000e+00> : vector<2000xf32>
    %reduce_sum3A_26 = vector.multi_reduction <add>, %mul3A_24, %reduce_sum3A_25 [1] : vector<2000x32xf32> to vector<2000xf32>
    %broadcast_in_dim3A_27 = vector.shape_cast %reduce_sum3A_26 : vector<2000xf32> to vector<2000x1xf32>
    %slice3A_28 = vector.extract_strided_slice %get3A_11 {offsets = [1, 0], sizes = [1, 32], strides = [1, 1]} : vector<4x32xf32> to vector<1x32xf32>
    %mul3A_29 = vector.broadcast %slice3A_28 : vector<1x32xf32> to vector<2000x32xf32>
    %mul3A_30 = arith.mulf %slice3A_21, %mul3A_29 : vector<2000x32xf32>
    %reduce_sum3A_31 = arith.constant dense<0.000000e+00> : vector<2000xf32>
    %reduce_sum3A_32 = vector.multi_reduction <add>, %mul3A_30, %reduce_sum3A_31 [1] : vector<2000x32xf32> to vector<2000xf32>
    %broadcast_in_dim3A_33 = vector.shape_cast %reduce_sum3A_32 : vector<2000xf32> to vector<2000x1xf32>
    %slice3A_34 = vector.extract_strided_slice %dot_general3A_5 {offsets = [0, 64], sizes = [2000, 32], strides = [1, 1]} : vector<2000x128xf32> to vector<2000x32xf32>
    %slice3A_35 = vector.extract_strided_slice %get3A_8 {offsets = [2, 0], sizes = [1, 32], strides = [1, 1]} : vector<4x32xf32> to vector<1x32xf32>
    %mul3A_36 = vector.broadcast %slice3A_35 : vector<1x32xf32> to vector<2000x32xf32>
    %mul3A_37 = arith.mulf %slice3A_34, %mul3A_36 : vector<2000x32xf32>
    %reduce_sum3A_38 = arith.constant dense<0.000000e+00> : vector<2000xf32>
    %reduce_sum3A_39 = vector.multi_reduction <add>, %mul3A_37, %reduce_sum3A_38 [1] : vector<2000x32xf32> to vector<2000xf32>
    %broadcast_in_dim3A_40 = vector.shape_cast %reduce_sum3A_39 : vector<2000xf32> to vector<2000x1xf32>
    %slice3A_41 = vector.extract_strided_slice %get3A_11 {offsets = [2, 0], sizes = [1, 32], strides = [1, 1]} : vector<4x32xf32> to vector<1x32xf32>
    %mul3A_42 = vector.broadcast %slice3A_41 : vector<1x32xf32> to vector<2000x32xf32>
    %mul3A_43 = arith.mulf %slice3A_34, %mul3A_42 : vector<2000x32xf32>
    %reduce_sum3A_44 = arith.constant dense<0.000000e+00> : vector<2000xf32>
    %reduce_sum3A_45 = vector.multi_reduction <add>, %mul3A_43, %reduce_sum3A_44 [1] : vector<2000x32xf32> to vector<2000xf32>
    %broadcast_in_dim3A_46 = vector.shape_cast %reduce_sum3A_45 : vector<2000xf32> to vector<2000x1xf32>
    %slice3A_47 = vector.extract_strided_slice %dot_general3A_5 {offsets = [0, 96], sizes = [2000, 32], strides = [1, 1]} : vector<2000x128xf32> to vector<2000x32xf32>
    %slice3A_48 = vector.extract_strided_slice %get3A_8 {offsets = [3, 0], sizes = [1, 32], strides = [1, 1]} : vector<4x32xf32> to vector<1x32xf32>
    %mul3A_49 = vector.broadcast %slice3A_48 : vector<1x32xf32> to vector<2000x32xf32>
    %mul3A_50 = arith.mulf %slice3A_47, %mul3A_49 : vector<2000x32xf32>
    %reduce_sum3A_51 = arith.constant dense<0.000000e+00> : vector<2000xf32>
    %reduce_sum3A_52 = vector.multi_reduction <add>, %mul3A_50, %reduce_sum3A_51 [1] : vector<2000x32xf32> to vector<2000xf32>
    %broadcast_in_dim3A_53 = vector.shape_cast %reduce_sum3A_52 : vector<2000xf32> to vector<2000x1xf32>
    %slice3A_54 = vector.extract_strided_slice %get3A_11 {offsets = [3, 0], sizes = [1, 32], strides = [1, 1]} : vector<4x32xf32> to vector<1x32xf32>
    %mul3A_55 = vector.broadcast %slice3A_54 : vector<1x32xf32> to vector<2000x32xf32>
    %mul3A_56 = arith.mulf %slice3A_47, %mul3A_55 : vector<2000x32xf32>
    %reduce_sum3A_57 = arith.constant dense<0.000000e+00> : vector<2000xf32>
    %reduce_sum3A_58 = vector.multi_reduction <add>, %mul3A_56, %reduce_sum3A_57 [1] : vector<2000x32xf32> to vector<2000xf32>
    %broadcast_in_dim3A_59 = vector.shape_cast %reduce_sum3A_58 : vector<2000xf32> to vector<2000x1xf32>
    %concatenate3A = tpu.concatenate %broadcast_in_dim3A, %broadcast_in_dim3A_27, %broadcast_in_dim3A_40, %broadcast_in_dim3A_53 in 1 : vector<2000x1xf32>, vector<2000x1xf32>, vector<2000x1xf32>, vector<2000x1xf32> -> vector<2000x4xf32>
    %concatenate3A_60 = tpu.concatenate %broadcast_in_dim3A_20, %broadcast_in_dim3A_33, %broadcast_in_dim3A_46, %broadcast_in_dim3A_59 in 1 : vector<2000x1xf32>, vector<2000x1xf32>, vector<2000x1xf32>, vector<2000x1xf32> -> vector<2000x4xf32>
    %broadcast_in_dim3A_61 = arith.constant 0.000000e+00 : f32
    %broadcast_in_dim3A_62 = vector.broadcast %broadcast_in_dim3A_61 : f32 to vector<2000x12xf32>
    %concatenate3A_63 = tpu.concatenate %dot_general3A_5, %concatenate3A, %broadcast_in_dim3A_62 in 1 : vector<2000x128xf32>, vector<2000x4xf32>, vector<2000x12xf32> -> vector<2000x144xf32>
    %swap3A = arith.constant 0 : index
    %swap3A_64 = arith.constant 0 : index
    %swap3A_65 = vector.load %arg5[%swap3A, %swap3A_64] : memref<2000x144xf32, #tpu.memory_space<vmem>>, vector<2000x144xf32>
    tpu.vector_store %arg5[%swap3A, %swap3A_64], %concatenate3A_63 {strides = array<i32>} : memref<2000x144xf32, #tpu.memory_space<vmem>>, vector<2000x144xf32>,
    %broadcast_in_dim3A_66 = arith.constant 0.000000e+00 : f32
    %broadcast_in_dim3A_67 = vector.broadcast %broadcast_in_dim3A_66 : f32 to vector<2000x12xf32>
    %concatenate3A_68 = tpu.concatenate %concatenate3A_60, %broadcast_in_dim3A_67 in 1 : vector<2000x4xf32>, vector<2000x12xf32> -> vector<2000x16xf32>
    %swap3A_69 = arith.constant 0 : index
    %swap3A_70 = arith.constant 0 : index
    %swap3A_71 = vector.load %arg6[%swap3A_69, %swap3A_70] : memref<2000x16xf32, #tpu.memory_space<vmem>>, vector<2000x16xf32>
    tpu.vector_store %arg6[%swap3A_69, %swap3A_70], %concatenate3A_68 {strides = array<i32>} : memref<2000x16xf32, #tpu.memory_space<vmem>>, vector<2000x16xf32>,
    %slice3A_72 = vector.extract_strided_slice %concatenate3A {offsets = [0, 0], sizes = [2000, 1], strides = [1, 1]} : vector<2000x4xf32> to vector<2000x1xf32>
    %squeeze3A = vector.shape_cast %slice3A_72 : vector<2000x1xf32> to vector<2000xf32>
    %reduce_max3A = vector.shape_cast %squeeze3A : vector<2000xf32> to vector<1x2000xf32>
    %reduce_max3A_73 = arith.constant dense<0xFF800000> : vector<1xf32>
    %reduce_max3A_74 = vector.multi_reduction <maximumf>, %reduce_max3A, %reduce_max3A_73 [1] : vector<1x2000xf32> to vector<1xf32>
    %reduce_max3A_75 = vector.shape_cast %reduce_max3A_74 : vector<1xf32> to vector<1x1xf32>
    %reduce_max3A_76 = vector.extract %reduce_max3A_75[0, 0] : f32 from vector<1x1xf32>
    %slice3A_77 = vector.extract_strided_slice %concatenate3A {offsets = [0, 1], sizes = [2000, 1], strides = [1, 1]} : vector<2000x4xf32> to vector<2000x1xf32>
    %squeeze3A_78 = vector.shape_cast %slice3A_77 : vector<2000x1xf32> to vector<2000xf32>
    %reduce_max3A_79 = vector.shape_cast %squeeze3A_78 : vector<2000xf32> to vector<1x2000xf32>
    %reduce_max3A_80 = arith.constant dense<0xFF800000> : vector<1xf32>
    %reduce_max3A_81 = vector.multi_reduction <maximumf>, %reduce_max3A_79, %reduce_max3A_80 [1] : vector<1x2000xf32> to vector<1xf32>
    %reduce_max3A_82 = vector.shape_cast %reduce_max3A_81 : vector<1xf32> to vector<1x1xf32>
    %reduce_max3A_83 = vector.extract %reduce_max3A_82[0, 0] : f32 from vector<1x1xf32>
    %slice3A_84 = vector.extract_strided_slice %concatenate3A {offsets = [0, 2], sizes = [2000, 1], strides = [1, 1]} : vector<2000x4xf32> to vector<2000x1xf32>
    %squeeze3A_85 = vector.shape_cast %slice3A_84 : vector<2000x1xf32> to vector<2000xf32>
    %reduce_max3A_86 = vector.shape_cast %squeeze3A_85 : vector<2000xf32> to vector<1x2000xf32>
    %reduce_max3A_87 = arith.constant dense<0xFF800000> : vector<1xf32>
    %reduce_max3A_88 = vector.multi_reduction <maximumf>, %reduce_max3A_86, %reduce_max3A_87 [1] : vector<1x2000xf32> to vector<1xf32>
    %reduce_max3A_89 = vector.shape_cast %reduce_max3A_88 : vector<1xf32> to vector<1x1xf32>
    %reduce_max3A_90 = vector.extract %reduce_max3A_89[0, 0] : f32 from vector<1x1xf32>
    %slice3A_91 = vector.extract_strided_slice %concatenate3A {offsets = [0, 3], sizes = [2000, 1], strides = [1, 1]} : vector<2000x4xf32> to vector<2000x1xf32>
    %squeeze3A_92 = vector.shape_cast %slice3A_91 : vector<2000x1xf32> to vector<2000xf32>
    %reduce_max3A_93 = vector.shape_cast %squeeze3A_92 : vector<2000xf32> to vector<1x2000xf32>
    %reduce_max3A_94 = arith.constant dense<0xFF800000> : vector<1xf32>
    %reduce_max3A_95 = vector.multi_reduction <maximumf>, %reduce_max3A_93, %reduce_max3A_94 [1] : vector<1x2000xf32> to vector<1xf32>
    %reduce_max3A_96 = vector.shape_cast %reduce_max3A_95 : vector<1xf32> to vector<1x1xf32>
    %reduce_max3A_97 = vector.extract %reduce_max3A_96[0, 0] : f32 from vector<1x1xf32>
    %slice3A_98 = vector.extract_strided_slice %concatenate3A_60 {offsets = [0, 0], sizes = [2000, 1], strides = [1, 1]} : vector<2000x4xf32> to vector<2000x1xf32>
    %squeeze3A_99 = vector.shape_cast %slice3A_98 : vector<2000x1xf32> to vector<2000xf32>
    %reduce_max3A_100 = vector.shape_cast %squeeze3A_99 : vector<2000xf32> to vector<1x2000xf32>
    %reduce_max3A_101 = arith.constant dense<0xFF800000> : vector<1xf32>
    %reduce_max3A_102 = vector.multi_reduction <maximumf>, %reduce_max3A_100, %reduce_max3A_101 [1] : vector<1x2000xf32> to vector<1xf32>
    %reduce_max3A_103 = vector.shape_cast %reduce_max3A_102 : vector<1xf32> to vector<1x1xf32>
    %reduce_max3A_104 = vector.extract %reduce_max3A_103[0, 0] : f32 from vector<1x1xf32>
    %slice3A_105 = vector.extract_strided_slice %concatenate3A_60 {offsets = [0, 1], sizes = [2000, 1], strides = [1, 1]} : vector<2000x4xf32> to vector<2000x1xf32>
    %squeeze3A_106 = vector.shape_cast %slice3A_105 : vector<2000x1xf32> to vector<2000xf32>
    %reduce_max3A_107 = vector.shape_cast %squeeze3A_106 : vector<2000xf32> to vector<1x2000xf32>
    %reduce_max3A_108 = arith.constant dense<0xFF800000> : vector<1xf32>
    %reduce_max3A_109 = vector.multi_reduction <maximumf>, %reduce_max3A_107, %reduce_max3A_108 [1] : vector<1x2000xf32> to vector<1xf32>
    %reduce_max3A_110 = vector.shape_cast %reduce_max3A_109 : vector<1xf32> to vector<1x1xf32>
    %reduce_max3A_111 = vector.extract %reduce_max3A_110[0, 0] : f32 from vector<1x1xf32>
    %slice3A_112 = vector.extract_strided_slice %concatenate3A_60 {offsets = [0, 2], sizes = [2000, 1], strides = [1, 1]} : vector<2000x4xf32> to vector<2000x1xf32>
    %squeeze3A_113 = vector.shape_cast %slice3A_112 : vector<2000x1xf32> to vector<2000xf32>
    %reduce_max3A_114 = vector.shape_cast %squeeze3A_113 : vector<2000xf32> to vector<1x2000xf32>
    %reduce_max3A_115 = arith.constant dense<0xFF800000> : vector<1xf32>
    %reduce_max3A_116 = vector.multi_reduction <maximumf>, %reduce_max3A_114, %reduce_max3A_115 [1] : vector<1x2000xf32> to vector<1xf32>
    %reduce_max3A_117 = vector.shape_cast %reduce_max3A_116 : vector<1xf32> to vector<1x1xf32>
    %reduce_max3A_118 = vector.extract %reduce_max3A_117[0, 0] : f32 from vector<1x1xf32>
    %slice3A_119 = vector.extract_strided_slice %concatenate3A_60 {offsets = [0, 3], sizes = [2000, 1], strides = [1, 1]} : vector<2000x4xf32> to vector<2000x1xf32>
    %squeeze3A_120 = vector.shape_cast %slice3A_119 : vector<2000x1xf32> to vector<2000xf32>
    %reduce_max3A_121 = vector.shape_cast %squeeze3A_120 : vector<2000xf32> to vector<1x2000xf32>
    %reduce_max3A_122 = arith.constant dense<0xFF800000> : vector<1xf32>
    %reduce_max3A_123 = vector.multi_reduction <maximumf>, %reduce_max3A_121, %reduce_max3A_122 [1] : vector<1x2000xf32> to vector<1xf32>
    %reduce_max3A_124 = vector.shape_cast %reduce_max3A_123 : vector<1xf32> to vector<1x1xf32>
    %reduce_max3A_125 = vector.extract %reduce_max3A_124[0, 0] : f32 from vector<1x1xf32>
    %iota3A = tpu.iota {dimensions = array<i32: 1>} : vector<8x16xi32>
    %iota3A_126 = tpu.iota {dimensions = array<i32: 0>} : vector<8x16xi32>
    %broadcast_in_dim3A_127 = arith.constant 0.000000e+00 : f32
    %broadcast_in_dim3A_128 = vector.broadcast %broadcast_in_dim3A_127 : f32 to vector<8x16xf32>
    %eq3A = arith.constant 0 : i32
    %eq3A_129 = vector.broadcast %eq3A : i32 to vector<8x16xi32>
    %eq3A_130 = arith.cmpi eq, %iota3A_126, %eq3A_129 : vector<8x16xi32>
    %eq3A_131 = arith.constant 0 : i32
    %eq3A_132 = vector.broadcast %eq3A_131 : i32 to vector<8x16xi32>
    %eq3A_133 = arith.cmpi eq, %iota3A, %eq3A_132 : vector<8x16xi32>
    %and3A = arith.andi %eq3A_130, %eq3A_133 : vector<8x16xi1>
    %broadcast_in_dim3A_134 = vector.broadcast %reduce_max3A_76 : f32 to vector<8x16xf32>
    %select_n3A = arith.select %and3A, %broadcast_in_dim3A_134, %broadcast_in_dim3A_128 : vector<8x16xi1>, vector<8x16xf32>
    %eq3A_135 = arith.constant 1 : i32
    %eq3A_136 = vector.broadcast %eq3A_135 : i32 to vector<8x16xi32>
    %eq3A_137 = arith.cmpi eq, %iota3A_126, %eq3A_136 : vector<8x16xi32>
    %eq3A_138 = arith.constant 0 : i32
    %eq3A_139 = vector.broadcast %eq3A_138 : i32 to vector<8x16xi32>
    %eq3A_140 = arith.cmpi eq, %iota3A, %eq3A_139 : vector<8x16xi32>
    %and3A_141 = arith.andi %eq3A_137, %eq3A_140 : vector<8x16xi1>
    %broadcast_in_dim3A_142 = vector.broadcast %reduce_max3A_104 : f32 to vector<8x16xf32>
    %select_n3A_143 = arith.select %and3A_141, %broadcast_in_dim3A_142, %select_n3A : vector<8x16xi1>, vector<8x16xf32>
    %eq3A_144 = arith.constant 0 : i32
    %eq3A_145 = vector.broadcast %eq3A_144 : i32 to vector<8x16xi32>
    %eq3A_146 = arith.cmpi eq, %iota3A_126, %eq3A_145 : vector<8x16xi32>
    %eq3A_147 = arith.constant 1 : i32
    %eq3A_148 = vector.broadcast %eq3A_147 : i32 to vector<8x16xi32>
    %eq3A_149 = arith.cmpi eq, %iota3A, %eq3A_148 : vector<8x16xi32>
    %and3A_150 = arith.andi %eq3A_146, %eq3A_149 : vector<8x16xi1>
    %broadcast_in_dim3A_151 = vector.broadcast %reduce_max3A_83 : f32 to vector<8x16xf32>
    %select_n3A_152 = arith.select %and3A_150, %broadcast_in_dim3A_151, %select_n3A_143 : vector<8x16xi1>, vector<8x16xf32>
    %eq3A_153 = arith.constant 1 : i32
    %eq3A_154 = vector.broadcast %eq3A_153 : i32 to vector<8x16xi32>
    %eq3A_155 = arith.cmpi eq, %iota3A_126, %eq3A_154 : vector<8x16xi32>
    %eq3A_156 = arith.constant 1 : i32
    %eq3A_157 = vector.broadcast %eq3A_156 : i32 to vector<8x16xi32>
    %eq3A_158 = arith.cmpi eq, %iota3A, %eq3A_157 : vector<8x16xi32>
    %and3A_159 = arith.andi %eq3A_155, %eq3A_158 : vector<8x16xi1>
    %broadcast_in_dim3A_160 = vector.broadcast %reduce_max3A_111 : f32 to vector<8x16xf32>
    %select_n3A_161 = arith.select %and3A_159, %broadcast_in_dim3A_160, %select_n3A_152 : vector<8x16xi1>, vector<8x16xf32>
    %eq3A_162 = arith.constant 0 : i32
    %eq3A_163 = vector.broadcast %eq3A_162 : i32 to vector<8x16xi32>
    %eq3A_164 = arith.cmpi eq, %iota3A_126, %eq3A_163 : vector<8x16xi32>
    %eq3A_165 = arith.constant 2 : i32
    %eq3A_166 = vector.broadcast %eq3A_165 : i32 to vector<8x16xi32>
    %eq3A_167 = arith.cmpi eq, %iota3A, %eq3A_166 : vector<8x16xi32>
    %and3A_168 = arith.andi %eq3A_164, %eq3A_167 : vector<8x16xi1>
    %broadcast_in_dim3A_169 = vector.broadcast %reduce_max3A_90 : f32 to vector<8x16xf32>
    %select_n3A_170 = arith.select %and3A_168, %broadcast_in_dim3A_169, %select_n3A_161 : vector<8x16xi1>, vector<8x16xf32>
    %eq3A_171 = arith.constant 1 : i32
    %eq3A_172 = vector.broadcast %eq3A_171 : i32 to vector<8x16xi32>
    %eq3A_173 = arith.cmpi eq, %iota3A_126, %eq3A_172 : vector<8x16xi32>
    %eq3A_174 = arith.constant 2 : i32
    %eq3A_175 = vector.broadcast %eq3A_174 : i32 to vector<8x16xi32>
    %eq3A_176 = arith.cmpi eq, %iota3A, %eq3A_175 : vector<8x16xi32>
    %and3A_177 = arith.andi %eq3A_173, %eq3A_176 : vector<8x16xi1>
    %broadcast_in_dim3A_178 = vector.broadcast %reduce_max3A_118 : f32 to vector<8x16xf32>
    %select_n3A_179 = arith.select %and3A_177, %broadcast_in_dim3A_178, %select_n3A_170 : vector<8x16xi1>, vector<8x16xf32>
    %eq3A_180 = arith.constant 0 : i32
    %eq3A_181 = vector.broadcast %eq3A_180 : i32 to vector<8x16xi32>
    %eq3A_182 = arith.cmpi eq, %iota3A_126, %eq3A_181 : vector<8x16xi32>
    %eq3A_183 = arith.constant 3 : i32
    %eq3A_184 = vector.broadcast %eq3A_183 : i32 to vector<8x16xi32>
    %eq3A_185 = arith.cmpi eq, %iota3A, %eq3A_184 : vector<8x16xi32>
    %and3A_186 = arith.andi %eq3A_182, %eq3A_185 : vector<8x16xi1>
    %broadcast_in_dim3A_187 = vector.broadcast %reduce_max3A_97 : f32 to vector<8x16xf32>
    %select_n3A_188 = arith.select %and3A_186, %broadcast_in_dim3A_187, %select_n3A_179 : vector<8x16xi1>, vector<8x16xf32>
    %eq3A_189 = arith.constant 1 : i32
    %eq3A_190 = vector.broadcast %eq3A_189 : i32 to vector<8x16xi32>
    %eq3A_191 = arith.cmpi eq, %iota3A_126, %eq3A_190 : vector<8x16xi32>
    %eq3A_192 = arith.constant 3 : i32
    %eq3A_193 = vector.broadcast %eq3A_192 : i32 to vector<8x16xi32>
    %eq3A_194 = arith.cmpi eq, %iota3A, %eq3A_193 : vector<8x16xi32>
    %and3A_195 = arith.andi %eq3A_191, %eq3A_194 : vector<8x16xi1>
    %broadcast_in_dim3A_196 = vector.broadcast %reduce_max3A_125 : f32 to vector<8x16xf32>
    %select_n3A_197 = arith.select %and3A_195, %broadcast_in_dim3A_196, %select_n3A_188 : vector<8x16xi1>, vector<8x16xf32>
    %eq3A_198 = arith.constant 0 : i32
    %eq3A_199 = arith.cmpi eq, %arg0, %eq3A_198 : i32
    %convert_element_type3A = arith.extui %eq3A_199 : i1 to i32
    %cond3A = arith.constant 0 : i32
    %cond3A_200 = arith.cmpi ne, %convert_element_type3A, %cond3A : i32
    scf.if %cond3A_200 {
      %swap3A_210 = arith.constant 0 : index
      %swap3A_211 = arith.constant 0 : index
      %swap3A_212 = vector.load %arg7[%swap3A_210, %swap3A_211] : memref<8x16xf32, #tpu.memory_space<vmem>>, vector<8x16xf32>
      tpu.vector_store %arg7[%swap3A_210, %swap3A_211], %select_n3A_197 {strides = array<i32>} : memref<8x16xf32, #tpu.memory_space<vmem>>, vector<8x16xf32>,
    } else {
    }
    %gt3A = arith.constant 0 : i32
    %gt3A_201 = arith.cmpi sgt, %arg0, %gt3A : i32
    %convert_element_type3A_202 = arith.extui %gt3A_201 : i1 to i32
    %cond3A_203 = arith.constant 0 : i32
    %cond3A_204 = arith.cmpi ne, %convert_element_type3A_202, %cond3A_203 : i32
    scf.if %cond3A_204 {
      %get3A_210 = arith.constant 0 : index
      %get3A_211 = arith.constant 0 : index
      %get3A_212 = vector.load %arg7[%get3A_210, %get3A_211] : memref<8x16xf32, #tpu.memory_space<vmem>>, vector<8x16xf32>
      %max3A = arith.maximumf %get3A_212, %select_n3A_197 : vector<8x16xf32>
      %swap3A_213 = arith.constant 0 : index
      %swap3A_214 = arith.constant 0 : index
      %swap3A_215 = vector.load %arg7[%swap3A_213, %swap3A_214] : memref<8x16xf32, #tpu.memory_space<vmem>>, vector<8x16xf32>
      tpu.vector_store %arg7[%swap3A_213, %swap3A_214], %max3A {strides = array<i32>} : memref<8x16xf32, #tpu.memory_space<vmem>>, vector<8x16xf32>,
    } else {
    }
    %eq3A_205 = arith.constant 4 : i32
    %eq3A_206 = arith.cmpi eq, %arg0, %eq3A_205 : i32
    %convert_element_type3A_207 = arith.extui %eq3A_206 : i1 to i32
    %cond3A_208 = arith.constant 0 : i32
    %cond3A_209 = arith.cmpi ne, %convert_element_type3A_207, %cond3A_208 : i32
    scf.if %cond3A_209 {
      %get3A_210 = arith.constant 0 : index
      %get3A_211 = arith.constant 0 : index
      %get3A_212 = vector.load %arg7[%get3A_210, %get3A_211] : memref<8x16xf32, #tpu.memory_space<vmem>>, vector<8x16xf32>
      %slice3A_213 = vector.extract_strided_slice %get3A_212 {offsets = [0, 0], sizes = [1, 16], strides = [1, 1]} : vector<8x16xf32> to vector<1x16xf32>
      %slice3A_214 = vector.extract_strided_slice %get3A_212 {offsets = [1, 0], sizes = [1, 16], strides = [1, 1]} : vector<8x16xf32> to vector<1x16xf32>
      %add3A = arith.addf %slice3A_213, %slice3A_214 : vector<1x16xf32>
      %ge3A = arith.constant 0.000000e+00 : f32
      %ge3A_215 = vector.broadcast %ge3A : f32 to vector<1x16xf32>
      %ge3A_216 = arith.cmpf oge, %add3A, %ge3A_215 : vector<1x16xf32>
      %mul3A_217 = arith.constant 2.000000e-01 : f32
      %mul3A_218 = vector.broadcast %mul3A_217 : f32 to vector<1x16xf32>
      %mul3A_219 = arith.mulf %mul3A_218, %add3A : vector<1x16xf32>
      %select_n3A_220 = arith.select %ge3A_216, %add3A, %mul3A_219 : vector<1x16xi1>, vector<1x16xf32>
      %eq3A_221 = arith.constant 2 : i32
      %eq3A_222 = vector.broadcast %eq3A_221 : i32 to vector<8x16xi32>
      %eq3A_223 = arith.cmpi eq, %iota3A_126, %eq3A_222 : vector<8x16xi32>
      %broadcast_in_dim3A_224 = vector.shape_cast %select_n3A_220 : vector<1x16xf32> to vector<1x16xf32>
      %broadcast_in_dim3A_225 = vector.broadcast %broadcast_in_dim3A_224 : vector<1x16xf32> to vector<8x16xf32>
      %select_n3A_226 = arith.select %eq3A_223, %broadcast_in_dim3A_225, %get3A_212 : vector<8x16xi1>, vector<8x16xf32>
      %swap3A_227 = arith.constant 0 : index
      %swap3A_228 = arith.constant 0 : index
      %swap3A_229 = vector.load %arg7[%swap3A_227, %swap3A_228] : memref<8x16xf32, #tpu.memory_space<vmem>>, vector<8x16xf32>
      tpu.vector_store %arg7[%swap3A_227, %swap3A_228], %select_n3A_226 {strides = array<i32>} : memref<8x16xf32, #tpu.memory_space<vmem>>, vector<8x16xf32>,
    } else {
    }
    return
  }
  func.func @transform_0(%arg0: i32) -> (i32, i32) {
    %c0_i32 = arith.constant 0 : i32
    %c0_i32_0 = arith.constant 0 : i32
    return %arg0, %c0_i32 : i32, i32
  }
  func.func @transform_1(%arg0: i32) -> (i32, i32) {
    %c0_i32 = arith.constant 0 : i32
    %c0_i32_0 = arith.constant 0 : i32
    %c0_i32_1 = arith.constant 0 : i32
    return %c0_i32, %c0_i32_0 : i32, i32
  }
  func.func @transform_2(%arg0: i32) -> (i32, i32) {
    %c0_i32 = arith.constant 0 : i32
    %c0_i32_0 = arith.constant 0 : i32
    %c0_i32_1 = arith.constant 0 : i32
    return %c0_i32, %c0_i32_0 : i32, i32
  }
  func.func @transform_3(%arg0: i32) -> (i32, i32) {
    %c0_i32 = arith.constant 0 : i32
    %c0_i32_0 = arith.constant 0 : i32
    %c0_i32_1 = arith.constant 0 : i32
    return %c0_i32, %c0_i32_0 : i32, i32
  }
  func.func @transform_4(%arg0: i32) -> (i32, i32) {
    %c0_i32 = arith.constant 0 : i32
    %c0_i32_0 = arith.constant 0 : i32
    return %arg0, %c0_i32 : i32, i32
  }
  func.func @transform_5(%arg0: i32) -> (i32, i32) {
    %c0_i32 = arith.constant 0 : i32
    %c0_i32_0 = arith.constant 0 : i32
    return %arg0, %c0_i32 : i32, i32
  }
  func.func @transform_6(%arg0: i32) -> (i32, i32) {
    %c0_i32 = arith.constant 0 : i32
    %c0_i32_0 = arith.constant 0 : i32
    %c0_i32_1 = arith.constant 0 : i32
    return %c0_i32, %c0_i32_0 : i32, i32
  }
}

module attributes {stable_mosaic.version = 14 : i64} {
  func.func @_k_mid(%arg0: i32, %arg1: memref<2000x128xf32, #tpu.memory_space<vmem>>, %arg2: memref<2x2000x144xf32, #tpu.memory_space<vmem>>, %arg3: memref<2000x144xf32, #tpu.memory_space<vmem>>, %arg4: memref<2000x16xf32, #tpu.memory_space<vmem>>, %arg5: memref<8x16xf32, #tpu.memory_space<vmem>>, %arg6: memref<1x128xf32, #tpu.memory_space<vmem>>, %arg7: memref<128x128xf32, #tpu.memory_space<vmem>>, %arg8: memref<4x32xf32, #tpu.memory_space<vmem>>, %arg9: memref<4x32xf32, #tpu.memory_space<vmem>>, %arg10: memref<2000x128xf32, #tpu.memory_space<vmem>>, %arg11: memref<2000x144xf32, #tpu.memory_space<vmem>>, %arg12: memref<2000x16xf32, #tpu.memory_space<vmem>>, %arg13: memref<8x16xf32, #tpu.memory_space<vmem>>) attributes {dimension_semantics = [#tpu.dimension_semantics<arbitrary>], iteration_bounds = array<i64: 5>, scalar_prefetch = 0 : i64, scratch_operands = 0 : i64, tpu.core_type = #tpu.core_type<tc>, window_params = [{transform_indices = @transform_0, window_bounds = array<i64: 2000, 128>}, {transform_indices = @transform_1, window_bounds = array<i64: 2, 2000, 144>}, {transform_indices = @transform_2, window_bounds = array<i64: 2000, 144>}, {transform_indices = @transform_3, window_bounds = array<i64: 2000, 16>}, {pipeline_mode = #tpu.pipeline_mode<synchronous>, transform_indices = @transform_4, window_bounds = array<i64: 8, 16>}, {pipeline_mode = #tpu.pipeline_mode<synchronous>, transform_indices = @transform_5, window_bounds = array<i64: 1, 128>}, {pipeline_mode = #tpu.pipeline_mode<synchronous>, transform_indices = @transform_6, window_bounds = array<i64: 128, 128>}, {pipeline_mode = #tpu.pipeline_mode<synchronous>, transform_indices = @transform_7, window_bounds = array<i64: 4, 32>}, {pipeline_mode = #tpu.pipeline_mode<synchronous>, transform_indices = @transform_8, window_bounds = array<i64: 4, 32>}, {transform_indices = @transform_9, window_bounds = array<i64: 2000, 128>}, {transform_indices = @transform_10, window_bounds = array<i64: 2000, 144>}, {transform_indices = @transform_11, window_bounds = array<i64: 2000, 16>}, {pipeline_mode = #tpu.pipeline_mode<synchronous>, transform_indices = @transform_12, window_bounds = array<i64: 8, 16>}]} {
    %get3A = arith.constant 0 : index
    %get3A_0 = arith.constant 0 : index
    %get3A_1 = arith.constant 0 : index
    %get3A_2 = vector.load %arg2[%get3A, %get3A_0, %get3A_1] : memref<2x2000x144xf32, #tpu.memory_space<vmem>>, vector<2x2000x144xf32>
    %get3A_3 = arith.constant 0 : index
    %get3A_4 = arith.constant 0 : index
    %get3A_5 = vector.load %arg3[%get3A_3, %get3A_4] : memref<2000x144xf32, #tpu.memory_space<vmem>>, vector<2000x144xf32>
    %get3A_6 = arith.constant 0 : index
    %get3A_7 = arith.constant 0 : index
    %get3A_8 = vector.load %arg4[%get3A_6, %get3A_7] : memref<2000x16xf32, #tpu.memory_space<vmem>>, vector<2000x16xf32>
    %get3A_9 = arith.constant 2 : index
    %get3A_10 = arith.constant 0 : index
    %get3A_11 = vector.load %arg5[%get3A_9, %get3A_10] : memref<8x16xf32, #tpu.memory_space<vmem>>, vector<1x4xf32>
    %get3A_12 = arith.constant 0 : index
    %get3A_13 = arith.constant 0 : index
    %get3A_14 = vector.load %arg1[%get3A_12, %get3A_13] : memref<2000x128xf32, #tpu.memory_space<vmem>>, vector<2000x128xf32>
    %get3A_15 = arith.constant 0 : index
    %get3A_16 = arith.constant 0 : index
    %get3A_17 = vector.load %arg6[%get3A_15, %get3A_16] : memref<1x128xf32, #tpu.memory_space<vmem>>, vector<1x128xf32>
    %slice3A = vector.extract_strided_slice %get3A_5 {offsets = [0, 0], sizes = [2000, 128], strides = [1, 1]} : vector<2000x144xf32> to vector<2000x128xf32>
    %slice3A_18 = vector.extract_strided_slice %get3A_5 {offsets = [0, 128], sizes = [2000, 4], strides = [1, 1]} : vector<2000x144xf32> to vector<2000x4xf32>
    %slice3A_19 = vector.extract_strided_slice %get3A_8 {offsets = [0, 0], sizes = [2000, 4], strides = [1, 1]} : vector<2000x16xf32> to vector<2000x4xf32>
    %add3A = arith.addf %slice3A_18, %slice3A_19 : vector<2000x4xf32>
    %ge3A = arith.constant 0.000000e+00 : f32
    %ge3A_20 = vector.broadcast %ge3A : f32 to vector<2000x4xf32>
    %ge3A_21 = arith.cmpf oge, %add3A, %ge3A_20 : vector<2000x4xf32>
    %mul3A = arith.constant 2.000000e-01 : f32
    %mul3A_22 = vector.broadcast %mul3A : f32 to vector<2000x4xf32>
    %mul3A_23 = arith.mulf %mul3A_22, %add3A : vector<2000x4xf32>
    %select_n3A = arith.select %ge3A_21, %add3A, %mul3A_23 : vector<2000x4xi1>, vector<2000x4xf32>
    %sub3A = vector.broadcast %get3A_11 : vector<1x4xf32> to vector<2000x4xf32>
    %sub3A_24 = arith.subf %select_n3A, %sub3A : vector<2000x4xf32>
    %exp3A = math.exp %sub3A_24 : vector<2000x4xf32>
    %slice3A_25 = vector.extract_strided_slice %get3A_2 {offsets = [0, 0, 128], sizes = [1, 2000, 4], strides = [1, 1, 1]} : vector<2x2000x144xf32> to vector<1x2000x4xf32>
    %squeeze3A = vector.shape_cast %slice3A_25 : vector<1x2000x4xf32> to vector<2000x4xf32>
    %slice3A_26 = vector.extract_strided_slice %get3A_2 {offsets = [1, 0, 128], sizes = [1, 2000, 4], strides = [1, 1, 1]} : vector<2x2000x144xf32> to vector<1x2000x4xf32>
    %squeeze3A_27 = vector.shape_cast %slice3A_26 : vector<1x2000x4xf32> to vector<2000x4xf32>
    %add3A_28 = arith.addf %squeeze3A, %squeeze3A_27 : vector<2000x4xf32>
    %add3A_29 = arith.addf %add3A_28, %exp3A : vector<2000x4xf32>
    %slice3A_30 = vector.extract_strided_slice %get3A_2 {offsets = [0, 0, 0], sizes = [1, 2000, 128], strides = [1, 1, 1]} : vector<2x2000x144xf32> to vector<1x2000x128xf32>
    %squeeze3A_31 = vector.shape_cast %slice3A_30 : vector<1x2000x128xf32> to vector<2000x128xf32>
    %slice3A_32 = vector.extract_strided_slice %get3A_2 {offsets = [1, 0, 0], sizes = [1, 2000, 128], strides = [1, 1, 1]} : vector<2x2000x144xf32> to vector<1x2000x128xf32>
    %squeeze3A_33 = vector.shape_cast %slice3A_32 : vector<1x2000x128xf32> to vector<2000x128xf32>
    %add3A_34 = arith.addf %squeeze3A_31, %squeeze3A_33 : vector<2000x128xf32>
    %slice3A_35 = vector.extract_strided_slice %add3A_34 {offsets = [0, 0], sizes = [2000, 32], strides = [1, 1]} : vector<2000x128xf32> to vector<2000x32xf32>
    %slice3A_36 = vector.extract_strided_slice %exp3A {offsets = [0, 0], sizes = [2000, 1], strides = [1, 1]} : vector<2000x4xf32> to vector<2000x1xf32>
    %slice3A_37 = vector.extract_strided_slice %slice3A {offsets = [0, 0], sizes = [2000, 32], strides = [1, 1]} : vector<2000x128xf32> to vector<2000x32xf32>
    %mul3A_38 = vector.broadcast %slice3A_36 : vector<2000x1xf32> to vector<2000x32xf32>
    %mul3A_39 = arith.mulf %mul3A_38, %slice3A_37 : vector<2000x32xf32>
    %add3A_40 = arith.addf %slice3A_35, %mul3A_39 : vector<2000x32xf32>
    %slice3A_41 = vector.extract_strided_slice %add3A_29 {offsets = [0, 0], sizes = [2000, 1], strides = [1, 1]} : vector<2000x4xf32> to vector<2000x1xf32>
    %add3A_42 = arith.constant 1.000000e-16 : f32
    %add3A_43 = vector.broadcast %add3A_42 : f32 to vector<2000x1xf32>
    %add3A_44 = arith.addf %slice3A_41, %add3A_43 : vector<2000x1xf32>
    %div3A = vector.broadcast %add3A_44 : vector<2000x1xf32> to vector<2000x32xf32>
    %div3A_45 = arith.divf %add3A_40, %div3A : vector<2000x32xf32>
    %slice3A_46 = vector.extract_strided_slice %add3A_34 {offsets = [0, 32], sizes = [2000, 32], strides = [1, 1]} : vector<2000x128xf32> to vector<2000x32xf32>
    %slice3A_47 = vector.extract_strided_slice %exp3A {offsets = [0, 1], sizes = [2000, 1], strides = [1, 1]} : vector<2000x4xf32> to vector<2000x1xf32>
    %slice3A_48 = vector.extract_strided_slice %slice3A {offsets = [0, 32], sizes = [2000, 32], strides = [1, 1]} : vector<2000x128xf32> to vector<2000x32xf32>
    %mul3A_49 = vector.broadcast %slice3A_47 : vector<2000x1xf32> to vector<2000x32xf32>
    %mul3A_50 = arith.mulf %mul3A_49, %slice3A_48 : vector<2000x32xf32>
    %add3A_51 = arith.addf %slice3A_46, %mul3A_50 : vector<2000x32xf32>
    %slice3A_52 = vector.extract_strided_slice %add3A_29 {offsets = [0, 1], sizes = [2000, 1], strides = [1, 1]} : vector<2000x4xf32> to vector<2000x1xf32>
    %add3A_53 = arith.constant 1.000000e-16 : f32
    %add3A_54 = vector.broadcast %add3A_53 : f32 to vector<2000x1xf32>
    %add3A_55 = arith.addf %slice3A_52, %add3A_54 : vector<2000x1xf32>
    %div3A_56 = vector.broadcast %add3A_55 : vector<2000x1xf32> to vector<2000x32xf32>
    %div3A_57 = arith.divf %add3A_51, %div3A_56 : vector<2000x32xf32>
    %slice3A_58 = vector.extract_strided_slice %add3A_34 {offsets = [0, 64], sizes = [2000, 32], strides = [1, 1]} : vector<2000x128xf32> to vector<2000x32xf32>
    %slice3A_59 = vector.extract_strided_slice %exp3A {offsets = [0, 2], sizes = [2000, 1], strides = [1, 1]} : vector<2000x4xf32> to vector<2000x1xf32>
    %slice3A_60 = vector.extract_strided_slice %slice3A {offsets = [0, 64], sizes = [2000, 32], strides = [1, 1]} : vector<2000x128xf32> to vector<2000x32xf32>
    %mul3A_61 = vector.broadcast %slice3A_59 : vector<2000x1xf32> to vector<2000x32xf32>
    %mul3A_62 = arith.mulf %mul3A_61, %slice3A_60 : vector<2000x32xf32>
    %add3A_63 = arith.addf %slice3A_58, %mul3A_62 : vector<2000x32xf32>
    %slice3A_64 = vector.extract_strided_slice %add3A_29 {offsets = [0, 2], sizes = [2000, 1], strides = [1, 1]} : vector<2000x4xf32> to vector<2000x1xf32>
    %add3A_65 = arith.constant 1.000000e-16 : f32
    %add3A_66 = vector.broadcast %add3A_65 : f32 to vector<2000x1xf32>
    %add3A_67 = arith.addf %slice3A_64, %add3A_66 : vector<2000x1xf32>
    %div3A_68 = vector.broadcast %add3A_67 : vector<2000x1xf32> to vector<2000x32xf32>
    %div3A_69 = arith.divf %add3A_63, %div3A_68 : vector<2000x32xf32>
    %slice3A_70 = vector.extract_strided_slice %add3A_34 {offsets = [0, 96], sizes = [2000, 32], strides = [1, 1]} : vector<2000x128xf32> to vector<2000x32xf32>
    %slice3A_71 = vector.extract_strided_slice %exp3A {offsets = [0, 3], sizes = [2000, 1], strides = [1, 1]} : vector<2000x4xf32> to vector<2000x1xf32>
    %slice3A_72 = vector.extract_strided_slice %slice3A {offsets = [0, 96], sizes = [2000, 32], strides = [1, 1]} : vector<2000x128xf32> to vector<2000x32xf32>
    %mul3A_73 = vector.broadcast %slice3A_71 : vector<2000x1xf32> to vector<2000x32xf32>
    %mul3A_74 = arith.mulf %mul3A_73, %slice3A_72 : vector<2000x32xf32>
    %add3A_75 = arith.addf %slice3A_70, %mul3A_74 : vector<2000x32xf32>
    %slice3A_76 = vector.extract_strided_slice %add3A_29 {offsets = [0, 3], sizes = [2000, 1], strides = [1, 1]} : vector<2000x4xf32> to vector<2000x1xf32>
    %add3A_77 = arith.constant 1.000000e-16 : f32
    %add3A_78 = vector.broadcast %add3A_77 : f32 to vector<2000x1xf32>
    %add3A_79 = arith.addf %slice3A_76, %add3A_78 : vector<2000x1xf32>
    %div3A_80 = vector.broadcast %add3A_79 : vector<2000x1xf32> to vector<2000x32xf32>
    %div3A_81 = arith.divf %add3A_75, %div3A_80 : vector<2000x32xf32>
    %concatenate3A = tpu.concatenate %div3A_45, %div3A_57, %div3A_69, %div3A_81 in 1 : vector<2000x32xf32>, vector<2000x32xf32>, vector<2000x32xf32>, vector<2000x32xf32> -> vector<2000x128xf32>
    %add3A_82 = vector.broadcast %get3A_17 : vector<1x128xf32> to vector<2000x128xf32>
    %add3A_83 = arith.addf %concatenate3A, %add3A_82 : vector<2000x128xf32>
    %add3A_84 = arith.addf %get3A_14, %add3A_83 : vector<2000x128xf32>
    %ge3A_85 = arith.constant 0.000000e+00 : f32
    %ge3A_86 = vector.broadcast %ge3A_85 : f32 to vector<2000x128xf32>
    %ge3A_87 = arith.cmpf oge, %add3A_84, %ge3A_86 : vector<2000x128xf32>
    %mul3A_88 = arith.constant 2.000000e-01 : f32
    %mul3A_89 = vector.broadcast %mul3A_88 : f32 to vector<2000x128xf32>
    %mul3A_90 = arith.mulf %mul3A_89, %add3A_84 : vector<2000x128xf32>
    %select_n3A_91 = arith.select %ge3A_87, %add3A_84, %mul3A_90 : vector<2000x128xi1>, vector<2000x128xf32>
    %swap3A = arith.constant 0 : index
    %swap3A_92 = arith.constant 0 : index
    %swap3A_93 = vector.load %arg10[%swap3A, %swap3A_92] : memref<2000x128xf32, #tpu.memory_space<vmem>>, vector<2000x128xf32>
    tpu.vector_store %arg10[%swap3A, %swap3A_92], %select_n3A_91 {strides = array<i32>} : memref<2000x128xf32, #tpu.memory_space<vmem>>, vector<2000x128xf32>,
    %get3A_94 = arith.constant 0 : index
    %get3A_95 = arith.constant 0 : index
    %get3A_96 = vector.load %arg7[%get3A_94, %get3A_95] : memref<128x128xf32, #tpu.memory_space<vmem>>, vector<128x128xf32>
    %dot_general3A = arith.constant dense<0.000000e+00> : vector<2000x128xf32>
    %dot_general3A_97 = tpu.matmul %select_n3A_91, %get3A_96, %dot_general3A {dimension_numbers = #tpu.dot_dimension_numbers<[1], [0], [0], [1], [0, 0, 1, 1], [], []>, transpose_lhs_hint = false} : vector<2000x128xf32>, vector<128x128xf32>, vector<2000x128xf32> -> vector<2000x128xf32>
    %get3A_98 = arith.constant 0 : index
    %get3A_99 = arith.constant 0 : index
    %get3A_100 = vector.load %arg8[%get3A_98, %get3A_99] : memref<4x32xf32, #tpu.memory_space<vmem>>, vector<4x32xf32>
    %get3A_101 = arith.constant 0 : index
    %get3A_102 = arith.constant 0 : index
    %get3A_103 = vector.load %arg9[%get3A_101, %get3A_102] : memref<4x32xf32, #tpu.memory_space<vmem>>, vector<4x32xf32>
    %slice3A_104 = vector.extract_strided_slice %dot_general3A_97 {offsets = [0, 0], sizes = [2000, 32], strides = [1, 1]} : vector<2000x128xf32> to vector<2000x32xf32>
    %slice3A_105 = vector.extract_strided_slice %get3A_100 {offsets = [0, 0], sizes = [1, 32], strides = [1, 1]} : vector<4x32xf32> to vector<1x32xf32>
    %mul3A_106 = vector.broadcast %slice3A_105 : vector<1x32xf32> to vector<2000x32xf32>
    %mul3A_107 = arith.mulf %slice3A_104, %mul3A_106 : vector<2000x32xf32>
    %reduce_sum3A = arith.constant dense<0.000000e+00> : vector<2000xf32>
    %reduce_sum3A_108 = vector.multi_reduction <add>, %mul3A_107, %reduce_sum3A [1] : vector<2000x32xf32> to vector<2000xf32>
    %broadcast_in_dim3A = vector.shape_cast %reduce_sum3A_108 : vector<2000xf32> to vector<2000x1xf32>
    %slice3A_109 = vector.extract_strided_slice %get3A_103 {offsets = [0, 0], sizes = [1, 32], strides = [1, 1]} : vector<4x32xf32> to vector<1x32xf32>
    %mul3A_110 = vector.broadcast %slice3A_109 : vector<1x32xf32> to vector<2000x32xf32>
    %mul3A_111 = arith.mulf %slice3A_104, %mul3A_110 : vector<2000x32xf32>
    %reduce_sum3A_112 = arith.constant dense<0.000000e+00> : vector<2000xf32>
    %reduce_sum3A_113 = vector.multi_reduction <add>, %mul3A_111, %reduce_sum3A_112 [1] : vector<2000x32xf32> to vector<2000xf32>
    %broadcast_in_dim3A_114 = vector.shape_cast %reduce_sum3A_113 : vector<2000xf32> to vector<2000x1xf32>
    %slice3A_115 = vector.extract_strided_slice %dot_general3A_97 {offsets = [0, 32], sizes = [2000, 32], strides = [1, 1]} : vector<2000x128xf32> to vector<2000x32xf32>
    %slice3A_116 = vector.extract_strided_slice %get3A_100 {offsets = [1, 0], sizes = [1, 32], strides = [1, 1]} : vector<4x32xf32> to vector<1x32xf32>
    %mul3A_117 = vector.broadcast %slice3A_116 : vector<1x32xf32> to vector<2000x32xf32>
    %mul3A_118 = arith.mulf %slice3A_115, %mul3A_117 : vector<2000x32xf32>
    %reduce_sum3A_119 = arith.constant dense<0.000000e+00> : vector<2000xf32>
    %reduce_sum3A_120 = vector.multi_reduction <add>, %mul3A_118, %reduce_sum3A_119 [1] : vector<2000x32xf32> to vector<2000xf32>
    %broadcast_in_dim3A_121 = vector.shape_cast %reduce_sum3A_120 : vector<2000xf32> to vector<2000x1xf32>
    %slice3A_122 = vector.extract_strided_slice %get3A_103 {offsets = [1, 0], sizes = [1, 32], strides = [1, 1]} : vector<4x32xf32> to vector<1x32xf32>
    %mul3A_123 = vector.broadcast %slice3A_122 : vector<1x32xf32> to vector<2000x32xf32>
    %mul3A_124 = arith.mulf %slice3A_115, %mul3A_123 : vector<2000x32xf32>
    %reduce_sum3A_125 = arith.constant dense<0.000000e+00> : vector<2000xf32>
    %reduce_sum3A_126 = vector.multi_reduction <add>, %mul3A_124, %reduce_sum3A_125 [1] : vector<2000x32xf32> to vector<2000xf32>
    %broadcast_in_dim3A_127 = vector.shape_cast %reduce_sum3A_126 : vector<2000xf32> to vector<2000x1xf32>
    %slice3A_128 = vector.extract_strided_slice %dot_general3A_97 {offsets = [0, 64], sizes = [2000, 32], strides = [1, 1]} : vector<2000x128xf32> to vector<2000x32xf32>
    %slice3A_129 = vector.extract_strided_slice %get3A_100 {offsets = [2, 0], sizes = [1, 32], strides = [1, 1]} : vector<4x32xf32> to vector<1x32xf32>
    %mul3A_130 = vector.broadcast %slice3A_129 : vector<1x32xf32> to vector<2000x32xf32>
    %mul3A_131 = arith.mulf %slice3A_128, %mul3A_130 : vector<2000x32xf32>
    %reduce_sum3A_132 = arith.constant dense<0.000000e+00> : vector<2000xf32>
    %reduce_sum3A_133 = vector.multi_reduction <add>, %mul3A_131, %reduce_sum3A_132 [1] : vector<2000x32xf32> to vector<2000xf32>
    %broadcast_in_dim3A_134 = vector.shape_cast %reduce_sum3A_133 : vector<2000xf32> to vector<2000x1xf32>
    %slice3A_135 = vector.extract_strided_slice %get3A_103 {offsets = [2, 0], sizes = [1, 32], strides = [1, 1]} : vector<4x32xf32> to vector<1x32xf32>
    %mul3A_136 = vector.broadcast %slice3A_135 : vector<1x32xf32> to vector<2000x32xf32>
    %mul3A_137 = arith.mulf %slice3A_128, %mul3A_136 : vector<2000x32xf32>
    %reduce_sum3A_138 = arith.constant dense<0.000000e+00> : vector<2000xf32>
    %reduce_sum3A_139 = vector.multi_reduction <add>, %mul3A_137, %reduce_sum3A_138 [1] : vector<2000x32xf32> to vector<2000xf32>
    %broadcast_in_dim3A_140 = vector.shape_cast %reduce_sum3A_139 : vector<2000xf32> to vector<2000x1xf32>
    %slice3A_141 = vector.extract_strided_slice %dot_general3A_97 {offsets = [0, 96], sizes = [2000, 32], strides = [1, 1]} : vector<2000x128xf32> to vector<2000x32xf32>
    %slice3A_142 = vector.extract_strided_slice %get3A_100 {offsets = [3, 0], sizes = [1, 32], strides = [1, 1]} : vector<4x32xf32> to vector<1x32xf32>
    %mul3A_143 = vector.broadcast %slice3A_142 : vector<1x32xf32> to vector<2000x32xf32>
    %mul3A_144 = arith.mulf %slice3A_141, %mul3A_143 : vector<2000x32xf32>
    %reduce_sum3A_145 = arith.constant dense<0.000000e+00> : vector<2000xf32>
    %reduce_sum3A_146 = vector.multi_reduction <add>, %mul3A_144, %reduce_sum3A_145 [1] : vector<2000x32xf32> to vector<2000xf32>
    %broadcast_in_dim3A_147 = vector.shape_cast %reduce_sum3A_146 : vector<2000xf32> to vector<2000x1xf32>
    %slice3A_148 = vector.extract_strided_slice %get3A_103 {offsets = [3, 0], sizes = [1, 32], strides = [1, 1]} : vector<4x32xf32> to vector<1x32xf32>
    %mul3A_149 = vector.broadcast %slice3A_148 : vector<1x32xf32> to vector<2000x32xf32>
    %mul3A_150 = arith.mulf %slice3A_141, %mul3A_149 : vector<2000x32xf32>
    %reduce_sum3A_151 = arith.constant dense<0.000000e+00> : vector<2000xf32>
    %reduce_sum3A_152 = vector.multi_reduction <add>, %mul3A_150, %reduce_sum3A_151 [1] : vector<2000x32xf32> to vector<2000xf32>
    %broadcast_in_dim3A_153 = vector.shape_cast %reduce_sum3A_152 : vector<2000xf32> to vector<2000x1xf32>
    %concatenate3A_154 = tpu.concatenate %broadcast_in_dim3A, %broadcast_in_dim3A_121, %broadcast_in_dim3A_134, %broadcast_in_dim3A_147 in 1 : vector<2000x1xf32>, vector<2000x1xf32>, vector<2000x1xf32>, vector<2000x1xf32> -> vector<2000x4xf32>
    %concatenate3A_155 = tpu.concatenate %broadcast_in_dim3A_114, %broadcast_in_dim3A_127, %broadcast_in_dim3A_140, %broadcast_in_dim3A_153 in 1 : vector<2000x1xf32>, vector<2000x1xf32>, vector<2000x1xf32>, vector<2000x1xf32> -> vector<2000x4xf32>
    %broadcast_in_dim3A_156 = arith.constant 0.000000e+00 : f32
    %broadcast_in_dim3A_157 = vector.broadcast %broadcast_in_dim3A_156 : f32 to vector<2000x12xf32>
    %concatenate3A_158 = tpu.concatenate %dot_general3A_97, %concatenate3A_154, %broadcast_in_dim3A_157 in 1 : vector<2000x128xf32>, vector<2000x4xf32>, vector<2000x12xf32> -> vector<2000x144xf32>
    %swap3A_159 = arith.constant 0 : index
    %swap3A_160 = arith.constant 0 : index
    %swap3A_161 = vector.load %arg11[%swap3A_159, %swap3A_160] : memref<2000x144xf32, #tpu.memory_space<vmem>>, vector<2000x144xf32>
    tpu.vector_store %arg11[%swap3A_159, %swap3A_160], %concatenate3A_158 {strides = array<i32>} : memref<2000x144xf32, #tpu.memory_space<vmem>>, vector<2000x144xf32>,
    %broadcast_in_dim3A_162 = arith.constant 0.000000e+00 : f32
    %broadcast_in_dim3A_163 = vector.broadcast %broadcast_in_dim3A_162 : f32 to vector<2000x12xf32>
    %concatenate3A_164 = tpu.concatenate %concatenate3A_155, %broadcast_in_dim3A_163 in 1 : vector<2000x4xf32>, vector<2000x12xf32> -> vector<2000x16xf32>
    %swap3A_165 = arith.constant 0 : index
    %swap3A_166 = arith.constant 0 : index
    %swap3A_167 = vector.load %arg12[%swap3A_165, %swap3A_166] : memref<2000x16xf32, #tpu.memory_space<vmem>>, vector<2000x16xf32>
    tpu.vector_store %arg12[%swap3A_165, %swap3A_166], %concatenate3A_164 {strides = array<i32>} : memref<2000x16xf32, #tpu.memory_space<vmem>>, vector<2000x16xf32>,
    %slice3A_168 = vector.extract_strided_slice %concatenate3A_154 {offsets = [0, 0], sizes = [2000, 1], strides = [1, 1]} : vector<2000x4xf32> to vector<2000x1xf32>
    %squeeze3A_169 = vector.shape_cast %slice3A_168 : vector<2000x1xf32> to vector<2000xf32>
    %reduce_max3A = vector.shape_cast %squeeze3A_169 : vector<2000xf32> to vector<1x2000xf32>
    %reduce_max3A_170 = arith.constant dense<0xFF800000> : vector<1xf32>
    %reduce_max3A_171 = vector.multi_reduction <maximumf>, %reduce_max3A, %reduce_max3A_170 [1] : vector<1x2000xf32> to vector<1xf32>
    %reduce_max3A_172 = vector.shape_cast %reduce_max3A_171 : vector<1xf32> to vector<1x1xf32>
    %reduce_max3A_173 = vector.extract %reduce_max3A_172[0, 0] : f32 from vector<1x1xf32>
    %slice3A_174 = vector.extract_strided_slice %concatenate3A_154 {offsets = [0, 1], sizes = [2000, 1], strides = [1, 1]} : vector<2000x4xf32> to vector<2000x1xf32>
    %squeeze3A_175 = vector.shape_cast %slice3A_174 : vector<2000x1xf32> to vector<2000xf32>
    %reduce_max3A_176 = vector.shape_cast %squeeze3A_175 : vector<2000xf32> to vector<1x2000xf32>
    %reduce_max3A_177 = arith.constant dense<0xFF800000> : vector<1xf32>
    %reduce_max3A_178 = vector.multi_reduction <maximumf>, %reduce_max3A_176, %reduce_max3A_177 [1] : vector<1x2000xf32> to vector<1xf32>
    %reduce_max3A_179 = vector.shape_cast %reduce_max3A_178 : vector<1xf32> to vector<1x1xf32>
    %reduce_max3A_180 = vector.extract %reduce_max3A_179[0, 0] : f32 from vector<1x1xf32>
    %slice3A_181 = vector.extract_strided_slice %concatenate3A_154 {offsets = [0, 2], sizes = [2000, 1], strides = [1, 1]} : vector<2000x4xf32> to vector<2000x1xf32>
    %squeeze3A_182 = vector.shape_cast %slice3A_181 : vector<2000x1xf32> to vector<2000xf32>
    %reduce_max3A_183 = vector.shape_cast %squeeze3A_182 : vector<2000xf32> to vector<1x2000xf32>
    %reduce_max3A_184 = arith.constant dense<0xFF800000> : vector<1xf32>
    %reduce_max3A_185 = vector.multi_reduction <maximumf>, %reduce_max3A_183, %reduce_max3A_184 [1] : vector<1x2000xf32> to vector<1xf32>
    %reduce_max3A_186 = vector.shape_cast %reduce_max3A_185 : vector<1xf32> to vector<1x1xf32>
    %reduce_max3A_187 = vector.extract %reduce_max3A_186[0, 0] : f32 from vector<1x1xf32>
    %slice3A_188 = vector.extract_strided_slice %concatenate3A_154 {offsets = [0, 3], sizes = [2000, 1], strides = [1, 1]} : vector<2000x4xf32> to vector<2000x1xf32>
    %squeeze3A_189 = vector.shape_cast %slice3A_188 : vector<2000x1xf32> to vector<2000xf32>
    %reduce_max3A_190 = vector.shape_cast %squeeze3A_189 : vector<2000xf32> to vector<1x2000xf32>
    %reduce_max3A_191 = arith.constant dense<0xFF800000> : vector<1xf32>
    %reduce_max3A_192 = vector.multi_reduction <maximumf>, %reduce_max3A_190, %reduce_max3A_191 [1] : vector<1x2000xf32> to vector<1xf32>
    %reduce_max3A_193 = vector.shape_cast %reduce_max3A_192 : vector<1xf32> to vector<1x1xf32>
    %reduce_max3A_194 = vector.extract %reduce_max3A_193[0, 0] : f32 from vector<1x1xf32>
    %slice3A_195 = vector.extract_strided_slice %concatenate3A_155 {offsets = [0, 0], sizes = [2000, 1], strides = [1, 1]} : vector<2000x4xf32> to vector<2000x1xf32>
    %squeeze3A_196 = vector.shape_cast %slice3A_195 : vector<2000x1xf32> to vector<2000xf32>
    %reduce_max3A_197 = vector.shape_cast %squeeze3A_196 : vector<2000xf32> to vector<1x2000xf32>
    %reduce_max3A_198 = arith.constant dense<0xFF800000> : vector<1xf32>
    %reduce_max3A_199 = vector.multi_reduction <maximumf>, %reduce_max3A_197, %reduce_max3A_198 [1] : vector<1x2000xf32> to vector<1xf32>
    %reduce_max3A_200 = vector.shape_cast %reduce_max3A_199 : vector<1xf32> to vector<1x1xf32>
    %reduce_max3A_201 = vector.extract %reduce_max3A_200[0, 0] : f32 from vector<1x1xf32>
    %slice3A_202 = vector.extract_strided_slice %concatenate3A_155 {offsets = [0, 1], sizes = [2000, 1], strides = [1, 1]} : vector<2000x4xf32> to vector<2000x1xf32>
    %squeeze3A_203 = vector.shape_cast %slice3A_202 : vector<2000x1xf32> to vector<2000xf32>
    %reduce_max3A_204 = vector.shape_cast %squeeze3A_203 : vector<2000xf32> to vector<1x2000xf32>
    %reduce_max3A_205 = arith.constant dense<0xFF800000> : vector<1xf32>
    %reduce_max3A_206 = vector.multi_reduction <maximumf>, %reduce_max3A_204, %reduce_max3A_205 [1] : vector<1x2000xf32> to vector<1xf32>
    %reduce_max3A_207 = vector.shape_cast %reduce_max3A_206 : vector<1xf32> to vector<1x1xf32>
    %reduce_max3A_208 = vector.extract %reduce_max3A_207[0, 0] : f32 from vector<1x1xf32>
    %slice3A_209 = vector.extract_strided_slice %concatenate3A_155 {offsets = [0, 2], sizes = [2000, 1], strides = [1, 1]} : vector<2000x4xf32> to vector<2000x1xf32>
    %squeeze3A_210 = vector.shape_cast %slice3A_209 : vector<2000x1xf32> to vector<2000xf32>
    %reduce_max3A_211 = vector.shape_cast %squeeze3A_210 : vector<2000xf32> to vector<1x2000xf32>
    %reduce_max3A_212 = arith.constant dense<0xFF800000> : vector<1xf32>
    %reduce_max3A_213 = vector.multi_reduction <maximumf>, %reduce_max3A_211, %reduce_max3A_212 [1] : vector<1x2000xf32> to vector<1xf32>
    %reduce_max3A_214 = vector.shape_cast %reduce_max3A_213 : vector<1xf32> to vector<1x1xf32>
    %reduce_max3A_215 = vector.extract %reduce_max3A_214[0, 0] : f32 from vector<1x1xf32>
    %slice3A_216 = vector.extract_strided_slice %concatenate3A_155 {offsets = [0, 3], sizes = [2000, 1], strides = [1, 1]} : vector<2000x4xf32> to vector<2000x1xf32>
    %squeeze3A_217 = vector.shape_cast %slice3A_216 : vector<2000x1xf32> to vector<2000xf32>
    %reduce_max3A_218 = vector.shape_cast %squeeze3A_217 : vector<2000xf32> to vector<1x2000xf32>
    %reduce_max3A_219 = arith.constant dense<0xFF800000> : vector<1xf32>
    %reduce_max3A_220 = vector.multi_reduction <maximumf>, %reduce_max3A_218, %reduce_max3A_219 [1] : vector<1x2000xf32> to vector<1xf32>
    %reduce_max3A_221 = vector.shape_cast %reduce_max3A_220 : vector<1xf32> to vector<1x1xf32>
    %reduce_max3A_222 = vector.extract %reduce_max3A_221[0, 0] : f32 from vector<1x1xf32>
    %iota3A = tpu.iota {dimensions = array<i32: 1>} : vector<8x16xi32>
    %iota3A_223 = tpu.iota {dimensions = array<i32: 0>} : vector<8x16xi32>
    %broadcast_in_dim3A_224 = arith.constant 0.000000e+00 : f32
    %broadcast_in_dim3A_225 = vector.broadcast %broadcast_in_dim3A_224 : f32 to vector<8x16xf32>
    %eq3A = arith.constant 0 : i32
    %eq3A_226 = vector.broadcast %eq3A : i32 to vector<8x16xi32>
    %eq3A_227 = arith.cmpi eq, %iota3A_223, %eq3A_226 : vector<8x16xi32>
    %eq3A_228 = arith.constant 0 : i32
    %eq3A_229 = vector.broadcast %eq3A_228 : i32 to vector<8x16xi32>
    %eq3A_230 = arith.cmpi eq, %iota3A, %eq3A_229 : vector<8x16xi32>
    %and3A = arith.andi %eq3A_227, %eq3A_230 : vector<8x16xi1>
    %broadcast_in_dim3A_231 = vector.broadcast %reduce_max3A_173 : f32 to vector<8x16xf32>
    %select_n3A_232 = arith.select %and3A, %broadcast_in_dim3A_231, %broadcast_in_dim3A_225 : vector<8x16xi1>, vector<8x16xf32>
    %eq3A_233 = arith.constant 1 : i32
    %eq3A_234 = vector.broadcast %eq3A_233 : i32 to vector<8x16xi32>
    %eq3A_235 = arith.cmpi eq, %iota3A_223, %eq3A_234 : vector<8x16xi32>
    %eq3A_236 = arith.constant 0 : i32
    %eq3A_237 = vector.broadcast %eq3A_236 : i32 to vector<8x16xi32>
    %eq3A_238 = arith.cmpi eq, %iota3A, %eq3A_237 : vector<8x16xi32>
    %and3A_239 = arith.andi %eq3A_235, %eq3A_238 : vector<8x16xi1>
    %broadcast_in_dim3A_240 = vector.broadcast %reduce_max3A_201 : f32 to vector<8x16xf32>
    %select_n3A_241 = arith.select %and3A_239, %broadcast_in_dim3A_240, %select_n3A_232 : vector<8x16xi1>, vector<8x16xf32>
    %eq3A_242 = arith.constant 0 : i32
    %eq3A_243 = vector.broadcast %eq3A_242 : i32 to vector<8x16xi32>
    %eq3A_244 = arith.cmpi eq, %iota3A_223, %eq3A_243 : vector<8x16xi32>
    %eq3A_245 = arith.constant 1 : i32
    %eq3A_246 = vector.broadcast %eq3A_245 : i32 to vector<8x16xi32>
    %eq3A_247 = arith.cmpi eq, %iota3A, %eq3A_246 : vector<8x16xi32>
    %and3A_248 = arith.andi %eq3A_244, %eq3A_247 : vector<8x16xi1>
    %broadcast_in_dim3A_249 = vector.broadcast %reduce_max3A_180 : f32 to vector<8x16xf32>
    %select_n3A_250 = arith.select %and3A_248, %broadcast_in_dim3A_249, %select_n3A_241 : vector<8x16xi1>, vector<8x16xf32>
    %eq3A_251 = arith.constant 1 : i32
    %eq3A_252 = vector.broadcast %eq3A_251 : i32 to vector<8x16xi32>
    %eq3A_253 = arith.cmpi eq, %iota3A_223, %eq3A_252 : vector<8x16xi32>
    %eq3A_254 = arith.constant 1 : i32
    %eq3A_255 = vector.broadcast %eq3A_254 : i32 to vector<8x16xi32>
    %eq3A_256 = arith.cmpi eq, %iota3A, %eq3A_255 : vector<8x16xi32>
    %and3A_257 = arith.andi %eq3A_253, %eq3A_256 : vector<8x16xi1>
    %broadcast_in_dim3A_258 = vector.broadcast %reduce_max3A_208 : f32 to vector<8x16xf32>
    %select_n3A_259 = arith.select %and3A_257, %broadcast_in_dim3A_258, %select_n3A_250 : vector<8x16xi1>, vector<8x16xf32>
    %eq3A_260 = arith.constant 0 : i32
    %eq3A_261 = vector.broadcast %eq3A_260 : i32 to vector<8x16xi32>
    %eq3A_262 = arith.cmpi eq, %iota3A_223, %eq3A_261 : vector<8x16xi32>
    %eq3A_263 = arith.constant 2 : i32
    %eq3A_264 = vector.broadcast %eq3A_263 : i32 to vector<8x16xi32>
    %eq3A_265 = arith.cmpi eq, %iota3A, %eq3A_264 : vector<8x16xi32>
    %and3A_266 = arith.andi %eq3A_262, %eq3A_265 : vector<8x16xi1>
    %broadcast_in_dim3A_267 = vector.broadcast %reduce_max3A_187 : f32 to vector<8x16xf32>
    %select_n3A_268 = arith.select %and3A_266, %broadcast_in_dim3A_267, %select_n3A_259 : vector<8x16xi1>, vector<8x16xf32>
    %eq3A_269 = arith.constant 1 : i32
    %eq3A_270 = vector.broadcast %eq3A_269 : i32 to vector<8x16xi32>
    %eq3A_271 = arith.cmpi eq, %iota3A_223, %eq3A_270 : vector<8x16xi32>
    %eq3A_272 = arith.constant 2 : i32
    %eq3A_273 = vector.broadcast %eq3A_272 : i32 to vector<8x16xi32>
    %eq3A_274 = arith.cmpi eq, %iota3A, %eq3A_273 : vector<8x16xi32>
    %and3A_275 = arith.andi %eq3A_271, %eq3A_274 : vector<8x16xi1>
    %broadcast_in_dim3A_276 = vector.broadcast %reduce_max3A_215 : f32 to vector<8x16xf32>
    %select_n3A_277 = arith.select %and3A_275, %broadcast_in_dim3A_276, %select_n3A_268 : vector<8x16xi1>, vector<8x16xf32>
    %eq3A_278 = arith.constant 0 : i32
    %eq3A_279 = vector.broadcast %eq3A_278 : i32 to vector<8x16xi32>
    %eq3A_280 = arith.cmpi eq, %iota3A_223, %eq3A_279 : vector<8x16xi32>
    %eq3A_281 = arith.constant 3 : i32
    %eq3A_282 = vector.broadcast %eq3A_281 : i32 to vector<8x16xi32>
    %eq3A_283 = arith.cmpi eq, %iota3A, %eq3A_282 : vector<8x16xi32>
    %and3A_284 = arith.andi %eq3A_280, %eq3A_283 : vector<8x16xi1>
    %broadcast_in_dim3A_285 = vector.broadcast %reduce_max3A_194 : f32 to vector<8x16xf32>
    %select_n3A_286 = arith.select %and3A_284, %broadcast_in_dim3A_285, %select_n3A_277 : vector<8x16xi1>, vector<8x16xf32>
    %eq3A_287 = arith.constant 1 : i32
    %eq3A_288 = vector.broadcast %eq3A_287 : i32 to vector<8x16xi32>
    %eq3A_289 = arith.cmpi eq, %iota3A_223, %eq3A_288 : vector<8x16xi32>
    %eq3A_290 = arith.constant 3 : i32
    %eq3A_291 = vector.broadcast %eq3A_290 : i32 to vector<8x16xi32>
    %eq3A_292 = arith.cmpi eq, %iota3A, %eq3A_291 : vector<8x16xi32>
    %and3A_293 = arith.andi %eq3A_289, %eq3A_292 : vector<8x16xi1>
    %broadcast_in_dim3A_294 = vector.broadcast %reduce_max3A_222 : f32 to vector<8x16xf32>
    %select_n3A_295 = arith.select %and3A_293, %broadcast_in_dim3A_294, %select_n3A_286 : vector<8x16xi1>, vector<8x16xf32>
    %eq3A_296 = arith.constant 0 : i32
    %eq3A_297 = arith.cmpi eq, %arg0, %eq3A_296 : i32
    %convert_element_type3A = arith.extui %eq3A_297 : i1 to i32
    %cond3A = arith.constant 0 : i32
    %cond3A_298 = arith.cmpi ne, %convert_element_type3A, %cond3A : i32
    scf.if %cond3A_298 {
      %swap3A_308 = arith.constant 0 : index
      %swap3A_309 = arith.constant 0 : index
      %swap3A_310 = vector.load %arg13[%swap3A_308, %swap3A_309] : memref<8x16xf32, #tpu.memory_space<vmem>>, vector<8x16xf32>
      tpu.vector_store %arg13[%swap3A_308, %swap3A_309], %select_n3A_295 {strides = array<i32>} : memref<8x16xf32, #tpu.memory_space<vmem>>, vector<8x16xf32>,
    } else {
    }
    %gt3A = arith.constant 0 : i32
    %gt3A_299 = arith.cmpi sgt, %arg0, %gt3A : i32
    %convert_element_type3A_300 = arith.extui %gt3A_299 : i1 to i32
    %cond3A_301 = arith.constant 0 : i32
    %cond3A_302 = arith.cmpi ne, %convert_element_type3A_300, %cond3A_301 : i32
    scf.if %cond3A_302 {
      %get3A_308 = arith.constant 0 : index
      %get3A_309 = arith.constant 0 : index
      %get3A_310 = vector.load %arg13[%get3A_308, %get3A_309] : memref<8x16xf32, #tpu.memory_space<vmem>>, vector<8x16xf32>
      %max3A = arith.maximumf %get3A_310, %select_n3A_295 : vector<8x16xf32>
      %swap3A_311 = arith.constant 0 : index
      %swap3A_312 = arith.constant 0 : index
      %swap3A_313 = vector.load %arg13[%swap3A_311, %swap3A_312] : memref<8x16xf32, #tpu.memory_space<vmem>>, vector<8x16xf32>
      tpu.vector_store %arg13[%swap3A_311, %swap3A_312], %max3A {strides = array<i32>} : memref<8x16xf32, #tpu.memory_space<vmem>>, vector<8x16xf32>,
    } else {
    }
    %eq3A_303 = arith.constant 4 : i32
    %eq3A_304 = arith.cmpi eq, %arg0, %eq3A_303 : i32
    %convert_element_type3A_305 = arith.extui %eq3A_304 : i1 to i32
    %cond3A_306 = arith.constant 0 : i32
    %cond3A_307 = arith.cmpi ne, %convert_element_type3A_305, %cond3A_306 : i32
    scf.if %cond3A_307 {
      %get3A_308 = arith.constant 0 : index
      %get3A_309 = arith.constant 0 : index
      %get3A_310 = vector.load %arg13[%get3A_308, %get3A_309] : memref<8x16xf32, #tpu.memory_space<vmem>>, vector<8x16xf32>
      %slice3A_311 = vector.extract_strided_slice %get3A_310 {offsets = [0, 0], sizes = [1, 16], strides = [1, 1]} : vector<8x16xf32> to vector<1x16xf32>
      %slice3A_312 = vector.extract_strided_slice %get3A_310 {offsets = [1, 0], sizes = [1, 16], strides = [1, 1]} : vector<8x16xf32> to vector<1x16xf32>
      %add3A_313 = arith.addf %slice3A_311, %slice3A_312 : vector<1x16xf32>
      %ge3A_314 = arith.constant 0.000000e+00 : f32
      %ge3A_315 = vector.broadcast %ge3A_314 : f32 to vector<1x16xf32>
      %ge3A_316 = arith.cmpf oge, %add3A_313, %ge3A_315 : vector<1x16xf32>
      %mul3A_317 = arith.constant 2.000000e-01 : f32
      %mul3A_318 = vector.broadcast %mul3A_317 : f32 to vector<1x16xf32>
      %mul3A_319 = arith.mulf %mul3A_318, %add3A_313 : vector<1x16xf32>
      %select_n3A_320 = arith.select %ge3A_316, %add3A_313, %mul3A_319 : vector<1x16xi1>, vector<1x16xf32>
      %eq3A_321 = arith.constant 2 : i32
      %eq3A_322 = vector.broadcast %eq3A_321 : i32 to vector<8x16xi32>
      %eq3A_323 = arith.cmpi eq, %iota3A_223, %eq3A_322 : vector<8x16xi32>
      %broadcast_in_dim3A_324 = vector.shape_cast %select_n3A_320 : vector<1x16xf32> to vector<1x16xf32>
      %broadcast_in_dim3A_325 = vector.broadcast %broadcast_in_dim3A_324 : vector<1x16xf32> to vector<8x16xf32>
      %select_n3A_326 = arith.select %eq3A_323, %broadcast_in_dim3A_325, %get3A_310 : vector<8x16xi1>, vector<8x16xf32>
      %swap3A_327 = arith.constant 0 : index
      %swap3A_328 = arith.constant 0 : index
      %swap3A_329 = vector.load %arg13[%swap3A_327, %swap3A_328] : memref<8x16xf32, #tpu.memory_space<vmem>>, vector<8x16xf32>
      tpu.vector_store %arg13[%swap3A_327, %swap3A_328], %select_n3A_326 {strides = array<i32>} : memref<8x16xf32, #tpu.memory_space<vmem>>, vector<8x16xf32>,
    } else {
    }
    return
  }
  func.func @transform_0(%arg0: i32) -> (i32, i32) {
    %c0_i32 = arith.constant 0 : i32
    %c0_i32_0 = arith.constant 0 : i32
    return %arg0, %c0_i32 : i32, i32
  }
  func.func @transform_1(%arg0: i32) -> (i32, i32, i32) {
    %c0_i32 = arith.constant 0 : i32
    %c0_i32_0 = arith.constant 0 : i32
    %c0_i32_1 = arith.constant 0 : i32
    return %c0_i32, %arg0, %c0_i32_0 : i32, i32, i32
  }
  func.func @transform_2(%arg0: i32) -> (i32, i32) {
    %c0_i32 = arith.constant 0 : i32
    %c0_i32_0 = arith.constant 0 : i32
    return %arg0, %c0_i32 : i32, i32
  }
  func.func @transform_3(%arg0: i32) -> (i32, i32) {
    %c0_i32 = arith.constant 0 : i32
    %c0_i32_0 = arith.constant 0 : i32
    return %arg0, %c0_i32 : i32, i32
  }
  func.func @transform_4(%arg0: i32) -> (i32, i32) {
    %c0_i32 = arith.constant 0 : i32
    %c0_i32_0 = arith.constant 0 : i32
    %c0_i32_1 = arith.constant 0 : i32
    return %c0_i32, %c0_i32_0 : i32, i32
  }
  func.func @transform_5(%arg0: i32) -> (i32, i32) {
    %c0_i32 = arith.constant 0 : i32
    %c0_i32_0 = arith.constant 0 : i32
    %c0_i32_1 = arith.constant 0 : i32
    return %c0_i32, %c0_i32_0 : i32, i32
  }
  func.func @transform_6(%arg0: i32) -> (i32, i32) {
    %c0_i32 = arith.constant 0 : i32
    %c0_i32_0 = arith.constant 0 : i32
    %c0_i32_1 = arith.constant 0 : i32
    return %c0_i32, %c0_i32_0 : i32, i32
  }
  func.func @transform_7(%arg0: i32) -> (i32, i32) {
    %c0_i32 = arith.constant 0 : i32
    %c0_i32_0 = arith.constant 0 : i32
    %c0_i32_1 = arith.constant 0 : i32
    return %c0_i32, %c0_i32_0 : i32, i32
  }
  func.func @transform_8(%arg0: i32) -> (i32, i32) {
    %c0_i32 = arith.constant 0 : i32
    %c0_i32_0 = arith.constant 0 : i32
    %c0_i32_1 = arith.constant 0 : i32
    return %c0_i32, %c0_i32_0 : i32, i32
  }
  func.func @transform_9(%arg0: i32) -> (i32, i32) {
    %c0_i32 = arith.constant 0 : i32
    %c0_i32_0 = arith.constant 0 : i32
    return %arg0, %c0_i32 : i32, i32
  }
  func.func @transform_10(%arg0: i32) -> (i32, i32) {
    %c0_i32 = arith.constant 0 : i32
    %c0_i32_0 = arith.constant 0 : i32
    return %arg0, %c0_i32 : i32, i32
  }
  func.func @transform_11(%arg0: i32) -> (i32, i32) {
    %c0_i32 = arith.constant 0 : i32
    %c0_i32_0 = arith.constant 0 : i32
    return %arg0, %c0_i32 : i32, i32
  }
  func.func @transform_12(%arg0: i32) -> (i32, i32) {
    %c0_i32 = arith.constant 0 : i32
    %c0_i32_0 = arith.constant 0 : i32
    %c0_i32_1 = arith.constant 0 : i32
    return %c0_i32, %c0_i32_0 : i32, i32
  }
}

module attributes {stable_mosaic.version = 14 : i64} {
  func.func @_k_hgtpre(%arg0: i32, %arg1: memref<2000x128xf32, #tpu.memory_space<vmem>>, %arg2: memref<2x2000x144xf32, #tpu.memory_space<vmem>>, %arg3: memref<2000x144xf32, #tpu.memory_space<vmem>>, %arg4: memref<2000x16xf32, #tpu.memory_space<vmem>>, %arg5: memref<8x16xf32, #tpu.memory_space<vmem>>, %arg6: memref<1x128xf32, #tpu.memory_space<vmem>>, %arg7: memref<128x128xf32, #tpu.memory_space<vmem>>, %arg8: memref<1x128xf32, #tpu.memory_space<vmem>>, %arg9: memref<128x128xf32, #tpu.memory_space<vmem>>, %arg10: memref<1x128xf32, #tpu.memory_space<vmem>>, %arg11: memref<128x128xf32, #tpu.memory_space<vmem>>, %arg12: memref<1x128xf32, #tpu.memory_space<vmem>>, %arg13: memref<4x32x32xf32, #tpu.memory_space<vmem>>, %arg14: memref<4x32x32xf32, #tpu.memory_space<vmem>>, %arg15: memref<1x4xf32, #tpu.memory_space<vmem>>, %arg16: memref<2000x128xf32, #tpu.memory_space<vmem>>, %arg17: memref<2000x272xf32, #tpu.memory_space<vmem>>, %arg18: memref<2000x128xf32, #tpu.memory_space<vmem>>, %arg19: memref<8x16xf32, #tpu.memory_space<vmem>>) attributes {dimension_semantics = [#tpu.dimension_semantics<arbitrary>], iteration_bounds = array<i64: 5>, scalar_prefetch = 0 : i64, scratch_operands = 0 : i64, tpu.core_type = #tpu.core_type<tc>, window_params = [{transform_indices = @transform_0, window_bounds = array<i64: 2000, 128>}, {transform_indices = @transform_1, window_bounds = array<i64: 2, 2000, 144>}, {transform_indices = @transform_2, window_bounds = array<i64: 2000, 144>}, {transform_indices = @transform_3, window_bounds = array<i64: 2000, 16>}, {pipeline_mode = #tpu.pipeline_mode<synchronous>, transform_indices = @transform_4, window_bounds = array<i64: 8, 16>}, {pipeline_mode = #tpu.pipeline_mode<synchronous>, transform_indices = @transform_5, window_bounds = array<i64: 1, 128>}, {pipeline_mode = #tpu.pipeline_mode<synchronous>, transform_indices = @transform_6, window_bounds = array<i64: 128, 128>}, {pipeline_mode = #tpu.pipeline_mode<synchronous>, transform_indices = @transform_7, window_bounds = array<i64: 1, 128>}, {pipeline_mode = #tpu.pipeline_mode<synchronous>, transform_indices = @transform_8, window_bounds = array<i64: 128, 128>}, {pipeline_mode = #tpu.pipeline_mode<synchronous>, transform_indices = @transform_9, window_bounds = array<i64: 1, 128>}, {pipeline_mode = #tpu.pipeline_mode<synchronous>, transform_indices = @transform_10, window_bounds = array<i64: 128, 128>}, {pipeline_mode = #tpu.pipeline_mode<synchronous>, transform_indices = @transform_11, window_bounds = array<i64: 1, 128>}, {pipeline_mode = #tpu.pipeline_mode<synchronous>, transform_indices = @transform_12, window_bounds = array<i64: 4, 32, 32>}, {pipeline_mode = #tpu.pipeline_mode<synchronous>, transform_indices = @transform_13, window_bounds = array<i64: 4, 32, 32>}, {pipeline_mode = #tpu.pipeline_mode<synchronous>, transform_indices = @transform_14, window_bounds = array<i64: 1, 4>}, {transform_indices = @transform_15, window_bounds = array<i64: 2000, 128>}, {transform_indices = @transform_16, window_bounds = array<i64: 2000, 272>}, {transform_indices = @transform_17, window_bounds = array<i64: 2000, 128>}, {pipeline_mode = #tpu.pipeline_mode<synchronous>, transform_indices = @transform_18, window_bounds = array<i64: 8, 16>}]} {
    %get3A = arith.constant 0 : index
    %get3A_0 = arith.constant 0 : index
    %get3A_1 = arith.constant 0 : index
    %get3A_2 = vector.load %arg2[%get3A, %get3A_0, %get3A_1] : memref<2x2000x144xf32, #tpu.memory_space<vmem>>, vector<2x2000x144xf32>
    %get3A_3 = arith.constant 0 : index
    %get3A_4 = arith.constant 0 : index
    %get3A_5 = vector.load %arg3[%get3A_3, %get3A_4] : memref<2000x144xf32, #tpu.memory_space<vmem>>, vector<2000x144xf32>
    %get3A_6 = arith.constant 0 : index
    %get3A_7 = arith.constant 0 : index
    %get3A_8 = vector.load %arg4[%get3A_6, %get3A_7] : memref<2000x16xf32, #tpu.memory_space<vmem>>, vector<2000x16xf32>
    %get3A_9 = arith.constant 2 : index
    %get3A_10 = arith.constant 0 : index
    %get3A_11 = vector.load %arg5[%get3A_9, %get3A_10] : memref<8x16xf32, #tpu.memory_space<vmem>>, vector<1x4xf32>
    %get3A_12 = arith.constant 0 : index
    %get3A_13 = arith.constant 0 : index
    %get3A_14 = vector.load %arg1[%get3A_12, %get3A_13] : memref<2000x128xf32, #tpu.memory_space<vmem>>, vector<2000x128xf32>
    %get3A_15 = arith.constant 0 : index
    %get3A_16 = arith.constant 0 : index
    %get3A_17 = vector.load %arg6[%get3A_15, %get3A_16] : memref<1x128xf32, #tpu.memory_space<vmem>>, vector<1x128xf32>
    %slice3A = vector.extract_strided_slice %get3A_5 {offsets = [0, 0], sizes = [2000, 128], strides = [1, 1]} : vector<2000x144xf32> to vector<2000x128xf32>
    %slice3A_18 = vector.extract_strided_slice %get3A_5 {offsets = [0, 128], sizes = [2000, 4], strides = [1, 1]} : vector<2000x144xf32> to vector<2000x4xf32>
    %slice3A_19 = vector.extract_strided_slice %get3A_8 {offsets = [0, 0], sizes = [2000, 4], strides = [1, 1]} : vector<2000x16xf32> to vector<2000x4xf32>
    %add3A = arith.addf %slice3A_18, %slice3A_19 : vector<2000x4xf32>
    %ge3A = arith.constant 0.000000e+00 : f32
    %ge3A_20 = vector.broadcast %ge3A : f32 to vector<2000x4xf32>
    %ge3A_21 = arith.cmpf oge, %add3A, %ge3A_20 : vector<2000x4xf32>
    %mul3A = arith.constant 2.000000e-01 : f32
    %mul3A_22 = vector.broadcast %mul3A : f32 to vector<2000x4xf32>
    %mul3A_23 = arith.mulf %mul3A_22, %add3A : vector<2000x4xf32>
    %select_n3A = arith.select %ge3A_21, %add3A, %mul3A_23 : vector<2000x4xi1>, vector<2000x4xf32>
    %sub3A = vector.broadcast %get3A_11 : vector<1x4xf32> to vector<2000x4xf32>
    %sub3A_24 = arith.subf %select_n3A, %sub3A : vector<2000x4xf32>
    %exp3A = math.exp %sub3A_24 : vector<2000x4xf32>
    %slice3A_25 = vector.extract_strided_slice %get3A_2 {offsets = [0, 0, 128], sizes = [1, 2000, 4], strides = [1, 1, 1]} : vector<2x2000x144xf32> to vector<1x2000x4xf32>
    %squeeze3A = vector.shape_cast %slice3A_25 : vector<1x2000x4xf32> to vector<2000x4xf32>
    %slice3A_26 = vector.extract_strided_slice %get3A_2 {offsets = [1, 0, 128], sizes = [1, 2000, 4], strides = [1, 1, 1]} : vector<2x2000x144xf32> to vector<1x2000x4xf32>
    %squeeze3A_27 = vector.shape_cast %slice3A_26 : vector<1x2000x4xf32> to vector<2000x4xf32>
    %add3A_28 = arith.addf %squeeze3A, %squeeze3A_27 : vector<2000x4xf32>
    %add3A_29 = arith.addf %add3A_28, %exp3A : vector<2000x4xf32>
    %slice3A_30 = vector.extract_strided_slice %get3A_2 {offsets = [0, 0, 0], sizes = [1, 2000, 128], strides = [1, 1, 1]} : vector<2x2000x144xf32> to vector<1x2000x128xf32>
    %squeeze3A_31 = vector.shape_cast %slice3A_30 : vector<1x2000x128xf32> to vector<2000x128xf32>
    %slice3A_32 = vector.extract_strided_slice %get3A_2 {offsets = [1, 0, 0], sizes = [1, 2000, 128], strides = [1, 1, 1]} : vector<2x2000x144xf32> to vector<1x2000x128xf32>
    %squeeze3A_33 = vector.shape_cast %slice3A_32 : vector<1x2000x128xf32> to vector<2000x128xf32>
    %add3A_34 = arith.addf %squeeze3A_31, %squeeze3A_33 : vector<2000x128xf32>
    %slice3A_35 = vector.extract_strided_slice %add3A_34 {offsets = [0, 0], sizes = [2000, 32], strides = [1, 1]} : vector<2000x128xf32> to vector<2000x32xf32>
    %slice3A_36 = vector.extract_strided_slice %exp3A {offsets = [0, 0], sizes = [2000, 1], strides = [1, 1]} : vector<2000x4xf32> to vector<2000x1xf32>
    %slice3A_37 = vector.extract_strided_slice %slice3A {offsets = [0, 0], sizes = [2000, 32], strides = [1, 1]} : vector<2000x128xf32> to vector<2000x32xf32>
    %mul3A_38 = vector.broadcast %slice3A_36 : vector<2000x1xf32> to vector<2000x32xf32>
    %mul3A_39 = arith.mulf %mul3A_38, %slice3A_37 : vector<2000x32xf32>
    %add3A_40 = arith.addf %slice3A_35, %mul3A_39 : vector<2000x32xf32>
    %slice3A_41 = vector.extract_strided_slice %add3A_29 {offsets = [0, 0], sizes = [2000, 1], strides = [1, 1]} : vector<2000x4xf32> to vector<2000x1xf32>
    %add3A_42 = arith.constant 1.000000e-16 : f32
    %add3A_43 = vector.broadcast %add3A_42 : f32 to vector<2000x1xf32>
    %add3A_44 = arith.addf %slice3A_41, %add3A_43 : vector<2000x1xf32>
    %div3A = vector.broadcast %add3A_44 : vector<2000x1xf32> to vector<2000x32xf32>
    %div3A_45 = arith.divf %add3A_40, %div3A : vector<2000x32xf32>
    %slice3A_46 = vector.extract_strided_slice %add3A_34 {offsets = [0, 32], sizes = [2000, 32], strides = [1, 1]} : vector<2000x128xf32> to vector<2000x32xf32>
    %slice3A_47 = vector.extract_strided_slice %exp3A {offsets = [0, 1], sizes = [2000, 1], strides = [1, 1]} : vector<2000x4xf32> to vector<2000x1xf32>
    %slice3A_48 = vector.extract_strided_slice %slice3A {offsets = [0, 32], sizes = [2000, 32], strides = [1, 1]} : vector<2000x128xf32> to vector<2000x32xf32>
    %mul3A_49 = vector.broadcast %slice3A_47 : vector<2000x1xf32> to vector<2000x32xf32>
    %mul3A_50 = arith.mulf %mul3A_49, %slice3A_48 : vector<2000x32xf32>
    %add3A_51 = arith.addf %slice3A_46, %mul3A_50 : vector<2000x32xf32>
    %slice3A_52 = vector.extract_strided_slice %add3A_29 {offsets = [0, 1], sizes = [2000, 1], strides = [1, 1]} : vector<2000x4xf32> to vector<2000x1xf32>
    %add3A_53 = arith.constant 1.000000e-16 : f32
    %add3A_54 = vector.broadcast %add3A_53 : f32 to vector<2000x1xf32>
    %add3A_55 = arith.addf %slice3A_52, %add3A_54 : vector<2000x1xf32>
    %div3A_56 = vector.broadcast %add3A_55 : vector<2000x1xf32> to vector<2000x32xf32>
    %div3A_57 = arith.divf %add3A_51, %div3A_56 : vector<2000x32xf32>
    %slice3A_58 = vector.extract_strided_slice %add3A_34 {offsets = [0, 64], sizes = [2000, 32], strides = [1, 1]} : vector<2000x128xf32> to vector<2000x32xf32>
    %slice3A_59 = vector.extract_strided_slice %exp3A {offsets = [0, 2], sizes = [2000, 1], strides = [1, 1]} : vector<2000x4xf32> to vector<2000x1xf32>
    %slice3A_60 = vector.extract_strided_slice %slice3A {offsets = [0, 64], sizes = [2000, 32], strides = [1, 1]} : vector<2000x128xf32> to vector<2000x32xf32>
    %mul3A_61 = vector.broadcast %slice3A_59 : vector<2000x1xf32> to vector<2000x32xf32>
    %mul3A_62 = arith.mulf %mul3A_61, %slice3A_60 : vector<2000x32xf32>
    %add3A_63 = arith.addf %slice3A_58, %mul3A_62 : vector<2000x32xf32>
    %slice3A_64 = vector.extract_strided_slice %add3A_29 {offsets = [0, 2], sizes = [2000, 1], strides = [1, 1]} : vector<2000x4xf32> to vector<2000x1xf32>
    %add3A_65 = arith.constant 1.000000e-16 : f32
    %add3A_66 = vector.broadcast %add3A_65 : f32 to vector<2000x1xf32>
    %add3A_67 = arith.addf %slice3A_64, %add3A_66 : vector<2000x1xf32>
    %div3A_68 = vector.broadcast %add3A_67 : vector<2000x1xf32> to vector<2000x32xf32>
    %div3A_69 = arith.divf %add3A_63, %div3A_68 : vector<2000x32xf32>
    %slice3A_70 = vector.extract_strided_slice %add3A_34 {offsets = [0, 96], sizes = [2000, 32], strides = [1, 1]} : vector<2000x128xf32> to vector<2000x32xf32>
    %slice3A_71 = vector.extract_strided_slice %exp3A {offsets = [0, 3], sizes = [2000, 1], strides = [1, 1]} : vector<2000x4xf32> to vector<2000x1xf32>
    %slice3A_72 = vector.extract_strided_slice %slice3A {offsets = [0, 96], sizes = [2000, 32], strides = [1, 1]} : vector<2000x128xf32> to vector<2000x32xf32>
    %mul3A_73 = vector.broadcast %slice3A_71 : vector<2000x1xf32> to vector<2000x32xf32>
    %mul3A_74 = arith.mulf %mul3A_73, %slice3A_72 : vector<2000x32xf32>
    %add3A_75 = arith.addf %slice3A_70, %mul3A_74 : vector<2000x32xf32>
    %slice3A_76 = vector.extract_strided_slice %add3A_29 {offsets = [0, 3], sizes = [2000, 1], strides = [1, 1]} : vector<2000x4xf32> to vector<2000x1xf32>
    %add3A_77 = arith.constant 1.000000e-16 : f32
    %add3A_78 = vector.broadcast %add3A_77 : f32 to vector<2000x1xf32>
    %add3A_79 = arith.addf %slice3A_76, %add3A_78 : vector<2000x1xf32>
    %div3A_80 = vector.broadcast %add3A_79 : vector<2000x1xf32> to vector<2000x32xf32>
    %div3A_81 = arith.divf %add3A_75, %div3A_80 : vector<2000x32xf32>
    %concatenate3A = tpu.concatenate %div3A_45, %div3A_57, %div3A_69, %div3A_81 in 1 : vector<2000x32xf32>, vector<2000x32xf32>, vector<2000x32xf32>, vector<2000x32xf32> -> vector<2000x128xf32>
    %add3A_82 = vector.broadcast %get3A_17 : vector<1x128xf32> to vector<2000x128xf32>
    %add3A_83 = arith.addf %concatenate3A, %add3A_82 : vector<2000x128xf32>
    %add3A_84 = arith.addf %get3A_14, %add3A_83 : vector<2000x128xf32>
    %ge3A_85 = arith.constant 0.000000e+00 : f32
    %ge3A_86 = vector.broadcast %ge3A_85 : f32 to vector<2000x128xf32>
    %ge3A_87 = arith.cmpf oge, %add3A_84, %ge3A_86 : vector<2000x128xf32>
    %mul3A_88 = arith.constant 2.000000e-01 : f32
    %mul3A_89 = vector.broadcast %mul3A_88 : f32 to vector<2000x128xf32>
    %mul3A_90 = arith.mulf %mul3A_89, %add3A_84 : vector<2000x128xf32>
    %select_n3A_91 = arith.select %ge3A_87, %add3A_84, %mul3A_90 : vector<2000x128xi1>, vector<2000x128xf32>
    %swap3A = arith.constant 0 : index
    %swap3A_92 = arith.constant 0 : index
    %swap3A_93 = vector.load %arg16[%swap3A, %swap3A_92] : memref<2000x128xf32, #tpu.memory_space<vmem>>, vector<2000x128xf32>
    tpu.vector_store %arg16[%swap3A, %swap3A_92], %select_n3A_91 {strides = array<i32>} : memref<2000x128xf32, #tpu.memory_space<vmem>>, vector<2000x128xf32>,
    %get3A_94 = arith.constant 0 : index
    %get3A_95 = arith.constant 0 : index
    %get3A_96 = vector.load %arg9[%get3A_94, %get3A_95] : memref<128x128xf32, #tpu.memory_space<vmem>>, vector<128x128xf32>
    %dot_general3A = arith.constant dense<0.000000e+00> : vector<2000x128xf32>
    %dot_general3A_97 = tpu.matmul %select_n3A_91, %get3A_96, %dot_general3A {dimension_numbers = #tpu.dot_dimension_numbers<[1], [0], [0], [1], [0, 0, 1, 1], [], []>, transpose_lhs_hint = false} : vector<2000x128xf32>, vector<128x128xf32>, vector<2000x128xf32> -> vector<2000x128xf32>
    %get3A_98 = arith.constant 0 : index
    %get3A_99 = arith.constant 0 : index
    %get3A_100 = vector.load %arg10[%get3A_98, %get3A_99] : memref<1x128xf32, #tpu.memory_space<vmem>>, vector<1x128xf32>
    %add3A_101 = vector.broadcast %get3A_100 : vector<1x128xf32> to vector<2000x128xf32>
    %add3A_102 = arith.addf %dot_general3A_97, %add3A_101 : vector<2000x128xf32>
    %get3A_103 = arith.constant 0 : index
    %get3A_104 = arith.constant 0 : index
    %get3A_105 = vector.load %arg7[%get3A_103, %get3A_104] : memref<128x128xf32, #tpu.memory_space<vmem>>, vector<128x128xf32>
    %dot_general3A_106 = arith.constant dense<0.000000e+00> : vector<2000x128xf32>
    %dot_general3A_107 = tpu.matmul %select_n3A_91, %get3A_105, %dot_general3A_106 {dimension_numbers = #tpu.dot_dimension_numbers<[1], [0], [0], [1], [0, 0, 1, 1], [], []>, transpose_lhs_hint = false} : vector<2000x128xf32>, vector<128x128xf32>, vector<2000x128xf32> -> vector<2000x128xf32>
    %get3A_108 = arith.constant 0 : index
    %get3A_109 = arith.constant 0 : index
    %get3A_110 = vector.load %arg8[%get3A_108, %get3A_109] : memref<1x128xf32, #tpu.memory_space<vmem>>, vector<1x128xf32>
    %add3A_111 = vector.broadcast %get3A_110 : vector<1x128xf32> to vector<2000x128xf32>
    %add3A_112 = arith.addf %dot_general3A_107, %add3A_111 : vector<2000x128xf32>
    %get3A_113 = arith.constant 0 : index
    %get3A_114 = arith.constant 0 : index
    %get3A_115 = vector.load %arg11[%get3A_113, %get3A_114] : memref<128x128xf32, #tpu.memory_space<vmem>>, vector<128x128xf32>
    %dot_general3A_116 = arith.constant dense<0.000000e+00> : vector<2000x128xf32>
    %dot_general3A_117 = tpu.matmul %select_n3A_91, %get3A_115, %dot_general3A_116 {dimension_numbers = #tpu.dot_dimension_numbers<[1], [0], [0], [1], [0, 0, 1, 1], [], []>, transpose_lhs_hint = false} : vector<2000x128xf32>, vector<128x128xf32>, vector<2000x128xf32> -> vector<2000x128xf32>
    %get3A_118 = arith.constant 0 : index
    %get3A_119 = arith.constant 0 : index
    %get3A_120 = vector.load %arg12[%get3A_118, %get3A_119] : memref<1x128xf32, #tpu.memory_space<vmem>>, vector<1x128xf32>
    %add3A_121 = vector.broadcast %get3A_120 : vector<1x128xf32> to vector<2000x128xf32>
    %add3A_122 = arith.addf %dot_general3A_117, %add3A_121 : vector<2000x128xf32>
    %slice3A_123 = vector.extract_strided_slice %add3A_112 {offsets = [0, 0], sizes = [2000, 32], strides = [1, 1]} : vector<2000x128xf32> to vector<2000x32xf32>
    %get3A_124 = arith.constant 0 : index
    %get3A_125 = arith.constant 0 : index
    %get3A_126 = arith.constant 0 : index
    %get3A_127 = vector.load %arg13[%get3A_124, %get3A_125, %get3A_126] : memref<4x32x32xf32, #tpu.memory_space<vmem>>, vector<1x32x32xf32>
    %get3A_128 = vector.shape_cast %get3A_127 : vector<1x32x32xf32> to vector<32x32xf32>
    %dot_general3A_129 = arith.constant dense<0.000000e+00> : vector<2000x32xf32>
    %dot_general3A_130 = tpu.matmul %slice3A_123, %get3A_128, %dot_general3A_129 {dimension_numbers = #tpu.dot_dimension_numbers<[1], [0], [0], [1], [0, 0, 1, 1], [], []>, transpose_lhs_hint = false} : vector<2000x32xf32>, vector<32x32xf32>, vector<2000x32xf32> -> vector<2000x32xf32>
    %get3A_131 = arith.constant 0 : index
    %get3A_132 = arith.constant 0 : index
    %get3A_133 = vector.load %arg15[%get3A_131, %get3A_132] : memref<1x4xf32, #tpu.memory_space<vmem>>, vector<1x1xf32>
    %get3A_134 = vector.extract %get3A_133[0, 0] : f32 from vector<1x1xf32>
    %mul3A_135 = vector.broadcast %get3A_134 : f32 to vector<2000x32xf32>
    %mul3A_136 = arith.mulf %dot_general3A_130, %mul3A_135 : vector<2000x32xf32>
    %slice3A_137 = vector.extract_strided_slice %add3A_122 {offsets = [0, 0], sizes = [2000, 32], strides = [1, 1]} : vector<2000x128xf32> to vector<2000x32xf32>
    %get3A_138 = arith.constant 0 : index
    %get3A_139 = arith.constant 0 : index
    %get3A_140 = arith.constant 0 : index
    %get3A_141 = vector.load %arg14[%get3A_138, %get3A_139, %get3A_140] : memref<4x32x32xf32, #tpu.memory_space<vmem>>, vector<1x32x32xf32>
    %get3A_142 = vector.shape_cast %get3A_141 : vector<1x32x32xf32> to vector<32x32xf32>
    %dot_general3A_143 = arith.constant dense<0.000000e+00> : vector<2000x32xf32>
    %dot_general3A_144 = tpu.matmul %slice3A_137, %get3A_142, %dot_general3A_143 {dimension_numbers = #tpu.dot_dimension_numbers<[1], [0], [0], [1], [0, 0, 1, 1], [], []>, transpose_lhs_hint = false} : vector<2000x32xf32>, vector<32x32xf32>, vector<2000x32xf32> -> vector<2000x32xf32>
    %slice3A_145 = vector.extract_strided_slice %add3A_102 {offsets = [0, 0], sizes = [2000, 32], strides = [1, 1]} : vector<2000x128xf32> to vector<2000x32xf32>
    %slice3A_146 = vector.extract_strided_slice %add3A_102 {offsets = [0, 0], sizes = [2000, 32], strides = [1, 1]} : vector<2000x128xf32> to vector<2000x32xf32>
    %mul3A_147 = arith.mulf %slice3A_145, %slice3A_146 : vector<2000x32xf32>
    %reduce_sum3A = arith.constant dense<0.000000e+00> : vector<2000xf32>
    %reduce_sum3A_148 = vector.multi_reduction <add>, %mul3A_147, %reduce_sum3A [1] : vector<2000x32xf32> to vector<2000xf32>
    %reduce_max3A = vector.shape_cast %reduce_sum3A_148 : vector<2000xf32> to vector<1x2000xf32>
    %reduce_max3A_149 = arith.constant dense<0xFF800000> : vector<1xf32>
    %reduce_max3A_150 = vector.multi_reduction <maximumf>, %reduce_max3A, %reduce_max3A_149 [1] : vector<1x2000xf32> to vector<1xf32>
    %reduce_max3A_151 = vector.shape_cast %reduce_max3A_150 : vector<1xf32> to vector<1x1xf32>
    %reduce_max3A_152 = vector.extract %reduce_max3A_151[0, 0] : f32 from vector<1x1xf32>
    %mul3A_153 = arith.mulf %mul3A_136, %mul3A_136 : vector<2000x32xf32>
    %reduce_sum3A_154 = arith.constant dense<0.000000e+00> : vector<2000xf32>
    %reduce_sum3A_155 = vector.multi_reduction <add>, %mul3A_153, %reduce_sum3A_154 [1] : vector<2000x32xf32> to vector<2000xf32>
    %reduce_max3A_156 = vector.shape_cast %reduce_sum3A_155 : vector<2000xf32> to vector<1x2000xf32>
    %reduce_max3A_157 = arith.constant dense<0xFF800000> : vector<1xf32>
    %reduce_max3A_158 = vector.multi_reduction <maximumf>, %reduce_max3A_156, %reduce_max3A_157 [1] : vector<1x2000xf32> to vector<1xf32>
    %reduce_max3A_159 = vector.shape_cast %reduce_max3A_158 : vector<1xf32> to vector<1x1xf32>
    %reduce_max3A_160 = vector.extract %reduce_max3A_159[0, 0] : f32 from vector<1x1xf32>
    %slice3A_161 = vector.extract_strided_slice %add3A_112 {offsets = [0, 32], sizes = [2000, 32], strides = [1, 1]} : vector<2000x128xf32> to vector<2000x32xf32>
    %get3A_162 = arith.constant 1 : index
    %get3A_163 = arith.constant 0 : index
    %get3A_164 = arith.constant 0 : index
    %get3A_165 = vector.load %arg13[%get3A_162, %get3A_163, %get3A_164] : memref<4x32x32xf32, #tpu.memory_space<vmem>>, vector<1x32x32xf32>
    %get3A_166 = vector.shape_cast %get3A_165 : vector<1x32x32xf32> to vector<32x32xf32>
    %dot_general3A_167 = arith.constant dense<0.000000e+00> : vector<2000x32xf32>
    %dot_general3A_168 = tpu.matmul %slice3A_161, %get3A_166, %dot_general3A_167 {dimension_numbers = #tpu.dot_dimension_numbers<[1], [0], [0], [1], [0, 0, 1, 1], [], []>, transpose_lhs_hint = false} : vector<2000x32xf32>, vector<32x32xf32>, vector<2000x32xf32> -> vector<2000x32xf32>
    %get3A_169 = arith.constant 0 : index
    %get3A_170 = arith.constant 1 : index
    %get3A_171 = vector.load %arg15[%get3A_169, %get3A_170] : memref<1x4xf32, #tpu.memory_space<vmem>>, vector<1x1xf32>
    %get3A_172 = vector.extract %get3A_171[0, 0] : f32 from vector<1x1xf32>
    %mul3A_173 = vector.broadcast %get3A_172 : f32 to vector<2000x32xf32>
    %mul3A_174 = arith.mulf %dot_general3A_168, %mul3A_173 : vector<2000x32xf32>
    %slice3A_175 = vector.extract_strided_slice %add3A_122 {offsets = [0, 32], sizes = [2000, 32], strides = [1, 1]} : vector<2000x128xf32> to vector<2000x32xf32>
    %get3A_176 = arith.constant 1 : index
    %get3A_177 = arith.constant 0 : index
    %get3A_178 = arith.constant 0 : index
    %get3A_179 = vector.load %arg14[%get3A_176, %get3A_177, %get3A_178] : memref<4x32x32xf32, #tpu.memory_space<vmem>>, vector<1x32x32xf32>
    %get3A_180 = vector.shape_cast %get3A_179 : vector<1x32x32xf32> to vector<32x32xf32>
    %dot_general3A_181 = arith.constant dense<0.000000e+00> : vector<2000x32xf32>
    %dot_general3A_182 = tpu.matmul %slice3A_175, %get3A_180, %dot_general3A_181 {dimension_numbers = #tpu.dot_dimension_numbers<[1], [0], [0], [1], [0, 0, 1, 1], [], []>, transpose_lhs_hint = false} : vector<2000x32xf32>, vector<32x32xf32>, vector<2000x32xf32> -> vector<2000x32xf32>
    %slice3A_183 = vector.extract_strided_slice %add3A_102 {offsets = [0, 32], sizes = [2000, 32], strides = [1, 1]} : vector<2000x128xf32> to vector<2000x32xf32>
    %slice3A_184 = vector.extract_strided_slice %add3A_102 {offsets = [0, 32], sizes = [2000, 32], strides = [1, 1]} : vector<2000x128xf32> to vector<2000x32xf32>
    %mul3A_185 = arith.mulf %slice3A_183, %slice3A_184 : vector<2000x32xf32>
    %reduce_sum3A_186 = arith.constant dense<0.000000e+00> : vector<2000xf32>
    %reduce_sum3A_187 = vector.multi_reduction <add>, %mul3A_185, %reduce_sum3A_186 [1] : vector<2000x32xf32> to vector<2000xf32>
    %reduce_max3A_188 = vector.shape_cast %reduce_sum3A_187 : vector<2000xf32> to vector<1x2000xf32>
    %reduce_max3A_189 = arith.constant dense<0xFF800000> : vector<1xf32>
    %reduce_max3A_190 = vector.multi_reduction <maximumf>, %reduce_max3A_188, %reduce_max3A_189 [1] : vector<1x2000xf32> to vector<1xf32>
    %reduce_max3A_191 = vector.shape_cast %reduce_max3A_190 : vector<1xf32> to vector<1x1xf32>
    %reduce_max3A_192 = vector.extract %reduce_max3A_191[0, 0] : f32 from vector<1x1xf32>
    %mul3A_193 = arith.mulf %mul3A_174, %mul3A_174 : vector<2000x32xf32>
    %reduce_sum3A_194 = arith.constant dense<0.000000e+00> : vector<2000xf32>
    %reduce_sum3A_195 = vector.multi_reduction <add>, %mul3A_193, %reduce_sum3A_194 [1] : vector<2000x32xf32> to vector<2000xf32>
    %reduce_max3A_196 = vector.shape_cast %reduce_sum3A_195 : vector<2000xf32> to vector<1x2000xf32>
    %reduce_max3A_197 = arith.constant dense<0xFF800000> : vector<1xf32>
    %reduce_max3A_198 = vector.multi_reduction <maximumf>, %reduce_max3A_196, %reduce_max3A_197 [1] : vector<1x2000xf32> to vector<1xf32>
    %reduce_max3A_199 = vector.shape_cast %reduce_max3A_198 : vector<1xf32> to vector<1x1xf32>
    %reduce_max3A_200 = vector.extract %reduce_max3A_199[0, 0] : f32 from vector<1x1xf32>
    %slice3A_201 = vector.extract_strided_slice %add3A_112 {offsets = [0, 64], sizes = [2000, 32], strides = [1, 1]} : vector<2000x128xf32> to vector<2000x32xf32>
    %get3A_202 = arith.constant 2 : index
    %get3A_203 = arith.constant 0 : index
    %get3A_204 = arith.constant 0 : index
    %get3A_205 = vector.load %arg13[%get3A_202, %get3A_203, %get3A_204] : memref<4x32x32xf32, #tpu.memory_space<vmem>>, vector<1x32x32xf32>
    %get3A_206 = vector.shape_cast %get3A_205 : vector<1x32x32xf32> to vector<32x32xf32>
    %dot_general3A_207 = arith.constant dense<0.000000e+00> : vector<2000x32xf32>
    %dot_general3A_208 = tpu.matmul %slice3A_201, %get3A_206, %dot_general3A_207 {dimension_numbers = #tpu.dot_dimension_numbers<[1], [0], [0], [1], [0, 0, 1, 1], [], []>, transpose_lhs_hint = false} : vector<2000x32xf32>, vector<32x32xf32>, vector<2000x32xf32> -> vector<2000x32xf32>
    %get3A_209 = arith.constant 0 : index
    %get3A_210 = arith.constant 2 : index
    %get3A_211 = vector.load %arg15[%get3A_209, %get3A_210] : memref<1x4xf32, #tpu.memory_space<vmem>>, vector<1x1xf32>
    %get3A_212 = vector.extract %get3A_211[0, 0] : f32 from vector<1x1xf32>
    %mul3A_213 = vector.broadcast %get3A_212 : f32 to vector<2000x32xf32>
    %mul3A_214 = arith.mulf %dot_general3A_208, %mul3A_213 : vector<2000x32xf32>
    %slice3A_215 = vector.extract_strided_slice %add3A_122 {offsets = [0, 64], sizes = [2000, 32], strides = [1, 1]} : vector<2000x128xf32> to vector<2000x32xf32>
    %get3A_216 = arith.constant 2 : index
    %get3A_217 = arith.constant 0 : index
    %get3A_218 = arith.constant 0 : index
    %get3A_219 = vector.load %arg14[%get3A_216, %get3A_217, %get3A_218] : memref<4x32x32xf32, #tpu.memory_space<vmem>>, vector<1x32x32xf32>
    %get3A_220 = vector.shape_cast %get3A_219 : vector<1x32x32xf32> to vector<32x32xf32>
    %dot_general3A_221 = arith.constant dense<0.000000e+00> : vector<2000x32xf32>
    %dot_general3A_222 = tpu.matmul %slice3A_215, %get3A_220, %dot_general3A_221 {dimension_numbers = #tpu.dot_dimension_numbers<[1], [0], [0], [1], [0, 0, 1, 1], [], []>, transpose_lhs_hint = false} : vector<2000x32xf32>, vector<32x32xf32>, vector<2000x32xf32> -> vector<2000x32xf32>
    %slice3A_223 = vector.extract_strided_slice %add3A_102 {offsets = [0, 64], sizes = [2000, 32], strides = [1, 1]} : vector<2000x128xf32> to vector<2000x32xf32>
    %slice3A_224 = vector.extract_strided_slice %add3A_102 {offsets = [0, 64], sizes = [2000, 32], strides = [1, 1]} : vector<2000x128xf32> to vector<2000x32xf32>
    %mul3A_225 = arith.mulf %slice3A_223, %slice3A_224 : vector<2000x32xf32>
    %reduce_sum3A_226 = arith.constant dense<0.000000e+00> : vector<2000xf32>
    %reduce_sum3A_227 = vector.multi_reduction <add>, %mul3A_225, %reduce_sum3A_226 [1] : vector<2000x32xf32> to vector<2000xf32>
    %reduce_max3A_228 = vector.shape_cast %reduce_sum3A_227 : vector<2000xf32> to vector<1x2000xf32>
    %reduce_max3A_229 = arith.constant dense<0xFF800000> : vector<1xf32>
    %reduce_max3A_230 = vector.multi_reduction <maximumf>, %reduce_max3A_228, %reduce_max3A_229 [1] : vector<1x2000xf32> to vector<1xf32>
    %reduce_max3A_231 = vector.shape_cast %reduce_max3A_230 : vector<1xf32> to vector<1x1xf32>
    %reduce_max3A_232 = vector.extract %reduce_max3A_231[0, 0] : f32 from vector<1x1xf32>
    %mul3A_233 = arith.mulf %mul3A_214, %mul3A_214 : vector<2000x32xf32>
    %reduce_sum3A_234 = arith.constant dense<0.000000e+00> : vector<2000xf32>
    %reduce_sum3A_235 = vector.multi_reduction <add>, %mul3A_233, %reduce_sum3A_234 [1] : vector<2000x32xf32> to vector<2000xf32>
    %reduce_max3A_236 = vector.shape_cast %reduce_sum3A_235 : vector<2000xf32> to vector<1x2000xf32>
    %reduce_max3A_237 = arith.constant dense<0xFF800000> : vector<1xf32>
    %reduce_max3A_238 = vector.multi_reduction <maximumf>, %reduce_max3A_236, %reduce_max3A_237 [1] : vector<1x2000xf32> to vector<1xf32>
    %reduce_max3A_239 = vector.shape_cast %reduce_max3A_238 : vector<1xf32> to vector<1x1xf32>
    %reduce_max3A_240 = vector.extract %reduce_max3A_239[0, 0] : f32 from vector<1x1xf32>
    %slice3A_241 = vector.extract_strided_slice %add3A_112 {offsets = [0, 96], sizes = [2000, 32], strides = [1, 1]} : vector<2000x128xf32> to vector<2000x32xf32>
    %get3A_242 = arith.constant 3 : index
    %get3A_243 = arith.constant 0 : index
    %get3A_244 = arith.constant 0 : index
    %get3A_245 = vector.load %arg13[%get3A_242, %get3A_243, %get3A_244] : memref<4x32x32xf32, #tpu.memory_space<vmem>>, vector<1x32x32xf32>
    %get3A_246 = vector.shape_cast %get3A_245 : vector<1x32x32xf32> to vector<32x32xf32>
    %dot_general3A_247 = arith.constant dense<0.000000e+00> : vector<2000x32xf32>
    %dot_general3A_248 = tpu.matmul %slice3A_241, %get3A_246, %dot_general3A_247 {dimension_numbers = #tpu.dot_dimension_numbers<[1], [0], [0], [1], [0, 0, 1, 1], [], []>, transpose_lhs_hint = false} : vector<2000x32xf32>, vector<32x32xf32>, vector<2000x32xf32> -> vector<2000x32xf32>
    %get3A_249 = arith.constant 0 : index
    %get3A_250 = arith.constant 3 : index
    %get3A_251 = vector.load %arg15[%get3A_249, %get3A_250] : memref<1x4xf32, #tpu.memory_space<vmem>>, vector<1x1xf32>
    %get3A_252 = vector.extract %get3A_251[0, 0] : f32 from vector<1x1xf32>
    %mul3A_253 = vector.broadcast %get3A_252 : f32 to vector<2000x32xf32>
    %mul3A_254 = arith.mulf %dot_general3A_248, %mul3A_253 : vector<2000x32xf32>
    %slice3A_255 = vector.extract_strided_slice %add3A_122 {offsets = [0, 96], sizes = [2000, 32], strides = [1, 1]} : vector<2000x128xf32> to vector<2000x32xf32>
    %get3A_256 = arith.constant 3 : index
    %get3A_257 = arith.constant 0 : index
    %get3A_258 = arith.constant 0 : index
    %get3A_259 = vector.load %arg14[%get3A_256, %get3A_257, %get3A_258] : memref<4x32x32xf32, #tpu.memory_space<vmem>>, vector<1x32x32xf32>
    %get3A_260 = vector.shape_cast %get3A_259 : vector<1x32x32xf32> to vector<32x32xf32>
    %dot_general3A_261 = arith.constant dense<0.000000e+00> : vector<2000x32xf32>
    %dot_general3A_262 = tpu.matmul %slice3A_255, %get3A_260, %dot_general3A_261 {dimension_numbers = #tpu.dot_dimension_numbers<[1], [0], [0], [1], [0, 0, 1, 1], [], []>, transpose_lhs_hint = false} : vector<2000x32xf32>, vector<32x32xf32>, vector<2000x32xf32> -> vector<2000x32xf32>
    %slice3A_263 = vector.extract_strided_slice %add3A_102 {offsets = [0, 96], sizes = [2000, 32], strides = [1, 1]} : vector<2000x128xf32> to vector<2000x32xf32>
    %slice3A_264 = vector.extract_strided_slice %add3A_102 {offsets = [0, 96], sizes = [2000, 32], strides = [1, 1]} : vector<2000x128xf32> to vector<2000x32xf32>
    %mul3A_265 = arith.mulf %slice3A_263, %slice3A_264 : vector<2000x32xf32>
    %reduce_sum3A_266 = arith.constant dense<0.000000e+00> : vector<2000xf32>
    %reduce_sum3A_267 = vector.multi_reduction <add>, %mul3A_265, %reduce_sum3A_266 [1] : vector<2000x32xf32> to vector<2000xf32>
    %reduce_max3A_268 = vector.shape_cast %reduce_sum3A_267 : vector<2000xf32> to vector<1x2000xf32>
    %reduce_max3A_269 = arith.constant dense<0xFF800000> : vector<1xf32>
    %reduce_max3A_270 = vector.multi_reduction <maximumf>, %reduce_max3A_268, %reduce_max3A_269 [1] : vector<1x2000xf32> to vector<1xf32>
    %reduce_max3A_271 = vector.shape_cast %reduce_max3A_270 : vector<1xf32> to vector<1x1xf32>
    %reduce_max3A_272 = vector.extract %reduce_max3A_271[0, 0] : f32 from vector<1x1xf32>
    %mul3A_273 = arith.mulf %mul3A_254, %mul3A_254 : vector<2000x32xf32>
    %reduce_sum3A_274 = arith.constant dense<0.000000e+00> : vector<2000xf32>
    %reduce_sum3A_275 = vector.multi_reduction <add>, %mul3A_273, %reduce_sum3A_274 [1] : vector<2000x32xf32> to vector<2000xf32>
    %reduce_max3A_276 = vector.shape_cast %reduce_sum3A_275 : vector<2000xf32> to vector<1x2000xf32>
    %reduce_max3A_277 = arith.constant dense<0xFF800000> : vector<1xf32>
    %reduce_max3A_278 = vector.multi_reduction <maximumf>, %reduce_max3A_276, %reduce_max3A_277 [1] : vector<1x2000xf32> to vector<1xf32>
    %reduce_max3A_279 = vector.shape_cast %reduce_max3A_278 : vector<1xf32> to vector<1x1xf32>
    %reduce_max3A_280 = vector.extract %reduce_max3A_279[0, 0] : f32 from vector<1x1xf32>
    %swap3A_281 = arith.constant 0 : index
    %swap3A_282 = arith.constant 0 : index
    %swap3A_283 = vector.load %arg18[%swap3A_281, %swap3A_282] : memref<2000x128xf32, #tpu.memory_space<vmem>>, vector<2000x128xf32>
    tpu.vector_store %arg18[%swap3A_281, %swap3A_282], %add3A_102 {strides = array<i32>} : memref<2000x128xf32, #tpu.memory_space<vmem>>, vector<2000x128xf32>,
    %broadcast_in_dim3A = arith.constant 0.000000e+00 : f32
    %broadcast_in_dim3A_284 = vector.broadcast %broadcast_in_dim3A : f32 to vector<2000x16xf32>
    %concatenate3A_285 = tpu.concatenate %dot_general3A_144, %dot_general3A_182, %dot_general3A_222, %dot_general3A_262, %mul3A_136, %mul3A_174, %mul3A_214, %mul3A_254, %broadcast_in_dim3A_284 in 1 : vector<2000x32xf32>, vector<2000x32xf32>, vector<2000x32xf32>, vector<2000x32xf32>, vector<2000x32xf32>, vector<2000x32xf32>, vector<2000x32xf32>, vector<2000x32xf32>, vector<2000x16xf32> -> vector<2000x272xf32>
    %swap3A_286 = arith.constant 0 : index
    %swap3A_287 = arith.constant 0 : index
    %swap3A_288 = vector.load %arg17[%swap3A_286, %swap3A_287] : memref<2000x272xf32, #tpu.memory_space<vmem>>, vector<2000x272xf32>
    tpu.vector_store %arg17[%swap3A_286, %swap3A_287], %concatenate3A_285 {strides = array<i32>} : memref<2000x272xf32, #tpu.memory_space<vmem>>, vector<2000x272xf32>,
    %iota3A = tpu.iota {dimensions = array<i32: 1>} : vector<8x16xi32>
    %iota3A_289 = tpu.iota {dimensions = array<i32: 0>} : vector<8x16xi32>
    %broadcast_in_dim3A_290 = arith.constant 0.000000e+00 : f32
    %broadcast_in_dim3A_291 = vector.broadcast %broadcast_in_dim3A_290 : f32 to vector<8x16xf32>
    %eq3A = arith.constant 0 : i32
    %eq3A_292 = vector.broadcast %eq3A : i32 to vector<8x16xi32>
    %eq3A_293 = arith.cmpi eq, %iota3A_289, %eq3A_292 : vector<8x16xi32>
    %eq3A_294 = arith.constant 0 : i32
    %eq3A_295 = vector.broadcast %eq3A_294 : i32 to vector<8x16xi32>
    %eq3A_296 = arith.cmpi eq, %iota3A, %eq3A_295 : vector<8x16xi32>
    %and3A = arith.andi %eq3A_293, %eq3A_296 : vector<8x16xi1>
    %broadcast_in_dim3A_297 = vector.broadcast %reduce_max3A_152 : f32 to vector<8x16xf32>
    %select_n3A_298 = arith.select %and3A, %broadcast_in_dim3A_297, %broadcast_in_dim3A_291 : vector<8x16xi1>, vector<8x16xf32>
    %eq3A_299 = arith.constant 1 : i32
    %eq3A_300 = vector.broadcast %eq3A_299 : i32 to vector<8x16xi32>
    %eq3A_301 = arith.cmpi eq, %iota3A_289, %eq3A_300 : vector<8x16xi32>
    %eq3A_302 = arith.constant 0 : i32
    %eq3A_303 = vector.broadcast %eq3A_302 : i32 to vector<8x16xi32>
    %eq3A_304 = arith.cmpi eq, %iota3A, %eq3A_303 : vector<8x16xi32>
    %and3A_305 = arith.andi %eq3A_301, %eq3A_304 : vector<8x16xi1>
    %broadcast_in_dim3A_306 = vector.broadcast %reduce_max3A_160 : f32 to vector<8x16xf32>
    %select_n3A_307 = arith.select %and3A_305, %broadcast_in_dim3A_306, %select_n3A_298 : vector<8x16xi1>, vector<8x16xf32>
    %eq3A_308 = arith.constant 0 : i32
    %eq3A_309 = vector.broadcast %eq3A_308 : i32 to vector<8x16xi32>
    %eq3A_310 = arith.cmpi eq, %iota3A_289, %eq3A_309 : vector<8x16xi32>
    %eq3A_311 = arith.constant 1 : i32
    %eq3A_312 = vector.broadcast %eq3A_311 : i32 to vector<8x16xi32>
    %eq3A_313 = arith.cmpi eq, %iota3A, %eq3A_312 : vector<8x16xi32>
    %and3A_314 = arith.andi %eq3A_310, %eq3A_313 : vector<8x16xi1>
    %broadcast_in_dim3A_315 = vector.broadcast %reduce_max3A_192 : f32 to vector<8x16xf32>
    %select_n3A_316 = arith.select %and3A_314, %broadcast_in_dim3A_315, %select_n3A_307 : vector<8x16xi1>, vector<8x16xf32>
    %eq3A_317 = arith.constant 1 : i32
    %eq3A_318 = vector.broadcast %eq3A_317 : i32 to vector<8x16xi32>
    %eq3A_319 = arith.cmpi eq, %iota3A_289, %eq3A_318 : vector<8x16xi32>
    %eq3A_320 = arith.constant 1 : i32
    %eq3A_321 = vector.broadcast %eq3A_320 : i32 to vector<8x16xi32>
    %eq3A_322 = arith.cmpi eq, %iota3A, %eq3A_321 : vector<8x16xi32>
    %and3A_323 = arith.andi %eq3A_319, %eq3A_322 : vector<8x16xi1>
    %broadcast_in_dim3A_324 = vector.broadcast %reduce_max3A_200 : f32 to vector<8x16xf32>
    %select_n3A_325 = arith.select %and3A_323, %broadcast_in_dim3A_324, %select_n3A_316 : vector<8x16xi1>, vector<8x16xf32>
    %eq3A_326 = arith.constant 0 : i32
    %eq3A_327 = vector.broadcast %eq3A_326 : i32 to vector<8x16xi32>
    %eq3A_328 = arith.cmpi eq, %iota3A_289, %eq3A_327 : vector<8x16xi32>
    %eq3A_329 = arith.constant 2 : i32
    %eq3A_330 = vector.broadcast %eq3A_329 : i32 to vector<8x16xi32>
    %eq3A_331 = arith.cmpi eq, %iota3A, %eq3A_330 : vector<8x16xi32>
    %and3A_332 = arith.andi %eq3A_328, %eq3A_331 : vector<8x16xi1>
    %broadcast_in_dim3A_333 = vector.broadcast %reduce_max3A_232 : f32 to vector<8x16xf32>
    %select_n3A_334 = arith.select %and3A_332, %broadcast_in_dim3A_333, %select_n3A_325 : vector<8x16xi1>, vector<8x16xf32>
    %eq3A_335 = arith.constant 1 : i32
    %eq3A_336 = vector.broadcast %eq3A_335 : i32 to vector<8x16xi32>
    %eq3A_337 = arith.cmpi eq, %iota3A_289, %eq3A_336 : vector<8x16xi32>
    %eq3A_338 = arith.constant 2 : i32
    %eq3A_339 = vector.broadcast %eq3A_338 : i32 to vector<8x16xi32>
    %eq3A_340 = arith.cmpi eq, %iota3A, %eq3A_339 : vector<8x16xi32>
    %and3A_341 = arith.andi %eq3A_337, %eq3A_340 : vector<8x16xi1>
    %broadcast_in_dim3A_342 = vector.broadcast %reduce_max3A_240 : f32 to vector<8x16xf32>
    %select_n3A_343 = arith.select %and3A_341, %broadcast_in_dim3A_342, %select_n3A_334 : vector<8x16xi1>, vector<8x16xf32>
    %eq3A_344 = arith.constant 0 : i32
    %eq3A_345 = vector.broadcast %eq3A_344 : i32 to vector<8x16xi32>
    %eq3A_346 = arith.cmpi eq, %iota3A_289, %eq3A_345 : vector<8x16xi32>
    %eq3A_347 = arith.constant 3 : i32
    %eq3A_348 = vector.broadcast %eq3A_347 : i32 to vector<8x16xi32>
    %eq3A_349 = arith.cmpi eq, %iota3A, %eq3A_348 : vector<8x16xi32>
    %and3A_350 = arith.andi %eq3A_346, %eq3A_349 : vector<8x16xi1>
    %broadcast_in_dim3A_351 = vector.broadcast %reduce_max3A_272 : f32 to vector<8x16xf32>
    %select_n3A_352 = arith.select %and3A_350, %broadcast_in_dim3A_351, %select_n3A_343 : vector<8x16xi1>, vector<8x16xf32>
    %eq3A_353 = arith.constant 1 : i32
    %eq3A_354 = vector.broadcast %eq3A_353 : i32 to vector<8x16xi32>
    %eq3A_355 = arith.cmpi eq, %iota3A_289, %eq3A_354 : vector<8x16xi32>
    %eq3A_356 = arith.constant 3 : i32
    %eq3A_357 = vector.broadcast %eq3A_356 : i32 to vector<8x16xi32>
    %eq3A_358 = arith.cmpi eq, %iota3A, %eq3A_357 : vector<8x16xi32>
    %and3A_359 = arith.andi %eq3A_355, %eq3A_358 : vector<8x16xi1>
    %broadcast_in_dim3A_360 = vector.broadcast %reduce_max3A_280 : f32 to vector<8x16xf32>
    %select_n3A_361 = arith.select %and3A_359, %broadcast_in_dim3A_360, %select_n3A_352 : vector<8x16xi1>, vector<8x16xf32>
    %eq3A_362 = arith.constant 0 : i32
    %eq3A_363 = arith.cmpi eq, %arg0, %eq3A_362 : i32
    %convert_element_type3A = arith.extui %eq3A_363 : i1 to i32
    %cond3A = arith.constant 0 : i32
    %cond3A_364 = arith.cmpi ne, %convert_element_type3A, %cond3A : i32
    scf.if %cond3A_364 {
      %swap3A_374 = arith.constant 0 : index
      %swap3A_375 = arith.constant 0 : index
      %swap3A_376 = vector.load %arg19[%swap3A_374, %swap3A_375] : memref<8x16xf32, #tpu.memory_space<vmem>>, vector<8x16xf32>
      tpu.vector_store %arg19[%swap3A_374, %swap3A_375], %select_n3A_361 {strides = array<i32>} : memref<8x16xf32, #tpu.memory_space<vmem>>, vector<8x16xf32>,
    } else {
    }
    %gt3A = arith.constant 0 : i32
    %gt3A_365 = arith.cmpi sgt, %arg0, %gt3A : i32
    %convert_element_type3A_366 = arith.extui %gt3A_365 : i1 to i32
    %cond3A_367 = arith.constant 0 : i32
    %cond3A_368 = arith.cmpi ne, %convert_element_type3A_366, %cond3A_367 : i32
    scf.if %cond3A_368 {
      %get3A_374 = arith.constant 0 : index
      %get3A_375 = arith.constant 0 : index
      %get3A_376 = vector.load %arg19[%get3A_374, %get3A_375] : memref<8x16xf32, #tpu.memory_space<vmem>>, vector<8x16xf32>
      %max3A = arith.maximumf %get3A_376, %select_n3A_361 : vector<8x16xf32>
      %swap3A_377 = arith.constant 0 : index
      %swap3A_378 = arith.constant 0 : index
      %swap3A_379 = vector.load %arg19[%swap3A_377, %swap3A_378] : memref<8x16xf32, #tpu.memory_space<vmem>>, vector<8x16xf32>
      tpu.vector_store %arg19[%swap3A_377, %swap3A_378], %max3A {strides = array<i32>} : memref<8x16xf32, #tpu.memory_space<vmem>>, vector<8x16xf32>,
    } else {
    }
    %eq3A_369 = arith.constant 4 : i32
    %eq3A_370 = arith.cmpi eq, %arg0, %eq3A_369 : i32
    %convert_element_type3A_371 = arith.extui %eq3A_370 : i1 to i32
    %cond3A_372 = arith.constant 0 : i32
    %cond3A_373 = arith.cmpi ne, %convert_element_type3A_371, %cond3A_372 : i32
    scf.if %cond3A_373 {
      %get3A_374 = arith.constant 0 : index
      %get3A_375 = arith.constant 0 : index
      %get3A_376 = vector.load %arg19[%get3A_374, %get3A_375] : memref<8x16xf32, #tpu.memory_space<vmem>>, vector<8x16xf32>
      %slice3A_377 = vector.extract_strided_slice %get3A_376 {offsets = [0, 0], sizes = [1, 16], strides = [1, 1]} : vector<8x16xf32> to vector<1x16xf32>
      %slice3A_378 = vector.extract_strided_slice %get3A_376 {offsets = [1, 0], sizes = [1, 16], strides = [1, 1]} : vector<8x16xf32> to vector<1x16xf32>
      %sqrt3A = math.sqrt %slice3A_377 : vector<1x16xf32>
      %sqrt3A_379 = math.sqrt %slice3A_378 : vector<1x16xf32>
      %mul3A_380 = arith.mulf %sqrt3A, %sqrt3A_379 : vector<1x16xf32>
      %eq3A_381 = arith.constant 2 : i32
      %eq3A_382 = vector.broadcast %eq3A_381 : i32 to vector<8x16xi32>
      %eq3A_383 = arith.cmpi eq, %iota3A_289, %eq3A_382 : vector<8x16xi32>
      %broadcast_in_dim3A_384 = vector.shape_cast %mul3A_380 : vector<1x16xf32> to vector<1x16xf32>
      %broadcast_in_dim3A_385 = vector.broadcast %broadcast_in_dim3A_384 : vector<1x16xf32> to vector<8x16xf32>
      %select_n3A_386 = arith.select %eq3A_383, %broadcast_in_dim3A_385, %get3A_376 : vector<8x16xi1>, vector<8x16xf32>
      %swap3A_387 = arith.constant 0 : index
      %swap3A_388 = arith.constant 0 : index
      %swap3A_389 = vector.load %arg19[%swap3A_387, %swap3A_388] : memref<8x16xf32, #tpu.memory_space<vmem>>, vector<8x16xf32>
      tpu.vector_store %arg19[%swap3A_387, %swap3A_388], %select_n3A_386 {strides = array<i32>} : memref<8x16xf32, #tpu.memory_space<vmem>>, vector<8x16xf32>,
    } else {
    }
    return
  }
  func.func @transform_0(%arg0: i32) -> (i32, i32) {
    %c0_i32 = arith.constant 0 : i32
    %c0_i32_0 = arith.constant 0 : i32
    return %arg0, %c0_i32 : i32, i32
  }
  func.func @transform_1(%arg0: i32) -> (i32, i32, i32) {
    %c0_i32 = arith.constant 0 : i32
    %c0_i32_0 = arith.constant 0 : i32
    %c0_i32_1 = arith.constant 0 : i32
    return %c0_i32, %arg0, %c0_i32_0 : i32, i32, i32
  }
  func.func @transform_2(%arg0: i32) -> (i32, i32) {
    %c0_i32 = arith.constant 0 : i32
    %c0_i32_0 = arith.constant 0 : i32
    return %arg0, %c0_i32 : i32, i32
  }
  func.func @transform_3(%arg0: i32) -> (i32, i32) {
    %c0_i32 = arith.constant 0 : i32
    %c0_i32_0 = arith.constant 0 : i32
    return %arg0, %c0_i32 : i32, i32
  }
  func.func @transform_4(%arg0: i32) -> (i32, i32) {
    %c0_i32 = arith.constant 0 : i32
    %c0_i32_0 = arith.constant 0 : i32
    %c0_i32_1 = arith.constant 0 : i32
    return %c0_i32, %c0_i32_0 : i32, i32
  }
  func.func @transform_5(%arg0: i32) -> (i32, i32) {
    %c0_i32 = arith.constant 0 : i32
    %c0_i32_0 = arith.constant 0 : i32
    %c0_i32_1 = arith.constant 0 : i32
    return %c0_i32, %c0_i32_0 : i32, i32
  }
  func.func @transform_6(%arg0: i32) -> (i32, i32) {
    %c0_i32 = arith.constant 0 : i32
    %c0_i32_0 = arith.constant 0 : i32
    %c0_i32_1 = arith.constant 0 : i32
    return %c0_i32, %c0_i32_0 : i32, i32
  }
  func.func @transform_7(%arg0: i32) -> (i32, i32) {
    %c0_i32 = arith.constant 0 : i32
    %c0_i32_0 = arith.constant 0 : i32
    %c0_i32_1 = arith.constant 0 : i32
    return %c0_i32, %c0_i32_0 : i32, i32
  }
  func.func @transform_8(%arg0: i32) -> (i32, i32) {
    %c0_i32 = arith.constant 0 : i32
    %c0_i32_0 = arith.constant 0 : i32
    %c0_i32_1 = arith.constant 0 : i32
    return %c0_i32, %c0_i32_0 : i32, i32
  }
  func.func @transform_9(%arg0: i32) -> (i32, i32) {
    %c0_i32 = arith.constant 0 : i32
    %c0_i32_0 = arith.constant 0 : i32
    %c0_i32_1 = arith.constant 0 : i32
    return %c0_i32, %c0_i32_0 : i32, i32
  }
  func.func @transform_10(%arg0: i32) -> (i32, i32) {
    %c0_i32 = arith.constant 0 : i32
    %c0_i32_0 = arith.constant 0 : i32
    %c0_i32_1 = arith.constant 0 : i32
    return %c0_i32, %c0_i32_0 : i32, i32
  }
  func.func @transform_11(%arg0: i32) -> (i32, i32) {
    %c0_i32 = arith.constant 0 : i32
    %c0_i32_0 = arith.constant 0 : i32
    %c0_i32_1 = arith.constant 0 : i32
    return %c0_i32, %c0_i32_0 : i32, i32
  }
  func.func @transform_12(%arg0: i32) -> (i32, i32, i32) {
    %c0_i32 = arith.constant 0 : i32
    %c0_i32_0 = arith.constant 0 : i32
    %c0_i32_1 = arith.constant 0 : i32
    %c0_i32_2 = arith.constant 0 : i32
    return %c0_i32, %c0_i32_0, %c0_i32_1 : i32, i32, i32
  }
  func.func @transform_13(%arg0: i32) -> (i32, i32, i32) {
    %c0_i32 = arith.constant 0 : i32
    %c0_i32_0 = arith.constant 0 : i32
    %c0_i32_1 = arith.constant 0 : i32
    %c0_i32_2 = arith.constant 0 : i32
    return %c0_i32, %c0_i32_0, %c0_i32_1 : i32, i32, i32
  }
  func.func @transform_14(%arg0: i32) -> (i32, i32) {
    %c0_i32 = arith.constant 0 : i32
    %c0_i32_0 = arith.constant 0 : i32
    %c0_i32_1 = arith.constant 0 : i32
    return %c0_i32, %c0_i32_0 : i32, i32
  }
  func.func @transform_15(%arg0: i32) -> (i32, i32) {
    %c0_i32 = arith.constant 0 : i32
    %c0_i32_0 = arith.constant 0 : i32
    return %arg0, %c0_i32 : i32, i32
  }
  func.func @transform_16(%arg0: i32) -> (i32, i32) {
    %c0_i32 = arith.constant 0 : i32
    %c0_i32_0 = arith.constant 0 : i32
    return %arg0, %c0_i32 : i32, i32
  }
  func.func @transform_17(%arg0: i32) -> (i32, i32) {
    %c0_i32 = arith.constant 0 : i32
    %c0_i32_0 = arith.constant 0 : i32
    return %arg0, %c0_i32 : i32, i32
  }
  func.func @transform_18(%arg0: i32) -> (i32, i32) {
    %c0_i32 = arith.constant 0 : i32
    %c0_i32_0 = arith.constant 0 : i32
    %c0_i32_1 = arith.constant 0 : i32
    return %c0_i32, %c0_i32_0 : i32, i32
  }
}

module attributes {stable_mosaic.version = 14 : i64} {
  func.func @_k_post(%arg0: i32, %arg1: memref<2000x128xf32, #tpu.memory_space<vmem>>, %arg2: memref<2x2000x144xf32, #tpu.memory_space<vmem>>, %arg3: memref<128x128xf32, #tpu.memory_space<vmem>>, %arg4: memref<1x128xf32, #tpu.memory_space<vmem>>, %arg5: memref<1x1xf32, #tpu.memory_space<vmem>>, %arg6: memref<2000x128xf32, #tpu.memory_space<vmem>>, %arg7: memref<128x128xf32, #tpu.memory_space<vmem>>, %arg8: memref<1x128xf32, #tpu.memory_space<vmem>>, %arg9: memref<8x128xf32, #tpu.memory_space<vmem>>, %arg10: memref<128x256xf32, #tpu.memory_space<vmem>>, %arg11: memref<1x256xf32, #tpu.memory_space<vmem>>, %arg12: memref<256x256xf32, #tpu.memory_space<vmem>>, %arg13: memref<1x256xf32, #tpu.memory_space<vmem>>, %arg14: memref<2000x128xf32, #tpu.memory_space<vmem>>) attributes {dimension_semantics = [#tpu.dimension_semantics<arbitrary>], iteration_bounds = array<i64: 5>, scalar_prefetch = 0 : i64, scratch_operands = 0 : i64, tpu.core_type = #tpu.core_type<tc>, window_params = [{transform_indices = @transform_0, window_bounds = array<i64: 2000, 128>}, {transform_indices = @transform_1, window_bounds = array<i64: 2, 2000, 144>}, {pipeline_mode = #tpu.pipeline_mode<synchronous>, transform_indices = @transform_2, window_bounds = array<i64: 128, 128>}, {pipeline_mode = #tpu.pipeline_mode<synchronous>, transform_indices = @transform_3, window_bounds = array<i64: 1, 128>}, {pipeline_mode = #tpu.pipeline_mode<synchronous>, transform_indices = @transform_4, window_bounds = array<i64: 1, 1>}, {transform_indices = @transform_5, window_bounds = array<i64: 2000, 128>}, {pipeline_mode = #tpu.pipeline_mode<synchronous>, transform_indices = @transform_6, window_bounds = array<i64: 128, 128>}, {pipeline_mode = #tpu.pipeline_mode<synchronous>, transform_indices = @transform_7, window_bounds = array<i64: 1, 128>}, {pipeline_mode = #tpu.pipeline_mode<synchronous>, transform_indices = @transform_8, window_bounds = array<i64: 8, 128>}, {pipeline_mode = #tpu.pipeline_mode<synchronous>, transform_indices = @transform_9, window_bounds = array<i64: 128, 256>}, {pipeline_mode = #tpu.pipeline_mode<synchronous>, transform_indices = @transform_10, window_bounds = array<i64: 1, 256>}, {pipeline_mode = #tpu.pipeline_mode<synchronous>, transform_indices = @transform_11, window_bounds = array<i64: 256, 256>}, {pipeline_mode = #tpu.pipeline_mode<synchronous>, transform_indices = @transform_12, window_bounds = array<i64: 1, 256>}, {transform_indices = @transform_13, window_bounds = array<i64: 2000, 128>}]} {
    %get3A = arith.constant 0 : index
    %get3A_0 = arith.constant 0 : index
    %get3A_1 = arith.constant 0 : index
    %get3A_2 = vector.load %arg2[%get3A, %get3A_0, %get3A_1] : memref<2x2000x144xf32, #tpu.memory_space<vmem>>, vector<2x2000x144xf32>
    %get3A_3 = arith.constant 0 : index
    %get3A_4 = arith.constant 0 : index
    %get3A_5 = vector.load %arg1[%get3A_3, %get3A_4] : memref<2000x128xf32, #tpu.memory_space<vmem>>, vector<2000x128xf32>
    %slice3A = vector.extract_strided_slice %get3A_2 {offsets = [0, 0, 128], sizes = [1, 2000, 4], strides = [1, 1, 1]} : vector<2x2000x144xf32> to vector<1x2000x4xf32>
    %squeeze3A = vector.shape_cast %slice3A : vector<1x2000x4xf32> to vector<2000x4xf32>
    %slice3A_6 = vector.extract_strided_slice %get3A_2 {offsets = [1, 0, 128], sizes = [1, 2000, 4], strides = [1, 1, 1]} : vector<2x2000x144xf32> to vector<1x2000x4xf32>
    %squeeze3A_7 = vector.shape_cast %slice3A_6 : vector<1x2000x4xf32> to vector<2000x4xf32>
    %add3A = arith.addf %squeeze3A, %squeeze3A_7 : vector<2000x4xf32>
    %slice3A_8 = vector.extract_strided_slice %get3A_2 {offsets = [0, 0, 0], sizes = [1, 2000, 128], strides = [1, 1, 1]} : vector<2x2000x144xf32> to vector<1x2000x128xf32>
    %squeeze3A_9 = vector.shape_cast %slice3A_8 : vector<1x2000x128xf32> to vector<2000x128xf32>
    %slice3A_10 = vector.extract_strided_slice %get3A_2 {offsets = [1, 0, 0], sizes = [1, 2000, 128], strides = [1, 1, 1]} : vector<2x2000x144xf32> to vector<1x2000x128xf32>
    %squeeze3A_11 = vector.shape_cast %slice3A_10 : vector<1x2000x128xf32> to vector<2000x128xf32>
    %add3A_12 = arith.addf %squeeze3A_9, %squeeze3A_11 : vector<2000x128xf32>
    %slice3A_13 = vector.extract_strided_slice %add3A_12 {offsets = [0, 0], sizes = [2000, 32], strides = [1, 1]} : vector<2000x128xf32> to vector<2000x32xf32>
    %slice3A_14 = vector.extract_strided_slice %add3A {offsets = [0, 0], sizes = [2000, 1], strides = [1, 1]} : vector<2000x4xf32> to vector<2000x1xf32>
    %add3A_15 = arith.constant 1.000000e-16 : f32
    %add3A_16 = vector.broadcast %add3A_15 : f32 to vector<2000x1xf32>
    %add3A_17 = arith.addf %slice3A_14, %add3A_16 : vector<2000x1xf32>
    %div3A = vector.broadcast %add3A_17 : vector<2000x1xf32> to vector<2000x32xf32>
    %div3A_18 = arith.divf %slice3A_13, %div3A : vector<2000x32xf32>
    %slice3A_19 = vector.extract_strided_slice %add3A_12 {offsets = [0, 32], sizes = [2000, 32], strides = [1, 1]} : vector<2000x128xf32> to vector<2000x32xf32>
    %slice3A_20 = vector.extract_strided_slice %add3A {offsets = [0, 1], sizes = [2000, 1], strides = [1, 1]} : vector<2000x4xf32> to vector<2000x1xf32>
    %add3A_21 = arith.constant 1.000000e-16 : f32
    %add3A_22 = vector.broadcast %add3A_21 : f32 to vector<2000x1xf32>
    %add3A_23 = arith.addf %slice3A_20, %add3A_22 : vector<2000x1xf32>
    %div3A_24 = vector.broadcast %add3A_23 : vector<2000x1xf32> to vector<2000x32xf32>
    %div3A_25 = arith.divf %slice3A_19, %div3A_24 : vector<2000x32xf32>
    %slice3A_26 = vector.extract_strided_slice %add3A_12 {offsets = [0, 64], sizes = [2000, 32], strides = [1, 1]} : vector<2000x128xf32> to vector<2000x32xf32>
    %slice3A_27 = vector.extract_strided_slice %add3A {offsets = [0, 2], sizes = [2000, 1], strides = [1, 1]} : vector<2000x4xf32> to vector<2000x1xf32>
    %add3A_28 = arith.constant 1.000000e-16 : f32
    %add3A_29 = vector.broadcast %add3A_28 : f32 to vector<2000x1xf32>
    %add3A_30 = arith.addf %slice3A_27, %add3A_29 : vector<2000x1xf32>
    %div3A_31 = vector.broadcast %add3A_30 : vector<2000x1xf32> to vector<2000x32xf32>
    %div3A_32 = arith.divf %slice3A_26, %div3A_31 : vector<2000x32xf32>
    %slice3A_33 = vector.extract_strided_slice %add3A_12 {offsets = [0, 96], sizes = [2000, 32], strides = [1, 1]} : vector<2000x128xf32> to vector<2000x32xf32>
    %slice3A_34 = vector.extract_strided_slice %add3A {offsets = [0, 3], sizes = [2000, 1], strides = [1, 1]} : vector<2000x4xf32> to vector<2000x1xf32>
    %add3A_35 = arith.constant 1.000000e-16 : f32
    %add3A_36 = vector.broadcast %add3A_35 : f32 to vector<2000x1xf32>
    %add3A_37 = arith.addf %slice3A_34, %add3A_36 : vector<2000x1xf32>
    %div3A_38 = vector.broadcast %add3A_37 : vector<2000x1xf32> to vector<2000x32xf32>
    %div3A_39 = arith.divf %slice3A_33, %div3A_38 : vector<2000x32xf32>
    %concatenate3A = tpu.concatenate %div3A_18, %div3A_25, %div3A_32, %div3A_39 in 1 : vector<2000x32xf32>, vector<2000x32xf32>, vector<2000x32xf32>, vector<2000x32xf32> -> vector<2000x128xf32>
    %integer_pow3A = arith.mulf %concatenate3A, %concatenate3A : vector<2000x128xf32>
    %integer_pow3A_40 = arith.mulf %concatenate3A, %integer_pow3A : vector<2000x128xf32>
    %mul3A = arith.constant 4.471500e-02 : f32
    %mul3A_41 = vector.broadcast %mul3A : f32 to vector<2000x128xf32>
    %mul3A_42 = arith.mulf %mul3A_41, %integer_pow3A_40 : vector<2000x128xf32>
    %add3A_43 = arith.addf %concatenate3A, %mul3A_42 : vector<2000x128xf32>
    %mul3A_44 = arith.constant 0.797884583 : f32
    %mul3A_45 = vector.broadcast %mul3A_44 : f32 to vector<2000x128xf32>
    %mul3A_46 = arith.mulf %mul3A_45, %add3A_43 : vector<2000x128xf32>
    %tanh3A = math.tanh %mul3A_46 : vector<2000x128xf32>
    %add3A_47 = arith.constant 1.000000e+00 : f32
    %add3A_48 = vector.broadcast %add3A_47 : f32 to vector<2000x128xf32>
    %add3A_49 = arith.addf %add3A_48, %tanh3A : vector<2000x128xf32>
    %mul3A_50 = arith.constant 5.000000e-01 : f32
    %mul3A_51 = vector.broadcast %mul3A_50 : f32 to vector<2000x128xf32>
    %mul3A_52 = arith.mulf %mul3A_51, %add3A_49 : vector<2000x128xf32>
    %mul3A_53 = arith.mulf %concatenate3A, %mul3A_52 : vector<2000x128xf32>
    %get3A_54 = arith.constant 0 : index
    %get3A_55 = arith.constant 0 : index
    %get3A_56 = vector.load %arg3[%get3A_54, %get3A_55] : memref<128x128xf32, #tpu.memory_space<vmem>>, vector<128x128xf32>
    %dot_general3A = arith.constant dense<0.000000e+00> : vector<2000x128xf32>
    %dot_general3A_57 = tpu.matmul %mul3A_53, %get3A_56, %dot_general3A {dimension_numbers = #tpu.dot_dimension_numbers<[1], [0], [0], [1], [0, 0, 1, 1], [], []>, transpose_lhs_hint = false} : vector<2000x128xf32>, vector<128x128xf32>, vector<2000x128xf32> -> vector<2000x128xf32>
    %get3A_58 = arith.constant 0 : index
    %get3A_59 = arith.constant 0 : index
    %get3A_60 = vector.load %arg4[%get3A_58, %get3A_59] : memref<1x128xf32, #tpu.memory_space<vmem>>, vector<1x128xf32>
    %add3A_61 = vector.broadcast %get3A_60 : vector<1x128xf32> to vector<2000x128xf32>
    %add3A_62 = arith.addf %dot_general3A_57, %add3A_61 : vector<2000x128xf32>
    %get3A_63 = arith.constant 0 : index
    %get3A_64 = arith.constant 0 : index
    %get3A_65 = vector.load %arg5[%get3A_63, %get3A_64] : memref<1x1xf32, #tpu.memory_space<vmem>>, vector<1x1xf32>
    %get3A_66 = vector.extract %get3A_65[0, 0] : f32 from vector<1x1xf32>
    %mul3A_67 = vector.broadcast %get3A_66 : f32 to vector<2000x128xf32>
    %mul3A_68 = arith.mulf %mul3A_67, %add3A_62 : vector<2000x128xf32>
    %sub3A = arith.constant 1.000000e+00 : f32
    %sub3A_69 = arith.subf %sub3A, %get3A_66 : f32
    %mul3A_70 = vector.broadcast %sub3A_69 : f32 to vector<2000x128xf32>
    %mul3A_71 = arith.mulf %mul3A_70, %get3A_5 : vector<2000x128xf32>
    %add3A_72 = arith.addf %mul3A_68, %mul3A_71 : vector<2000x128xf32>
    %add3A_73 = arith.addf %get3A_5, %add3A_72 : vector<2000x128xf32>
    %ge3A = arith.constant 0.000000e+00 : f32
    %ge3A_74 = vector.broadcast %ge3A : f32 to vector<2000x128xf32>
    %ge3A_75 = arith.cmpf oge, %add3A_73, %ge3A_74 : vector<2000x128xf32>
    %mul3A_76 = arith.constant 2.000000e-01 : f32
    %mul3A_77 = vector.broadcast %mul3A_76 : f32 to vector<2000x128xf32>
    %mul3A_78 = arith.mulf %mul3A_77, %add3A_73 : vector<2000x128xf32>
    %select_n3A = arith.select %ge3A_75, %add3A_73, %mul3A_78 : vector<2000x128xi1>, vector<2000x128xf32>
    %get3A_79 = arith.constant 0 : index
    %get3A_80 = arith.constant 0 : index
    %get3A_81 = vector.load %arg6[%get3A_79, %get3A_80] : memref<2000x128xf32, #tpu.memory_space<vmem>>, vector<2000x128xf32>
    %get3A_82 = arith.constant 0 : index
    %get3A_83 = arith.constant 0 : index
    %get3A_84 = vector.load %arg7[%get3A_82, %get3A_83] : memref<128x128xf32, #tpu.memory_space<vmem>>, vector<128x128xf32>
    %dot_general3A_85 = arith.constant dense<0.000000e+00> : vector<2000x128xf32>
    %dot_general3A_86 = tpu.matmul %get3A_81, %get3A_84, %dot_general3A_85 {dimension_numbers = #tpu.dot_dimension_numbers<[1], [0], [0], [1], [0, 0, 1, 1], [], []>, transpose_lhs_hint = false} : vector<2000x128xf32>, vector<128x128xf32>, vector<2000x128xf32> -> vector<2000x128xf32>
    %add3A_87 = arith.addf %select_n3A, %dot_general3A_86 : vector<2000x128xf32>
    %get3A_88 = arith.constant 0 : index
    %get3A_89 = arith.constant 0 : index
    %get3A_90 = vector.load %arg8[%get3A_88, %get3A_89] : memref<1x128xf32, #tpu.memory_space<vmem>>, vector<1x128xf32>
    %add3A_91 = vector.broadcast %get3A_90 : vector<1x128xf32> to vector<2000x128xf32>
    %add3A_92 = arith.addf %add3A_87, %add3A_91 : vector<2000x128xf32>
    %get3A_93 = arith.constant 0 : index
    %get3A_94 = arith.constant 0 : index
    %get3A_95 = vector.load %arg9[%get3A_93, %get3A_94] : memref<8x128xf32, #tpu.memory_space<vmem>>, vector<8x128xf32>
    %get3A_96 = arith.constant 0 : index
    %get3A_97 = arith.constant 0 : index
    %get3A_98 = vector.load %arg10[%get3A_96, %get3A_97] : memref<128x256xf32, #tpu.memory_space<vmem>>, vector<128x256xf32>
    %dot_general3A_99 = arith.constant dense<0.000000e+00> : vector<8x256xf32>
    %dot_general3A_100 = tpu.matmul %get3A_95, %get3A_98, %dot_general3A_99 {dimension_numbers = #tpu.dot_dimension_numbers<[1], [0], [0], [1], [0, 0, 1, 1], [], []>, transpose_lhs_hint = false} : vector<8x128xf32>, vector<128x256xf32>, vector<8x256xf32> -> vector<8x256xf32>
    %get3A_101 = arith.constant 0 : index
    %get3A_102 = arith.constant 0 : index
    %get3A_103 = vector.load %arg11[%get3A_101, %get3A_102] : memref<1x256xf32, #tpu.memory_space<vmem>>, vector<1x256xf32>
    %add3A_104 = vector.broadcast %get3A_103 : vector<1x256xf32> to vector<8x256xf32>
    %add3A_105 = arith.addf %dot_general3A_100, %add3A_104 : vector<8x256xf32>
    %integer_pow3A_106 = arith.mulf %add3A_105, %add3A_105 : vector<8x256xf32>
    %integer_pow3A_107 = arith.mulf %add3A_105, %integer_pow3A_106 : vector<8x256xf32>
    %mul3A_108 = arith.constant 4.471500e-02 : f32
    %mul3A_109 = vector.broadcast %mul3A_108 : f32 to vector<8x256xf32>
    %mul3A_110 = arith.mulf %mul3A_109, %integer_pow3A_107 : vector<8x256xf32>
    %add3A_111 = arith.addf %add3A_105, %mul3A_110 : vector<8x256xf32>
    %mul3A_112 = arith.constant 0.797884583 : f32
    %mul3A_113 = vector.broadcast %mul3A_112 : f32 to vector<8x256xf32>
    %mul3A_114 = arith.mulf %mul3A_113, %add3A_111 : vector<8x256xf32>
    %tanh3A_115 = math.tanh %mul3A_114 : vector<8x256xf32>
    %add3A_116 = arith.constant 1.000000e+00 : f32
    %add3A_117 = vector.broadcast %add3A_116 : f32 to vector<8x256xf32>
    %add3A_118 = arith.addf %add3A_117, %tanh3A_115 : vector<8x256xf32>
    %mul3A_119 = arith.constant 5.000000e-01 : f32
    %mul3A_120 = vector.broadcast %mul3A_119 : f32 to vector<8x256xf32>
    %mul3A_121 = arith.mulf %mul3A_120, %add3A_118 : vector<8x256xf32>
    %mul3A_122 = arith.mulf %add3A_105, %mul3A_121 : vector<8x256xf32>
    %get3A_123 = arith.constant 0 : index
    %get3A_124 = arith.constant 0 : index
    %get3A_125 = vector.load %arg12[%get3A_123, %get3A_124] : memref<256x256xf32, #tpu.memory_space<vmem>>, vector<256x256xf32>
    %dot_general3A_126 = arith.constant dense<0.000000e+00> : vector<8x256xf32>
    %dot_general3A_127 = tpu.matmul %mul3A_122, %get3A_125, %dot_general3A_126 {dimension_numbers = #tpu.dot_dimension_numbers<[1], [0], [0], [1], [0, 0, 1, 1], [], []>, transpose_lhs_hint = false} : vector<8x256xf32>, vector<256x256xf32>, vector<8x256xf32> -> vector<8x256xf32>
    %get3A_128 = arith.constant 0 : index
    %get3A_129 = arith.constant 0 : index
    %get3A_130 = vector.load %arg13[%get3A_128, %get3A_129] : memref<1x256xf32, #tpu.memory_space<vmem>>, vector<1x256xf32>
    %add3A_131 = vector.broadcast %get3A_130 : vector<1x256xf32> to vector<8x256xf32>
    %add3A_132 = arith.addf %dot_general3A_127, %add3A_131 : vector<8x256xf32>
    %slice3A_133 = vector.extract_strided_slice %add3A_132 {offsets = [0, 0], sizes = [1, 128], strides = [1, 1]} : vector<8x256xf32> to vector<1x128xf32>
    %mul3A_134 = vector.broadcast %slice3A_133 : vector<1x128xf32> to vector<2000x128xf32>
    %mul3A_135 = arith.mulf %mul3A_134, %add3A_92 : vector<2000x128xf32>
    %slice3A_136 = vector.extract_strided_slice %add3A_132 {offsets = [0, 128], sizes = [1, 128], strides = [1, 1]} : vector<8x256xf32> to vector<1x128xf32>
    %add3A_137 = vector.broadcast %slice3A_136 : vector<1x128xf32> to vector<2000x128xf32>
    %add3A_138 = arith.addf %mul3A_135, %add3A_137 : vector<2000x128xf32>
    %swap3A = arith.constant 0 : index
    %swap3A_139 = arith.constant 0 : index
    %swap3A_140 = vector.load %arg14[%swap3A, %swap3A_139] : memref<2000x128xf32, #tpu.memory_space<vmem>>, vector<2000x128xf32>
    tpu.vector_store %arg14[%swap3A, %swap3A_139], %add3A_138 {strides = array<i32>} : memref<2000x128xf32, #tpu.memory_space<vmem>>, vector<2000x128xf32>,
    return
  }
  func.func @transform_0(%arg0: i32) -> (i32, i32) {
    %c0_i32 = arith.constant 0 : i32
    %c0_i32_0 = arith.constant 0 : i32
    return %arg0, %c0_i32 : i32, i32
  }
  func.func @transform_1(%arg0: i32) -> (i32, i32, i32) {
    %c0_i32 = arith.constant 0 : i32
    %c0_i32_0 = arith.constant 0 : i32
    %c0_i32_1 = arith.constant 0 : i32
    return %c0_i32, %arg0, %c0_i32_0 : i32, i32, i32
  }
  func.func @transform_2(%arg0: i32) -> (i32, i32) {
    %c0_i32 = arith.constant 0 : i32
    %c0_i32_0 = arith.constant 0 : i32
    %c0_i32_1 = arith.constant 0 : i32
    return %c0_i32, %c0_i32_0 : i32, i32
  }
  func.func @transform_3(%arg0: i32) -> (i32, i32) {
    %c0_i32 = arith.constant 0 : i32
    %c0_i32_0 = arith.constant 0 : i32
    %c0_i32_1 = arith.constant 0 : i32
    return %c0_i32, %c0_i32_0 : i32, i32
  }
  func.func @transform_4(%arg0: i32) -> (i32, i32) {
    %c0_i32 = arith.constant 0 : i32
    %c0_i32_0 = arith.constant 0 : i32
    %c0_i32_1 = arith.constant 0 : i32
    return %c0_i32, %c0_i32_0 : i32, i32
  }
  func.func @transform_5(%arg0: i32) -> (i32, i32) {
    %c0_i32 = arith.constant 0 : i32
    %c0_i32_0 = arith.constant 0 : i32
    return %arg0, %c0_i32 : i32, i32
  }
  func.func @transform_6(%arg0: i32) -> (i32, i32) {
    %c0_i32 = arith.constant 0 : i32
    %c0_i32_0 = arith.constant 0 : i32
    %c0_i32_1 = arith.constant 0 : i32
    return %c0_i32, %c0_i32_0 : i32, i32
  }
  func.func @transform_7(%arg0: i32) -> (i32, i32) {
    %c0_i32 = arith.constant 0 : i32
    %c0_i32_0 = arith.constant 0 : i32
    %c0_i32_1 = arith.constant 0 : i32
    return %c0_i32, %c0_i32_0 : i32, i32
  }
  func.func @transform_8(%arg0: i32) -> (i32, i32) {
    %c0_i32 = arith.constant 0 : i32
    %c0_i32_0 = arith.constant 0 : i32
    %c0_i32_1 = arith.constant 0 : i32
    return %c0_i32, %c0_i32_0 : i32, i32
  }
  func.func @transform_9(%arg0: i32) -> (i32, i32) {
    %c0_i32 = arith.constant 0 : i32
    %c0_i32_0 = arith.constant 0 : i32
    %c0_i32_1 = arith.constant 0 : i32
    return %c0_i32, %c0_i32_0 : i32, i32
  }
  func.func @transform_10(%arg0: i32) -> (i32, i32) {
    %c0_i32 = arith.constant 0 : i32
    %c0_i32_0 = arith.constant 0 : i32
    %c0_i32_1 = arith.constant 0 : i32
    return %c0_i32, %c0_i32_0 : i32, i32
  }
  func.func @transform_11(%arg0: i32) -> (i32, i32) {
    %c0_i32 = arith.constant 0 : i32
    %c0_i32_0 = arith.constant 0 : i32
    %c0_i32_1 = arith.constant 0 : i32
    return %c0_i32, %c0_i32_0 : i32, i32
  }
  func.func @transform_12(%arg0: i32) -> (i32, i32) {
    %c0_i32 = arith.constant 0 : i32
    %c0_i32_0 = arith.constant 0 : i32
    %c0_i32_1 = arith.constant 0 : i32
    return %c0_i32, %c0_i32_0 : i32, i32
  }
  func.func @transform_13(%arg0: i32) -> (i32, i32) {
    %c0_i32 = arith.constant 0 : i32
    %c0_i32_0 = arith.constant 0 : i32
    return %arg0, %c0_i32 : i32, i32
  }
}

</mosaic_0001>

<sc_bundles>
// kernel: kernel.12.cloned.1.call-start
scs
__scs_entry_jumppad:
0x0: {  	(pc) =	sbr.rel $0x88, $3  }
0x1: {  	(tag) =	ssettag $0x0;
	lr =	simm.s32 $0x1  }
0x2: {  	[smem:$0x3F83] =	sst lr;
	_ =	strace $0xD0000000  }
0x3: {  	_ = 	snop  }
0x4: {  	_ = 	snop  }
0x5: {  	_ = 	snop  }
0x6: {  	_ = 	snop  }
0x7: {  	_ = 	snop  }
__scs_overlays_trampoline_lowered:
0x8: {  	[smem:$0x3F92] =	sst s0  }
0x9: {  	[smem:$0x3F93] =	sst s1  }
0xa: {  	[smem:$0x3F94] =	sst s2  }
0xb: {  	[smem:$0x3F95] =	sst s3  }
0xc: {  	[smem:$0x3F96] =	sst s4  }
0xd: {  	[smem:$0x3F97] =	sst s5  }
0xe: {  	[smem:$0x3F98] =	sst s6  }
0xf: {  	[smem:$0x3F99] =	sst s7  }
0x10: {  	[smem:$0x3F9A] =	sst s8  }
0x11: {  	[smem:$0x3F9B] =	sst s9;
	s0 =	simm.s32 @!p0 $0x0  }
0x12: {  	s1 =	sld [smem:$0x3F81];
	s0 =	simm.s32 @p0 $0x1  }
0x13: {  	[smem:$0x3F9C] =	sst s0;
	s0 =	simm.s32 @!p1 $0x0  }
0x14: {  	s2 =	sld [smem:$0x3F80];
	s0 =	simm.s32 @p1 $0x1  }
0x15: {  	[smem:$0x3F9D] =	sst s0;
	s0 =	simm.s32 @!p2 $0x0  }
0x16: {  	s3 =	sld [smem:$0x3FDB];
	s0 =	simm.s32 @p2 $0x1  }
0x17: {  	s4 =	simm.s32 $0x1BF5;
	[smem:$0x3F9F] =	sst s0  }
0x18: {  	s0 =	sld [smem:$0x3F82];
	_ =	swait.ge [sflag:s4], $0x0  }
0x19: {  	s7 =	sld [smem:$0x3F83]  }
0x1a: {  	s8 =	sadd.s32 $0xFFFFE003, lr  }
0x1b: {  	s9 =	sadd.s32 $0xFFFFFEF7, lr;
	s5 =	simm.s32 $0xFFFFFFFF;
	p2 =	slt.u32 s8, $0xFFFFF086  }
0x1c: {  	p1 =	slt.u32 s9, $0xF7A;
	s5 =	simm.s32 @!p2 $0x0  }
0x1d: {  	s5 =	simm.s32 @p1 $0x1;
	p0 =	seq.s32 s7, s2  }
0x1e: {  	s7 =	smul.u32 @!p0 $0xF7A, s2;
	p2 =	seq.s32 @!p0 s5, $0x0  }
0x1f: {  	s9 =	smul.u32 $0xF7A, s1;
	s8 =	simm.s32 @!p0 $0x1BF5;
	p2 =	por !p2, p0  }
0x20: {  	[sflag:s8] =	ssyncset.s32 @!p0 $0xFFFFF086;
	s6 =	sadd.s32 @!p0 s3, s7;
	s7 =	simm.s32 @!p0 $0x108  }
0x21: {  	s3 =	sadd.s32 s3, s9;
	s6 =	sadd.s32 @!p0 $0x88, s6;
	s7 =	simm.s32 @p2 $0x1082  }
0x22: {  	[simem:s7], [sflag:s8] =	dma.local @!p0 [hbm:s6], $0xF7A  }
0x23: {  	s9 =	sor.u32 $0xD0000000, s2;
	s6 =	simm.s32 $0x108;
	_ =	swait.ge @!p0 [sflag:s8], $0x0  }
0x24: {  	s3 =	sadd.s32 $0x88, s3;
	s6 =	simm.s32 @!p1 $0x1082;
	[sflag:s4] =	ssyncset.s32 $0xFFFFF086  }
0x25: {  	[simem:s6], [sflag:s4] =	dma.local [hbm:s3], $0xF7A  }
0x26: {  	[smem:$0x3F83] =	sst s1;
	(tag) =	ssettag s2;
	_ =	strace s9  }
0x27: {  	s1 =	sld [smem:$0x3F93]  }
0x28: {  	s2 =	sld [smem:$0x3F94]  }
0x29: {  	s4 =	sld [smem:$0x3F96]  }
0x2a: {  	p0 =	seq.s32 s5, $0x0;
	s5 =	sld [smem:$0x3F97]  }
0x2b: {  	s6 =	sld [smem:$0x3F98]  }
0x2c: {  	s7 =	sld [smem:$0x3F99]  }
0x2d: {  	s3 =	simm.s32 $0x108;
	s8 =	sld [smem:$0x3F9A]  }
0x2e: {  	s3 =	simm.s32 @!p0 $0x1082;
	s9 =	sld [smem:$0x3F9B]  }
0x2f: {  	lr =	sadd.s32 s0, s3;
	s0 =	sld [smem:$0x3F92]  }
0x30: {  	s3 =	sld [smem:$0x3F95]  }
0x31: {  	[smem:$0x3F9E] =	sst s10  }
0x32: {  	s10 =	sld [smem:$0x3F9C];
	_ =	sdelay $0x3  }
0x33: {  	p0 =	seq.s32 s10, $0x1;
	s10 =	sld [smem:$0x3F9E];
	_ =	sdelay $0x3  }
0x34: {  	[smem:$0x3F9E] =	sst s10  }
0x35: {  	s10 =	sld [smem:$0x3F9D];
	_ =	sdelay $0x3  }
0x36: {  	p1 =	seq.s32 s10, $0x1;
	s10 =	sld [smem:$0x3F9E];
	_ =	sdelay $0x3  }
0x37: {  	[smem:$0x3F9E] =	sst s10  }
0x38: {  	s10 =	sld [smem:$0x3F9F]  }
0x39: {  	_ = 	snop;
	(pc) =	sbr.ind lr, $3  }
0x3a: {  	_ = 	snop  }
0x3b: {  	_ = 	snop  }
0x3c: {  	p2 =	seq.s32 s10, $0x1;
	s10 =	sld [smem:$0x3F9E]  }
0x3d: {  	_ =	shalt  }
0x3e: {  	_ =	shalt  }
0x3f: {  	_ =	shalt  }
0x40: {  	_ =	shalt  }
0x41: {  	_ =	shalt  }
0x42: {  	_ =	shalt  }
0x43: {  	_ =	shalt  }
0x44: {  	_ =	shalt  }
0x45: {  	_ =	shalt  }
0x46: {  	_ =	shalt  }
0x47: {  	_ =	shalt  }
0x48: {  	_ =	shalt  }
0x49: {  	_ =	shalt  }
0x4a: {  	_ =	shalt  }
0x4b: {  	_ =	shalt  }
0x4c: {  	_ =	shalt  }
0x4d: {  	_ =	shalt  }
0x4e: {  	_ =	shalt  }
0x4f: {  	_ =	shalt  }
0x50: {  	_ =	shalt  }
0x51: {  	_ =	shalt  }
0x52: {  	_ =	shalt  }
0x53: {  	_ =	shalt  }
0x54: {  	_ =	shalt  }
0x55: {  	_ =	shalt  }
0x56: {  	_ =	shalt  }
0x57: {  	_ =	shalt  }
0x58: {  	_ =	shalt  }
0x59: {  	_ =	shalt  }
0x5a: {  	_ =	shalt  }
0x5b: {  	_ =	shalt  }
0x5c: {  	_ =	shalt  }
0x5d: {  	_ =	shalt  }
0x5e: {  	_ =	shalt  }
0x5f: {  	_ =	shalt  }
0x60: {  	_ =	shalt  }
0x61: {  	_ =	shalt  }
0x62: {  	_ =	shalt  }
0x63: {  	_ =	shalt  }
0x64: {  	_ =	shalt  }
0x65: {  	_ =	shalt  }
0x66: {  	_ =	shalt  }
0x67: {  	_ =	shalt  }
0x68: {  	_ =	shalt  }
0x69: {  	_ =	shalt  }
0x6a: {  	_ =	shalt  }
0x6b: {  	_ =	shalt  }
0x6c: {  	_ =	shalt  }
0x6d: {  	_ =	shalt  }
0x6e: {  	_ =	shalt  }
0x6f: {  	_ =	shalt  }
0x70: {  	_ =	shalt  }
0x71: {  	_ =	shalt  }
0x72: {  	_ =	shalt  }
0x73: {  	_ =	shalt  }
0x74: {  	_ =	shalt  }
0x75: {  	_ =	shalt  }
0x76: {  	_ =	shalt  }
0x77: {  	_ =	shalt  }
0x78: {  	_ =	shalt  }
0x79: {  	_ =	shalt  }
0x7a: {  	_ =	shalt  }
0x7b: {  	_ =	shalt  }
0x7c: {  	_ =	shalt  }
0x7d: {  	_ =	shalt  }
0x7e: {  	_ =	shalt  }
0x7f: {  	_ =	shalt  }
0x80: {  	_ =	shalt  }
0x81: {  	_ =	shalt  }
0x82: {  	_ =	shalt  }
0x83: {  	_ =	shalt  }
0x84: {  	_ =	shalt  }
0x85: {  	_ =	shalt  }
0x86: {  	_ =	shalt  }
0x87: {  	_ =	shalt  }
.Lfunc_end0:
.L_simem_size_0:
called_computation.1_lowered:
.L_overlay_start_0:
0x88: {  	s2 =	sld [smem:$0x3FD9]  }
0x89: {  	s3 =	sld [smem:$0x3FFE];
	_ =	sdelay $0x1  }
0x8a: {  	s1 =	srdreg.scid  }
0x8b: {  	s0 =	sand.u32 $0x1, s1  }
0x8c: {  	s17 =	sshll.u32 s0, $0xA;
	s2 =	sadd.s32 s3, s2  }
0x8d: {  	s2 =	sadd.s32 s2, s17  }
0x8e: {  	[smem:$0x3FAA] =	sst s2  }
0x8f: {  	_ = 	snop  }
0x90: {  	s2 =	sld [smem:$0x3FD0];
	(tm) =	ssettm $0x1  }
0x91: {  	s18 =	sld [smem:$0x3FFB];
	_ =	sdelay $0x3  }
0x92: {  	_ =	strace s18  }
0x93: {  	s3 =	sld [smem:$0x3FFC];
	_ =	sdelay $0x3  }
0x94: {  	_ =	strace s3  }
0x95: {  	s3 =	sld [smem:$0x3FFD];
	_ =	sdelay $0x3  }
0x96: {  	_ =	strace s3  }
0x97: {  	_ =	strace $0x8FFFFFFF  }
0x98: {  	s19 =	sld [smem:$0x3FDB];
	_ =	sdelay $0x1  }
0x99: {  	s4 =	simm.s32 $_scs_section_size  }
0x9a: {  	s5 =	simm.s32 $_size__tile_overlayer_lowered;
	s6 =	simm.s32 $_tile_overlayer_lowered  }
0x9b: {  	s22 =	simm.s32 $0x1BFF;
	s21 =	sshll.u32 s6, $0x1;
	s3 =	sadd.s32 s4, s19  }
0x9c: {  	s7 =	simm.s32 $0x0;
	s20 =	sshll.u32 s5, $0x1;
	s5 =	sadd.s32 s21, s3  }
0x9d: {  	[timem:s7], [sflag:s22] =	dma.local [hbm:s5], s20  }
0x9e: {  	_ =	swait.ge [sflag:s22], s20  }
0x9f: {  	s4 =	ssub.s32 $0x0, s20;
	[sflag:s22] =	ssyncset.done $0x0  }
0xa0: {  	[sflag:s22] =	ssyncadd.s32 s4;
	_ =	sdelay $0x1  }
0xa1: {  	s23 =	simm.s32 $0x1B8B  }
0xa2: {  	_ =	swait.ge [sflag:s23], $0x1  }
0xa3: {  	[sflag:s23] =	ssyncset.done $0x0  }
0xa4: {  	s25 =	simm.s32 $0x1B8E;
	s24 =	sld [smem:$0x3FFE];
	[sflag:s23] =	ssyncadd.s32 $0xFFFFFFFF  }
0xa5: {  	s26 =	simm.s32 $execute0_lowered;
	[smem:$0x3FD2] =	sst s25  }
0xa6: {  	s5 =	sshll.u32 s26, $0x1;
	_ =	strace $0x80000049;
	[dreg:$0x1] =	wrdreg $0xFFFFFFFF  }
0xa7: {  	s28 =	simm.s32 $_size_execute0_lowered;
	s3 =	sadd.s32 s3, s5;
	[dreg:$0x0] =	wrdreg $0x0  }
0xa8: {  	s5 =	sshll.u32 s28, $0x1;
	[dreg:$0x2] =	wrdreg s3  }
0xa9: {  	[dreg:$0x3] =	wrdreg s5  }
0xaa: {  	[dreg:$0x4] =	wrdreg $0xC0  }
0xab: {  	_ =	task [dreg:s7], $0x5FFFF  }
0xac: {  	[dreg:$0x1] =	wrdreg $0xFFFFFFFF  }
0xad: {  	[dreg:$0x0] =	wrdreg $0x60  }
0xae: {  	[dreg:$0x2] =	wrdreg s24  }
0xaf: {  	[dreg:$0x3] =	wrdreg s2  }
0xb0: {  	[dreg:$0x4] =	wrdreg $0x6F200  }
0xb1: {  	[dreg:$0x5] =	wrdreg $0x9  }
0xb2: {  	_ =	task.clear_ibuf [dreg:s7], $0x6FFFF;
	_ =	strace $0x90000049  }
0xb3: {  	s29 =	simm.s32 $0x9;
	_ =	strace $0x8000004B  }
0xb4: {  	_ =	swait.ge [sflag:s29], $0x1  }
0xb5: {  	[sflag:s29] =	ssyncadd.s32 $0xFFFFFFFF  }
0xb6: {  	_ =	strace $0x9000004B  }
0xb7: {  	_ =	sfence  }
0xb8: {  	s30 =	sld [smem:$0x0];
	_ =	sdelay $0x2  }
0xb9: {  	s31 =	sshll.u32 s1, $0xD;
	s1 =	sshrl.u32 s1, $0x2  }
0xba: {  	s3 =	sand.u32 $0x4000, s31;
	s1 =	sadd.s32 s1, s30  }
0xbb: {  	s0 =	sor.u32 s3, s0;
	s1 =	sshll.u32 s1, $0x11  }
0xbc: {  	s0 =	sor.u32 s1, s0  }
0xbd: {  	s0 =	sadd.s32 $0x8F2B, s0  }
0xbe: {  	[sflag:s0] =	ssyncadd.remote.s32 $0x1  }
0xbf: {  	_ =	sfence.sel $0xFFFF  }
0xc0: {  	[dreg:$0x0] =	wrdreg $0xFFFFFFFF;
	(pc) =	sbr.abs _section_cstart, $3  }
0xc1: {  	[dreg:$0x1] =	wrdreg $0xFFFFFFFF  }
0xc2: {  	_ =	task.clear_ibuf [dreg:s7], $0x2FFFF;
	_ =	strace $0x9FFFFFFF  }
0xc3: {  	(tm) =	ssettm $0x7FFFFFFF  }
tec
execute0_lowered:
.L_overlay_start_1:
0x0: {  	(tag) =	ssettag $0x1  }
0x1: {  	s0 =	rddreg [dreg:$0x0]  }
0x2: {  	s1 =	rddreg [dreg:$0x1]  }
0x3: {  	s3 =	rddreg [dreg:$0x2];
	s2 =	simm.s32 $0x0;
	s13 =	stileid.u32  }
0x4: {  	s4 =	srdreg.scid;
	s15 =	simm.s32 $0x7;
	s28 =	simm.s32 $0x3  }
0x5: {  	s29 =	simm.s32 $0x41A0;
	s30 =	simm.s32 $0x2;
	s31 =	simm.s32 $0x4  }
0x6: {  	s14 =	simm.s32 $0x0;
	[smem:$0x7FF] =	sst s2;
	s19 =	smul.u32 $0x15F00, s13  }
0x7: {  	s5 =	sadd.s32 $0x6000, s0;
	s6 =	sadd.s32 $0x32000, s0;
	s4 =	sand.u32 $0x1, s4  }
0x8: {  	s7 =	sadd.s32 $0x85400, s0;
	s9 =	sadd.s32 $0x113000, s0;
	s21 =	sshll.u32 s13, $0x1  }
0x9: {  	p0 =	seq.s32 s13, $0xF;
	_ =	strace $0x8000004A;
	[dreg:$0x4] =	wrdreg s6  }
0xa: {  	s8 =	ssub.s32 $0x2, s4;
	s11 =	smul.u32 $0x15F900, s4;
	s4 =	sor.u32 s4, s21  }
0xb: {  	s21 =	simm.s32 $0xFA0;
	s20 =	sshrl.u32 s19, $0x3;
	s10 =	sshrl.u32 s8, $0x1  }
0xc: {  	s12 =	sadd.s32 s19, s3;
	s6 =	sadd.s32 s20, s0;
	s8 =	ssub.s32 s8, s10  }
0xd: {  	s2 =	sadd.s32 s19, s11;
	s22 =	sshrl.u32 s11, $0x3;
	s0 =	sadd.s32 $0xC2020, s0  }
0xe: {  	s10 =	smul.u32 $0x2710, s4;
	s11 =	sshrl.u32 @!p0 s12, $0x3;
	s19 =	simm.s32 $0x7D0  }
0xf: {  	s20 =	simm.s32 $0x28;
	s6 =	sadd.s32 $0x98E00, s6;
	[dreg:$0x6] =	wrdreg s0  }
0x10: {  	s23 =	sshrl.u32 s2, $0x3;
	s24 =	sadd.s32 s9, s22;
	[dreg:$0xa] =	wrdreg s11  }
0x11: {  	s26 =	smax.u32 s8, $0x1;
	s22 =	simm.s32 $0x3CA0;
	[dreg:$0x5] =	wrdreg s6  }
.Ltmp0:
0x12: {  	s6 =	sadd.s32 $0x149100, s3;
	s0 =	sadd.s32 s9, s23;
	(pc) =	sbr.rel .LBB2_1-.Ltmp0, $4  }
0x13: {  	s25 =	sadd.s32 $0x29220, s24;
	[dreg:$0x9] =	wrdreg s26;
	s23 =	simm.s32 $0x2620  }
0x14: {  	s24 =	simm.s32 $0x7F8;
	s26 =	simm.s32 $0x1;
	[dreg:$0x7] =	wrdreg s0  }
0x15: {  	[dreg:$0x8] =	wrdreg s25;
	s8 =	sshrl.u32 @p0 s6, $0x3;
	s0 =	sshll.u32 @!p0 s13, $0x6  }
0x16: {  	s25 =	simm.s32 $0x3F20;
	s9 =	sor.u32 @!p0 $0x1C07, s0;
	s0 =	simm.s32 $0x5820  }
.LBB2_10:
0x17: {  	s2 =	simm.s32 $0x5  }
0x18: {  	_ =	swait.ge [sflag:s2], $0x1680  }
0x19: {  	[sflag:s2] =	ssyncset.done $0x0  }
0x1a: {  	s16 =	simm.s32 $0x6;
	[sflag:s2] =	ssyncadd.s32 $0xFFFFE980  }
0x1b: {  	_ =	swait.ge [sflag:s16], $0x1680  }
0x1c: {  	[sflag:s16] =	ssyncset.done $0x0  }
0x1d: {  	[sflag:s16] =	ssyncadd.s32 $0xFFFFE980  }
0x1e: {  	[bflag:$0x0] =	sbarrier.arrive $0xFFFF  }
0x1f: {  	s2 =	simm.s32 @p0 $0x1FC7;
	s4 =	rddreg [dreg:$0x8]  }
0x20: {  	[hbm:s4], [sflag:s2] =	dma.local @p0 [spmem:s17], $0x2D00  }
0x21: {  	s2 =	simm.s32 @p0 $0x7  }
0x22: {  	_ =	swait.ge @p0 [sflag:s2], $0x2D00  }
0x23: {  	[sflag:s2] =	ssyncset.done @p0 $0x0;
	s11 =	rddreg [dreg:$0xa]  }
0x24: {  	[sflag:s2] =	ssyncadd.s32 @p0 $0xFFFFD300;
	s2 =	rddreg [dreg:$0x7]  }
0x25: {  	[hbm:s2], [sflag:s18] =	dma.local @!p0 [spmem:s11], $0x2BE0  }
0x26: {  	s2 =	simm.s32 @!p0 $0x7  }
0x27: {  	_ =	swait.ge @!p0 [sflag:s2], $0x2BE0  }
0x28: {  	s9 =	smov.u32 s18;
	s14 =	sadd.s32 $0x1, s14;
	s18 =	rddreg [dreg:$0x9]  }
0x29: {  	p1 =	sne.s32 s14, s18  }
.Ltmp1:
0x2a: {  	_ = 	snop;
	(pc) =	sbr.rel @!p1 .LBB2_11-.Ltmp1, $3  }
0x2b: {  	_ =	sdelay $0x1  }
0x2c: {  	[sflag:s2] =	ssyncset.done @!p0 $0x0  }
0x2d: {  	s8 =	smov.u32 s17;
	[sflag:s2] =	ssyncadd.s32 @!p0 $0xFFFFD420  }
.LBB2_1:
0x2e: {  	s2 =	simm.s32 $0x0;
	s4 =	rddreg [dreg:$0x4];
	s6 =	simm.s32 $0x6EA0  }
0x2f: {  	[tilespmem:s6], [sflag:$0x7] =	stream.linear.gather [hbm4b:s4+s2], $0x80, $0x38;
	[tilespmem:$0x1CEB0] =	vst v63  }
0x30: {  	_ =	swait.ge [sflag:s15], $0x80  }
0x31: {  	[sflag:s15] =	ssyncset.done $0x0  }
0x32: {  	s2 =	simm.s32 @p0 $0x1FC7;
	s4 =	rddreg [dreg:$0x6];
	[sflag:s15] =	ssyncadd.s32 $0xFFFFFF80  }
0x33: {  	[spmem:s8], [sflag:s2] =	dma.local @p0 [hbm:s4], $0x2D00  }
0x34: {  	s2 =	simm.s32 @p0 $0x7  }
0x35: {  	_ =	swait.ge @p0 [sflag:s2], $0x2D00  }
0x36: {  	[sflag:s2] =	ssyncset.done @p0 $0x0  }
0x37: {  	[sflag:s2] =	ssyncadd.s32 @p0 $0xFFFFD300;
	s2 =	rddreg [dreg:$0x5]  }
0x38: {  	[spmem:s11], [sflag:s9] =	dma.local @!p0 [hbm:s2], $0x2BE0  }
0x39: {  	s2 =	simm.s32 @!p0 $0x7  }
.Ltmp2:
0x3a: {  	_ =	swait.ge @!p0 [sflag:s2], $0x2BE0;
	(pc) =	sbr.rel .LBB2_2-.Ltmp2, $4  }
0x3b: {  	[sflag:s2] =	ssyncset.done @!p0 $0x0  }
0x3c: {  	[sflag:s2] =	ssyncadd.s32 @!p0 $0xFFFFD420  }
0x3d: {  	[bflag:$0x0] =	sbarrier.arrive $0xFFFF  }
0x3e: {  	s17 =	smov.u32 s8;
	s18 =	smov.u32 s9;
	s6 =	simm.s32 $0x0  }
.LBB2_9:
0x3f: {  	s6 =	sadd.s32 $0x1, s6  }
0x40: {  	p1 =	sne.s32 s6, $0x5  }
.Ltmp3:
0x41: {  	_ = 	snop;
	(pc) =	sbr.rel @!p1 .LBB2_10-.Ltmp3, $1  }
0x42: {  	_ =	sdelay $0x3  }
.LBB2_2:
0x43: {  	p1 =	seq.s32 s6, $0x0  }
0x44: {  	s2 =	simm.s32 @!p1 $0x5  }
0x45: {  	_ =	swait.ge @!p1 [sflag:s2], $0x1680  }
0x46: {  	s4 =	smul.u32 $0x7D0, s6;
	[sflag:s2] =	ssyncset.done @!p1 $0x0  }
0x47: {  	[sflag:s2] =	ssyncadd.s32 @!p1 $0xFFFFE980;
	s2 =	simm.s32 @!p1 $0x6  }
0x48: {  	s4 =	sadd.s32 s10, s4;
	_ =	swait.ge @!p1 [sflag:s2], $0x1680  }
0x49: {  	s4 =	sshrl.u32 s4, $0x3;
	[sflag:s2] =	ssyncset.done @!p1 $0x0  }
0x4a: {  	s8 =	simm.s32 $0x0;
	s16 =	sadd.s32 s7, s4;
	[sflag:s2] =	ssyncadd.s32 @!p1 $0xFFFFE980  }
0x4b: {  	[tilespmem:s8], [sflag:$0x7] =	stream.linear.gather [hbm4b:s16+s8], $0x7D0, $0x38;
	[tilespmem:$0x1CEB0] =	vst v63  }
0x4c: {  	_ =	swait.ge [sflag:s15], $0x7D0  }
0x4d: {  	[sflag:s15] =	ssyncset.done $0x0  }
0x4e: {  	s2 =	sadd.s32 $0x9C40, s16;
	[sflag:s15] =	ssyncadd.s32 $0xFFFFF830  }
0x4f: {  	[tilespmem:s19], [sflag:$0x7] =	stream.linear.gather [hbm4b:s2+s8], $0x7D0, $0x38;
	[tilespmem:$0x1CEB0] =	vst v63  }
0x50: {  	_ =	swait.ge [sflag:s15], $0x7D0  }
0x51: {  	[sflag:s15] =	ssyncset.done $0x0  }
0x52: {  	[sflag:s15] =	ssyncadd.s32 $0xFFFFF830  }
0x53: {  	[tilespmem:s21], [sflag:$0x1] =	stream.indirect.gather [hbm4b:s5+s20], $0x90, s8, s20, $0xb8;
	[tilespmem:$0x1CEB0] =	vst v63  }
0x54: {  	_ = 	snop  }
0x55: {  	[tilespmem:s22], [sflag:$0x3] =	stream.indirect.gather [hbm4b:s1+s20], $0x10, s19, s20, $0xb8;
	[tilespmem:$0x1CEB0] =	vst v63  }
0x56: {  	_ = 	snop  }
0x57: {  	[tilespmem:s23], [sflag:$0x2] =	stream.indirect.gather [hbm4b:s5+s20], $0x90, s20, s20, $0xb8;
	[tilespmem:$0x1CEB0] =	vst v63  }
0x58: {  	s9 =	simm.s32 $0x0  }
0x59: {  	[tilespmem:s25], [sflag:$0x4] =	stream.indirect.gather [hbm4b:s1+s20], $0x10, s24, s20, $0xb8;
	[tilespmem:$0x1CEB0] =	vst v63  }
.LBB2_3:
0x5a: {  	_ =	swait.ge [sflag:s26], $0x1680  }
0x5b: {  	[sflag:s26] =	ssyncset.done $0x0  }
0x5c: {  	[sflag:s26] =	ssyncadd.s32 $0xFFFFE980  }
0x5d: {  	_ =	swait.ge [sflag:s28], $0x280  }
0x5e: {  	p1 =	seq.s32 s9, $0x0;
	[sflag:s28] =	ssyncset.done $0x0  }
0x5f: {  	s2 =	simm.s32 @!p1 $0x5;
	[sflag:s28] =	ssyncadd.s32 $0xFFFFFD80  }
0x60: {  	_ =	swait.ge @!p1 [sflag:s2], $0x1680  }
0x61: {  	[sflag:s2] =	ssyncset.done @!p1 $0x0  }
0x62: {  	s16 =	simm.s32 $0xFE0;
	[sflag:s2] =	ssyncadd.s32 @!p1 $0xFFFFE980  }
0x63: {  	s4 =	simm.s32 $0x3CA0;
	v1 =	vld [tilespmem:s16+$0x40]  }
0x64: {  	v2 =	vld [tilespmem:s4+$0x0];
	_ =	sdelay $0x4  }
0x65: {  	v0 =	vld [tilespmem:$0x6EC0];
	v1 =	vadd.f32 v2, v1;
	_ =	sdelay $0x1  }
0x66: {  	v2 =	vmul.f32 $2.000000030e-01, v1  }
0x67: {  	vm0 =	vge.f32 v1, $0.0e+00  }
0x68: {  	v1 =	vsel vm0, v1, v2  }
0x69: {  	v1 =	vsub.f32 v1, v0;
	_ =	sdelay $0x1  }
0x6a: {  	v1 =	vmul.f32 $1.442695020e+00, v1;
	_ =	sdelay $0x1  }
0x6b: {  	(erf) = vpow2.f32 v1  }
0x6c: {  	v1 =	vmov s8  }
0x6d: {  	v1 =	vmul.u32 $0x90, v1;
	_ =	sdelay $0x1  }
0x6e: {  	v1 =	vadd.s32 $0x80, v1  }
0x6f: {  	v1 =	vbroadcast v1, $0x0;
	_ =	sdelay $0x3  }
0x70: {  	s11 =	simm.s32 $0x41E0;
	v2 =	vpop (erf)  }
0x71: {  	[tilespmem:s11+$0x40] =	vst v2  }
0x72: {  	v2 =	vld.idx.msk [tilespmem:v1+s29+$0x0], $0xffff  }
0x73: {  	v3 =	vld [tilespmem:s16+$0xFFFFFFC0];
	_ =	sdelay $0x4  }
0x74: {  	v3 =	vmul.f32 v3, v2;
	_ =	sdelay $0x1  }
0x75: {  	[tilespmem:s11+$0xFFFFFFC0] =	vst v3  }
0x76: {  	v3 =	vld [tilespmem:s16+$0xFFFFFFD0];
	_ =	sdelay $0x2  }
0x77: {  	v4 =	vor.u32 $0x1, v1;
	_ =	sdelay $0x1  }
0x78: {  	v2 =	vmul.f32 v3, v2;
	_ =	sdelay $0x1  }
0x79: {  	[tilespmem:s11+$0xFFFFFFD0] =	vst v2  }
0x7a: {  	v2 =	vld.idx.msk [tilespmem:v4+s29+$0x0], $0xffff  }
0x7b: {  	v3 =	vld [tilespmem:s16+$0xFFFFFFE0];
	_ =	sdelay $0x4  }
0x7c: {  	v3 =	vmul.f32 v3, v2;
	_ =	sdelay $0x1  }
0x7d: {  	[tilespmem:s11+$0xFFFFFFE0] =	vst v3  }
0x7e: {  	v3 =	vld [tilespmem:s16+$0xFFFFFFF0];
	_ =	sdelay $0x2  }
0x7f: {  	v63 =	vor.u32 $0x2, v1;
	_ =	sdelay $0x1  }
0x80: {  	v2 =	vmul.f32 v3, v2;
	_ =	sdelay $0x1  }
0x81: {  	[tilespmem:s11+$0xFFFFFFF0] =	vst v2  }
0x82: {  	v2 =	vld.idx.msk [tilespmem:v63+s29+$0x0], $0xffff  }
0x83: {  	v3 =	vld [tilespmem:s16+$0x0];
	_ =	sdelay $0x4  }
0x84: {  	v3 =	vmul.f32 v3, v2;
	_ =	sdelay $0x1  }
0x85: {  	[tilespmem:s11+$0x0] =	vst v3  }
0x86: {  	v3 =	vld [tilespmem:s16+$0x10];
	_ =	sdelay $0x2  }
0x87: {  	v1 =	vor.u32 $0x3, v1;
	_ =	sdelay $0x1  }
0x88: {  	v2 =	vmul.f32 v3, v2;
	_ =	sdelay $0x1  }
0x89: {  	[tilespmem:s11+$0x10] =	vst v2  }
0x8a: {  	v1 =	vld.idx.msk [tilespmem:v1+s29+$0x0], $0xffff  }
0x8b: {  	v2 =	vld [tilespmem:s16+$0x20];
	_ =	sdelay $0x4  }
0x8c: {  	v2 =	vmul.f32 v2, v1;
	_ =	sdelay $0x1  }
0x8d: {  	[tilespmem:s11+$0x20] =	vst v2  }
0x8e: {  	v2 =	vld [tilespmem:s16+$0x30];
	_ =	sdelay $0x4  }
0x8f: {  	v1 =	vmul.f32 v2, v1;
	_ =	sdelay $0x1  }
0x90: {  	s12 =	simm.s32 $0x1070;
	[tilespmem:s11+$0x30] =	vst v1  }
0x91: {  	s2 =	simm.s32 $0x3CB0;
	v1 =	vld [tilespmem:s12+$0x40]  }
0x92: {  	s13 =	simm.s32 $0x1;
	s4 =	simm.s32 $0x2;
	v2 =	vld [tilespmem:s2+$0x0]  }
.LBB2_4:
0x93: {  	p2 =	sne.s32 s4, $0x27;
	_ =	sdelay $0x3  }
0x94: {  	v1 =	vadd.f32 v2, v1;
	_ =	sdelay $0x1  }
0x95: {  	v2 =	vmul.f32 $2.000000030e-01, v1  }
0x96: {  	vm0 =	vge.f32 v1, $0.0e+00  }
0x97: {  	v1 =	vsel vm0, v1, v2  }
0x98: {  	v1 =	vsub.f32 v1, v0;
	_ =	sdelay $0x1  }
0x99: {  	v1 =	vmul.f32 $1.442695020e+00, v1;
	_ =	sdelay $0x1  }
0x9a: {  	(erf) = vpow2.f32 v1  }
0x9b: {  	v1 =	vmov s13;
	s13 =	smov.u32 s4  }
0x9c: {  	v1 =	vmul.u32 $0x90, v1;
	_ =	sdelay $0x1  }
0x9d: {  	v1 =	vadd.s32 $0x80, v1  }
0x9e: {  	v1 =	vbroadcast v1, $0x0;
	_ =	sdelay $0x3  }
0x9f: {  	s11 =	sadd.s32 $0x90, s11;
	v2 =	vpop (erf)  }
0xa0: {  	[tilespmem:s11+$0x40] =	vst v2  }
0xa1: {  	v2 =	vld.idx.msk [tilespmem:v1+s29+$0x0], $0xffff  }
0xa2: {  	v3 =	vld [tilespmem:s12+$0xFFFFFFC0];
	_ =	sdelay $0x4  }
0xa3: {  	v3 =	vmul.f32 v3, v2;
	_ =	sdelay $0x1  }
0xa4: {  	[tilespmem:s11+$0xFFFFFFC0] =	vst v3  }
0xa5: {  	v3 =	vld [tilespmem:s12+$0xFFFFFFD0];
	_ =	sdelay $0x2  }
0xa6: {  	v4 =	vor.u32 $0x1, v1;
	_ =	sdelay $0x1  }
0xa7: {  	v2 =	vmul.f32 v3, v2;
	_ =	sdelay $0x1  }
0xa8: {  	[tilespmem:s11+$0xFFFFFFD0] =	vst v2  }
0xa9: {  	v2 =	vld.idx.msk [tilespmem:v4+s29+$0x0], $0xffff  }
0xaa: {  	v3 =	vld [tilespmem:s12+$0xFFFFFFE0];
	_ =	sdelay $0x4  }
0xab: {  	v3 =	vmul.f32 v3, v2;
	_ =	sdelay $0x1  }
0xac: {  	[tilespmem:s11+$0xFFFFFFE0] =	vst v3  }
0xad: {  	v3 =	vld [tilespmem:s12+$0xFFFFFFF0];
	_ =	sdelay $0x2  }
0xae: {  	v4 =	vor.u32 $0x2, v1;
	_ =	sdelay $0x1  }
0xaf: {  	v2 =	vmul.f32 v3, v2;
	_ =	sdelay $0x1  }
0xb0: {  	[tilespmem:s11+$0xFFFFFFF0] =	vst v2  }
0xb1: {  	v2 =	vld.idx.msk [tilespmem:v4+s29+$0x0], $0xffff  }
0xb2: {  	v3 =	vld [tilespmem:s12+$0x0];
	_ =	sdelay $0x4  }
0xb3: {  	v3 =	vmul.f32 v3, v2;
	_ =	sdelay $0x1  }
0xb4: {  	[tilespmem:s11+$0x0] =	vst v3  }
0xb5: {  	v3 =	vld [tilespmem:s12+$0x10];
	_ =	sdelay $0x2  }
0xb6: {  	v1 =	vor.u32 $0x3, v1;
	_ =	sdelay $0x1  }
0xb7: {  	v2 =	vmul.f32 v3, v2;
	_ =	sdelay $0x1  }
0xb8: {  	[tilespmem:s11+$0x10] =	vst v2  }
0xb9: {  	v1 =	vld.idx.msk [tilespmem:v1+s29+$0x0], $0xffff  }
0xba: {  	v2 =	vld [tilespmem:s12+$0x20];
	_ =	sdelay $0x4  }
0xbb: {  	v2 =	vmul.f32 v2, v1;
	_ =	sdelay $0x1  }
0xbc: {  	[tilespmem:s11+$0x20] =	vst v2  }
0xbd: {  	v2 =	vld [tilespmem:s12+$0x30];
	_ =	sdelay $0x4  }
.Ltmp4:
0xbe: {  	v1 =	vmul.f32 v2, v1;
	(pc) =	sbr.rel @p2 .LBB2_4-.Ltmp4, $4  }
0xbf: {  	_ = 	snop  }
0xc0: {  	s12 =	sadd.s32 $0x90, s12;
	[tilespmem:s11+$0x30] =	vst v1  }
0xc1: {  	s2 =	sadd.s32 $0x10, s2;
	v1 =	vld [tilespmem:s12+$0x40]  }
0xc2: {  	s4 =	sadd.s32 $0x1, s4;
	v2 =	vld [tilespmem:s2+$0x0]  }
0xc3: {  	_ =	sdelay $0x3  }
0xc4: {  	v1 =	vadd.f32 v2, v1;
	_ =	sdelay $0x1  }
0xc5: {  	v2 =	vmul.f32 $2.000000030e-01, v1  }
0xc6: {  	vm0 =	vge.f32 v1, $0.0e+00  }
0xc7: {  	v1 =	vsel vm0, v1, v2  }
0xc8: {  	v0 =	vsub.f32 v1, v0;
	_ =	sdelay $0x1  }
0xc9: {  	v0 =	vmul.f32 $1.442695020e+00, v0;
	_ =	sdelay $0x1  }
0xca: {  	(erf) = vpow2.f32 v0  }
0xcb: {  	v0 =	vmov s13  }
0xcc: {  	v0 =	vmul.u32 $0x90, v0;
	_ =	sdelay $0x1  }
0xcd: {  	v0 =	vadd.s32 $0x80, v0  }
0xce: {  	v0 =	vbroadcast v0, $0x0;
	_ =	sdelay $0x3  }
0xcf: {  	s2 =	sadd.s32 $0x90, s11;
	v1 =	vpop (erf)  }
0xd0: {  	[tilespmem:s2+$0x40] =	vst v1  }
0xd1: {  	v1 =	vld.idx.msk [tilespmem:v0+s29+$0x0], $0xffff  }
0xd2: {  	v2 =	vld [tilespmem:s12+$0xFFFFFFC0];
	_ =	sdelay $0x4  }
0xd3: {  	v2 =	vmul.f32 v2, v1;
	_ =	sdelay $0x1  }
0xd4: {  	[tilespmem:s2+$0xFFFFFFC0] =	vst v2  }
0xd5: {  	v2 =	vld [tilespmem:s12+$0xFFFFFFD0];
	_ =	sdelay $0x2  }
0xd6: {  	v3 =	vor.u32 $0x1, v0;
	_ =	sdelay $0x1  }
0xd7: {  	v1 =	vmul.f32 v2, v1;
	_ =	sdelay $0x1  }
0xd8: {  	[tilespmem:s2+$0xFFFFFFD0] =	vst v1  }
0xd9: {  	v1 =	vld.idx.msk [tilespmem:v3+s29+$0x0], $0xffff  }
0xda: {  	v2 =	vld [tilespmem:s12+$0xFFFFFFE0];
	_ =	sdelay $0x4  }
0xdb: {  	v2 =	vmul.f32 v2, v1;
	_ =	sdelay $0x1  }
0xdc: {  	[tilespmem:s2+$0xFFFFFFE0] =	vst v2  }
0xdd: {  	v2 =	vld [tilespmem:s12+$0xFFFFFFF0];
	_ =	sdelay $0x2  }
0xde: {  	v3 =	vor.u32 $0x2, v0;
	_ =	sdelay $0x1  }
0xdf: {  	v1 =	vmul.f32 v2, v1;
	_ =	sdelay $0x1  }
0xe0: {  	[tilespmem:s2+$0xFFFFFFF0] =	vst v1  }
0xe1: {  	v1 =	vld.idx.msk [tilespmem:v3+s29+$0x0], $0xffff  }
0xe2: {  	v2 =	vld [tilespmem:s12+$0x0];
	_ =	sdelay $0x4  }
0xe3: {  	v2 =	vmul.f32 v2, v1;
	_ =	sdelay $0x1  }
0xe4: {  	[tilespmem:s2+$0x0] =	vst v2  }
0xe5: {  	v2 =	vld [tilespmem:s12+$0x10];
	_ =	sdelay $0x2  }
0xe6: {  	v0 =	vor.u32 $0x3, v0;
	_ =	sdelay $0x1  }
0xe7: {  	v1 =	vmul.f32 v2, v1;
	_ =	sdelay $0x1  }
0xe8: {  	[tilespmem:s2+$0x10] =	vst v1  }
0xe9: {  	v0 =	vld.idx.msk [tilespmem:v0+s29+$0x0], $0xffff  }
0xea: {  	v1 =	vld [tilespmem:s12+$0x20];
	_ =	sdelay $0x4  }
0xeb: {  	v1 =	vmul.f32 v1, v0;
	_ =	sdelay $0x1  }
0xec: {  	[tilespmem:s2+$0x20] =	vst v1  }
0xed: {  	v1 =	vld [tilespmem:s12+$0x30];
	_ =	sdelay $0x3  }
0xee: {  	s4 =	smul.u32 $0x140, s9  }
0xef: {  	v0 =	vmul.f32 v1, v0  }
0xf0: {  	p2 =	seq.s32 s9, $0x18;
	s11 =	sshra.s32 s4, $0x2  }
0xf1: {  	s4 =	smul.u32 @!p2 $0x50, s9;
	s12 =	sadd.s32 $0x7D0, s11;
	[tilespmem:s2+$0x30] =	vst v0  }
0xf2: {  	[spmem:s3] =	stream.indirect.scatter.add.f32 [tilespmem:s29], [sflag:$0x5], $0x90, s12, s20, $0xb8;
	[tilespmem:$0x1CEB0] =	vst v63  }
0xf3: {  	s13 =	simm.s32 @!p2 $0xFA0;
	s2 =	sadd.s32 @!p2 $0x50, s4;
	s12 =	simm.s32 @!p2 $0x28  }
0xf4: {  	[tilespmem:s13], [sflag:$0x1] =	stream.indirect.gather @!p2 [hbm4b:s5+s12], $0x90, s2, s12, $0xb8;
	[tilespmem:$0x1CEB0] =	vst v63  }
0xf5: {  	s2 =	sadd.s32 @!p2 $0x820, s4;
	s4 =	simm.s32 @!p2 $0x3CA0  }
0xf6: {  	[tilespmem:s4], [sflag:$0x3] =	stream.indirect.gather @!p2 [hbm4b:s1+s12], $0x10, s2, s12, $0xb8;
	[tilespmem:$0x1CEB0] =	vst v63  }
0xf7: {  	_ =	swait.ge [sflag:s30], $0x1680  }
0xf8: {  	[sflag:s30] =	ssyncset.done $0x0  }
0xf9: {  	[sflag:s30] =	ssyncadd.s32 $0xFFFFE980  }
0xfa: {  	_ =	swait.ge [sflag:s31], $0x280  }
0xfb: {  	[sflag:s31] =	ssyncset.done $0x0  }
0xfc: {  	s2 =	simm.s32 @!p1 $0x6;
	[sflag:s31] =	ssyncadd.s32 $0xFFFFFD80  }
0xfd: {  	_ =	swait.ge @!p1 [sflag:s2], $0x1680  }
0xfe: {  	[sflag:s2] =	ssyncset.done @!p1 $0x0  }
0xff: {  	[sflag:s2] =	ssyncadd.s32 @!p1 $0xFFFFE980;
	s2 =	simm.s32 $0x2660  }
0x100: {  	s13 =	simm.s32 $0x3F20;
	v1 =	vld [tilespmem:s2+$0x40]  }
0x101: {  	v2 =	vld [tilespmem:s13+$0x0];
	_ =	sdelay $0x4  }
0x102: {  	v0 =	vld [tilespmem:$0x6EC0];
	v1 =	vadd.f32 v2, v1;
	_ =	sdelay $0x1  }
0x103: {  	v2 =	vmul.f32 $2.000000030e-01, v1  }
0x104: {  	vm15 =	vge.f32 v1, $0.0e+00  }
0x105: {  	v1 =	vsel vm15, v1, v2  }
0x106: {  	v1 =	vsub.f32 v1, v0;
	_ =	sdelay $0x1  }
0x107: {  	v1 =	vmul.f32 $1.442695020e+00, v1;
	_ =	sdelay $0x1  }
0x108: {  	s16 =	simm.s32 $0x0;
	(erf) = vpow2.f32 v1  }
0x109: {  	v1 =	vmov s16  }
0x10a: {  	v1 =	vmul.u32 $0x90, v1;
	_ =	sdelay $0x1  }
0x10b: {  	v1 =	vadd.s32 $0x80, v1  }
0x10c: {  	v1 =	vbroadcast v1, $0x0;
	_ =	sdelay $0x3  }
0x10d: {  	s12 =	simm.s32 $0x5860;
	v2 =	vpop (erf)  }
0x10e: {  	[tilespmem:s12+$0x40] =	vst v2  }
0x10f: {  	v2 =	vld.idx.msk [tilespmem:v1+s0+$0x0], $0xffff  }
0x110: {  	v3 =	vld [tilespmem:s2+$0xFFFFFFC0];
	_ =	sdelay $0x4  }
0x111: {  	v3 =	vmul.f32 v3, v2;
	_ =	sdelay $0x1  }
0x112: {  	[tilespmem:s12+$0xFFFFFFC0] =	vst v3  }
0x113: {  	v3 =	vld [tilespmem:s2+$0xFFFFFFD0];
	_ =	sdelay $0x2  }
0x114: {  	v4 =	vor.u32 $0x1, v1;
	_ =	sdelay $0x1  }
0x115: {  	v2 =	vmul.f32 v3, v2;
	_ =	sdelay $0x1  }
0x116: {  	[tilespmem:s12+$0xFFFFFFD0] =	vst v2  }
0x117: {  	v2 =	vld.idx.msk [tilespmem:v4+s0+$0x0], $0xffff  }
0x118: {  	v3 =	vld [tilespmem:s2+$0xFFFFFFE0];
	_ =	sdelay $0x4  }
0x119: {  	v3 =	vmul.f32 v3, v2;
	_ =	sdelay $0x1  }
0x11a: {  	[tilespmem:s12+$0xFFFFFFE0] =	vst v3  }
0x11b: {  	v3 =	vld [tilespmem:s2+$0xFFFFFFF0];
	_ =	sdelay $0x2  }
0x11c: {  	v63 =	vor.u32 $0x2, v1;
	_ =	sdelay $0x1  }
0x11d: {  	v2 =	vmul.f32 v3, v2;
	_ =	sdelay $0x1  }
0x11e: {  	[tilespmem:s12+$0xFFFFFFF0] =	vst v2  }
0x11f: {  	v2 =	vld.idx.msk [tilespmem:v63+s0+$0x0], $0xffff  }
0x120: {  	v3 =	vld [tilespmem:s2+$0x0];
	_ =	sdelay $0x4  }
0x121: {  	v3 =	vmul.f32 v3, v2;
	_ =	sdelay $0x1  }
0x122: {  	[tilespmem:s12+$0x0] =	vst v3  }
0x123: {  	v3 =	vld [tilespmem:s2+$0x10];
	_ =	sdelay $0x2  }
0x124: {  	v1 =	vor.u32 $0x3, v1;
	_ =	sdelay $0x1  }
0x125: {  	v2 =	vmul.f32 v3, v2;
	_ =	sdelay $0x1  }
0x126: {  	[tilespmem:s12+$0x10] =	vst v2  }
0x127: {  	v1 =	vld.idx.msk [tilespmem:v1+s0+$0x0], $0xffff  }
0x128: {  	v2 =	vld [tilespmem:s2+$0x20];
	_ =	sdelay $0x4  }
0x129: {  	v2 =	vmul.f32 v2, v1;
	_ =	sdelay $0x1  }
0x12a: {  	[tilespmem:s12+$0x20] =	vst v2  }
0x12b: {  	v2 =	vld [tilespmem:s2+$0x30];
	_ =	sdelay $0x4  }
0x12c: {  	v1 =	vmul.f32 v2, v1;
	_ =	sdelay $0x1  }
0x12d: {  	s13 =	simm.s32 $0x26F0;
	[tilespmem:s12+$0x30] =	vst v1  }
0x12e: {  	s4 =	simm.s32 $0x3F30;
	v1 =	vld [tilespmem:s13+$0x40]  }
0x12f: {  	s16 =	simm.s32 $0x2;
	s2 =	simm.s32 $0x1;
	v2 =	vld [tilespmem:s4+$0x0]  }
.LBB2_6:
0x130: {  	p1 =	sne.s32 s16, $0x27;
	_ =	sdelay $0x3  }
0x131: {  	v1 =	vadd.f32 v2, v1;
	_ =	sdelay $0x1  }
0x132: {  	v2 =	vmul.f32 $2.000000030e-01, v1  }
0x133: {  	vm0 =	vge.f32 v1, $0.0e+00  }
0x134: {  	v1 =	vsel vm0, v1, v2  }
0x135: {  	v1 =	vsub.f32 v1, v0;
	_ =	sdelay $0x1  }
0x136: {  	v1 =	vmul.f32 $1.442695020e+00, v1;
	_ =	sdelay $0x1  }
0x137: {  	(erf) = vpow2.f32 v1  }
0x138: {  	v1 =	vmov s2;
	s2 =	smov.u32 s16  }
0x139: {  	v1 =	vmul.u32 $0x90, v1;
	_ =	sdelay $0x1  }
0x13a: {  	v1 =	vadd.s32 $0x80, v1  }
0x13b: {  	v1 =	vbroadcast v1, $0x0;
	_ =	sdelay $0x3  }
0x13c: {  	s12 =	sadd.s32 $0x90, s12;
	v2 =	vpop (erf)  }
0x13d: {  	[tilespmem:s12+$0x40] =	vst v2  }
0x13e: {  	v2 =	vld.idx.msk [tilespmem:v1+s0+$0x0], $0xffff  }
0x13f: {  	v3 =	vld [tilespmem:s13+$0xFFFFFFC0];
	_ =	sdelay $0x4  }
0x140: {  	v3 =	vmul.f32 v3, v2;
	_ =	sdelay $0x1  }
0x141: {  	[tilespmem:s12+$0xFFFFFFC0] =	vst v3  }
0x142: {  	v3 =	vld [tilespmem:s13+$0xFFFFFFD0];
	_ =	sdelay $0x2  }
0x143: {  	v4 =	vor.u32 $0x1, v1;
	_ =	sdelay $0x1  }
0x144: {  	v2 =	vmul.f32 v3, v2;
	_ =	sdelay $0x1  }
0x145: {  	[tilespmem:s12+$0xFFFFFFD0] =	vst v2  }
0x146: {  	v2 =	vld.idx.msk [tilespmem:v4+s0+$0x0], $0xffff  }
0x147: {  	v3 =	vld [tilespmem:s13+$0xFFFFFFE0];
	_ =	sdelay $0x4  }
0x148: {  	v3 =	vmul.f32 v3, v2;
	_ =	sdelay $0x1  }
0x149: {  	[tilespmem:s12+$0xFFFFFFE0] =	vst v3  }
0x14a: {  	v3 =	vld [tilespmem:s13+$0xFFFFFFF0];
	_ =	sdelay $0x2  }
0x14b: {  	v4 =	vor.u32 $0x2, v1;
	_ =	sdelay $0x1  }
0x14c: {  	v2 =	vmul.f32 v3, v2;
	_ =	sdelay $0x1  }
0x14d: {  	[tilespmem:s12+$0xFFFFFFF0] =	vst v2  }
0x14e: {  	v2 =	vld.idx.msk [tilespmem:v4+s0+$0x0], $0xffff  }
0x14f: {  	v3 =	vld [tilespmem:s13+$0x0];
	_ =	sdelay $0x4  }
0x150: {  	v3 =	vmul.f32 v3, v2;
	_ =	sdelay $0x1  }
0x151: {  	[tilespmem:s12+$0x0] =	vst v3  }
0x152: {  	v3 =	vld [tilespmem:s13+$0x10];
	_ =	sdelay $0x2  }
0x153: {  	v1 =	vor.u32 $0x3, v1;
	_ =	sdelay $0x1  }
0x154: {  	v2 =	vmul.f32 v3, v2;
	_ =	sdelay $0x1  }
0x155: {  	[tilespmem:s12+$0x10] =	vst v2  }
0x156: {  	v1 =	vld.idx.msk [tilespmem:v1+s0+$0x0], $0xffff  }
0x157: {  	v2 =	vld [tilespmem:s13+$0x20];
	_ =	sdelay $0x4  }
0x158: {  	v2 =	vmul.f32 v2, v1;
	_ =	sdelay $0x1  }
0x159: {  	[tilespmem:s12+$0x20] =	vst v2  }
0x15a: {  	v2 =	vld [tilespmem:s13+$0x30];
	_ =	sdelay $0x4  }
.Ltmp5:
0x15b: {  	v1 =	vmul.f32 v2, v1;
	(pc) =	sbr.rel @p1 .LBB2_6-.Ltmp5, $4  }
0x15c: {  	_ = 	snop  }
0x15d: {  	s13 =	sadd.s32 $0x90, s13;
	[tilespmem:s12+$0x30] =	vst v1  }
0x15e: {  	s4 =	sadd.s32 $0x10, s4;
	v1 =	vld [tilespmem:s13+$0x40]  }
0x15f: {  	s16 =	sadd.s32 $0x1, s16;
	v2 =	vld [tilespmem:s4+$0x0]  }
0x160: {  	_ =	sdelay $0x3  }
0x161: {  	v1 =	vadd.f32 v2, v1;
	_ =	sdelay $0x1  }
0x162: {  	v2 =	vmul.f32 $2.000000030e-01, v1  }
0x163: {  	vm0 =	vge.f32 v1, $0.0e+00  }
0x164: {  	v1 =	vsel vm0, v1, v2  }
0x165: {  	v0 =	vsub.f32 v1, v0;
	_ =	sdelay $0x1  }
0x166: {  	v0 =	vmul.f32 $1.442695020e+00, v0;
	_ =	sdelay $0x1  }
0x167: {  	(erf) = vpow2.f32 v0  }
0x168: {  	v58 =	vmov s2  }
0x169: {  	v0 =	vmul.u32 $0x90, v58;
	_ =	sdelay $0x1  }
0x16a: {  	v0 =	vadd.s32 $0x80, v0  }
0x16b: {  	v0 =	vbroadcast v0, $0x0;
	_ =	sdelay $0x3  }
0x16c: {  	s12 =	sadd.s32 $0x90, s12;
	v59 =	vpop (erf)  }
0x16d: {  	[tilespmem:s12+$0x40] =	vst v59  }
0x16e: {  	v1 =	vld.idx.msk [tilespmem:v0+s0+$0x0], $0xffff  }
0x16f: {  	v60 =	vld [tilespmem:s13+$0xFFFFFFC0];
	_ =	sdelay $0x4  }
0x170: {  	v2 =	vmul.f32 v60, v1;
	_ =	sdelay $0x1  }
0x171: {  	[tilespmem:s12+$0xFFFFFFC0] =	vst v2  }
0x172: {  	v2 =	vld [tilespmem:s13+$0xFFFFFFD0];
	_ =	sdelay $0x2  }
0x173: {  	v3 =	vor.u32 $0x1, v0;
	_ =	sdelay $0x1  }
0x174: {  	v1 =	vmul.f32 v2, v1;
	_ =	sdelay $0x1  }
0x175: {  	[tilespmem:s12+$0xFFFFFFD0] =	vst v1  }
0x176: {  	v1 =	vld.idx.msk [tilespmem:v3+s0+$0x0], $0xffff  }
0x177: {  	v61 =	vld [tilespmem:s13+$0xFFFFFFE0];
	_ =	sdelay $0x4  }
0x178: {  	v2 =	vmul.f32 v61, v1;
	_ =	sdelay $0x1  }
0x179: {  	[tilespmem:s12+$0xFFFFFFE0] =	vst v2  }
0x17a: {  	v2 =	vld [tilespmem:s13+$0xFFFFFFF0];
	_ =	sdelay $0x2  }
0x17b: {  	v62 =	vor.u32 $0x2, v0;
	_ =	sdelay $0x1  }
0x17c: {  	v1 =	vmul.f32 v2, v1;
	_ =	sdelay $0x1  }
0x17d: {  	[tilespmem:s12+$0xFFFFFFF0] =	vst v1  }
0x17e: {  	v1 =	vld.idx.msk [tilespmem:v62+s0+$0x0], $0xffff  }
0x17f: {  	v63 =	vld [tilespmem:s13+$0x0];
	_ =	sdelay $0x4  }
0x180: {  	v2 =	vmul.f32 v63, v1;
	_ =	sdelay $0x1  }
0x181: {  	[tilespmem:s12+$0x0] =	vst v2  }
0x182: {  	v2 =	vld [tilespmem:s13+$0x10];
	_ =	sdelay $0x2  }
0x183: {  	v0 =	vor.u32 $0x3, v0;
	_ =	sdelay $0x1  }
0x184: {  	v1 =	vmul.f32 v2, v1;
	_ =	sdelay $0x1  }
0x185: {  	[tilespmem:s12+$0x10] =	vst v1  }
0x186: {  	v0 =	vld.idx.msk [tilespmem:v0+s0+$0x0], $0xffff  }
0x187: {  	v1 =	vld [tilespmem:s13+$0x20];
	_ =	sdelay $0x4  }
0x188: {  	v1 =	vmul.f32 v1, v0;
	_ =	sdelay $0x1  }
0x189: {  	[tilespmem:s12+$0x20] =	vst v1  }
0x18a: {  	v1 =	vld [tilespmem:s13+$0x30];
	_ =	sdelay $0x3  }
.Ltmp6:
0x18b: {  	_ = 	snop;
	(pc) =	sbr.rel @p2 .LBB2_9-.Ltmp6, $3  }
0x18c: {  	v0 =	vmul.f32 v1, v0;
	_ =	sdelay $0x1  }
0x18d: {  	s16 =	sadd.s32 $0x7F8, s11;
	[tilespmem:s12+$0x30] =	vst v0  }
0x18e: {  	[spmem:s3] =	stream.indirect.scatter.add.f32 [tilespmem:s0], [sflag:$0x6], $0x90, s16, s20, $0xb8;
	[tilespmem:$0x1CEB0] =	vst v63  }
0x18f: {  	s2 =	smul.u32 $0x50, s9  }
.Ltmp7:
0x190: {  	_ = 	snop;
	(pc) =	sbr.rel .LBB2_3-.Ltmp7, $4  }
0x191: {  	s4 =	sadd.s32 $0x78, s2  }
0x192: {  	[tilespmem:s23], [sflag:$0x2] =	stream.indirect.gather [hbm4b:s5+s20], $0x90, s4, s20, $0xb8;
	[tilespmem:$0x1CEB0] =	vst v63  }
0x193: {  	s9 =	sadd.s32 $0x1, s9;
	s2 =	sadd.s32 $0x848, s2  }
0x194: {  	[tilespmem:s25], [sflag:$0x4] =	stream.indirect.gather [hbm4b:s1+s20], $0x10, s2, s20, $0xb8;
	[tilespmem:$0x1CEB0] =	vst v63  }
.LBB2_11:
0x195: {  	_ =	sfence.sel $0x180000  }
0x196: {  	[bflag:$0x0] =	sbarrier.arrive $0xFFFF  }
0x197: {  	_ =	strace $0x9000004A  }
0x198: {  	s0 =	stileid.u32;
	[bflag:$0x2] =	sbarrier.arrive $0xFFFF  }
0x199: {  	p0 =	sne.s32 s0, $0x0;
	s0 =	rddreg [dreg:$0x3]  }
0x19a: {  	s0 =	sadd.s32 @!p0 $0x100000, s0  }
0x19b: {  	[sflag:s0] =	ssyncadd.tile.s32 @!p0 $0x1;
	_ =	shalt  }
.Lfunc_end2:
_tile_overlayer_lowered:
.L_overlay_start_2:
0x19c: {  	(tag) =	ssettag $0x2  }
0x19d: {  	s0 =	rddreg [dreg:$0x0];
	s2 =	stileid.u32  }
0x19e: {  	s1 =	rddreg [dreg:$0x1];
	p0 =	sne.s32 s2, $0x0  }
0x19f: {  	s3 =	rddreg [dreg:$0x2];
	[bflag:$0x3] =	sbarrier.arrive $0xFFFF;
	s2 =	simm.s32 @!p0 $0x1C07  }
0x1a0: {  	[timem:s3], [sflag:s2] =	dma.local @!p0 [hbm:s0], s1  }
0x1a1: {  	s0 =	simm.s32 @!p0 $0x7  }
0x1a2: {  	_ =	swait.ge @!p0 [sflag:s0], s1  }
0x1a3: {  	s1 =	ssub.s32 @!p0 $0x0, s1;
	[sflag:s0] =	ssyncset.done @!p0 $0x0  }
0x1a4: {  	[sflag:s0] =	ssyncadd.s32 @!p0 s1  }
0x1a5: {  	[bflag:$0x3] =	sbarrier.arrive $0xFFFF  }
0x1a6: {  	_ =	shalt  }

// kernel: kernel.15.cloned.1.call-start
scs
__scs_entry_jumppad:
0x0: {  	(pc) =	sbr.rel $0x88, $3  }
0x1: {  	(tag) =	ssettag $0x0;
	lr =	simm.s32 $0x1  }
0x2: {  	[smem:$0x3F83] =	sst lr;
	_ =	strace $0xD0000000  }
0x3: {  	_ = 	snop  }
0x4: {  	_ = 	snop  }
0x5: {  	_ = 	snop  }
0x6: {  	_ = 	snop  }
0x7: {  	_ = 	snop  }
__scs_overlays_trampoline_lowered:
0x8: {  	[smem:$0x3F92] =	sst s0  }
0x9: {  	[smem:$0x3F93] =	sst s1  }
0xa: {  	[smem:$0x3F94] =	sst s2  }
0xb: {  	[smem:$0x3F95] =	sst s3  }
0xc: {  	[smem:$0x3F96] =	sst s4  }
0xd: {  	[smem:$0x3F97] =	sst s5  }
0xe: {  	[smem:$0x3F98] =	sst s6  }
0xf: {  	[smem:$0x3F99] =	sst s7  }
0x10: {  	[smem:$0x3F9A] =	sst s8  }
0x11: {  	[smem:$0x3F9B] =	sst s9;
	s0 =	simm.s32 @!p0 $0x0  }
0x12: {  	s1 =	sld [smem:$0x3F81];
	s0 =	simm.s32 @p0 $0x1  }
0x13: {  	[smem:$0x3F9C] =	sst s0;
	s0 =	simm.s32 @!p1 $0x0  }
0x14: {  	s2 =	sld [smem:$0x3F80];
	s0 =	simm.s32 @p1 $0x1  }
0x15: {  	[smem:$0x3F9D] =	sst s0;
	s0 =	simm.s32 @!p2 $0x0  }
0x16: {  	s3 =	sld [smem:$0x3FDB];
	s0 =	simm.s32 @p2 $0x1  }
0x17: {  	s4 =	simm.s32 $0x1BF5;
	[smem:$0x3F9F] =	sst s0  }
0x18: {  	s0 =	sld [smem:$0x3F82];
	_ =	swait.ge [sflag:s4], $0x0  }
0x19: {  	s7 =	sld [smem:$0x3F83]  }
0x1a: {  	s8 =	sadd.s32 $0xFFFFE003, lr  }
0x1b: {  	s9 =	sadd.s32 $0xFFFFFEF7, lr;
	s5 =	simm.s32 $0xFFFFFFFF;
	p2 =	slt.u32 s8, $0xFFFFF086  }
0x1c: {  	p1 =	slt.u32 s9, $0xF7A;
	s5 =	simm.s32 @!p2 $0x0  }
0x1d: {  	s5 =	simm.s32 @p1 $0x1;
	p0 =	seq.s32 s7, s2  }
0x1e: {  	s7 =	smul.u32 @!p0 $0xF7A, s2;
	p2 =	seq.s32 @!p0 s5, $0x0  }
0x1f: {  	s9 =	smul.u32 $0xF7A, s1;
	s8 =	simm.s32 @!p0 $0x1BF5;
	p2 =	por !p2, p0  }
0x20: {  	[sflag:s8] =	ssyncset.s32 @!p0 $0xFFFFF086;
	s6 =	sadd.s32 @!p0 s3, s7;
	s7 =	simm.s32 @!p0 $0x108  }
0x21: {  	s3 =	sadd.s32 s3, s9;
	s6 =	sadd.s32 @!p0 $0x88, s6;
	s7 =	simm.s32 @p2 $0x1082  }
0x22: {  	[simem:s7], [sflag:s8] =	dma.local @!p0 [hbm:s6], $0xF7A  }
0x23: {  	s9 =	sor.u32 $0xD0000000, s2;
	s6 =	simm.s32 $0x108;
	_ =	swait.ge @!p0 [sflag:s8], $0x0  }
0x24: {  	s3 =	sadd.s32 $0x88, s3;
	s6 =	simm.s32 @!p1 $0x1082;
	[sflag:s4] =	ssyncset.s32 $0xFFFFF086  }
0x25: {  	[simem:s6], [sflag:s4] =	dma.local [hbm:s3], $0xF7A  }
0x26: {  	[smem:$0x3F83] =	sst s1;
	(tag) =	ssettag s2;
	_ =	strace s9  }
0x27: {  	s1 =	sld [smem:$0x3F93]  }
0x28: {  	s2 =	sld [smem:$0x3F94]  }
0x29: {  	s4 =	sld [smem:$0x3F96]  }
0x2a: {  	p0 =	seq.s32 s5, $0x0;
	s5 =	sld [smem:$0x3F97]  }
0x2b: {  	s6 =	sld [smem:$0x3F98]  }
0x2c: {  	s7 =	sld [smem:$0x3F99]  }
0x2d: {  	s3 =	simm.s32 $0x108;
	s8 =	sld [smem:$0x3F9A]  }
0x2e: {  	s3 =	simm.s32 @!p0 $0x1082;
	s9 =	sld [smem:$0x3F9B]  }
0x2f: {  	lr =	sadd.s32 s0, s3;
	s0 =	sld [smem:$0x3F92]  }
0x30: {  	s3 =	sld [smem:$0x3F95]  }
0x31: {  	[smem:$0x3F9E] =	sst s10  }
0x32: {  	s10 =	sld [smem:$0x3F9C];
	_ =	sdelay $0x3  }
0x33: {  	p0 =	seq.s32 s10, $0x1;
	s10 =	sld [smem:$0x3F9E];
	_ =	sdelay $0x3  }
0x34: {  	[smem:$0x3F9E] =	sst s10  }
0x35: {  	s10 =	sld [smem:$0x3F9D];
	_ =	sdelay $0x3  }
0x36: {  	p1 =	seq.s32 s10, $0x1;
	s10 =	sld [smem:$0x3F9E];
	_ =	sdelay $0x3  }
0x37: {  	[smem:$0x3F9E] =	sst s10  }
0x38: {  	s10 =	sld [smem:$0x3F9F]  }
0x39: {  	_ = 	snop;
	(pc) =	sbr.ind lr, $3  }
0x3a: {  	_ = 	snop  }
0x3b: {  	_ = 	snop  }
0x3c: {  	p2 =	seq.s32 s10, $0x1;
	s10 =	sld [smem:$0x3F9E]  }
0x3d: {  	_ =	shalt  }
0x3e: {  	_ =	shalt  }
0x3f: {  	_ =	shalt  }
0x40: {  	_ =	shalt  }
0x41: {  	_ =	shalt  }
0x42: {  	_ =	shalt  }
0x43: {  	_ =	shalt  }
0x44: {  	_ =	shalt  }
0x45: {  	_ =	shalt  }
0x46: {  	_ =	shalt  }
0x47: {  	_ =	shalt  }
0x48: {  	_ =	shalt  }
0x49: {  	_ =	shalt  }
0x4a: {  	_ =	shalt  }
0x4b: {  	_ =	shalt  }
0x4c: {  	_ =	shalt  }
0x4d: {  	_ =	shalt  }
0x4e: {  	_ =	shalt  }
0x4f: {  	_ =	shalt  }
0x50: {  	_ =	shalt  }
0x51: {  	_ =	shalt  }
0x52: {  	_ =	shalt  }
0x53: {  	_ =	shalt  }
0x54: {  	_ =	shalt  }
0x55: {  	_ =	shalt  }
0x56: {  	_ =	shalt  }
0x57: {  	_ =	shalt  }
0x58: {  	_ =	shalt  }
0x59: {  	_ =	shalt  }
0x5a: {  	_ =	shalt  }
0x5b: {  	_ =	shalt  }
0x5c: {  	_ =	shalt  }
0x5d: {  	_ =	shalt  }
0x5e: {  	_ =	shalt  }
0x5f: {  	_ =	shalt  }
0x60: {  	_ =	shalt  }
0x61: {  	_ =	shalt  }
0x62: {  	_ =	shalt  }
0x63: {  	_ =	shalt  }
0x64: {  	_ =	shalt  }
0x65: {  	_ =	shalt  }
0x66: {  	_ =	shalt  }
0x67: {  	_ =	shalt  }
0x68: {  	_ =	shalt  }
0x69: {  	_ =	shalt  }
0x6a: {  	_ =	shalt  }
0x6b: {  	_ =	shalt  }
0x6c: {  	_ =	shalt  }
0x6d: {  	_ =	shalt  }
0x6e: {  	_ =	shalt  }
0x6f: {  	_ =	shalt  }
0x70: {  	_ =	shalt  }
0x71: {  	_ =	shalt  }
0x72: {  	_ =	shalt  }
0x73: {  	_ =	shalt  }
0x74: {  	_ =	shalt  }
0x75: {  	_ =	shalt  }
0x76: {  	_ =	shalt  }
0x77: {  	_ =	shalt  }
0x78: {  	_ =	shalt  }
0x79: {  	_ =	shalt  }
0x7a: {  	_ =	shalt  }
0x7b: {  	_ =	shalt  }
0x7c: {  	_ =	shalt  }
0x7d: {  	_ =	shalt  }
0x7e: {  	_ =	shalt  }
0x7f: {  	_ =	shalt  }
0x80: {  	_ =	shalt  }
0x81: {  	_ =	shalt  }
0x82: {  	_ =	shalt  }
0x83: {  	_ =	shalt  }
0x84: {  	_ =	shalt  }
0x85: {  	_ =	shalt  }
0x86: {  	_ =	shalt  }
0x87: {  	_ =	shalt  }
.Lfunc_end0:
.L_simem_size_0:
called_computation.2_lowered:
.L_overlay_start_0:
0x88: {  	s2 =	sld [smem:$0x3FD9]  }
0x89: {  	s3 =	sld [smem:$0x3FFE];
	_ =	sdelay $0x1  }
0x8a: {  	s1 =	srdreg.scid  }
0x8b: {  	s0 =	sand.u32 $0x1, s1  }
0x8c: {  	s17 =	sshll.u32 s0, $0xA;
	s2 =	sadd.s32 s3, s2  }
0x8d: {  	s2 =	sadd.s32 s2, s17  }
0x8e: {  	[smem:$0x3FAA] =	sst s2  }
0x8f: {  	_ = 	snop  }
0x90: {  	s2 =	sld [smem:$0x3FD0];
	(tm) =	ssettm $0x1  }
0x91: {  	s18 =	sld [smem:$0x3FFB];
	_ =	sdelay $0x3  }
0x92: {  	_ =	strace s18  }
0x93: {  	s3 =	sld [smem:$0x3FFC];
	_ =	sdelay $0x3  }
0x94: {  	_ =	strace s3  }
0x95: {  	s3 =	sld [smem:$0x3FFD];
	_ =	sdelay $0x3  }
0x96: {  	_ =	strace s3  }
0x97: {  	_ =	strace $0x8FFFFFFF  }
0x98: {  	s19 =	sld [smem:$0x3FDB];
	_ =	sdelay $0x1  }
0x99: {  	s4 =	simm.s32 $_scs_section_size  }
0x9a: {  	s5 =	simm.s32 $_size__tile_overlayer_lowered;
	s6 =	simm.s32 $_tile_overlayer_lowered  }
0x9b: {  	s22 =	simm.s32 $0x1BFF;
	s21 =	sshll.u32 s6, $0x1;
	s3 =	sadd.s32 s4, s19  }
0x9c: {  	s7 =	simm.s32 $0x0;
	s20 =	sshll.u32 s5, $0x1;
	s5 =	sadd.s32 s21, s3  }
0x9d: {  	[timem:s7], [sflag:s22] =	dma.local [hbm:s5], s20  }
0x9e: {  	_ =	swait.ge [sflag:s22], s20  }
0x9f: {  	s4 =	ssub.s32 $0x0, s20;
	[sflag:s22] =	ssyncset.done $0x0  }
0xa0: {  	[sflag:s22] =	ssyncadd.s32 s4;
	_ =	sdelay $0x1  }
0xa1: {  	s23 =	simm.s32 $0x1B8B  }
0xa2: {  	_ =	swait.ge [sflag:s23], $0x1  }
0xa3: {  	[sflag:s23] =	ssyncset.done $0x0  }
0xa4: {  	s25 =	simm.s32 $0x1B8E;
	s24 =	sld [smem:$0x3FFE];
	[sflag:s23] =	ssyncadd.s32 $0xFFFFFFFF  }
0xa5: {  	s26 =	simm.s32 $execute0_lowered;
	[smem:$0x3FD2] =	sst s25  }
0xa6: {  	s5 =	sshll.u32 s26, $0x1;
	_ =	strace $0x8000004C;
	[dreg:$0x1] =	wrdreg $0xFFFFFFFF  }
0xa7: {  	s28 =	simm.s32 $_size_execute0_lowered;
	s3 =	sadd.s32 s3, s5;
	[dreg:$0x0] =	wrdreg $0x0  }
0xa8: {  	s5 =	sshll.u32 s28, $0x1;
	[dreg:$0x2] =	wrdreg s3  }
0xa9: {  	[dreg:$0x3] =	wrdreg s5  }
0xaa: {  	[dreg:$0x4] =	wrdreg $0xC0  }
0xab: {  	_ =	task [dreg:s7], $0x5FFFF  }
0xac: {  	[dreg:$0x1] =	wrdreg $0xFFFFFFFF  }
0xad: {  	[dreg:$0x0] =	wrdreg $0x60  }
0xae: {  	[dreg:$0x2] =	wrdreg s24  }
0xaf: {  	[dreg:$0x3] =	wrdreg s2  }
0xb0: {  	[dreg:$0x4] =	wrdreg $0x97200  }
0xb1: {  	[dreg:$0x5] =	wrdreg $0x9  }
0xb2: {  	_ =	task.clear_ibuf [dreg:s7], $0x6FFFF;
	_ =	strace $0x9000004C  }
0xb3: {  	s29 =	simm.s32 $0x9;
	_ =	strace $0x8000004E  }
0xb4: {  	_ =	swait.ge [sflag:s29], $0x1  }
0xb5: {  	[sflag:s29] =	ssyncadd.s32 $0xFFFFFFFF  }
0xb6: {  	_ =	strace $0x9000004E  }
0xb7: {  	_ =	sfence  }
0xb8: {  	s30 =	sld [smem:$0x0];
	_ =	sdelay $0x2  }
0xb9: {  	s31 =	sshll.u32 s1, $0xD;
	s1 =	sshrl.u32 s1, $0x2  }
0xba: {  	s3 =	sand.u32 $0x4000, s31;
	s1 =	sadd.s32 s1, s30  }
0xbb: {  	s0 =	sor.u32 s3, s0;
	s1 =	sshll.u32 s1, $0x11  }
0xbc: {  	s0 =	sor.u32 s1, s0  }
0xbd: {  	s0 =	sadd.s32 $0x8F2B, s0  }
0xbe: {  	[sflag:s0] =	ssyncadd.remote.s32 $0x1  }
0xbf: {  	_ =	sfence.sel $0xFFFF  }
0xc0: {  	[dreg:$0x0] =	wrdreg $0xFFFFFFFF;
	(pc) =	sbr.abs _section_cstart, $3  }
0xc1: {  	[dreg:$0x1] =	wrdreg $0xFFFFFFFF  }
0xc2: {  	_ =	task.clear_ibuf [dreg:s7], $0x2FFFF;
	_ =	strace $0x9FFFFFFF  }
0xc3: {  	(tm) =	ssettm $0x7FFFFFFF  }
tec
execute0_lowered:
.L_overlay_start_1:
0x0: {  	(tag) =	ssettag $0x1  }
0x1: {  	s0 =	rddreg [dreg:$0x0]  }
0x2: {  	s2 =	rddreg [dreg:$0x1]  }
0x3: {  	s3 =	rddreg [dreg:$0x2]  }
0x4: {  	s1 =	simm.s32 $0x0;
	s13 =	stileid.u32;
	s4 =	srdreg.scid  }
0x5: {  	s15 =	simm.s32 $0x5;
	s19 =	simm.s32 $0x190;
	s28 =	simm.s32 $0x3  }
0x6: {  	s29 =	simm.s32 $0x8020;
	s30 =	simm.s32 $0x2;
	s31 =	simm.s32 $0x4  }
0x7: {  	[smem:$0x7FF] =	sst s1;
	s20 =	smul.u32 $0x15F00, s13;
	s5 =	sadd.s32 $0xC4E00, s0  }
0x8: {  	s6 =	sadd.s32 $0x6000, s0;
	s4 =	sand.u32 $0x1, s4;
	s7 =	sadd.s32 $0x85400, s0  }
0x9: {  	v0 =	vimm.s32 $0xFEDCBA98;
	s9 =	sadd.s32 $0x6200, s0;
	s22 =	sshll.u32 s13, $0x1;
	s11 =	sadd.s32 $0x149100, s3  }
0xa: {  	v1 =	vimm.s32 $0x76543210;
	p0 =	seq.s32 s13, $0xF;
	_ =	strace $0x8000004D;
	[dreg:$0x4] =	wrdreg s6  }
0xb: {  	v2 =	vimm.s32 $0x3210FEDC;
	v3 =	vimm.s32 $0xBA987654;
	s8 =	ssub.s32 $0x2, s4;
	s12 =	smul.u32 $0x15F900, s4;
	s4 =	sor.u32 s4, s22  }
0xc: {  	v4 =	vimm.s32 $0x10FEDCBA;
	v5 =	vimm.s32 $0x98765432;
	s16 =	sshrl.u32 @p0 s11, $0x3;
	s22 =	simm.s32 $0x5820;
	s21 =	sshrl.u32 s20, $0x3  }
0xd: {  	v6 =	vimm.s32 $0xFEDCBA9;
	v7 =	vimm.s32 $0x87654321;
	vm0 =	vmmov $0x1;
	s10 =	sshrl.u32 s8, $0x1;
	s1 =	sadd.s32 s20, s3;
	s6 =	sadd.s32 s21, s0  }
0xe: {  	v0 =	vunpack.c.l.s4.s8 v0;
	v1 =	vunpack.c.l.s4.s8 v1;
	v2 =	vunpack.c.l.s4.s8 v2;
	s8 =	ssub.s32 s8, s10;
	s0 =	sadd.s32 $0xC2020, s0;
	s23 =	sadd.s32 s20, s12  }
0xf: {  	v3 =	vunpack.c.l.s4.s8 v3;
	v4 =	vunpack.c.l.s4.s8 v4;
	v5 =	vunpack.c.l.s4.s8 v5;
	s24 =	sshrl.u32 s12, $0x3;
	s10 =	smul.u32 $0x2710, s4;
	s18 =	sshrl.u32 @!p0 s1, $0x3  }
0x10: {  	v6 =	vunpack.c.l.s4.s8 v6;
	v7 =	vunpack.c.l.s4.s8 v7;
	v0 =	vunpack.c.0.s8.s32 v0;
	s20 =	simm.s32 $0x28;
	s21 =	simm.s32 $0x320;
	s6 =	sadd.s32 $0x98E00, s6  }
0x11: {  	v2 =	vunpack.c.0.s8.s32 v2;
	v3 =	vunpack.c.0.s8.s32 v3;
	v4 =	vunpack.c.0.s8.s32 v4;
	[dreg:$0x6] =	wrdreg s0;
	s0 =	sshrl.u32 s23, $0x3;
	s26 =	smax.u32 s8, $0x1  }
.Ltmp0:
0x12: {  	v5 =	vunpack.c.0.s8.s32 v5;
	v6 =	vunpack.c.0.s8.s32 v6;
	v7 =	vunpack.c.0.s8.s32 v7;
	s23 =	simm.s32 $0x2DA0;
	[dreg:$0x5] =	wrdreg s6;
	(pc) =	sbr.rel .LBB2_1-.Ltmp0, $4  }
0x13: {  	vm1 =	vcmask $0x310;
	v1 =	vunpack.c.0.s8.s32 v1;
	v2 =	vcombine.low v3, v2;
	s6 =	sadd.s32 s9, s24;
	s0 =	sadd.s32 s9, s0;
	[dreg:$0x9] =	wrdreg s26  }
0x14: {  	v3 =	vcombine.low v5, v4;
	v4 =	vcombine.low v7, v6;
	v0 =	vand.u32 $0xF, v0;
	s24 =	simm.s32 $0x1B8;
	[dreg:$0x7] =	wrdreg s0;
	s25 =	sadd.s32 $0x29220, s6  }
0x15: {  	vm2 =	vcmask $0x710;
	vm3 =	vcmask $0xB10;
	v0 =	vcombine.low v0, v1;
	s26 =	simm.s32 $0x1;
	s0 =	sshll.u32 @!p0 s13, $0x6;
	[dreg:$0x8] =	wrdreg s25  }
0x16: {  	v1 =	vand.u32 $0xF, v2;
	v2 =	vand.u32 $0xF, v3;
	v3 =	vand.u32 $0xF, v4;
	s17 =	sor.u32 @!p0 $0x1C05, s0;
	s25 =	simm.s32 $0x6C20;
	s0 =	simm.s32 $0x0  }
.LBB2_10:
0x17: {  	[bflag:$0x0] =	sbarrier.arrive $0xFFFF  }
0x18: {  	s1 =	simm.s32 @p0 $0x1FC5;
	s4 =	rddreg [dreg:$0x8]  }
0x19: {  	[hbm:s4], [sflag:s1] =	dma.local @p0 [spmem:s16], $0x2D00  }
0x1a: {  	s1 =	simm.s32 @p0 $0x5  }
0x1b: {  	_ =	swait.ge @p0 [sflag:s1], $0x2D00  }
0x1c: {  	[sflag:s1] =	ssyncset.done @p0 $0x0  }
0x1d: {  	[sflag:s1] =	ssyncadd.s32 @p0 $0xFFFFD300;
	s1 =	rddreg [dreg:$0x7]  }
0x1e: {  	[hbm:s1], [sflag:s17] =	dma.local @!p0 [spmem:s18], $0x2BE0  }
0x1f: {  	s1 =	simm.s32 @!p0 $0x5  }
0x20: {  	_ =	swait.ge @!p0 [sflag:s1], $0x2BE0  }
0x21: {  	s0 =	sadd.s32 $0x1, s0;
	s14 =	rddreg [dreg:$0x9]  }
0x22: {  	p1 =	sne.s32 s0, s14  }
.Ltmp1:
0x23: {  	_ = 	snop;
	(pc) =	sbr.rel @!p1 .LBB2_11-.Ltmp1, $3  }
0x24: {  	_ =	sdelay $0x1  }
0x25: {  	[sflag:s1] =	ssyncset.done @!p0 $0x0  }
0x26: {  	[sflag:s1] =	ssyncadd.s32 @!p0 $0xFFFFD420  }
.LBB2_1:
0x27: {  	s1 =	simm.s32 $0x0;
	s4 =	rddreg [dreg:$0x4];
	s6 =	simm.s32 $0x96A0  }
0x28: {  	[tilespmem:s6], [sflag:$0x5] =	stream.linear.gather [hbm4b:s4+s1], $0x80, $0x38;
	[tilespmem:$0x1F6B0] =	vst v63  }
0x29: {  	_ =	swait.ge [sflag:s15], $0x80  }
0x2a: {  	[sflag:s15] =	ssyncset.done $0x0  }
0x2b: {  	s1 =	simm.s32 @p0 $0x1FC5;
	s4 =	rddreg [dreg:$0x6];
	[sflag:s15] =	ssyncadd.s32 $0xFFFFFF80  }
0x2c: {  	[spmem:s16], [sflag:s1] =	dma.local @p0 [hbm:s4], $0x2D00  }
0x2d: {  	s1 =	simm.s32 @p0 $0x5  }
0x2e: {  	_ =	swait.ge @p0 [sflag:s1], $0x2D00  }
0x2f: {  	[sflag:s1] =	ssyncset.done @p0 $0x0  }
0x30: {  	[sflag:s1] =	ssyncadd.s32 @p0 $0xFFFFD300;
	s1 =	rddreg [dreg:$0x5]  }
0x31: {  	[spmem:s18], [sflag:s17] =	dma.local @!p0 [hbm:s1], $0x2BE0  }
0x32: {  	s1 =	simm.s32 @!p0 $0x5  }
.Ltmp2:
0x33: {  	_ =	swait.ge @!p0 [sflag:s1], $0x2BE0;
	(pc) =	sbr.rel .LBB2_2-.Ltmp2, $4  }
0x34: {  	[sflag:s1] =	ssyncset.done @!p0 $0x0  }
0x35: {  	[sflag:s1] =	ssyncadd.s32 @!p0 $0xFFFFD420  }
0x36: {  	[bflag:$0x0] =	sbarrier.arrive $0xFFFF  }
0x37: {  	s1 =	simm.s32 $0x0  }
.LBB2_9:
0x38: {  	s1 =	sadd.s32 $0x1, s1  }
0x39: {  	p1 =	sne.s32 s1, $0x19  }
.Ltmp3:
0x3a: {  	_ = 	snop;
	(pc) =	sbr.rel @!p1 .LBB2_10-.Ltmp3, $1  }
0x3b: {  	_ =	sdelay $0x3  }
.LBB2_2:
0x3c: {  	s4 =	smul.u32 $0x190, s1;
	_ =	sdelay $0x1  }
0x3d: {  	s4 =	sadd.s32 s10, s4  }
0x3e: {  	s4 =	sshrl.u32 s4, $0x3  }
0x3f: {  	s6 =	sadd.s32 s7, s4;
	s4 =	simm.s32 $0x0  }
0x40: {  	[tilespmem:s4], [sflag:$0x5] =	stream.linear.gather [hbm4b:s6+s4], $0x190, $0x38;
	[tilespmem:$0x1F6B0] =	vst v63  }
0x41: {  	_ =	swait.ge [sflag:s15], $0x190  }
0x42: {  	[sflag:s15] =	ssyncset.done $0x0  }
0x43: {  	s6 =	sadd.s32 $0x9C40, s6;
	[sflag:s15] =	ssyncadd.s32 $0xFFFFFE70  }
0x44: {  	[tilespmem:s19], [sflag:$0x5] =	stream.linear.gather [hbm4b:s6+s4], $0x190, $0x38;
	[tilespmem:$0x1F6B0] =	vst v63  }
0x45: {  	_ =	swait.ge [sflag:s15], $0x190  }
0x46: {  	[sflag:s15] =	ssyncset.done $0x0  }
0x47: {  	[sflag:s15] =	ssyncadd.s32 $0xFFFFFE70  }
0x48: {  	[tilespmem:s21], [sflag:$0x1] =	stream.indirect.gather [hbm4b:s5+s20], $0x110, s4, s20, $0xb8;
	[tilespmem:$0x1F6B0] =	vst v63  }
0x49: {  	_ = 	snop  }
0x4a: {  	[tilespmem:s22], [sflag:$0x3] =	stream.indirect.gather [hbm4b:s2+s20], $0x80, s19, s20, $0xb8;
	[tilespmem:$0x1F6B0] =	vst v63  }
0x4b: {  	_ = 	snop  }
0x4c: {  	[tilespmem:s23], [sflag:$0x2] =	stream.indirect.gather [hbm4b:s5+s20], $0x110, s20, s20, $0xb8;
	[tilespmem:$0x1F6B0] =	vst v63  }
0x4d: {  	s14 =	simm.s32 $0x0  }
0x4e: {  	[tilespmem:s25], [sflag:$0x4] =	stream.indirect.gather [hbm4b:s2+s20], $0x80, s24, s20, $0xb8;
	[tilespmem:$0x1F6B0] =	vst v63  }
.LBB2_3:
0x4f: {  	_ =	swait.ge [sflag:s26], $0x2A80  }
0x50: {  	[sflag:s26] =	ssyncset.done $0x0  }
0x51: {  	[sflag:s26] =	ssyncadd.s32 $0xFFFFD580  }
0x52: {  	_ =	swait.ge [sflag:s28], $0x1400  }
0x53: {  	[sflag:s28] =	ssyncset.done $0x0  }
0x54: {  	s6 =	simm.s32 $0x5860;
	[sflag:s28] =	ssyncadd.s32 $0xFFFFEC00  }
0x55: {  	s8 =	simm.s32 $0x3A0;
	v4 =	vld [tilespmem:s6+$0xFFFFFFC0]  }
0x56: {  	v5 =	vld [tilespmem:s8+$0x10]  }
0x57: {  	v6 =	vld [tilespmem:s6+$0x30]  }
0x58: {  	v7 =	vld [tilespmem:s8+$0x70]  }
0x59: {  	v8 =	vld [tilespmem:s6+$0x20]  }
0x5a: {  	v9 =	vld [tilespmem:s6+$0x10]  }
0x5b: {  	v10 =	vld [tilespmem:s8+$0x50]  }
0x5c: {  	v11 =	vld [tilespmem:s6+$0x0]  }
0x5d: {  	v12 =	vld [tilespmem:s6+$0xFFFFFFF0]  }
0x5e: {  	v13 =	vld [tilespmem:s8+$0x30]  }
0x5f: {  	v14 =	vld [tilespmem:s6+$0xFFFFFFE0]  }
0x60: {  	v15 =	vld [tilespmem:s6+$0xFFFFFFD0]  }
0x61: {  	v16 =	vld [tilespmem:s8+$0x0]  }
0x62: {  	v17 =	vld [tilespmem:s8+$0x20]  }
0x63: {  	v18 =	vld [tilespmem:s8+$0x40]  }
0x64: {  	v19 =	vld [tilespmem:s8+$0x60];
	_ =	sdelay $0x1  }
0x65: {  	v5 =	vmul.f32 v15, v5;
	v4 =	vmul.f32 v4, v16  }
0x66: {  	v12 =	vmul.f32 v12, v13;
	v47 =	vmul.f32 v14, v17  }
0x67: {  	v9 =	vmul.f32 v9, v10;
	v4 =	vadd.f32 v5, v4;
	v5 =	vmul.f32 v11, v18  }
0x68: {  	v6 =	vmul.f32 v6, v7;
	v8 =	vmul.f32 v8, v19;
	v7 =	vadd.f32 v12, v47  }
0x69: {  	v48 =	vperm.xlane v4, v0;
	v5 =	vadd.f32 v9, v5  }
0x6a: {  	v6 =	vadd.f32 v6, v8;
	v49 =	vperm.xlane v7, v0  }
0x6b: {  	v4 =	vadd.f32 v4, v48;
	v50 =	vperm.xlane v5, v0  }
0x6c: {  	v51 =	vperm.xlane v6, v0;
	v7 =	vadd.f32 v7, v49  }
0x6d: {  	v10 =	vperm.xlane v4, v1;
	v5 =	vadd.f32 v5, v50  }
0x6e: {  	v6 =	vadd.f32 v6, v51;
	v52 =	vperm.xlane v7, v1  }
0x6f: {  	v4 =	vadd.f32 v4, v10;
	v53 =	vperm.xlane v5, v1  }
0x70: {  	v54 =	vperm.xlane v6, v1;
	v7 =	vadd.f32 v7, v52  }
0x71: {  	v10 =	vperm.xlane v4, v2;
	v5 =	vadd.f32 v5, v53  }
0x72: {  	v6 =	vadd.f32 v6, v54;
	v55 =	vperm.xlane v7, v2  }
0x73: {  	v4 =	vadd.f32 v4, v10;
	v56 =	vperm.xlane v5, v2  }
0x74: {  	v57 =	vperm.xlane v6, v2;
	v7 =	vadd.f32 v7, v55  }
0x75: {  	v10 =	vperm.xlane v4, v3;
	v5 =	vadd.f32 v5, v56  }
0x76: {  	v6 =	vadd.f32 v6, v57;
	v58 =	vperm.xlane v7, v3  }
0x77: {  	v59 =	vadd.f32 v4, v10;
	v60 =	vperm.xlane v5, v3  }
0x78: {  	v61 =	vperm.xlane v6, v3;
	v4 =	vld [tilespmem:$0x96C0];
	v7 =	vadd.f32 v7, v58  }
0x79: {  	v9 =	vnsel vm0, $0x0, v59;
	v5 =	vadd.f32 v5, v60  }
0x7a: {  	v6 =	vadd.f32 v6, v61;
	v7 =	vsel vm1, v9, v7  }
0x7b: {  	v5 =	vsel vm2, v7, v5  }
0x7c: {  	v5 =	vsel vm3, v5, v6  }
0x7d: {  	v5 =	vsub.f32 v5, v4;
	_ =	sdelay $0x1  }
0x7e: {  	v5 =	vmul.f32 $1.442695020e+00, v5;
	_ =	sdelay $0x1  }
0x7f: {  	(erf) = vpow2.f32 v5  }
0x80: {  	v5 =	vmov s4  }
0x81: {  	v5 =	vmul.u32 $0x90, v5;
	_ =	sdelay $0x1  }
0x82: {  	v5 =	vadd.s32 $0x80, v5  }
0x83: {  	v5 =	vbroadcast v5, $0x0;
	_ =	sdelay $0x3  }
0x84: {  	s9 =	simm.s32 $0x8060;
	v6 =	vpop (erf)  }
0x85: {  	[tilespmem:s9+$0x40] =	vst v6  }
0x86: {  	v6 =	vld.idx.msk [tilespmem:v5+s29+$0x0], $0xffff  }
0x87: {  	v7 =	vld [tilespmem:s8+$0xFFFFFF80];
	_ =	sdelay $0x4  }
0x88: {  	v7 =	vmul.f32 v7, v6;
	_ =	sdelay $0x1  }
0x89: {  	[tilespmem:s9+$0xFFFFFFC0] =	vst v7  }
0x8a: {  	v7 =	vld [tilespmem:s8+$0xFFFFFF90];
	_ =	sdelay $0x2  }
0x8b: {  	v62 =	vor.u32 $0x1, v5;
	_ =	sdelay $0x1  }
0x8c: {  	v6 =	vmul.f32 v7, v6;
	_ =	sdelay $0x1  }
0x8d: {  	[tilespmem:s9+$0xFFFFFFD0] =	vst v6  }
0x8e: {  	v6 =	vld.idx.msk [tilespmem:v62+s29+$0x0], $0xffff  }
0x8f: {  	v7 =	vld [tilespmem:s8+$0xFFFFFFA0];
	_ =	sdelay $0x4  }
0x90: {  	v7 =	vmul.f32 v7, v6;
	_ =	sdelay $0x1  }
0x91: {  	[tilespmem:s9+$0xFFFFFFE0] =	vst v7  }
0x92: {  	v7 =	vld [tilespmem:s8+$0xFFFFFFB0];
	_ =	sdelay $0x2  }
0x93: {  	v63 =	vor.u32 $0x2, v5;
	_ =	sdelay $0x1  }
0x94: {  	v6 =	vmul.f32 v7, v6;
	_ =	sdelay $0x1  }
0x95: {  	[tilespmem:s9+$0xFFFFFFF0] =	vst v6  }
0x96: {  	v6 =	vld.idx.msk [tilespmem:v63+s29+$0x0], $0xffff  }
0x97: {  	v7 =	vld [tilespmem:s8+$0xFFFFFFC0];
	_ =	sdelay $0x4  }
0x98: {  	v7 =	vmul.f32 v7, v6;
	_ =	sdelay $0x1  }
0x99: {  	[tilespmem:s9+$0x0] =	vst v7  }
0x9a: {  	v7 =	vld [tilespmem:s8+$0xFFFFFFD0];
	_ =	sdelay $0x2  }
0x9b: {  	v5 =	vor.u32 $0x3, v5;
	_ =	sdelay $0x1  }
0x9c: {  	v6 =	vmul.f32 v7, v6;
	_ =	sdelay $0x1  }
0x9d: {  	[tilespmem:s9+$0x10] =	vst v6  }
0x9e: {  	v5 =	vld.idx.msk [tilespmem:v5+s29+$0x0], $0xffff  }
0x9f: {  	v6 =	vld [tilespmem:s8+$0xFFFFFFE0];
	_ =	sdelay $0x4  }
0xa0: {  	v6 =	vmul.f32 v6, v5;
	_ =	sdelay $0x1  }
0xa1: {  	[tilespmem:s9+$0x20] =	vst v6  }
0xa2: {  	v6 =	vld [tilespmem:s8+$0xFFFFFFF0];
	_ =	sdelay $0x4  }
0xa3: {  	s11 =	simm.s32 $0x1;
	v5 =	vmul.f32 v6, v5  }
.LBB2_4:
0xa4: {  	_ = 	snop  }
0xa5: {  	s6 =	sadd.s32 $0x80, s6;
	s8 =	sadd.s32 $0x110, s8;
	[tilespmem:s9+$0x30] =	vst v5;
	s9 =	sadd.s32 $0x90, s9  }
0xa6: {  	p1 =	sne.s32 s11, $0x27;
	s12 =	smov.u32 s11;
	s11 =	sadd.s32 $0x1, s11;
	v5 =	vld [tilespmem:s6+$0xFFFFFFC0]  }
0xa7: {  	v6 =	vld [tilespmem:s8+$0x10]  }
0xa8: {  	v7 =	vld [tilespmem:s6+$0x30]  }
0xa9: {  	v8 =	vld [tilespmem:s8+$0x70]  }
0xaa: {  	v9 =	vld [tilespmem:s6+$0x20]  }
0xab: {  	v10 =	vld [tilespmem:s6+$0x10]  }
0xac: {  	v11 =	vld [tilespmem:s8+$0x50]  }
0xad: {  	v12 =	vld [tilespmem:s6+$0x0]  }
0xae: {  	v13 =	vld [tilespmem:s6+$0xFFFFFFF0];
	v7 =	vmul.f32 v7, v8  }
0xaf: {  	v8 =	vld [tilespmem:s8+$0x30]  }
0xb0: {  	v14 =	vld [tilespmem:s6+$0xFFFFFFE0]  }
0xb1: {  	v15 =	vld [tilespmem:s6+$0xFFFFFFD0];
	v10 =	vmul.f32 v10, v11  }
0xb2: {  	v11 =	vld [tilespmem:s8+$0x0]  }
0xb3: {  	v16 =	vld [tilespmem:s8+$0x20]  }
0xb4: {  	v8 =	vmul.f32 v13, v8;
	v13 =	vld [tilespmem:s8+$0x40]  }
0xb5: {  	v17 =	vld [tilespmem:s8+$0x60]  }
0xb6: {  	v6 =	vmul.f32 v15, v6  }
0xb7: {  	v5 =	vmul.f32 v5, v11  }
0xb8: {  	v11 =	vmul.f32 v14, v16  }
0xb9: {  	v5 =	vadd.f32 v6, v5;
	v6 =	vmul.f32 v12, v13  }
0xba: {  	v8 =	vadd.f32 v8, v11;
	v9 =	vmul.f32 v9, v17  }
0xbb: {  	v11 =	vperm.xlane v5, v0;
	v6 =	vadd.f32 v10, v6  }
0xbc: {  	v10 =	vperm.xlane v8, v0;
	v7 =	vadd.f32 v7, v9  }
0xbd: {  	v5 =	vadd.f32 v5, v11;
	v9 =	vperm.xlane v6, v0  }
0xbe: {  	v8 =	vadd.f32 v8, v10;
	v10 =	vperm.xlane v7, v0  }
0xbf: {  	v11 =	vperm.xlane v5, v1;
	v6 =	vadd.f32 v6, v9  }
0xc0: {  	v9 =	vperm.xlane v8, v1;
	v7 =	vadd.f32 v7, v10  }
0xc1: {  	v5 =	vadd.f32 v5, v11;
	v10 =	vperm.xlane v6, v1  }
0xc2: {  	v8 =	vadd.f32 v8, v9;
	v9 =	vperm.xlane v7, v1  }
0xc3: {  	v11 =	vperm.xlane v5, v2;
	v6 =	vadd.f32 v6, v10  }
0xc4: {  	v10 =	vperm.xlane v8, v2;
	v7 =	vadd.f32 v7, v9  }
0xc5: {  	v5 =	vadd.f32 v5, v11;
	v9 =	vperm.xlane v6, v2  }
0xc6: {  	v8 =	vadd.f32 v8, v10;
	v10 =	vperm.xlane v7, v2  }
0xc7: {  	v11 =	vperm.xlane v5, v3;
	v6 =	vadd.f32 v6, v9  }
0xc8: {  	v9 =	vperm.xlane v8, v3;
	v7 =	vadd.f32 v7, v10  }
0xc9: {  	v5 =	vadd.f32 v5, v11;
	v10 =	vperm.xlane v6, v3  }
0xca: {  	v8 =	vadd.f32 v8, v9;
	v9 =	vperm.xlane v7, v3  }
0xcb: {  	v5 =	vnsel vm0, $0x0, v5;
	v6 =	vadd.f32 v6, v10  }
0xcc: {  	v5 =	vsel vm1, v5, v8;
	v7 =	vadd.f32 v7, v9  }
0xcd: {  	v5 =	vsel vm2, v5, v6  }
0xce: {  	v5 =	vsel vm3, v5, v7  }
0xcf: {  	v5 =	vsub.f32 v5, v4;
	_ =	sdelay $0x1  }
0xd0: {  	v5 =	vmul.f32 $1.442695020e+00, v5;
	_ =	sdelay $0x1  }
0xd1: {  	(erf) = vpow2.f32 v5  }
0xd2: {  	v5 =	vmov s12  }
0xd3: {  	v5 =	vmul.u32 $0x90, v5;
	_ =	sdelay $0x1  }
0xd4: {  	v5 =	vadd.s32 $0x80, v5  }
0xd5: {  	v5 =	vbroadcast v5, $0x0;
	_ =	sdelay $0x3  }
0xd6: {  	v6 =	vpop (erf)  }
0xd7: {  	[tilespmem:s9+$0x40] =	vst v6  }
0xd8: {  	v6 =	vld.idx.msk [tilespmem:v5+s29+$0x0], $0xffff  }
0xd9: {  	v7 =	vld [tilespmem:s8+$0xFFFFFF80];
	_ =	sdelay $0x4  }
0xda: {  	v7 =	vmul.f32 v7, v6;
	_ =	sdelay $0x1  }
0xdb: {  	[tilespmem:s9+$0xFFFFFFC0] =	vst v7  }
0xdc: {  	v7 =	vld [tilespmem:s8+$0xFFFFFF90];
	_ =	sdelay $0x2  }
0xdd: {  	v8 =	vor.u32 $0x1, v5;
	_ =	sdelay $0x1  }
0xde: {  	v6 =	vmul.f32 v7, v6;
	_ =	sdelay $0x1  }
0xdf: {  	[tilespmem:s9+$0xFFFFFFD0] =	vst v6  }
0xe0: {  	v6 =	vld.idx.msk [tilespmem:v8+s29+$0x0], $0xffff  }
0xe1: {  	v7 =	vld [tilespmem:s8+$0xFFFFFFA0];
	_ =	sdelay $0x4  }
0xe2: {  	v7 =	vmul.f32 v7, v6;
	_ =	sdelay $0x1  }
0xe3: {  	[tilespmem:s9+$0xFFFFFFE0] =	vst v7  }
0xe4: {  	v7 =	vld [tilespmem:s8+$0xFFFFFFB0];
	_ =	sdelay $0x2  }
0xe5: {  	v8 =	vor.u32 $0x2, v5;
	_ =	sdelay $0x1  }
0xe6: {  	v6 =	vmul.f32 v7, v6;
	_ =	sdelay $0x1  }
0xe7: {  	[tilespmem:s9+$0xFFFFFFF0] =	vst v6  }
0xe8: {  	v6 =	vld.idx.msk [tilespmem:v8+s29+$0x0], $0xffff  }
0xe9: {  	v7 =	vld [tilespmem:s8+$0xFFFFFFC0];
	_ =	sdelay $0x4  }
0xea: {  	v7 =	vmul.f32 v7, v6;
	_ =	sdelay $0x1  }
0xeb: {  	[tilespmem:s9+$0x0] =	vst v7  }
0xec: {  	v7 =	vld [tilespmem:s8+$0xFFFFFFD0];
	_ =	sdelay $0x2  }
0xed: {  	v5 =	vor.u32 $0x3, v5;
	_ =	sdelay $0x1  }
0xee: {  	v6 =	vmul.f32 v7, v6;
	_ =	sdelay $0x1  }
0xef: {  	[tilespmem:s9+$0x10] =	vst v6  }
0xf0: {  	v5 =	vld.idx.msk [tilespmem:v5+s29+$0x0], $0xffff  }
0xf1: {  	v6 =	vld [tilespmem:s8+$0xFFFFFFE0];
	_ =	sdelay $0x4  }
0xf2: {  	v6 =	vmul.f32 v6, v5;
	_ =	sdelay $0x1  }
0xf3: {  	[tilespmem:s9+$0x20] =	vst v6  }
0xf4: {  	v6 =	vld [tilespmem:s8+$0xFFFFFFF0]  }
.Ltmp4:
0xf5: {  	(pc) =	sbr.rel @p1 .LBB2_4-.Ltmp4, $2  }
0xf6: {  	_ =	sdelay $0x2  }
0xf7: {  	v5 =	vmul.f32 v6, v5  }
0xf8: {  	s6 =	smul.u32 $0x140, s14;
	_ =	sdelay $0x1  }
0xf9: {  	s6 =	sshra.s32 s6, $0x2  }
0xfa: {  	p1 =	seq.s32 s14, $0x4;
	[tilespmem:s9+$0x30] =	vst v5;
	s8 =	sadd.s32 $0x190, s6  }
0xfb: {  	[spmem:s3] =	stream.indirect.scatter.add.f32 [tilespmem:s29], [sflag:$0x5], $0x90, s8, s20, $0xb8;
	[tilespmem:$0x1F6B0] =	vst v63  }
0xfc: {  	s8 =	smul.u32 @!p1 $0x50, s14;
	_ =	swait.ge [sflag:s15], $0x1680  }
0xfd: {  	s11 =	simm.s32 @!p1 $0x28;
	[sflag:s15] =	ssyncset.done $0x0  }
0xfe: {  	s12 =	simm.s32 @!p1 $0x320;
	s9 =	sadd.s32 @!p1 $0x50, s8;
	[sflag:s15] =	ssyncadd.s32 $0xFFFFE980  }
0xff: {  	[tilespmem:s12], [sflag:$0x1] =	stream.indirect.gather @!p1 [hbm4b:s5+s11], $0x110, s9, s11, $0xb8;
	[tilespmem:$0x1F6B0] =	vst v63  }
0x100: {  	s8 =	sadd.s32 @!p1 $0x1E0, s8;
	s9 =	simm.s32 @!p1 $0x5820  }
0x101: {  	[tilespmem:s9], [sflag:$0x3] =	stream.indirect.gather @!p1 [hbm4b:s2+s11], $0x80, s8, s11, $0xb8;
	[tilespmem:$0x1F6B0] =	vst v63  }
0x102: {  	_ =	swait.ge [sflag:s30], $0x2A80  }
0x103: {  	[sflag:s30] =	ssyncset.done $0x0  }
0x104: {  	[sflag:s30] =	ssyncadd.s32 $0xFFFFD580  }
0x105: {  	_ =	swait.ge [sflag:s31], $0x1400  }
0x106: {  	[sflag:s31] =	ssyncset.done $0x0  }
0x107: {  	s8 =	simm.s32 $0x6C60;
	[sflag:s31] =	ssyncadd.s32 $0xFFFFEC00  }
0x108: {  	s9 =	simm.s32 $0x2E20;
	v4 =	vld [tilespmem:s8+$0xFFFFFFC0]  }
0x109: {  	v5 =	vld [tilespmem:s9+$0x10]  }
0x10a: {  	v6 =	vld [tilespmem:s8+$0x30]  }
0x10b: {  	v7 =	vld [tilespmem:s9+$0x70]  }
0x10c: {  	v8 =	vld [tilespmem:s8+$0x20]  }
0x10d: {  	v9 =	vld [tilespmem:s8+$0x10]  }
0x10e: {  	v10 =	vld [tilespmem:s9+$0x50]  }
0x10f: {  	v11 =	vld [tilespmem:s8+$0x0]  }
0x110: {  	v12 =	vld [tilespmem:s8+$0xFFFFFFF0]  }
0x111: {  	v13 =	vld [tilespmem:s9+$0x30]  }
0x112: {  	v14 =	vld [tilespmem:s8+$0xFFFFFFE0]  }
0x113: {  	v15 =	vld [tilespmem:s8+$0xFFFFFFD0]  }
0x114: {  	v16 =	vld [tilespmem:s9+$0x0]  }
0x115: {  	v17 =	vld [tilespmem:s9+$0x20]  }
0x116: {  	v18 =	vld [tilespmem:s9+$0x40]  }
0x117: {  	v19 =	vld [tilespmem:s9+$0x60];
	_ =	sdelay $0x1  }
0x118: {  	v5 =	vmul.f32 v15, v5;
	v4 =	vmul.f32 v4, v16  }
0x119: {  	v12 =	vmul.f32 v12, v13;
	v47 =	vmul.f32 v14, v17  }
0x11a: {  	v9 =	vmul.f32 v9, v10;
	v4 =	vadd.f32 v5, v4;
	v5 =	vmul.f32 v11, v18  }
0x11b: {  	v6 =	vmul.f32 v6, v7;
	v8 =	vmul.f32 v8, v19;
	v7 =	vadd.f32 v12, v47  }
0x11c: {  	v48 =	vperm.xlane v4, v0;
	v5 =	vadd.f32 v9, v5  }
0x11d: {  	v6 =	vadd.f32 v6, v8;
	v49 =	vperm.xlane v7, v0  }
0x11e: {  	v4 =	vadd.f32 v4, v48;
	v50 =	vperm.xlane v5, v0  }
0x11f: {  	v51 =	vperm.xlane v6, v0;
	v7 =	vadd.f32 v7, v49  }
0x120: {  	v10 =	vperm.xlane v4, v1;
	v5 =	vadd.f32 v5, v50  }
0x121: {  	v6 =	vadd.f32 v6, v51;
	v52 =	vperm.xlane v7, v1  }
0x122: {  	v4 =	vadd.f32 v4, v10;
	v53 =	vperm.xlane v5, v1  }
0x123: {  	v54 =	vperm.xlane v6, v1;
	v7 =	vadd.f32 v7, v52  }
0x124: {  	v10 =	vperm.xlane v4, v2;
	v5 =	vadd.f32 v5, v53  }
0x125: {  	v6 =	vadd.f32 v6, v54;
	v55 =	vperm.xlane v7, v2  }
0x126: {  	v4 =	vadd.f32 v4, v10;
	v56 =	vperm.xlane v5, v2  }
0x127: {  	v57 =	vperm.xlane v6, v2;
	v7 =	vadd.f32 v7, v55  }
0x128: {  	v10 =	vperm.xlane v4, v3;
	v5 =	vadd.f32 v5, v56  }
0x129: {  	v6 =	vadd.f32 v6, v57;
	v58 =	vperm.xlane v7, v3  }
0x12a: {  	v59 =	vadd.f32 v4, v10;
	v60 =	vperm.xlane v5, v3  }
0x12b: {  	v61 =	vperm.xlane v6, v3;
	v4 =	vld [tilespmem:$0x96C0];
	v7 =	vadd.f32 v7, v58  }
0x12c: {  	v9 =	vnsel vm0, $0x0, v59;
	v5 =	vadd.f32 v5, v60  }
0x12d: {  	v6 =	vadd.f32 v6, v61;
	v7 =	vsel vm1, v9, v7  }
0x12e: {  	v5 =	vsel vm2, v7, v5  }
0x12f: {  	v5 =	vsel vm3, v5, v6  }
0x130: {  	v5 =	vsub.f32 v5, v4;
	_ =	sdelay $0x1  }
0x131: {  	v5 =	vmul.f32 $1.442695020e+00, v5;
	_ =	sdelay $0x1  }
0x132: {  	s13 =	simm.s32 $0x0;
	(erf) = vpow2.f32 v5  }
0x133: {  	v5 =	vmov s13  }
0x134: {  	v5 =	vmul.u32 $0x90, v5;
	_ =	sdelay $0x1  }
0x135: {  	v5 =	vadd.s32 $0x80, v5  }
0x136: {  	v5 =	vbroadcast v5, $0x0;
	_ =	sdelay $0x3  }
0x137: {  	s11 =	simm.s32 $0x8060;
	v6 =	vpop (erf)  }
0x138: {  	[tilespmem:s11+$0x40] =	vst v6  }
0x139: {  	v6 =	vld.idx.msk [tilespmem:v5+s29+$0x0], $0xffff  }
0x13a: {  	v7 =	vld [tilespmem:s9+$0xFFFFFF80];
	_ =	sdelay $0x4  }
0x13b: {  	v7 =	vmul.f32 v7, v6;
	_ =	sdelay $0x1  }
0x13c: {  	[tilespmem:s11+$0xFFFFFFC0] =	vst v7  }
0x13d: {  	v7 =	vld [tilespmem:s9+$0xFFFFFF90];
	_ =	sdelay $0x2  }
0x13e: {  	v62 =	vor.u32 $0x1, v5;
	_ =	sdelay $0x1  }
0x13f: {  	v6 =	vmul.f32 v7, v6;
	_ =	sdelay $0x1  }
0x140: {  	[tilespmem:s11+$0xFFFFFFD0] =	vst v6  }
0x141: {  	v6 =	vld.idx.msk [tilespmem:v62+s29+$0x0], $0xffff  }
0x142: {  	v7 =	vld [tilespmem:s9+$0xFFFFFFA0];
	_ =	sdelay $0x4  }
0x143: {  	v7 =	vmul.f32 v7, v6;
	_ =	sdelay $0x1  }
0x144: {  	[tilespmem:s11+$0xFFFFFFE0] =	vst v7  }
0x145: {  	v7 =	vld [tilespmem:s9+$0xFFFFFFB0];
	_ =	sdelay $0x2  }
0x146: {  	v63 =	vor.u32 $0x2, v5;
	_ =	sdelay $0x1  }
0x147: {  	v6 =	vmul.f32 v7, v6;
	_ =	sdelay $0x1  }
0x148: {  	[tilespmem:s11+$0xFFFFFFF0] =	vst v6  }
0x149: {  	v6 =	vld.idx.msk [tilespmem:v63+s29+$0x0], $0xffff  }
0x14a: {  	v7 =	vld [tilespmem:s9+$0xFFFFFFC0];
	_ =	sdelay $0x4  }
0x14b: {  	v7 =	vmul.f32 v7, v6;
	_ =	sdelay $0x1  }
0x14c: {  	[tilespmem:s11+$0x0] =	vst v7  }
0x14d: {  	v7 =	vld [tilespmem:s9+$0xFFFFFFD0];
	_ =	sdelay $0x2  }
0x14e: {  	v5 =	vor.u32 $0x3, v5;
	_ =	sdelay $0x1  }
0x14f: {  	v6 =	vmul.f32 v7, v6;
	_ =	sdelay $0x1  }
0x150: {  	[tilespmem:s11+$0x10] =	vst v6  }
0x151: {  	v5 =	vld.idx.msk [tilespmem:v5+s29+$0x0], $0xffff  }
0x152: {  	v6 =	vld [tilespmem:s9+$0xFFFFFFE0];
	_ =	sdelay $0x4  }
0x153: {  	v6 =	vmul.f32 v6, v5;
	_ =	sdelay $0x1  }
0x154: {  	[tilespmem:s11+$0x20] =	vst v6  }
0x155: {  	v6 =	vld [tilespmem:s9+$0xFFFFFFF0];
	_ =	sdelay $0x4  }
0x156: {  	s12 =	simm.s32 $0x1;
	v5 =	vmul.f32 v6, v5  }
.LBB2_6:
0x157: {  	_ = 	snop  }
0x158: {  	s8 =	sadd.s32 $0x80, s8;
	s9 =	sadd.s32 $0x110, s9;
	[tilespmem:s11+$0x30] =	vst v5;
	s11 =	sadd.s32 $0x90, s11  }
0x159: {  	p2 =	sne.s32 s12, $0x27;
	s13 =	smov.u32 s12;
	s12 =	sadd.s32 $0x1, s12;
	v5 =	vld [tilespmem:s8+$0xFFFFFFC0]  }
0x15a: {  	v6 =	vld [tilespmem:s9+$0x10]  }
0x15b: {  	v7 =	vld [tilespmem:s8+$0x30]  }
0x15c: {  	v8 =	vld [tilespmem:s9+$0x70]  }
0x15d: {  	v9 =	vld [tilespmem:s8+$0x20]  }
0x15e: {  	v10 =	vld [tilespmem:s8+$0x10]  }
0x15f: {  	v11 =	vld [tilespmem:s9+$0x50]  }
0x160: {  	v12 =	vld [tilespmem:s8+$0x0]  }
0x161: {  	v13 =	vld [tilespmem:s8+$0xFFFFFFF0];
	v7 =	vmul.f32 v7, v8  }
0x162: {  	v8 =	vld [tilespmem:s9+$0x30]  }
0x163: {  	v14 =	vld [tilespmem:s8+$0xFFFFFFE0]  }
0x164: {  	v15 =	vld [tilespmem:s8+$0xFFFFFFD0];
	v10 =	vmul.f32 v10, v11  }
0x165: {  	v11 =	vld [tilespmem:s9+$0x0]  }
0x166: {  	v16 =	vld [tilespmem:s9+$0x20]  }
0x167: {  	v8 =	vmul.f32 v13, v8;
	v13 =	vld [tilespmem:s9+$0x40]  }
0x168: {  	v17 =	vld [tilespmem:s9+$0x60]  }
0x169: {  	v6 =	vmul.f32 v15, v6  }
0x16a: {  	v5 =	vmul.f32 v5, v11  }
0x16b: {  	v11 =	vmul.f32 v14, v16  }
0x16c: {  	v5 =	vadd.f32 v6, v5;
	v6 =	vmul.f32 v12, v13  }
0x16d: {  	v8 =	vadd.f32 v8, v11;
	v9 =	vmul.f32 v9, v17  }
0x16e: {  	v11 =	vperm.xlane v5, v0;
	v6 =	vadd.f32 v10, v6  }
0x16f: {  	v10 =	vperm.xlane v8, v0;
	v7 =	vadd.f32 v7, v9  }
0x170: {  	v5 =	vadd.f32 v5, v11;
	v9 =	vperm.xlane v6, v0  }
0x171: {  	v8 =	vadd.f32 v8, v10;
	v10 =	vperm.xlane v7, v0  }
0x172: {  	v11 =	vperm.xlane v5, v1;
	v6 =	vadd.f32 v6, v9  }
0x173: {  	v9 =	vperm.xlane v8, v1;
	v7 =	vadd.f32 v7, v10  }
0x174: {  	v5 =	vadd.f32 v5, v11;
	v10 =	vperm.xlane v6, v1  }
0x175: {  	v8 =	vadd.f32 v8, v9;
	v9 =	vperm.xlane v7, v1  }
0x176: {  	v11 =	vperm.xlane v5, v2;
	v6 =	vadd.f32 v6, v10  }
0x177: {  	v10 =	vperm.xlane v8, v2;
	v7 =	vadd.f32 v7, v9  }
0x178: {  	v5 =	vadd.f32 v5, v11;
	v9 =	vperm.xlane v6, v2  }
0x179: {  	v8 =	vadd.f32 v8, v10;
	v10 =	vperm.xlane v7, v2  }
0x17a: {  	v11 =	vperm.xlane v5, v3;
	v6 =	vadd.f32 v6, v9  }
0x17b: {  	v9 =	vperm.xlane v8, v3;
	v7 =	vadd.f32 v7, v10  }
0x17c: {  	v5 =	vadd.f32 v5, v11;
	v10 =	vperm.xlane v6, v3  }
0x17d: {  	v8 =	vadd.f32 v8, v9;
	v9 =	vperm.xlane v7, v3  }
0x17e: {  	v5 =	vnsel vm0, $0x0, v5;
	v6 =	vadd.f32 v6, v10  }
0x17f: {  	v5 =	vsel vm1, v5, v8;
	v7 =	vadd.f32 v7, v9  }
0x180: {  	v5 =	vsel vm2, v5, v6  }
0x181: {  	v5 =	vsel vm3, v5, v7  }
0x182: {  	v5 =	vsub.f32 v5, v4;
	_ =	sdelay $0x1  }
0x183: {  	v5 =	vmul.f32 $1.442695020e+00, v5;
	_ =	sdelay $0x1  }
0x184: {  	(erf) = vpow2.f32 v5  }
0x185: {  	v5 =	vmov s13  }
0x186: {  	v5 =	vmul.u32 $0x90, v5;
	_ =	sdelay $0x1  }
0x187: {  	v5 =	vadd.s32 $0x80, v5  }
0x188: {  	v5 =	vbroadcast v5, $0x0;
	_ =	sdelay $0x3  }
0x189: {  	v6 =	vpop (erf)  }
0x18a: {  	[tilespmem:s11+$0x40] =	vst v6  }
0x18b: {  	v6 =	vld.idx.msk [tilespmem:v5+s29+$0x0], $0xffff  }
0x18c: {  	v7 =	vld [tilespmem:s9+$0xFFFFFF80];
	_ =	sdelay $0x4  }
0x18d: {  	v7 =	vmul.f32 v7, v6;
	_ =	sdelay $0x1  }
0x18e: {  	[tilespmem:s11+$0xFFFFFFC0] =	vst v7  }
0x18f: {  	v7 =	vld [tilespmem:s9+$0xFFFFFF90];
	_ =	sdelay $0x2  }
0x190: {  	v8 =	vor.u32 $0x1, v5;
	_ =	sdelay $0x1  }
0x191: {  	v6 =	vmul.f32 v7, v6;
	_ =	sdelay $0x1  }
0x192: {  	[tilespmem:s11+$0xFFFFFFD0] =	vst v6  }
0x193: {  	v6 =	vld.idx.msk [tilespmem:v8+s29+$0x0], $0xffff  }
0x194: {  	v7 =	vld [tilespmem:s9+$0xFFFFFFA0];
	_ =	sdelay $0x4  }
0x195: {  	v7 =	vmul.f32 v7, v6;
	_ =	sdelay $0x1  }
0x196: {  	[tilespmem:s11+$0xFFFFFFE0] =	vst v7  }
0x197: {  	v7 =	vld [tilespmem:s9+$0xFFFFFFB0];
	_ =	sdelay $0x2  }
0x198: {  	v8 =	vor.u32 $0x2, v5;
	_ =	sdelay $0x1  }
0x199: {  	v6 =	vmul.f32 v7, v6;
	_ =	sdelay $0x1  }
0x19a: {  	[tilespmem:s11+$0xFFFFFFF0] =	vst v6  }
0x19b: {  	v6 =	vld.idx.msk [tilespmem:v8+s29+$0x0], $0xffff  }
0x19c: {  	v7 =	vld [tilespmem:s9+$0xFFFFFFC0];
	_ =	sdelay $0x4  }
0x19d: {  	v7 =	vmul.f32 v7, v6;
	_ =	sdelay $0x1  }
0x19e: {  	[tilespmem:s11+$0x0] =	vst v7  }
0x19f: {  	v7 =	vld [tilespmem:s9+$0xFFFFFFD0];
	_ =	sdelay $0x2  }
0x1a0: {  	v5 =	vor.u32 $0x3, v5;
	_ =	sdelay $0x1  }
0x1a1: {  	v6 =	vmul.f32 v7, v6;
	_ =	sdelay $0x1  }
0x1a2: {  	[tilespmem:s11+$0x10] =	vst v6  }
0x1a3: {  	v5 =	vld.idx.msk [tilespmem:v5+s29+$0x0], $0xffff  }
0x1a4: {  	v6 =	vld [tilespmem:s9+$0xFFFFFFE0];
	_ =	sdelay $0x4  }
0x1a5: {  	v6 =	vmul.f32 v6, v5;
	_ =	sdelay $0x1  }
0x1a6: {  	[tilespmem:s11+$0x20] =	vst v6  }
0x1a7: {  	v6 =	vld [tilespmem:s9+$0xFFFFFFF0]  }
.Ltmp5:
0x1a8: {  	(pc) =	sbr.rel @p2 .LBB2_6-.Ltmp5, $2  }
0x1a9: {  	_ =	sdelay $0x2  }
0x1aa: {  	v5 =	vmul.f32 v6, v5  }
0x1ab: {  	_ = 	snop  }
.Ltmp6:
0x1ac: {  	s6 =	sadd.s32 $0x1B8, s6;
	[tilespmem:s11+$0x30] =	vst v5;
	(pc) =	sbr.rel @p1 .LBB2_9-.Ltmp6, $4  }
0x1ad: {  	[spmem:s3] =	stream.indirect.scatter.add.f32 [tilespmem:s29], [sflag:$0x5], $0x90, s6, s20, $0xb8;
	[tilespmem:$0x1F6B0] =	vst v63  }
0x1ae: {  	_ =	swait.ge [sflag:s15], $0x1680  }
0x1af: {  	[sflag:s15] =	ssyncset.done $0x0  }
0x1b0: {  	[sflag:s15] =	ssyncadd.s32 $0xFFFFE980  }
0x1b1: {  	s6 =	smul.u32 $0x50, s14  }
.Ltmp7:
0x1b2: {  	_ = 	snop;
	(pc) =	sbr.rel .LBB2_3-.Ltmp7, $4  }
0x1b3: {  	s8 =	sadd.s32 $0x78, s6  }
0x1b4: {  	[tilespmem:s23], [sflag:$0x2] =	stream.indirect.gather [hbm4b:s5+s20], $0x110, s8, s20, $0xb8;
	[tilespmem:$0x1F6B0] =	vst v63  }
0x1b5: {  	s14 =	sadd.s32 $0x1, s14;
	s6 =	sadd.s32 $0x208, s6  }
0x1b6: {  	[tilespmem:s25], [sflag:$0x4] =	stream.indirect.gather [hbm4b:s2+s20], $0x80, s6, s20, $0xb8;
	[tilespmem:$0x1F6B0] =	vst v63  }
.LBB2_11:
0x1b7: {  	_ =	sfence.sel $0x180000  }
0x1b8: {  	[bflag:$0x0] =	sbarrier.arrive $0xFFFF  }
0x1b9: {  	_ =	strace $0x9000004D  }
0x1ba: {  	s0 =	stileid.u32;
	[bflag:$0x2] =	sbarrier.arrive $0xFFFF  }
0x1bb: {  	p0 =	sne.s32 s0, $0x0;
	s0 =	rddreg [dreg:$0x3]  }
0x1bc: {  	s0 =	sadd.s32 @!p0 $0x100000, s0  }
0x1bd: {  	[sflag:s0] =	ssyncadd.tile.s32 @!p0 $0x1;
	_ =	shalt  }
.Lfunc_end2:
_tile_overlayer_lowered:
.L_overlay_start_2:
0x1be: {  	(tag) =	ssettag $0x2  }
0x1bf: {  	s0 =	rddreg [dreg:$0x0];
	s2 =	stileid.u32  }
0x1c0: {  	s1 =	rddreg [dreg:$0x1];
	p0 =	sne.s32 s2, $0x0  }
0x1c1: {  	s3 =	rddreg [dreg:$0x2];
	[bflag:$0x3] =	sbarrier.arrive $0xFFFF;
	s2 =	simm.s32 @!p0 $0x1C05  }
0x1c2: {  	[timem:s3], [sflag:s2] =	dma.local @!p0 [hbm:s0], s1  }
0x1c3: {  	s0 =	simm.s32 @!p0 $0x5  }
0x1c4: {  	_ =	swait.ge @!p0 [sflag:s0], s1  }
0x1c5: {  	s1 =	ssub.s32 @!p0 $0x0, s1;
	[sflag:s0] =	ssyncset.done @!p0 $0x0  }
0x1c6: {  	[sflag:s0] =	ssyncadd.s32 @!p0 s1  }
0x1c7: {  	[bflag:$0x3] =	sbarrier.arrive $0xFFFF  }
0x1c8: {  	_ =	shalt  }

// kernel: kernel.9.cloned.1.call-start
scs
__scs_entry_jumppad:
0x0: {  	(pc) =	sbr.rel $0x88, $3  }
0x1: {  	(tag) =	ssettag $0x0;
	lr =	simm.s32 $0x1  }
0x2: {  	[smem:$0x3F83] =	sst lr;
	_ =	strace $0xD0000000  }
0x3: {  	_ = 	snop  }
0x4: {  	_ = 	snop  }
0x5: {  	_ = 	snop  }
0x6: {  	_ = 	snop  }
0x7: {  	_ = 	snop  }
__scs_overlays_trampoline_lowered:
0x8: {  	[smem:$0x3F92] =	sst s0  }
0x9: {  	[smem:$0x3F93] =	sst s1  }
0xa: {  	[smem:$0x3F94] =	sst s2  }
0xb: {  	[smem:$0x3F95] =	sst s3  }
0xc: {  	[smem:$0x3F96] =	sst s4  }
0xd: {  	[smem:$0x3F97] =	sst s5  }
0xe: {  	[smem:$0x3F98] =	sst s6  }
0xf: {  	[smem:$0x3F99] =	sst s7  }
0x10: {  	[smem:$0x3F9A] =	sst s8  }
0x11: {  	[smem:$0x3F9B] =	sst s9;
	s0 =	simm.s32 @!p0 $0x0  }
0x12: {  	s1 =	sld [smem:$0x3F81];
	s0 =	simm.s32 @p0 $0x1  }
0x13: {  	[smem:$0x3F9C] =	sst s0;
	s0 =	simm.s32 @!p1 $0x0  }
0x14: {  	s2 =	sld [smem:$0x3F80];
	s0 =	simm.s32 @p1 $0x1  }
0x15: {  	[smem:$0x3F9D] =	sst s0;
	s0 =	simm.s32 @!p2 $0x0  }
0x16: {  	s3 =	sld [smem:$0x3FDB];
	s0 =	simm.s32 @p2 $0x1  }
0x17: {  	s4 =	simm.s32 $0x1BF5;
	[smem:$0x3F9F] =	sst s0  }
0x18: {  	s0 =	sld [smem:$0x3F82];
	_ =	swait.ge [sflag:s4], $0x0  }
0x19: {  	s7 =	sld [smem:$0x3F83]  }
0x1a: {  	s8 =	sadd.s32 $0xFFFFE003, lr  }
0x1b: {  	s9 =	sadd.s32 $0xFFFFFEF7, lr;
	s5 =	simm.s32 $0xFFFFFFFF;
	p2 =	slt.u32 s8, $0xFFFFF086  }
0x1c: {  	p1 =	slt.u32 s9, $0xF7A;
	s5 =	simm.s32 @!p2 $0x0  }
0x1d: {  	s5 =	simm.s32 @p1 $0x1;
	p0 =	seq.s32 s7, s2  }
0x1e: {  	s7 =	smul.u32 @!p0 $0xF7A, s2;
	p2 =	seq.s32 @!p0 s5, $0x0  }
0x1f: {  	s9 =	smul.u32 $0xF7A, s1;
	s8 =	simm.s32 @!p0 $0x1BF5;
	p2 =	por !p2, p0  }
0x20: {  	[sflag:s8] =	ssyncset.s32 @!p0 $0xFFFFF086;
	s6 =	sadd.s32 @!p0 s3, s7;
	s7 =	simm.s32 @!p0 $0x108  }
0x21: {  	s3 =	sadd.s32 s3, s9;
	s6 =	sadd.s32 @!p0 $0x88, s6;
	s7 =	simm.s32 @p2 $0x1082  }
0x22: {  	[simem:s7], [sflag:s8] =	dma.local @!p0 [hbm:s6], $0xF7A  }
0x23: {  	s9 =	sor.u32 $0xD0000000, s2;
	s6 =	simm.s32 $0x108;
	_ =	swait.ge @!p0 [sflag:s8], $0x0  }
0x24: {  	s3 =	sadd.s32 $0x88, s3;
	s6 =	simm.s32 @!p1 $0x1082;
	[sflag:s4] =	ssyncset.s32 $0xFFFFF086  }
0x25: {  	[simem:s6], [sflag:s4] =	dma.local [hbm:s3], $0xF7A  }
0x26: {  	[smem:$0x3F83] =	sst s1;
	(tag) =	ssettag s2;
	_ =	strace s9  }
0x27: {  	s1 =	sld [smem:$0x3F93]  }
0x28: {  	s2 =	sld [smem:$0x3F94]  }
0x29: {  	s4 =	sld [smem:$0x3F96]  }
0x2a: {  	p0 =	seq.s32 s5, $0x0;
	s5 =	sld [smem:$0x3F97]  }
0x2b: {  	s6 =	sld [smem:$0x3F98]  }
0x2c: {  	s7 =	sld [smem:$0x3F99]  }
0x2d: {  	s3 =	simm.s32 $0x108;
	s8 =	sld [smem:$0x3F9A]  }
0x2e: {  	s3 =	simm.s32 @!p0 $0x1082;
	s9 =	sld [smem:$0x3F9B]  }
0x2f: {  	lr =	sadd.s32 s0, s3;
	s0 =	sld [smem:$0x3F92]  }
0x30: {  	s3 =	sld [smem:$0x3F95]  }
0x31: {  	[smem:$0x3F9E] =	sst s10  }
0x32: {  	s10 =	sld [smem:$0x3F9C];
	_ =	sdelay $0x3  }
0x33: {  	p0 =	seq.s32 s10, $0x1;
	s10 =	sld [smem:$0x3F9E];
	_ =	sdelay $0x3  }
0x34: {  	[smem:$0x3F9E] =	sst s10  }
0x35: {  	s10 =	sld [smem:$0x3F9D];
	_ =	sdelay $0x3  }
0x36: {  	p1 =	seq.s32 s10, $0x1;
	s10 =	sld [smem:$0x3F9E];
	_ =	sdelay $0x3  }
0x37: {  	[smem:$0x3F9E] =	sst s10  }
0x38: {  	s10 =	sld [smem:$0x3F9F]  }
0x39: {  	_ = 	snop;
	(pc) =	sbr.ind lr, $3  }
0x3a: {  	_ = 	snop  }
0x3b: {  	_ = 	snop  }
0x3c: {  	p2 =	seq.s32 s10, $0x1;
	s10 =	sld [smem:$0x3F9E]  }
0x3d: {  	_ =	shalt  }
0x3e: {  	_ =	shalt  }
0x3f: {  	_ =	shalt  }
0x40: {  	_ =	shalt  }
0x41: {  	_ =	shalt  }
0x42: {  	_ =	shalt  }
0x43: {  	_ =	shalt  }
0x44: {  	_ =	shalt  }
0x45: {  	_ =	shalt  }
0x46: {  	_ =	shalt  }
0x47: {  	_ =	shalt  }
0x48: {  	_ =	shalt  }
0x49: {  	_ =	shalt  }
0x4a: {  	_ =	shalt  }
0x4b: {  	_ =	shalt  }
0x4c: {  	_ =	shalt  }
0x4d: {  	_ =	shalt  }
0x4e: {  	_ =	shalt  }
0x4f: {  	_ =	shalt  }
0x50: {  	_ =	shalt  }
0x51: {  	_ =	shalt  }
0x52: {  	_ =	shalt  }
0x53: {  	_ =	shalt  }
0x54: {  	_ =	shalt  }
0x55: {  	_ =	shalt  }
0x56: {  	_ =	shalt  }
0x57: {  	_ =	shalt  }
0x58: {  	_ =	shalt  }
0x59: {  	_ =	shalt  }
0x5a: {  	_ =	shalt  }
0x5b: {  	_ =	shalt  }
0x5c: {  	_ =	shalt  }
0x5d: {  	_ =	shalt  }
0x5e: {  	_ =	shalt  }
0x5f: {  	_ =	shalt  }
0x60: {  	_ =	shalt  }
0x61: {  	_ =	shalt  }
0x62: {  	_ =	shalt  }
0x63: {  	_ =	shalt  }
0x64: {  	_ =	shalt  }
0x65: {  	_ =	shalt  }
0x66: {  	_ =	shalt  }
0x67: {  	_ =	shalt  }
0x68: {  	_ =	shalt  }
0x69: {  	_ =	shalt  }
0x6a: {  	_ =	shalt  }
0x6b: {  	_ =	shalt  }
0x6c: {  	_ =	shalt  }
0x6d: {  	_ =	shalt  }
0x6e: {  	_ =	shalt  }
0x6f: {  	_ =	shalt  }
0x70: {  	_ =	shalt  }
0x71: {  	_ =	shalt  }
0x72: {  	_ =	shalt  }
0x73: {  	_ =	shalt  }
0x74: {  	_ =	shalt  }
0x75: {  	_ =	shalt  }
0x76: {  	_ =	shalt  }
0x77: {  	_ =	shalt  }
0x78: {  	_ =	shalt  }
0x79: {  	_ =	shalt  }
0x7a: {  	_ =	shalt  }
0x7b: {  	_ =	shalt  }
0x7c: {  	_ =	shalt  }
0x7d: {  	_ =	shalt  }
0x7e: {  	_ =	shalt  }
0x7f: {  	_ =	shalt  }
0x80: {  	_ =	shalt  }
0x81: {  	_ =	shalt  }
0x82: {  	_ =	shalt  }
0x83: {  	_ =	shalt  }
0x84: {  	_ =	shalt  }
0x85: {  	_ =	shalt  }
0x86: {  	_ =	shalt  }
0x87: {  	_ =	shalt  }
.Lfunc_end0:
.L_simem_size_0:
called_computation_lowered:
.L_overlay_start_0:
0x88: {  	s2 =	sld [smem:$0x3FD9]  }
0x89: {  	s3 =	sld [smem:$0x3FFE];
	_ =	sdelay $0x1  }
0x8a: {  	s1 =	srdreg.scid  }
0x8b: {  	s0 =	sand.u32 $0x1, s1  }
0x8c: {  	s16 =	sshll.u32 s0, $0xA;
	s2 =	sadd.s32 s3, s2  }
0x8d: {  	s2 =	sadd.s32 s2, s16  }
0x8e: {  	[smem:$0x3FAA] =	sst s2  }
0x8f: {  	_ = 	snop  }
0x90: {  	(tm) =	ssettm $0x1  }
0x91: {  	s17 =	sld [smem:$0x3FFB];
	_ =	sdelay $0x3  }
0x92: {  	_ =	strace s17  }
0x93: {  	s2 =	sld [smem:$0x3FFC];
	_ =	sdelay $0x3  }
0x94: {  	_ =	strace s2  }
0x95: {  	s2 =	sld [smem:$0x3FFD];
	_ =	sdelay $0x3  }
0x96: {  	_ =	strace s2  }
0x97: {  	_ =	strace $0x8FFFFFFF  }
0x98: {  	s18 =	sld [smem:$0x3FDB];
	_ =	sdelay $0x1  }
0x99: {  	s19 =	simm.s32 $_scs_section_size  }
0x9a: {  	s4 =	simm.s32 $_size__tile_overlayer_lowered;
	s5 =	simm.s32 $_tile_overlayer_lowered  }
0x9b: {  	s22 =	simm.s32 $0x1BFF;
	s21 =	sshll.u32 s5, $0x1;
	s2 =	sadd.s32 s19, s18  }
0x9c: {  	s6 =	simm.s32 $0x0;
	s20 =	sshll.u32 s4, $0x1;
	s4 =	sadd.s32 s21, s2  }
0x9d: {  	[timem:s6], [sflag:s22] =	dma.local [hbm:s4], s20  }
0x9e: {  	_ =	swait.ge [sflag:s22], s20  }
0x9f: {  	s3 =	ssub.s32 $0x0, s20;
	[sflag:s22] =	ssyncset.done $0x0  }
0xa0: {  	[sflag:s22] =	ssyncadd.s32 s3;
	_ =	sdelay $0x1  }
0xa1: {  	s23 =	simm.s32 $0x1B8B  }
0xa2: {  	_ =	swait.ge [sflag:s23], $0x1  }
0xa3: {  	[sflag:s23] =	ssyncset.done $0x0  }
0xa4: {  	s25 =	simm.s32 $0x1B8E;
	s24 =	sld [smem:$0x3FFE];
	[sflag:s23] =	ssyncadd.s32 $0xFFFFFFFF  }
0xa5: {  	s26 =	simm.s32 $execute0_lowered;
	[smem:$0x3FD2] =	sst s25  }
0xa6: {  	s4 =	sshll.u32 s26, $0x1;
	_ =	strace $0x80000046;
	[dreg:$0x1] =	wrdreg $0xFFFFFFFF  }
0xa7: {  	s28 =	simm.s32 $_size_execute0_lowered;
	s2 =	sadd.s32 s2, s4;
	[dreg:$0x0] =	wrdreg $0x0  }
0xa8: {  	s4 =	sshll.u32 s28, $0x1;
	[dreg:$0x2] =	wrdreg s2  }
0xa9: {  	[dreg:$0x3] =	wrdreg s4  }
0xaa: {  	[dreg:$0x4] =	wrdreg $0xC0  }
0xab: {  	_ =	task [dreg:s6], $0x5FFFF  }
0xac: {  	[dreg:$0x1] =	wrdreg $0xFFFFFFFF  }
0xad: {  	[dreg:$0x0] =	wrdreg $0x60  }
0xae: {  	[dreg:$0x2] =	wrdreg s24  }
0xaf: {  	[dreg:$0x3] =	wrdreg $0x6F200  }
0xb0: {  	[dreg:$0x4] =	wrdreg $0x9  }
0xb1: {  	_ =	task.clear_ibuf [dreg:s6], $0x5FFFF;
	_ =	strace $0x90000046  }
0xb2: {  	s29 =	simm.s32 $0x9;
	_ =	strace $0x80000048  }
0xb3: {  	_ =	swait.ge [sflag:s29], $0x1  }
0xb4: {  	[sflag:s29] =	ssyncadd.s32 $0xFFFFFFFF  }
0xb5: {  	_ =	strace $0x90000048  }
0xb6: {  	_ =	sfence  }
0xb7: {  	s30 =	sld [smem:$0x0];
	_ =	sdelay $0x2  }
0xb8: {  	s31 =	sshll.u32 s1, $0xD;
	s1 =	sshrl.u32 s1, $0x2  }
0xb9: {  	s3 =	sand.u32 $0x4000, s31;
	s1 =	sadd.s32 s1, s30  }
0xba: {  	s0 =	sor.u32 s3, s0;
	s1 =	sshll.u32 s1, $0x11  }
0xbb: {  	s0 =	sor.u32 s1, s0  }
0xbc: {  	s0 =	sadd.s32 $0x8F2B, s0  }
0xbd: {  	[sflag:s0] =	ssyncadd.remote.s32 $0x1  }
0xbe: {  	_ =	sfence.sel $0xFFFF  }
0xbf: {  	[dreg:$0x0] =	wrdreg $0xFFFFFFFF;
	(pc) =	sbr.abs _section_cstart, $3  }
0xc0: {  	[dreg:$0x1] =	wrdreg $0xFFFFFFFF  }
0xc1: {  	_ =	task.clear_ibuf [dreg:s6], $0x2FFFF;
	_ =	strace $0x9FFFFFFF  }
0xc2: {  	(tm) =	ssettm $0x7FFFFFFF  }
0xc3: {  	_ =	shalt  }
tec
execute0_lowered:
.L_overlay_start_1:
0x0: {  	(tag) =	ssettag $0x1  }
0x1: {  	s0 =	rddreg [dreg:$0x0]  }
0x2: {  	s1 =	rddreg [dreg:$0x1]  }
0x3: {  	s2 =	simm.s32 $0x0;
	s13 =	stileid.u32;
	s3 =	srdreg.scid  }
0x4: {  	s15 =	simm.s32 $0x7;
	s28 =	simm.s32 $0x3;
	s29 =	simm.s32 $0x41A0  }
0x5: {  	s30 =	simm.s32 $0x2;
	s31 =	simm.s32 $0x4;
	s14 =	simm.s32 $0x0  }
0x6: {  	[smem:$0x7FF] =	sst s2;
	s4 =	sadd.s32 $0x54200, s0;
	s19 =	smul.u32 $0x15F00, s13  }
0x7: {  	s5 =	sadd.s32 $0x80200, s0;
	s6 =	sadd.s32 $0x85200, s0;
	s3 =	sand.u32 $0x1, s3  }
0x8: {  	s7 =	sadd.s32 $0x85400, s0;
	s9 =	sadd.s32 $0xC4E00, s0;
	s21 =	sshll.u32 s13, $0x1  }
0x9: {  	p0 =	seq.s32 s13, $0xF;
	_ =	strace $0x80000047;
	[dreg:$0x3] =	wrdreg s6  }
0xa: {  	s8 =	ssub.s32 $0x2, s3;
	s11 =	smul.u32 $0x15F900, s3;
	s3 =	sor.u32 s3, s21  }
0xb: {  	s21 =	simm.s32 $0xFA0;
	s20 =	sshrl.u32 s19, $0x3;
	s10 =	sshrl.u32 s8, $0x1  }
0xc: {  	s12 =	sadd.s32 s19, s1;
	s6 =	sadd.s32 s20, s0;
	s8 =	ssub.s32 s8, s10  }
0xd: {  	s2 =	sadd.s32 s19, s11;
	s22 =	sshrl.u32 s11, $0x3;
	s0 =	sadd.s32 $0xC2020, s0  }
0xe: {  	s10 =	smul.u32 $0x2710, s3;
	s11 =	sshrl.u32 @!p0 s12, $0x3;
	s19 =	simm.s32 $0x7D0  }
0xf: {  	s20 =	simm.s32 $0x28;
	s6 =	sadd.s32 $0x98E00, s6;
	[dreg:$0x5] =	wrdreg s0  }
0x10: {  	s23 =	sshrl.u32 s2, $0x3;
	s24 =	sadd.s32 s9, s22;
	[dreg:$0x9] =	wrdreg s11  }
0x11: {  	s26 =	smax.u32 s8, $0x1;
	s22 =	simm.s32 $0x3CA0;
	[dreg:$0x4] =	wrdreg s6  }
.Ltmp0:
0x12: {  	s6 =	sadd.s32 $0x149100, s1;
	s0 =	sadd.s32 s9, s23;
	(pc) =	sbr.rel .LBB2_1-.Ltmp0, $4  }
0x13: {  	s25 =	sadd.s32 $0x29220, s24;
	[dreg:$0x8] =	wrdreg s26;
	s23 =	simm.s32 $0x2620  }
0x14: {  	s24 =	simm.s32 $0x7F8;
	s26 =	simm.s32 $0x1;
	[dreg:$0x6] =	wrdreg s0  }
0x15: {  	[dreg:$0x7] =	wrdreg s25;
	s8 =	sshrl.u32 @p0 s6, $0x3;
	s0 =	sshll.u32 @!p0 s13, $0x6  }
0x16: {  	s25 =	simm.s32 $0x3F20;
	s9 =	sor.u32 @!p0 $0x1C07, s0;
	s0 =	simm.s32 $0x5820  }
.LBB2_10:
0x17: {  	s2 =	simm.s32 $0x5  }
0x18: {  	_ =	swait.ge [sflag:s2], $0x1680  }
0x19: {  	[sflag:s2] =	ssyncset.done $0x0  }
0x1a: {  	s16 =	simm.s32 $0x6;
	[sflag:s2] =	ssyncadd.s32 $0xFFFFE980  }
0x1b: {  	_ =	swait.ge [sflag:s16], $0x1680  }
0x1c: {  	[sflag:s16] =	ssyncset.done $0x0  }
0x1d: {  	[sflag:s16] =	ssyncadd.s32 $0xFFFFE980  }
0x1e: {  	[bflag:$0x0] =	sbarrier.arrive $0xFFFF  }
0x1f: {  	s2 =	simm.s32 @p0 $0x1FC7;
	s3 =	rddreg [dreg:$0x7]  }
0x20: {  	[hbm:s3], [sflag:s2] =	dma.local @p0 [spmem:s17], $0x2D00  }
0x21: {  	s2 =	simm.s32 @p0 $0x7  }
0x22: {  	_ =	swait.ge @p0 [sflag:s2], $0x2D00  }
0x23: {  	[sflag:s2] =	ssyncset.done @p0 $0x0;
	s11 =	rddreg [dreg:$0x9]  }
0x24: {  	[sflag:s2] =	ssyncadd.s32 @p0 $0xFFFFD300;
	s2 =	rddreg [dreg:$0x6]  }
0x25: {  	[hbm:s2], [sflag:s18] =	dma.local @!p0 [spmem:s11], $0x2BE0  }
0x26: {  	s2 =	simm.s32 @!p0 $0x7  }
0x27: {  	_ =	swait.ge @!p0 [sflag:s2], $0x2BE0  }
0x28: {  	s9 =	smov.u32 s18;
	s14 =	sadd.s32 $0x1, s14;
	s18 =	rddreg [dreg:$0x8]  }
0x29: {  	p1 =	sne.s32 s14, s18  }
.Ltmp1:
0x2a: {  	_ = 	snop;
	(pc) =	sbr.rel @!p1 .LBB2_11-.Ltmp1, $3  }
0x2b: {  	_ =	sdelay $0x1  }
0x2c: {  	[sflag:s2] =	ssyncset.done @!p0 $0x0  }
0x2d: {  	s8 =	smov.u32 s17;
	[sflag:s2] =	ssyncadd.s32 @!p0 $0xFFFFD420  }
.LBB2_1:
0x2e: {  	s2 =	simm.s32 $0x0;
	s3 =	rddreg [dreg:$0x3];
	s6 =	simm.s32 $0x6EA0  }
0x2f: {  	[tilespmem:s6], [sflag:$0x7] =	stream.linear.gather [hbm4b:s3+s2], $0x80, $0x38;
	[tilespmem:$0x1CEB0] =	vst v63  }
0x30: {  	_ =	swait.ge [sflag:s15], $0x80  }
0x31: {  	[sflag:s15] =	ssyncset.done $0x0  }
0x32: {  	s2 =	simm.s32 @p0 $0x1FC7;
	s3 =	rddreg [dreg:$0x5];
	[sflag:s15] =	ssyncadd.s32 $0xFFFFFF80  }
0x33: {  	[spmem:s8], [sflag:s2] =	dma.local @p0 [hbm:s3], $0x2D00  }
0x34: {  	s2 =	simm.s32 @p0 $0x7  }
0x35: {  	_ =	swait.ge @p0 [sflag:s2], $0x2D00  }
0x36: {  	[sflag:s2] =	ssyncset.done @p0 $0x0  }
0x37: {  	[sflag:s2] =	ssyncadd.s32 @p0 $0xFFFFD300;
	s2 =	rddreg [dreg:$0x4]  }
0x38: {  	[spmem:s11], [sflag:s9] =	dma.local @!p0 [hbm:s2], $0x2BE0  }
0x39: {  	s2 =	simm.s32 @!p0 $0x7  }
.Ltmp2:
0x3a: {  	_ =	swait.ge @!p0 [sflag:s2], $0x2BE0;
	(pc) =	sbr.rel .LBB2_2-.Ltmp2, $4  }
0x3b: {  	[sflag:s2] =	ssyncset.done @!p0 $0x0  }
0x3c: {  	[sflag:s2] =	ssyncadd.s32 @!p0 $0xFFFFD420  }
0x3d: {  	[bflag:$0x0] =	sbarrier.arrive $0xFFFF  }
0x3e: {  	s17 =	smov.u32 s8;
	s18 =	smov.u32 s9;
	s6 =	simm.s32 $0x0  }
.LBB2_9:
0x3f: {  	s6 =	sadd.s32 $0x1, s6  }
0x40: {  	p1 =	sne.s32 s6, $0x5  }
.Ltmp3:
0x41: {  	_ = 	snop;
	(pc) =	sbr.rel @!p1 .LBB2_10-.Ltmp3, $1  }
0x42: {  	_ =	sdelay $0x3  }
.LBB2_2:
0x43: {  	p1 =	seq.s32 s6, $0x0  }
0x44: {  	s2 =	simm.s32 @!p1 $0x5  }
0x45: {  	_ =	swait.ge @!p1 [sflag:s2], $0x1680  }
0x46: {  	s3 =	smul.u32 $0x7D0, s6;
	[sflag:s2] =	ssyncset.done @!p1 $0x0  }
0x47: {  	[sflag:s2] =	ssyncadd.s32 @!p1 $0xFFFFE980;
	s2 =	simm.s32 @!p1 $0x6  }
0x48: {  	s3 =	sadd.s32 s10, s3;
	_ =	swait.ge @!p1 [sflag:s2], $0x1680  }
0x49: {  	s3 =	sshrl.u32 s3, $0x3;
	[sflag:s2] =	ssyncset.done @!p1 $0x0  }
0x4a: {  	s8 =	simm.s32 $0x0;
	s16 =	sadd.s32 s7, s3;
	[sflag:s2] =	ssyncadd.s32 @!p1 $0xFFFFE980  }
0x4b: {  	[tilespmem:s8], [sflag:$0x7] =	stream.linear.gather [hbm4b:s16+s8], $0x7D0, $0x38;
	[tilespmem:$0x1CEB0] =	vst v63  }
0x4c: {  	_ =	swait.ge [sflag:s15], $0x7D0  }
0x4d: {  	[sflag:s15] =	ssyncset.done $0x0  }
0x4e: {  	s2 =	sadd.s32 $0x9C40, s16;
	[sflag:s15] =	ssyncadd.s32 $0xFFFFF830  }
0x4f: {  	[tilespmem:s19], [sflag:$0x7] =	stream.linear.gather [hbm4b:s2+s8], $0x7D0, $0x38;
	[tilespmem:$0x1CEB0] =	vst v63  }
0x50: {  	_ =	swait.ge [sflag:s15], $0x7D0  }
0x51: {  	[sflag:s15] =	ssyncset.done $0x0  }
0x52: {  	[sflag:s15] =	ssyncadd.s32 $0xFFFFF830  }
0x53: {  	[tilespmem:s21], [sflag:$0x1] =	stream.indirect.gather [hbm4b:s4+s20], $0x90, s8, s20, $0xb8;
	[tilespmem:$0x1CEB0] =	vst v63  }
0x54: {  	_ = 	snop  }
0x55: {  	[tilespmem:s22], [sflag:$0x3] =	stream.indirect.gather [hbm4b:s5+s20], $0x10, s19, s20, $0xb8;
	[tilespmem:$0x1CEB0] =	vst v63  }
0x56: {  	_ = 	snop  }
0x57: {  	[tilespmem:s23], [sflag:$0x2] =	stream.indirect.gather [hbm4b:s4+s20], $0x90, s20, s20, $0xb8;
	[tilespmem:$0x1CEB0] =	vst v63  }
0x58: {  	s9 =	simm.s32 $0x0  }
0x59: {  	[tilespmem:s25], [sflag:$0x4] =	stream.indirect.gather [hbm4b:s5+s20], $0x10, s24, s20, $0xb8;
	[tilespmem:$0x1CEB0] =	vst v63  }
.LBB2_3:
0x5a: {  	_ =	swait.ge [sflag:s26], $0x1680  }
0x5b: {  	[sflag:s26] =	ssyncset.done $0x0  }
0x5c: {  	[sflag:s26] =	ssyncadd.s32 $0xFFFFE980  }
0x5d: {  	_ =	swait.ge [sflag:s28], $0x280  }
0x5e: {  	p1 =	seq.s32 s9, $0x0;
	[sflag:s28] =	ssyncset.done $0x0  }
0x5f: {  	s2 =	simm.s32 @!p1 $0x5;
	[sflag:s28] =	ssyncadd.s32 $0xFFFFFD80  }
0x60: {  	_ =	swait.ge @!p1 [sflag:s2], $0x1680  }
0x61: {  	[sflag:s2] =	ssyncset.done @!p1 $0x0  }
0x62: {  	s16 =	simm.s32 $0xFE0;
	[sflag:s2] =	ssyncadd.s32 @!p1 $0xFFFFE980  }
0x63: {  	s3 =	simm.s32 $0x3CA0;
	v1 =	vld [tilespmem:s16+$0x40]  }
0x64: {  	v2 =	vld [tilespmem:s3+$0x0];
	_ =	sdelay $0x4  }
0x65: {  	v0 =	vld [tilespmem:$0x6EC0];
	v1 =	vadd.f32 v2, v1;
	_ =	sdelay $0x1  }
0x66: {  	v2 =	vmul.f32 $2.000000030e-01, v1  }
0x67: {  	vm0 =	vge.f32 v1, $0.0e+00  }
0x68: {  	v1 =	vsel vm0, v1, v2  }
0x69: {  	v1 =	vsub.f32 v1, v0;
	_ =	sdelay $0x1  }
0x6a: {  	v1 =	vmul.f32 $1.442695020e+00, v1;
	_ =	sdelay $0x1  }
0x6b: {  	(erf) = vpow2.f32 v1  }
0x6c: {  	v1 =	vmov s8  }
0x6d: {  	v1 =	vmul.u32 $0x90, v1;
	_ =	sdelay $0x1  }
0x6e: {  	v1 =	vadd.s32 $0x80, v1  }
0x6f: {  	v1 =	vbroadcast v1, $0x0;
	_ =	sdelay $0x3  }
0x70: {  	s11 =	simm.s32 $0x41E0;
	v2 =	vpop (erf)  }
0x71: {  	[tilespmem:s11+$0x40] =	vst v2  }
0x72: {  	v2 =	vld.idx.msk [tilespmem:v1+s29+$0x0], $0xffff  }
0x73: {  	v3 =	vld [tilespmem:s16+$0xFFFFFFC0];
	_ =	sdelay $0x4  }
0x74: {  	v3 =	vmul.f32 v3, v2;
	_ =	sdelay $0x1  }
0x75: {  	[tilespmem:s11+$0xFFFFFFC0] =	vst v3  }
0x76: {  	v3 =	vld [tilespmem:s16+$0xFFFFFFD0];
	_ =	sdelay $0x2  }
0x77: {  	v4 =	vor.u32 $0x1, v1;
	_ =	sdelay $0x1  }
0x78: {  	v2 =	vmul.f32 v3, v2;
	_ =	sdelay $0x1  }
0x79: {  	[tilespmem:s11+$0xFFFFFFD0] =	vst v2  }
0x7a: {  	v2 =	vld.idx.msk [tilespmem:v4+s29+$0x0], $0xffff  }
0x7b: {  	v3 =	vld [tilespmem:s16+$0xFFFFFFE0];
	_ =	sdelay $0x4  }
0x7c: {  	v3 =	vmul.f32 v3, v2;
	_ =	sdelay $0x1  }
0x7d: {  	[tilespmem:s11+$0xFFFFFFE0] =	vst v3  }
0x7e: {  	v3 =	vld [tilespmem:s16+$0xFFFFFFF0];
	_ =	sdelay $0x2  }
0x7f: {  	v63 =	vor.u32 $0x2, v1;
	_ =	sdelay $0x1  }
0x80: {  	v2 =	vmul.f32 v3, v2;
	_ =	sdelay $0x1  }
0x81: {  	[tilespmem:s11+$0xFFFFFFF0] =	vst v2  }
0x82: {  	v2 =	vld.idx.msk [tilespmem:v63+s29+$0x0], $0xffff  }
0x83: {  	v3 =	vld [tilespmem:s16+$0x0];
	_ =	sdelay $0x4  }
0x84: {  	v3 =	vmul.f32 v3, v2;
	_ =	sdelay $0x1  }
0x85: {  	[tilespmem:s11+$0x0] =	vst v3  }
0x86: {  	v3 =	vld [tilespmem:s16+$0x10];
	_ =	sdelay $0x2  }
0x87: {  	v1 =	vor.u32 $0x3, v1;
	_ =	sdelay $0x1  }
0x88: {  	v2 =	vmul.f32 v3, v2;
	_ =	sdelay $0x1  }
0x89: {  	[tilespmem:s11+$0x10] =	vst v2  }
0x8a: {  	v1 =	vld.idx.msk [tilespmem:v1+s29+$0x0], $0xffff  }
0x8b: {  	v2 =	vld [tilespmem:s16+$0x20];
	_ =	sdelay $0x4  }
0x8c: {  	v2 =	vmul.f32 v2, v1;
	_ =	sdelay $0x1  }
0x8d: {  	[tilespmem:s11+$0x20] =	vst v2  }
0x8e: {  	v2 =	vld [tilespmem:s16+$0x30];
	_ =	sdelay $0x4  }
0x8f: {  	v1 =	vmul.f32 v2, v1;
	_ =	sdelay $0x1  }
0x90: {  	s12 =	simm.s32 $0x1070;
	[tilespmem:s11+$0x30] =	vst v1  }
0x91: {  	s2 =	simm.s32 $0x3CB0;
	v1 =	vld [tilespmem:s12+$0x40]  }
0x92: {  	s13 =	simm.s32 $0x1;
	s3 =	simm.s32 $0x2;
	v2 =	vld [tilespmem:s2+$0x0]  }
.LBB2_4:
0x93: {  	p2 =	sne.s32 s3, $0x27;
	_ =	sdelay $0x3  }
0x94: {  	v1 =	vadd.f32 v2, v1;
	_ =	sdelay $0x1  }
0x95: {  	v2 =	vmul.f32 $2.000000030e-01, v1  }
0x96: {  	vm0 =	vge.f32 v1, $0.0e+00  }
0x97: {  	v1 =	vsel vm0, v1, v2  }
0x98: {  	v1 =	vsub.f32 v1, v0;
	_ =	sdelay $0x1  }
0x99: {  	v1 =	vmul.f32 $1.442695020e+00, v1;
	_ =	sdelay $0x1  }
0x9a: {  	(erf) = vpow2.f32 v1  }
0x9b: {  	v1 =	vmov s13;
	s13 =	smov.u32 s3  }
0x9c: {  	v1 =	vmul.u32 $0x90, v1;
	_ =	sdelay $0x1  }
0x9d: {  	v1 =	vadd.s32 $0x80, v1  }
0x9e: {  	v1 =	vbroadcast v1, $0x0;
	_ =	sdelay $0x3  }
0x9f: {  	s11 =	sadd.s32 $0x90, s11;
	v2 =	vpop (erf)  }
0xa0: {  	[tilespmem:s11+$0x40] =	vst v2  }
0xa1: {  	v2 =	vld.idx.msk [tilespmem:v1+s29+$0x0], $0xffff  }
0xa2: {  	v3 =	vld [tilespmem:s12+$0xFFFFFFC0];
	_ =	sdelay $0x4  }
0xa3: {  	v3 =	vmul.f32 v3, v2;
	_ =	sdelay $0x1  }
0xa4: {  	[tilespmem:s11+$0xFFFFFFC0] =	vst v3  }
0xa5: {  	v3 =	vld [tilespmem:s12+$0xFFFFFFD0];
	_ =	sdelay $0x2  }
0xa6: {  	v4 =	vor.u32 $0x1, v1;
	_ =	sdelay $0x1  }
0xa7: {  	v2 =	vmul.f32 v3, v2;
	_ =	sdelay $0x1  }
0xa8: {  	[tilespmem:s11+$0xFFFFFFD0] =	vst v2  }
0xa9: {  	v2 =	vld.idx.msk [tilespmem:v4+s29+$0x0], $0xffff  }
0xaa: {  	v3 =	vld [tilespmem:s12+$0xFFFFFFE0];
	_ =	sdelay $0x4  }
0xab: {  	v3 =	vmul.f32 v3, v2;
	_ =	sdelay $0x1  }
0xac: {  	[tilespmem:s11+$0xFFFFFFE0] =	vst v3  }
0xad: {  	v3 =	vld [tilespmem:s12+$0xFFFFFFF0];
	_ =	sdelay $0x2  }
0xae: {  	v4 =	vor.u32 $0x2, v1;
	_ =	sdelay $0x1  }
0xaf: {  	v2 =	vmul.f32 v3, v2;
	_ =	sdelay $0x1  }
0xb0: {  	[tilespmem:s11+$0xFFFFFFF0] =	vst v2  }
0xb1: {  	v2 =	vld.idx.msk [tilespmem:v4+s29+$0x0], $0xffff  }
0xb2: {  	v3 =	vld [tilespmem:s12+$0x0];
	_ =	sdelay $0x4  }
0xb3: {  	v3 =	vmul.f32 v3, v2;
	_ =	sdelay $0x1  }
0xb4: {  	[tilespmem:s11+$0x0] =	vst v3  }
0xb5: {  	v3 =	vld [tilespmem:s12+$0x10];
	_ =	sdelay $0x2  }
0xb6: {  	v1 =	vor.u32 $0x3, v1;
	_ =	sdelay $0x1  }
0xb7: {  	v2 =	vmul.f32 v3, v2;
	_ =	sdelay $0x1  }
0xb8: {  	[tilespmem:s11+$0x10] =	vst v2  }
0xb9: {  	v1 =	vld.idx.msk [tilespmem:v1+s29+$0x0], $0xffff  }
0xba: {  	v2 =	vld [tilespmem:s12+$0x20];
	_ =	sdelay $0x4  }
0xbb: {  	v2 =	vmul.f32 v2, v1;
	_ =	sdelay $0x1  }
0xbc: {  	[tilespmem:s11+$0x20] =	vst v2  }
0xbd: {  	v2 =	vld [tilespmem:s12+$0x30];
	_ =	sdelay $0x4  }
.Ltmp4:
0xbe: {  	v1 =	vmul.f32 v2, v1;
	(pc) =	sbr.rel @p2 .LBB2_4-.Ltmp4, $4  }
0xbf: {  	_ = 	snop  }
0xc0: {  	s12 =	sadd.s32 $0x90, s12;
	[tilespmem:s11+$0x30] =	vst v1  }
0xc1: {  	s2 =	sadd.s32 $0x10, s2;
	v1 =	vld [tilespmem:s12+$0x40]  }
0xc2: {  	s3 =	sadd.s32 $0x1, s3;
	v2 =	vld [tilespmem:s2+$0x0]  }
0xc3: {  	_ =	sdelay $0x3  }
0xc4: {  	v1 =	vadd.f32 v2, v1;
	_ =	sdelay $0x1  }
0xc5: {  	v2 =	vmul.f32 $2.000000030e-01, v1  }
0xc6: {  	vm0 =	vge.f32 v1, $0.0e+00  }
0xc7: {  	v1 =	vsel vm0, v1, v2  }
0xc8: {  	v0 =	vsub.f32 v1, v0;
	_ =	sdelay $0x1  }
0xc9: {  	v0 =	vmul.f32 $1.442695020e+00, v0;
	_ =	sdelay $0x1  }
0xca: {  	(erf) = vpow2.f32 v0  }
0xcb: {  	v0 =	vmov s13  }
0xcc: {  	v0 =	vmul.u32 $0x90, v0;
	_ =	sdelay $0x1  }
0xcd: {  	v0 =	vadd.s32 $0x80, v0  }
0xce: {  	v0 =	vbroadcast v0, $0x0;
	_ =	sdelay $0x3  }
0xcf: {  	s2 =	sadd.s32 $0x90, s11;
	v1 =	vpop (erf)  }
0xd0: {  	[tilespmem:s2+$0x40] =	vst v1  }
0xd1: {  	v1 =	vld.idx.msk [tilespmem:v0+s29+$0x0], $0xffff  }
0xd2: {  	v2 =	vld [tilespmem:s12+$0xFFFFFFC0];
	_ =	sdelay $0x4  }
0xd3: {  	v2 =	vmul.f32 v2, v1;
	_ =	sdelay $0x1  }
0xd4: {  	[tilespmem:s2+$0xFFFFFFC0] =	vst v2  }
0xd5: {  	v2 =	vld [tilespmem:s12+$0xFFFFFFD0];
	_ =	sdelay $0x2  }
0xd6: {  	v3 =	vor.u32 $0x1, v0;
	_ =	sdelay $0x1  }
0xd7: {  	v1 =	vmul.f32 v2, v1;
	_ =	sdelay $0x1  }
0xd8: {  	[tilespmem:s2+$0xFFFFFFD0] =	vst v1  }
0xd9: {  	v1 =	vld.idx.msk [tilespmem:v3+s29+$0x0], $0xffff  }
0xda: {  	v2 =	vld [tilespmem:s12+$0xFFFFFFE0];
	_ =	sdelay $0x4  }
0xdb: {  	v2 =	vmul.f32 v2, v1;
	_ =	sdelay $0x1  }
0xdc: {  	[tilespmem:s2+$0xFFFFFFE0] =	vst v2  }
0xdd: {  	v2 =	vld [tilespmem:s12+$0xFFFFFFF0];
	_ =	sdelay $0x2  }
0xde: {  	v3 =	vor.u32 $0x2, v0;
	_ =	sdelay $0x1  }
0xdf: {  	v1 =	vmul.f32 v2, v1;
	_ =	sdelay $0x1  }
0xe0: {  	[tilespmem:s2+$0xFFFFFFF0] =	vst v1  }
0xe1: {  	v1 =	vld.idx.msk [tilespmem:v3+s29+$0x0], $0xffff  }
0xe2: {  	v2 =	vld [tilespmem:s12+$0x0];
	_ =	sdelay $0x4  }
0xe3: {  	v2 =	vmul.f32 v2, v1;
	_ =	sdelay $0x1  }
0xe4: {  	[tilespmem:s2+$0x0] =	vst v2  }
0xe5: {  	v2 =	vld [tilespmem:s12+$0x10];
	_ =	sdelay $0x2  }
0xe6: {  	v0 =	vor.u32 $0x3, v0;
	_ =	sdelay $0x1  }
0xe7: {  	v1 =	vmul.f32 v2, v1;
	_ =	sdelay $0x1  }
0xe8: {  	[tilespmem:s2+$0x10] =	vst v1  }
0xe9: {  	v0 =	vld.idx.msk [tilespmem:v0+s29+$0x0], $0xffff  }
0xea: {  	v1 =	vld [tilespmem:s12+$0x20];
	_ =	sdelay $0x4  }
0xeb: {  	v1 =	vmul.f32 v1, v0;
	_ =	sdelay $0x1  }
0xec: {  	[tilespmem:s2+$0x20] =	vst v1  }
0xed: {  	v1 =	vld [tilespmem:s12+$0x30];
	_ =	sdelay $0x3  }
0xee: {  	s3 =	smul.u32 $0x140, s9  }
0xef: {  	v0 =	vmul.f32 v1, v0  }
0xf0: {  	p2 =	seq.s32 s9, $0x18;
	s11 =	sshra.s32 s3, $0x2  }
0xf1: {  	s3 =	smul.u32 @!p2 $0x50, s9;
	s12 =	sadd.s32 $0x7D0, s11;
	[tilespmem:s2+$0x30] =	vst v0  }
0xf2: {  	[spmem:s1] =	stream.indirect.scatter.add.f32 [tilespmem:s29], [sflag:$0x5], $0x90, s12, s20, $0xb8;
	[tilespmem:$0x1CEB0] =	vst v63  }
0xf3: {  	s13 =	simm.s32 @!p2 $0xFA0;
	s2 =	sadd.s32 @!p2 $0x50, s3;
	s12 =	simm.s32 @!p2 $0x28  }
0xf4: {  	[tilespmem:s13], [sflag:$0x1] =	stream.indirect.gather @!p2 [hbm4b:s4+s12], $0x90, s2, s12, $0xb8;
	[tilespmem:$0x1CEB0] =	vst v63  }
0xf5: {  	s2 =	sadd.s32 @!p2 $0x820, s3;
	s3 =	simm.s32 @!p2 $0x3CA0  }
0xf6: {  	[tilespmem:s3], [sflag:$0x3] =	stream.indirect.gather @!p2 [hbm4b:s5+s12], $0x10, s2, s12, $0xb8;
	[tilespmem:$0x1CEB0] =	vst v63  }
0xf7: {  	_ =	swait.ge [sflag:s30], $0x1680  }
0xf8: {  	[sflag:s30] =	ssyncset.done $0x0  }
0xf9: {  	[sflag:s30] =	ssyncadd.s32 $0xFFFFE980  }
0xfa: {  	_ =	swait.ge [sflag:s31], $0x280  }
0xfb: {  	[sflag:s31] =	ssyncset.done $0x0  }
0xfc: {  	s2 =	simm.s32 @!p1 $0x6;
	[sflag:s31] =	ssyncadd.s32 $0xFFFFFD80  }
0xfd: {  	_ =	swait.ge @!p1 [sflag:s2], $0x1680  }
0xfe: {  	[sflag:s2] =	ssyncset.done @!p1 $0x0  }
0xff: {  	[sflag:s2] =	ssyncadd.s32 @!p1 $0xFFFFE980;
	s2 =	simm.s32 $0x2660  }
0x100: {  	s13 =	simm.s32 $0x3F20;
	v1 =	vld [tilespmem:s2+$0x40]  }
0x101: {  	v2 =	vld [tilespmem:s13+$0x0];
	_ =	sdelay $0x4  }
0x102: {  	v0 =	vld [tilespmem:$0x6EC0];
	v1 =	vadd.f32 v2, v1;
	_ =	sdelay $0x1  }
0x103: {  	v2 =	vmul.f32 $2.000000030e-01, v1  }
0x104: {  	vm15 =	vge.f32 v1, $0.0e+00  }
0x105: {  	v1 =	vsel vm15, v1, v2  }
0x106: {  	v1 =	vsub.f32 v1, v0;
	_ =	sdelay $0x1  }
0x107: {  	v1 =	vmul.f32 $1.442695020e+00, v1;
	_ =	sdelay $0x1  }
0x108: {  	s16 =	simm.s32 $0x0;
	(erf) = vpow2.f32 v1  }
0x109: {  	v1 =	vmov s16  }
0x10a: {  	v1 =	vmul.u32 $0x90, v1;
	_ =	sdelay $0x1  }
0x10b: {  	v1 =	vadd.s32 $0x80, v1  }
0x10c: {  	v1 =	vbroadcast v1, $0x0;
	_ =	sdelay $0x3  }
0x10d: {  	s12 =	simm.s32 $0x5860;
	v2 =	vpop (erf)  }
0x10e: {  	[tilespmem:s12+$0x40] =	vst v2  }
0x10f: {  	v2 =	vld.idx.msk [tilespmem:v1+s0+$0x0], $0xffff  }
0x110: {  	v3 =	vld [tilespmem:s2+$0xFFFFFFC0];
	_ =	sdelay $0x4  }
0x111: {  	v3 =	vmul.f32 v3, v2;
	_ =	sdelay $0x1  }
0x112: {  	[tilespmem:s12+$0xFFFFFFC0] =	vst v3  }
0x113: {  	v3 =	vld [tilespmem:s2+$0xFFFFFFD0];
	_ =	sdelay $0x2  }
0x114: {  	v4 =	vor.u32 $0x1, v1;
	_ =	sdelay $0x1  }
0x115: {  	v2 =	vmul.f32 v3, v2;
	_ =	sdelay $0x1  }
0x116: {  	[tilespmem:s12+$0xFFFFFFD0] =	vst v2  }
0x117: {  	v2 =	vld.idx.msk [tilespmem:v4+s0+$0x0], $0xffff  }
0x118: {  	v3 =	vld [tilespmem:s2+$0xFFFFFFE0];
	_ =	sdelay $0x4  }
0x119: {  	v3 =	vmul.f32 v3, v2;
	_ =	sdelay $0x1  }
0x11a: {  	[tilespmem:s12+$0xFFFFFFE0] =	vst v3  }
0x11b: {  	v3 =	vld [tilespmem:s2+$0xFFFFFFF0];
	_ =	sdelay $0x2  }
0x11c: {  	v63 =	vor.u32 $0x2, v1;
	_ =	sdelay $0x1  }
0x11d: {  	v2 =	vmul.f32 v3, v2;
	_ =	sdelay $0x1  }
0x11e: {  	[tilespmem:s12+$0xFFFFFFF0] =	vst v2  }
0x11f: {  	v2 =	vld.idx.msk [tilespmem:v63+s0+$0x0], $0xffff  }
0x120: {  	v3 =	vld [tilespmem:s2+$0x0];
	_ =	sdelay $0x4  }
0x121: {  	v3 =	vmul.f32 v3, v2;
	_ =	sdelay $0x1  }
0x122: {  	[tilespmem:s12+$0x0] =	vst v3  }
0x123: {  	v3 =	vld [tilespmem:s2+$0x10];
	_ =	sdelay $0x2  }
0x124: {  	v1 =	vor.u32 $0x3, v1;
	_ =	sdelay $0x1  }
0x125: {  	v2 =	vmul.f32 v3, v2;
	_ =	sdelay $0x1  }
0x126: {  	[tilespmem:s12+$0x10] =	vst v2  }
0x127: {  	v1 =	vld.idx.msk [tilespmem:v1+s0+$0x0], $0xffff  }
0x128: {  	v2 =	vld [tilespmem:s2+$0x20];
	_ =	sdelay $0x4  }
0x129: {  	v2 =	vmul.f32 v2, v1;
	_ =	sdelay $0x1  }
0x12a: {  	[tilespmem:s12+$0x20] =	vst v2  }
0x12b: {  	v2 =	vld [tilespmem:s2+$0x30];
	_ =	sdelay $0x4  }
0x12c: {  	v1 =	vmul.f32 v2, v1;
	_ =	sdelay $0x1  }
0x12d: {  	s13 =	simm.s32 $0x26F0;
	[tilespmem:s12+$0x30] =	vst v1  }
0x12e: {  	s3 =	simm.s32 $0x3F30;
	v1 =	vld [tilespmem:s13+$0x40]  }
0x12f: {  	s16 =	simm.s32 $0x2;
	s2 =	simm.s32 $0x1;
	v2 =	vld [tilespmem:s3+$0x0]  }
.LBB2_6:
0x130: {  	p1 =	sne.s32 s16, $0x27;
	_ =	sdelay $0x3  }
0x131: {  	v1 =	vadd.f32 v2, v1;
	_ =	sdelay $0x1  }
0x132: {  	v2 =	vmul.f32 $2.000000030e-01, v1  }
0x133: {  	vm0 =	vge.f32 v1, $0.0e+00  }
0x134: {  	v1 =	vsel vm0, v1, v2  }
0x135: {  	v1 =	vsub.f32 v1, v0;
	_ =	sdelay $0x1  }
0x136: {  	v1 =	vmul.f32 $1.442695020e+00, v1;
	_ =	sdelay $0x1  }
0x137: {  	(erf) = vpow2.f32 v1  }
0x138: {  	v1 =	vmov s2;
	s2 =	smov.u32 s16  }
0x139: {  	v1 =	vmul.u32 $0x90, v1;
	_ =	sdelay $0x1  }
0x13a: {  	v1 =	vadd.s32 $0x80, v1  }
0x13b: {  	v1 =	vbroadcast v1, $0x0;
	_ =	sdelay $0x3  }
0x13c: {  	s12 =	sadd.s32 $0x90, s12;
	v2 =	vpop (erf)  }
0x13d: {  	[tilespmem:s12+$0x40] =	vst v2  }
0x13e: {  	v2 =	vld.idx.msk [tilespmem:v1+s0+$0x0], $0xffff  }
0x13f: {  	v3 =	vld [tilespmem:s13+$0xFFFFFFC0];
	_ =	sdelay $0x4  }
0x140: {  	v3 =	vmul.f32 v3, v2;
	_ =	sdelay $0x1  }
0x141: {  	[tilespmem:s12+$0xFFFFFFC0] =	vst v3  }
0x142: {  	v3 =	vld [tilespmem:s13+$0xFFFFFFD0];
	_ =	sdelay $0x2  }
0x143: {  	v4 =	vor.u32 $0x1, v1;
	_ =	sdelay $0x1  }
0x144: {  	v2 =	vmul.f32 v3, v2;
	_ =	sdelay $0x1  }
0x145: {  	[tilespmem:s12+$0xFFFFFFD0] =	vst v2  }
0x146: {  	v2 =	vld.idx.msk [tilespmem:v4+s0+$0x0], $0xffff  }
0x147: {  	v3 =	vld [tilespmem:s13+$0xFFFFFFE0];
	_ =	sdelay $0x4  }
0x148: {  	v3 =	vmul.f32 v3, v2;
	_ =	sdelay $0x1  }
0x149: {  	[tilespmem:s12+$0xFFFFFFE0] =	vst v3  }
0x14a: {  	v3 =	vld [tilespmem:s13+$0xFFFFFFF0];
	_ =	sdelay $0x2  }
0x14b: {  	v4 =	vor.u32 $0x2, v1;
	_ =	sdelay $0x1  }
0x14c: {  	v2 =	vmul.f32 v3, v2;
	_ =	sdelay $0x1  }
0x14d: {  	[tilespmem:s12+$0xFFFFFFF0] =	vst v2  }
0x14e: {  	v2 =	vld.idx.msk [tilespmem:v4+s0+$0x0], $0xffff  }
0x14f: {  	v3 =	vld [tilespmem:s13+$0x0];
	_ =	sdelay $0x4  }
0x150: {  	v3 =	vmul.f32 v3, v2;
	_ =	sdelay $0x1  }
0x151: {  	[tilespmem:s12+$0x0] =	vst v3  }
0x152: {  	v3 =	vld [tilespmem:s13+$0x10];
	_ =	sdelay $0x2  }
0x153: {  	v1 =	vor.u32 $0x3, v1;
	_ =	sdelay $0x1  }
0x154: {  	v2 =	vmul.f32 v3, v2;
	_ =	sdelay $0x1  }
0x155: {  	[tilespmem:s12+$0x10] =	vst v2  }
0x156: {  	v1 =	vld.idx.msk [tilespmem:v1+s0+$0x0], $0xffff  }
0x157: {  	v2 =	vld [tilespmem:s13+$0x20];
	_ =	sdelay $0x4  }
0x158: {  	v2 =	vmul.f32 v2, v1;
	_ =	sdelay $0x1  }
0x159: {  	[tilespmem:s12+$0x20] =	vst v2  }
0x15a: {  	v2 =	vld [tilespmem:s13+$0x30];
	_ =	sdelay $0x4  }
.Ltmp5:
0x15b: {  	v1 =	vmul.f32 v2, v1;
	(pc) =	sbr.rel @p1 .LBB2_6-.Ltmp5, $4  }
0x15c: {  	_ = 	snop  }
0x15d: {  	s13 =	sadd.s32 $0x90, s13;
	[tilespmem:s12+$0x30] =	vst v1  }
0x15e: {  	s3 =	sadd.s32 $0x10, s3;
	v1 =	vld [tilespmem:s13+$0x40]  }
0x15f: {  	s16 =	sadd.s32 $0x1, s16;
	v2 =	vld [tilespmem:s3+$0x0]  }
0x160: {  	_ =	sdelay $0x3  }
0x161: {  	v1 =	vadd.f32 v2, v1;
	_ =	sdelay $0x1  }
0x162: {  	v2 =	vmul.f32 $2.000000030e-01, v1  }
0x163: {  	vm0 =	vge.f32 v1, $0.0e+00  }
0x164: {  	v1 =	vsel vm0, v1, v2  }
0x165: {  	v0 =	vsub.f32 v1, v0;
	_ =	sdelay $0x1  }
0x166: {  	v0 =	vmul.f32 $1.442695020e+00, v0;
	_ =	sdelay $0x1  }
0x167: {  	(erf) = vpow2.f32 v0  }
0x168: {  	v58 =	vmov s2  }
0x169: {  	v0 =	vmul.u32 $0x90, v58;
	_ =	sdelay $0x1  }
0x16a: {  	v0 =	vadd.s32 $0x80, v0  }
0x16b: {  	v0 =	vbroadcast v0, $0x0;
	_ =	sdelay $0x3  }
0x16c: {  	s12 =	sadd.s32 $0x90, s12;
	v59 =	vpop (erf)  }
0x16d: {  	[tilespmem:s12+$0x40] =	vst v59  }
0x16e: {  	v1 =	vld.idx.msk [tilespmem:v0+s0+$0x0], $0xffff  }
0x16f: {  	v60 =	vld [tilespmem:s13+$0xFFFFFFC0];
	_ =	sdelay $0x4  }
0x170: {  	v2 =	vmul.f32 v60, v1;
	_ =	sdelay $0x1  }
0x171: {  	[tilespmem:s12+$0xFFFFFFC0] =	vst v2  }
0x172: {  	v2 =	vld [tilespmem:s13+$0xFFFFFFD0];
	_ =	sdelay $0x2  }
0x173: {  	v3 =	vor.u32 $0x1, v0;
	_ =	sdelay $0x1  }
0x174: {  	v1 =	vmul.f32 v2, v1;
	_ =	sdelay $0x1  }
0x175: {  	[tilespmem:s12+$0xFFFFFFD0] =	vst v1  }
0x176: {  	v1 =	vld.idx.msk [tilespmem:v3+s0+$0x0], $0xffff  }
0x177: {  	v61 =	vld [tilespmem:s13+$0xFFFFFFE0];
	_ =	sdelay $0x4  }
0x178: {  	v2 =	vmul.f32 v61, v1;
	_ =	sdelay $0x1  }
0x179: {  	[tilespmem:s12+$0xFFFFFFE0] =	vst v2  }
0x17a: {  	v2 =	vld [tilespmem:s13+$0xFFFFFFF0];
	_ =	sdelay $0x2  }
0x17b: {  	v62 =	vor.u32 $0x2, v0;
	_ =	sdelay $0x1  }
0x17c: {  	v1 =	vmul.f32 v2, v1;
	_ =	sdelay $0x1  }
0x17d: {  	[tilespmem:s12+$0xFFFFFFF0] =	vst v1  }
0x17e: {  	v1 =	vld.idx.msk [tilespmem:v62+s0+$0x0], $0xffff  }
0x17f: {  	v63 =	vld [tilespmem:s13+$0x0];
	_ =	sdelay $0x4  }
0x180: {  	v2 =	vmul.f32 v63, v1;
	_ =	sdelay $0x1  }
0x181: {  	[tilespmem:s12+$0x0] =	vst v2  }
0x182: {  	v2 =	vld [tilespmem:s13+$0x10];
	_ =	sdelay $0x2  }
0x183: {  	v0 =	vor.u32 $0x3, v0;
	_ =	sdelay $0x1  }
0x184: {  	v1 =	vmul.f32 v2, v1;
	_ =	sdelay $0x1  }
0x185: {  	[tilespmem:s12+$0x10] =	vst v1  }
0x186: {  	v0 =	vld.idx.msk [tilespmem:v0+s0+$0x0], $0xffff  }
0x187: {  	v1 =	vld [tilespmem:s13+$0x20];
	_ =	sdelay $0x4  }
0x188: {  	v1 =	vmul.f32 v1, v0;
	_ =	sdelay $0x1  }
0x189: {  	[tilespmem:s12+$0x20] =	vst v1  }
0x18a: {  	v1 =	vld [tilespmem:s13+$0x30];
	_ =	sdelay $0x3  }
.Ltmp6:
0x18b: {  	_ = 	snop;
	(pc) =	sbr.rel @p2 .LBB2_9-.Ltmp6, $3  }
0x18c: {  	v0 =	vmul.f32 v1, v0;
	_ =	sdelay $0x1  }
0x18d: {  	s16 =	sadd.s32 $0x7F8, s11;
	[tilespmem:s12+$0x30] =	vst v0  }
0x18e: {  	[spmem:s1] =	stream.indirect.scatter.add.f32 [tilespmem:s0], [sflag:$0x6], $0x90, s16, s20, $0xb8;
	[tilespmem:$0x1CEB0] =	vst v63  }
0x18f: {  	s2 =	smul.u32 $0x50, s9  }
.Ltmp7:
0x190: {  	_ = 	snop;
	(pc) =	sbr.rel .LBB2_3-.Ltmp7, $4  }
0x191: {  	s3 =	sadd.s32 $0x78, s2  }
0x192: {  	[tilespmem:s23], [sflag:$0x2] =	stream.indirect.gather [hbm4b:s4+s20], $0x90, s3, s20, $0xb8;
	[tilespmem:$0x1CEB0] =	vst v63  }
0x193: {  	s9 =	sadd.s32 $0x1, s9;
	s2 =	sadd.s32 $0x848, s2  }
0x194: {  	[tilespmem:s25], [sflag:$0x4] =	stream.indirect.gather [hbm4b:s5+s20], $0x10, s2, s20, $0xb8;
	[tilespmem:$0x1CEB0] =	vst v63  }
.LBB2_11:
0x195: {  	_ =	sfence.sel $0x180000  }
0x196: {  	[bflag:$0x0] =	sbarrier.arrive $0xFFFF  }
0x197: {  	_ =	strace $0x90000047  }
0x198: {  	s0 =	stileid.u32;
	[bflag:$0x2] =	sbarrier.arrive $0xFFFF  }
0x199: {  	p0 =	sne.s32 s0, $0x0;
	s0 =	rddreg [dreg:$0x2]  }
0x19a: {  	s0 =	sadd.s32 @!p0 $0x100000, s0  }
0x19b: {  	[sflag:s0] =	ssyncadd.tile.s32 @!p0 $0x1;
	_ =	shalt  }
.Lfunc_end2:
_tile_overlayer_lowered:
.L_overlay_start_2:
0x19c: {  	(tag) =	ssettag $0x2  }
0x19d: {  	s0 =	rddreg [dreg:$0x0];
	s2 =	stileid.u32  }
0x19e: {  	s1 =	rddreg [dreg:$0x1];
	p0 =	sne.s32 s2, $0x0  }
0x19f: {  	s3 =	rddreg [dreg:$0x2];
	[bflag:$0x3] =	sbarrier.arrive $0xFFFF;
	s2 =	simm.s32 @!p0 $0x1C07  }
0x1a0: {  	[timem:s3], [sflag:s2] =	dma.local @!p0 [hbm:s0], s1  }
0x1a1: {  	s0 =	simm.s32 @!p0 $0x7  }
0x1a2: {  	_ =	swait.ge @!p0 [sflag:s0], s1  }
0x1a3: {  	s1 =	ssub.s32 @!p0 $0x0, s1;
	[sflag:s0] =	ssyncset.done @!p0 $0x0  }
0x1a4: {  	[sflag:s0] =	ssyncadd.s32 @!p0 s1  }
0x1a5: {  	[bflag:$0x3] =	sbarrier.arrive $0xFFFF  }
0x1a6: {  	_ =	shalt  }

</sc_bundles>
